<compile_context>
chip_gen: v7x
topology: tpu7x:2x2x1
jax: 0.10.2.dev20260603
libtpu: 0.0.44.dev20260713+nightly
codegen_flags: <defaults>
</compile_context>

<pallas_src>
import functools

import jax
import jax.numpy as jnp
from jax import lax
from jax.experimental import pallas as pl
from jax.experimental.pallas import tpu as pltpu
from jax.experimental.pallas import tpu_sc as plsc

N_NODES = 10000
N_EDGES = 320000
D_FEAT = 128

NC = 2
NS = 16
NW = NC * NS
EPW = N_EDGES // NW
BLK = 80
NBLK = EPW // BLK
GRP = BLK // 16


def _dense_body(x_ref, wn_ref, bn_ref, we_ref, be_ref, packed_ref, ns_ref):
    x = x_ref[...]
    feats = jnp.dot(x, we_ref[...], preferred_element_type=jnp.float32)
    feats = feats + be_ref[...]
    lo = jax.lax.bitcast_convert_type(
        feats[:, : D_FEAT // 2].astype(jnp.bfloat16), jnp.uint16)
    hi = jax.lax.bitcast_convert_type(
        feats[:, D_FEAT // 2 :].astype(jnp.bfloat16), jnp.uint16)
    packed = (hi.astype(jnp.uint32) << 16) | lo.astype(jnp.uint32)
    packed_ref[...] = jax.lax.bitcast_convert_type(packed, jnp.int32)
    ns = jnp.dot(x, wn_ref[...], preferred_element_type=jnp.float32)
    ns_ref[...] = jax.nn.sigmoid(ns + bn_ref[...])


def _dense(node_feats, W_node, b_node, W_edge, b_edge):
    return pl.pallas_call(
        _dense_body,
        out_shape=(
            jax.ShapeDtypeStruct((N_NODES, D_FEAT // 2), jnp.int32),
            jax.ShapeDtypeStruct((N_NODES, 1), jnp.float32),
        ),
    )(node_feats, W_node, b_node, W_edge, b_edge)


_mesh = plsc.VectorSubcoreMesh(core_axis_name="c", subcore_axis_name="s")


@functools.partial(
    pl.kernel,
    mesh=_mesh,
    out_type=jax.ShapeDtypeStruct((N_EDGES,), jnp.float32),
    compiler_params=pltpu.CompilerParams(needs_layout_passes=False,
                                         use_tc_tiling_on_sc=False),
    scratch_types=[
        pltpu.VMEM((EPW,), jnp.int32),
        pltpu.VMEM((EPW,), jnp.int32),
        pltpu.VMEM((BLK, D_FEAT // 2), jnp.int32),
        pltpu.VMEM((BLK, D_FEAT // 2), jnp.int32),
        pltpu.VMEM((BLK, D_FEAT // 2), jnp.int32),
        pltpu.VMEM((BLK, D_FEAT // 2), jnp.int32),
        pltpu.VMEM((EPW,), jnp.float32),
        pltpu.VMEM((16 * 17,), jnp.float32),
        pltpu.SemaphoreType.DMA,
        pltpu.SemaphoreType.DMA,
    ],
)
def _edge_kernel(feats, src, dst, out, src_v, dst_v,
                 rs_a, rd_a, rs_b, rd_b, out_v, tr_v, sem_a, sem_b):
    wid = lax.axis_index("s") * NC + lax.axis_index("c")
    base = wid * EPW
    pltpu.sync_copy(src.at[pl.ds(base, EPW)], src_v)
    pltpu.sync_copy(dst.at[pl.ds(base, EPW)], dst_v)

    lane = lax.iota(jnp.int32, 16)

    def start(b, rs, rd, sem):
        e0 = b * BLK
        pltpu.async_copy(feats.at[src_v.at[pl.ds(e0, BLK)]], rs, sem)
        pltpu.async_copy(feats.at[dst_v.at[pl.ds(e0, BLK)]], rd, sem)

    def drain(rs, rd, sem):
        pltpu.make_async_copy(feats.at[src_v.at[pl.ds(0, BLK)]], rs, sem).wait()
        pltpu.make_async_copy(feats.at[dst_v.at[pl.ds(0, BLK)]], rd, sem).wait()

    def compute(b, rs, rd):
        def group(g, carry):
            le = g * 16
            for j in range(16):
                e = le + j
                acc0 = jnp.zeros((16,), jnp.float32)
                acc1 = jnp.zeros((16,), jnp.float32)
                for c in range(4):
                    pa = plsc.bitcast(rs[e, pl.ds(c * 16, 16)], jnp.bfloat16)
                    pb = plsc.bitcast(rd[e, pl.ds(c * 16, 16)], jnp.bfloat16)
                    u0, u1 = plsc.unpack(pa * pb,
                                         format=plsc.PackFormat.INTERLEAVED)
                    acc0 = acc0 + u0
                    acc1 = acc1 + u1
                plsc.store_scatter(tr_v, [lane * 17 + j], acc0 + acc1)
            parts = [tr_v[pl.ds(l * 17, 16)] for l in range(16)]
            while len(parts) > 1:
                parts = [parts[i] + parts[i + 1] for i in range(0, len(parts), 2)]
            out_v[pl.ds(b * BLK + g * 16, 16)] = 1.0 / (1.0 + jnp.exp(-parts[0]))
            return carry

        lax.fori_loop(0, GRP, group, 0)

    start(0, rs_a, rd_a, sem_a)

    def pair(i, carry):
        b_even = 2 * i
        start(b_even + 1, rs_b, rd_b, sem_b)
        drain(rs_a, rd_a, sem_a)
        compute(b_even, rs_a, rd_a)
        start(b_even + 2, rs_a, rd_a, sem_a)
        drain(rs_b, rd_b, sem_b)
        compute(b_even + 1, rs_b, rd_b)
        return carry

    lax.fori_loop(0, (NBLK - 1) // 2, pair, 0)
    drain(rs_a, rd_a, sem_a)
    compute(NBLK - 1, rs_a, rd_a)
    pltpu.sync_copy(out_v, out.at[pl.ds(base, EPW)])


def kernel(node_feats, node_xy, node_adj_ids, edge_ids, W_node, b_node,
           W_edge, b_edge):
    packed, ns = _dense(node_feats, W_node, b_node.reshape(1, 1),
                        W_edge, b_edge.reshape(1, D_FEAT))
    node_scores = ns[:, 0]
    eids = edge_ids.astype(jnp.int32)
    edge_scores = _edge_kernel(packed, eids[0], eids[1])
    return (node_scores, edge_scores)

# --- scband reference (transcript-rebuilt; emitter-appended) ---
"""Pipeline reference for scband-graph-to-graph-60833916780728 (READ-ONLY COPY).

The authoritative reference and input builder live on the scoring server;
editing this copy changes nothing except your own understanding.
"""

import jax, jax.numpy as jnp
import numpy as np

N_NODES = 10000
N_EDGES = 320000
D_FEAT = 128


def setup_inputs(seed: int = 0) -> dict:
    key = jax.random.key(seed)
    ks = jax.random.split(key, 8)
    node_feats = jax.random.normal(ks[0], (N_NODES, D_FEAT), dtype=jnp.float32)
    node_xy = jax.random.uniform(ks[1], (N_NODES, 2), dtype=jnp.float32)
    node_adj_ids = jax.random.randint(ks[2], (N_NODES,), 0, N_NODES)
    edge_ids = jax.random.randint(ks[3], (2, N_EDGES), 0, N_NODES)
    # Learned parameters: node score head (d_feat -> 1) and edge score net (d_feat -> d_feat)
    W_node = jax.random.normal(ks[4], (D_FEAT, 1), dtype=jnp.float32) * 0.05
    b_node = jnp.zeros((1,), dtype=jnp.float32)
    W_edge = jax.random.normal(ks[5], (D_FEAT, D_FEAT), dtype=jnp.float32) * 0.05
    b_edge = jnp.zeros((D_FEAT,), dtype=jnp.float32)
    return {
        "node_feats": node_feats,
        "node_xy": node_xy,
        "node_adj_ids": node_adj_ids,
        "edge_ids": edge_ids,
        "W_node": W_node,
        "b_node": b_node,
        "W_edge": W_edge,
        "b_edge": b_edge,
    }


def reference(node_feats, node_xy, node_adj_ids, edge_ids, W_node, b_node, W_edge, b_edge):
    # node scores: linear head + sigmoid (node_xy and node_adj_ids are unused, as in the torch forward)
    node_scores = node_feats @ W_node + b_node
    node_scores = jax.nn.sigmoid(jnp.squeeze(node_scores, axis=1))
    # edge score features: linear projection of node features
    edge_score_feats = node_feats @ W_edge + b_edge
    # edge_dot_product: gather features of both endpoints and take per-edge dot product
    src = edge_ids[0]
    dst = edge_ids[1]
    feats_src = jnp.take(edge_score_feats, src, axis=0)
    feats_dst = jnp.take(edge_score_feats, dst, axis=0)
    edge_scores = jax.nn.sigmoid(jnp.sum(feats_src * feats_dst, axis=1))
    return (node_scores, edge_scores)

if __name__ == "__main__":
    import jax
    _d = setup_inputs()
    print(jax.jit(kernel)(*tuple(_d.values())))

</pallas_src>

<mosaic_0001>
#map = affine_map<(d0, d1) -> (0, 0)>
#map1 = affine_map<(d0, d1) -> (0)>
module attributes {stable_mosaic.version = 14 : i64} {
  func.func @_edge_kernel(%arg0: i32, %arg1: i32, %arg2: memref<10000x64xi32, #tpu.memory_space<hbm>>, %arg3: memref<320000xi32, #tpu.memory_space<hbm>>, %arg4: memref<320000xi32, #tpu.memory_space<hbm>>, %arg5: memref<320000xf32, #tpu.memory_space<hbm>>, %arg6: memref<10000xi32, #tpu.memory_space<vmem>>, %arg7: memref<10000xi32, #tpu.memory_space<vmem>>, %arg8: memref<80x64xi32, #tpu.memory_space<vmem>>, %arg9: memref<80x64xi32, #tpu.memory_space<vmem>>, %arg10: memref<80x64xi32, #tpu.memory_space<vmem>>, %arg11: memref<80x64xi32, #tpu.memory_space<vmem>>, %arg12: memref<10000xf32, #tpu.memory_space<vmem>>, %arg13: memref<272xf32, #tpu.memory_space<vmem>>, %arg14: memref<!tpu.dma_semaphore, #tpu.memory_space<semaphore_mem>>, %arg15: memref<!tpu.dma_semaphore, #tpu.memory_space<semaphore_mem>>) attributes {dimension_semantics = [#tpu.dimension_semantics<core_parallel>, #tpu.dimension_semantics<subcore_parallel>], iteration_bounds = array<i64: 2, 16>, scalar_prefetch = 0 : i64, scratch_operands = 10 : i64, tpu.core_type = #tpu.core_type<sc_vector_subcore>, window_params = [{transform_indices = #map}, {transform_indices = #map1}, {transform_indices = #map1}, {transform_indices = #map1}]} {
    %mul3A = arith.constant 2 : i32
    %mul3A_0 = arith.muli %arg1, %mul3A : i32
    %add3A = arith.addi %mul3A_0, %arg0 : i32
    %mul3A_1 = arith.constant 10000 : i32
    %mul3A_2 = arith.muli %add3A, %mul3A_1 : i32
    "tpu.region"() ({
      %run_scoped3A = tpu.sem_alloc : memref<!tpu.dma_semaphore, #tpu.memory_space<semaphore_mem>>
      %dma_start3A_32 = tpu.memref_slice %arg3[%mul3A_2] : memref<320000xi32, #tpu.memory_space<hbm>> -> memref<10000xi32, #tpu.memory_space<hbm>>
      %dma_start3A_33 = tpu.memref_slice %arg3[%mul3A_2] : memref<320000xi32, #tpu.memory_space<hbm>> -> memref<10000xi32, #tpu.memory_space<hbm>>
      tpu.enqueue_dma source(%dma_start3A_33 : memref<10000xi32, #tpu.memory_space<hbm>>) target(%arg6 : memref<10000xi32, #tpu.memory_space<vmem>>) target_semaphore(%run_scoped3A : memref<!tpu.dma_semaphore, #tpu.memory_space<semaphore_mem>>)
      %dma_wait3A_34 = tpu.memref_slice %arg3[%mul3A_2] : memref<320000xi32, #tpu.memory_space<hbm>> -> memref<10000xi32, #tpu.memory_space<hbm>>
      %dma_wait3A_35 = tpu.memref_slice %arg3[%mul3A_2] : memref<320000xi32, #tpu.memory_space<hbm>> -> memref<10000xi32, #tpu.memory_space<hbm>>
      tpu.wait_dma2 semaphore(%run_scoped3A : memref<!tpu.dma_semaphore, #tpu.memory_space<semaphore_mem>>) src(%dma_wait3A_35 : memref<10000xi32, #tpu.memory_space<hbm>>) dst(%arg6 : memref<10000xi32, #tpu.memory_space<vmem>>)
      tpu.yield
    }) : () -> ()
    "tpu.region"() ({
      %run_scoped3A = tpu.sem_alloc : memref<!tpu.dma_semaphore, #tpu.memory_space<semaphore_mem>>
      %dma_start3A_32 = tpu.memref_slice %arg4[%mul3A_2] : memref<320000xi32, #tpu.memory_space<hbm>> -> memref<10000xi32, #tpu.memory_space<hbm>>
      %dma_start3A_33 = tpu.memref_slice %arg4[%mul3A_2] : memref<320000xi32, #tpu.memory_space<hbm>> -> memref<10000xi32, #tpu.memory_space<hbm>>
      tpu.enqueue_dma source(%dma_start3A_33 : memref<10000xi32, #tpu.memory_space<hbm>>) target(%arg7 : memref<10000xi32, #tpu.memory_space<vmem>>) target_semaphore(%run_scoped3A : memref<!tpu.dma_semaphore, #tpu.memory_space<semaphore_mem>>)
      %dma_wait3A_34 = tpu.memref_slice %arg4[%mul3A_2] : memref<320000xi32, #tpu.memory_space<hbm>> -> memref<10000xi32, #tpu.memory_space<hbm>>
      %dma_wait3A_35 = tpu.memref_slice %arg4[%mul3A_2] : memref<320000xi32, #tpu.memory_space<hbm>> -> memref<10000xi32, #tpu.memory_space<hbm>>
      tpu.wait_dma2 semaphore(%run_scoped3A : memref<!tpu.dma_semaphore, #tpu.memory_space<semaphore_mem>>) src(%dma_wait3A_35 : memref<10000xi32, #tpu.memory_space<hbm>>) dst(%arg7 : memref<10000xi32, #tpu.memory_space<vmem>>)
      tpu.yield
    }) : () -> ()
    %iota3A = tpu.iota {dimensions = array<i32: 0>} : vector<16xi32>
    %dma_start3A = arith.constant 0 : i32
    %dma_start3A_3 = tpu.memref_slice %arg6[%dma_start3A] : memref<10000xi32, #tpu.memory_space<vmem>> -> memref<80xi32, #tpu.memory_space<vmem>>
    %dma_start3A_4 = arith.constant 0 : i32
    %dma_start3A_5 = arith.constant 0 : i32
    %dma_start3A_6 = tpu.memref_slice %arg2[%dma_start3A_4, %dma_start3A_5] : memref<10000x64xi32, #tpu.memory_space<hbm>> -> memref<10000x64xi32, #tpu.memory_space<hbm>>
    tpu.enqueue_indirect_dma source(%dma_start3A_6 : memref<10000x64xi32, #tpu.memory_space<hbm>>) target(%arg8 : memref<80x64xi32, #tpu.memory_space<vmem>>) offsets(%dma_start3A_3 : memref<80xi32, #tpu.memory_space<vmem>>) semaphore(%arg14 : memref<!tpu.dma_semaphore, #tpu.memory_space<semaphore_mem>>)
    %dma_start3A_7 = arith.constant 0 : i32
    %dma_start3A_8 = tpu.memref_slice %arg7[%dma_start3A_7] : memref<10000xi32, #tpu.memory_space<vmem>> -> memref<80xi32, #tpu.memory_space<vmem>>
    %dma_start3A_9 = arith.constant 0 : i32
    %dma_start3A_10 = arith.constant 0 : i32
    %dma_start3A_11 = tpu.memref_slice %arg2[%dma_start3A_9, %dma_start3A_10] : memref<10000x64xi32, #tpu.memory_space<hbm>> -> memref<10000x64xi32, #tpu.memory_space<hbm>>
    tpu.enqueue_indirect_dma source(%dma_start3A_11 : memref<10000x64xi32, #tpu.memory_space<hbm>>) target(%arg9 : memref<80x64xi32, #tpu.memory_space<vmem>>) offsets(%dma_start3A_8 : memref<80xi32, #tpu.memory_space<vmem>>) semaphore(%arg14 : memref<!tpu.dma_semaphore, #tpu.memory_space<semaphore_mem>>)
    %scan3A = arith.constant 0 : i32
    %scan3A_12 = arith.constant 0 : i32
    %scan3A_13 = arith.constant 62 : i32
    %scan3A_14 = arith.addi %scan3A_12, %scan3A_13 : i32
    %scan3A_15 = arith.constant 1 : i32
    scf.for %scan3A_32 = %scan3A_12 to %scan3A_14 step %scan3A_15  : i32 {
      %mul3A_33 = arith.constant 2 : i32
      %mul3A_34 = arith.muli %mul3A_33, %scan3A_32 : i32
      %add3A_35 = arith.constant 1 : i32
      %add3A_36 = arith.addi %mul3A_34, %add3A_35 : i32
      %mul3A_37 = arith.constant 80 : i32
      %mul3A_38 = arith.muli %add3A_36, %mul3A_37 : i32
      %dma_start3A_39 = tpu.memref_slice %arg6[%mul3A_38] : memref<10000xi32, #tpu.memory_space<vmem>> -> memref<80xi32, #tpu.memory_space<vmem>>
      %dma_start3A_40 = arith.constant 0 : i32
      %dma_start3A_41 = arith.constant 0 : i32
      %dma_start3A_42 = tpu.memref_slice %arg2[%dma_start3A_40, %dma_start3A_41] : memref<10000x64xi32, #tpu.memory_space<hbm>> -> memref<10000x64xi32, #tpu.memory_space<hbm>>
      tpu.enqueue_indirect_dma source(%dma_start3A_42 : memref<10000x64xi32, #tpu.memory_space<hbm>>) target(%arg10 : memref<80x64xi32, #tpu.memory_space<vmem>>) offsets(%dma_start3A_39 : memref<80xi32, #tpu.memory_space<vmem>>) semaphore(%arg15 : memref<!tpu.dma_semaphore, #tpu.memory_space<semaphore_mem>>)
      %dma_start3A_43 = tpu.memref_slice %arg7[%mul3A_38] : memref<10000xi32, #tpu.memory_space<vmem>> -> memref<80xi32, #tpu.memory_space<vmem>>
      %dma_start3A_44 = arith.constant 0 : i32
      %dma_start3A_45 = arith.constant 0 : i32
      %dma_start3A_46 = tpu.memref_slice %arg2[%dma_start3A_44, %dma_start3A_45] : memref<10000x64xi32, #tpu.memory_space<hbm>> -> memref<10000x64xi32, #tpu.memory_space<hbm>>
      tpu.enqueue_indirect_dma source(%dma_start3A_46 : memref<10000x64xi32, #tpu.memory_space<hbm>>) target(%arg11 : memref<80x64xi32, #tpu.memory_space<vmem>>) offsets(%dma_start3A_43 : memref<80xi32, #tpu.memory_space<vmem>>) semaphore(%arg15 : memref<!tpu.dma_semaphore, #tpu.memory_space<semaphore_mem>>)
      %dma_wait3A_47 = arith.constant 0 : i32
      %dma_wait3A_48 = tpu.memref_slice %arg6[%dma_wait3A_47] : memref<10000xi32, #tpu.memory_space<vmem>> -> memref<80xi32, #tpu.memory_space<vmem>>
      %dma_wait3A_49 = arith.constant 0 : i32
      %dma_wait3A_50 = arith.constant 0 : i32
      %dma_wait3A_51 = tpu.memref_slice %arg2[%dma_wait3A_49, %dma_wait3A_50] : memref<10000x64xi32, #tpu.memory_space<hbm>> -> memref<10000x64xi32, #tpu.memory_space<hbm>>
      tpu.wait_indirect_dma semaphore(%arg14 : memref<!tpu.dma_semaphore, #tpu.memory_space<semaphore_mem>>) src(%dma_wait3A_51 : memref<10000x64xi32, #tpu.memory_space<hbm>>) dst(%arg8 : memref<80x64xi32, #tpu.memory_space<vmem>>)
      %dma_wait3A_52 = arith.constant 0 : i32
      %dma_wait3A_53 = tpu.memref_slice %arg7[%dma_wait3A_52] : memref<10000xi32, #tpu.memory_space<vmem>> -> memref<80xi32, #tpu.memory_space<vmem>>
      %dma_wait3A_54 = arith.constant 0 : i32
      %dma_wait3A_55 = arith.constant 0 : i32
      %dma_wait3A_56 = tpu.memref_slice %arg2[%dma_wait3A_54, %dma_wait3A_55] : memref<10000x64xi32, #tpu.memory_space<hbm>> -> memref<10000x64xi32, #tpu.memory_space<hbm>>
      tpu.wait_indirect_dma semaphore(%arg14 : memref<!tpu.dma_semaphore, #tpu.memory_space<semaphore_mem>>) src(%dma_wait3A_56 : memref<10000x64xi32, #tpu.memory_space<hbm>>) dst(%arg9 : memref<80x64xi32, #tpu.memory_space<vmem>>)
      %scan3A_57 = arith.constant 0 : i32
      %scan3A_58 = arith.constant 0 : i32
      %scan3A_59 = arith.constant 5 : i32
      %scan3A_60 = arith.addi %scan3A_58, %scan3A_59 : i32
      %scan3A_61 = arith.constant 1 : i32
      scf.for %scan3A_93 = %scan3A_58 to %scan3A_60 step %scan3A_61  : i32 {
        %mul3A_94 = arith.constant 16 : i32
        %mul3A_95 = arith.muli %scan3A_93, %mul3A_94 : i32
        %add3A_96 = arith.constant 0 : i32
        %add3A_97 = arith.addi %mul3A_95, %add3A_96 : i32
        %broadcast_in_dim3A = arith.constant 0.000000e+00 : f32
        %broadcast_in_dim3A_98 = vector.broadcast %broadcast_in_dim3A : f32 to vector<16xf32>
        %broadcast_in_dim3A_99 = arith.constant 0.000000e+00 : f32
        %broadcast_in_dim3A_100 = vector.broadcast %broadcast_in_dim3A_99 : f32 to vector<16xf32>
        %get3A = arith.index_cast %add3A_97 : i32 to index
        %get3A_101 = arith.constant 0 : index
        %get3A_102 = tpu.vector_load %arg8[%get3A, %get3A_101] {strides = array<i32>} : memref<80x64xi32, #tpu.memory_space<vmem>>, vector<16xi32>,
        %bitcast3A = vector.bitcast %get3A_102 : vector<16xi32> to vector<32xbf16>
        %get3A_103 = arith.index_cast %add3A_97 : i32 to index
        %get3A_104 = arith.constant 0 : index
        %get3A_105 = tpu.vector_load %arg9[%get3A_103, %get3A_104] {strides = array<i32>} : memref<80x64xi32, #tpu.memory_space<vmem>>, vector<16xi32>,
        %bitcast3A_106 = vector.bitcast %get3A_105 : vector<16xi32> to vector<32xbf16>
        %mul3A_107 = arith.mulf %bitcast3A, %bitcast3A_106 : vector<32xbf16>
        %unpack3A = tpu.unpack_subelements %mul3A_107, 0 {pack_format = #tpu.pack_format<interleaved>} : vector<32xbf16> -> vector<16xf32>
        %unpack3A_108 = tpu.unpack_subelements %mul3A_107, 1 {pack_format = #tpu.pack_format<interleaved>} : vector<32xbf16> -> vector<16xf32>
        %add3A_109 = arith.addf %broadcast_in_dim3A_98, %unpack3A : vector<16xf32>
        %add3A_110 = arith.addf %broadcast_in_dim3A_100, %unpack3A_108 : vector<16xf32>
        %get3A_111 = arith.index_cast %add3A_97 : i32 to index
        %get3A_112 = arith.constant 16 : index
        %get3A_113 = tpu.vector_load %arg8[%get3A_111, %get3A_112] {strides = array<i32>} : memref<80x64xi32, #tpu.memory_space<vmem>>, vector<16xi32>,
        %bitcast3A_114 = vector.bitcast %get3A_113 : vector<16xi32> to vector<32xbf16>
        %get3A_115 = arith.index_cast %add3A_97 : i32 to index
        %get3A_116 = arith.constant 16 : index
        %get3A_117 = tpu.vector_load %arg9[%get3A_115, %get3A_116] {strides = array<i32>} : memref<80x64xi32, #tpu.memory_space<vmem>>, vector<16xi32>,
        %bitcast3A_118 = vector.bitcast %get3A_117 : vector<16xi32> to vector<32xbf16>
        %mul3A_119 = arith.mulf %bitcast3A_114, %bitcast3A_118 : vector<32xbf16>
        %unpack3A_120 = tpu.unpack_subelements %mul3A_119, 0 {pack_format = #tpu.pack_format<interleaved>} : vector<32xbf16> -> vector<16xf32>
        %unpack3A_121 = tpu.unpack_subelements %mul3A_119, 1 {pack_format = #tpu.pack_format<interleaved>} : vector<32xbf16> -> vector<16xf32>
        %add3A_122 = arith.addf %add3A_109, %unpack3A_120 : vector<16xf32>
        %add3A_123 = arith.addf %add3A_110, %unpack3A_121 : vector<16xf32>
        %get3A_124 = arith.index_cast %add3A_97 : i32 to index
        %get3A_125 = arith.constant 32 : index
        %get3A_126 = tpu.vector_load %arg8[%get3A_124, %get3A_125] {strides = array<i32>} : memref<80x64xi32, #tpu.memory_space<vmem>>, vector<16xi32>,
        %bitcast3A_127 = vector.bitcast %get3A_126 : vector<16xi32> to vector<32xbf16>
        %get3A_128 = arith.index_cast %add3A_97 : i32 to index
        %get3A_129 = arith.constant 32 : index
        %get3A_130 = tpu.vector_load %arg9[%get3A_128, %get3A_129] {strides = array<i32>} : memref<80x64xi32, #tpu.memory_space<vmem>>, vector<16xi32>,
        %bitcast3A_131 = vector.bitcast %get3A_130 : vector<16xi32> to vector<32xbf16>
        %mul3A_132 = arith.mulf %bitcast3A_127, %bitcast3A_131 : vector<32xbf16>
        %unpack3A_133 = tpu.unpack_subelements %mul3A_132, 0 {pack_format = #tpu.pack_format<interleaved>} : vector<32xbf16> -> vector<16xf32>
        %unpack3A_134 = tpu.unpack_subelements %mul3A_132, 1 {pack_format = #tpu.pack_format<interleaved>} : vector<32xbf16> -> vector<16xf32>
        %add3A_135 = arith.addf %add3A_122, %unpack3A_133 : vector<16xf32>
        %add3A_136 = arith.addf %add3A_123, %unpack3A_134 : vector<16xf32>
        %get3A_137 = arith.index_cast %add3A_97 : i32 to index
        %get3A_138 = arith.constant 48 : index
        %get3A_139 = tpu.vector_load %arg8[%get3A_137, %get3A_138] {strides = array<i32>} : memref<80x64xi32, #tpu.memory_space<vmem>>, vector<16xi32>,
        %bitcast3A_140 = vector.bitcast %get3A_139 : vector<16xi32> to vector<32xbf16>
        %get3A_141 = arith.index_cast %add3A_97 : i32 to index
        %get3A_142 = arith.constant 48 : index
        %get3A_143 = tpu.vector_load %arg9[%get3A_141, %get3A_142] {strides = array<i32>} : memref<80x64xi32, #tpu.memory_space<vmem>>, vector<16xi32>,
        %bitcast3A_144 = vector.bitcast %get3A_143 : vector<16xi32> to vector<32xbf16>
        %mul3A_145 = arith.mulf %bitcast3A_140, %bitcast3A_144 : vector<32xbf16>
        %unpack3A_146 = tpu.unpack_subelements %mul3A_145, 0 {pack_format = #tpu.pack_format<interleaved>} : vector<32xbf16> -> vector<16xf32>
        %unpack3A_147 = tpu.unpack_subelements %mul3A_145, 1 {pack_format = #tpu.pack_format<interleaved>} : vector<32xbf16> -> vector<16xf32>
        %add3A_148 = arith.addf %add3A_135, %unpack3A_146 : vector<16xf32>
        %add3A_149 = arith.addf %add3A_136, %unpack3A_147 : vector<16xf32>
        %mul3A_150 = arith.constant 17 : i32
        %mul3A_151 = vector.broadcast %mul3A_150 : i32 to vector<16xi32>
        %mul3A_152 = arith.muli %iota3A, %mul3A_151 : vector<16xi32>
        %add3A_153 = arith.constant 0 : i32
        %add3A_154 = vector.broadcast %add3A_153 : i32 to vector<16xi32>
        %add3A_155 = arith.addi %mul3A_152, %add3A_154 : vector<16xi32>
        %add3A_156 = arith.addf %add3A_148, %add3A_149 : vector<16xf32>
        tpu.vector_store_idx %arg13[%add3A_155], %add3A_156 : memref<272xf32, #tpu.memory_space<vmem>>[vector<16xi32>], vector<16xf32>,
        %add3A_157 = arith.constant 1 : i32
        %add3A_158 = arith.addi %mul3A_95, %add3A_157 : i32
        %broadcast_in_dim3A_159 = arith.constant 0.000000e+00 : f32
        %broadcast_in_dim3A_160 = vector.broadcast %broadcast_in_dim3A_159 : f32 to vector<16xf32>
        %broadcast_in_dim3A_161 = arith.constant 0.000000e+00 : f32
        %broadcast_in_dim3A_162 = vector.broadcast %broadcast_in_dim3A_161 : f32 to vector<16xf32>
        %get3A_163 = arith.index_cast %add3A_158 : i32 to index
        %get3A_164 = arith.constant 0 : index
        %get3A_165 = tpu.vector_load %arg8[%get3A_163, %get3A_164] {strides = array<i32>} : memref<80x64xi32, #tpu.memory_space<vmem>>, vector<16xi32>,
        %bitcast3A_166 = vector.bitcast %get3A_165 : vector<16xi32> to vector<32xbf16>
        %get3A_167 = arith.index_cast %add3A_158 : i32 to index
        %get3A_168 = arith.constant 0 : index
        %get3A_169 = tpu.vector_load %arg9[%get3A_167, %get3A_168] {strides = array<i32>} : memref<80x64xi32, #tpu.memory_space<vmem>>, vector<16xi32>,
        %bitcast3A_170 = vector.bitcast %get3A_169 : vector<16xi32> to vector<32xbf16>
        %mul3A_171 = arith.mulf %bitcast3A_166, %bitcast3A_170 : vector<32xbf16>
        %unpack3A_172 = tpu.unpack_subelements %mul3A_171, 0 {pack_format = #tpu.pack_format<interleaved>} : vector<32xbf16> -> vector<16xf32>
        %unpack3A_173 = tpu.unpack_subelements %mul3A_171, 1 {pack_format = #tpu.pack_format<interleaved>} : vector<32xbf16> -> vector<16xf32>
        %add3A_174 = arith.addf %broadcast_in_dim3A_160, %unpack3A_172 : vector<16xf32>
        %add3A_175 = arith.addf %broadcast_in_dim3A_162, %unpack3A_173 : vector<16xf32>
        %get3A_176 = arith.index_cast %add3A_158 : i32 to index
        %get3A_177 = arith.constant 16 : index
        %get3A_178 = tpu.vector_load %arg8[%get3A_176, %get3A_177] {strides = array<i32>} : memref<80x64xi32, #tpu.memory_space<vmem>>, vector<16xi32>,
        %bitcast3A_179 = vector.bitcast %get3A_178 : vector<16xi32> to vector<32xbf16>
        %get3A_180 = arith.index_cast %add3A_158 : i32 to index
        %get3A_181 = arith.constant 16 : index
        %get3A_182 = tpu.vector_load %arg9[%get3A_180, %get3A_181] {strides = array<i32>} : memref<80x64xi32, #tpu.memory_space<vmem>>, vector<16xi32>,
        %bitcast3A_183 = vector.bitcast %get3A_182 : vector<16xi32> to vector<32xbf16>
        %mul3A_184 = arith.mulf %bitcast3A_179, %bitcast3A_183 : vector<32xbf16>
        %unpack3A_185 = tpu.unpack_subelements %mul3A_184, 0 {pack_format = #tpu.pack_format<interleaved>} : vector<32xbf16> -> vector<16xf32>
        %unpack3A_186 = tpu.unpack_subelements %mul3A_184, 1 {pack_format = #tpu.pack_format<interleaved>} : vector<32xbf16> -> vector<16xf32>
        %add3A_187 = arith.addf %add3A_174, %unpack3A_185 : vector<16xf32>
        %add3A_188 = arith.addf %add3A_175, %unpack3A_186 : vector<16xf32>
        %get3A_189 = arith.index_cast %add3A_158 : i32 to index
        %get3A_190 = arith.constant 32 : index
        %get3A_191 = tpu.vector_load %arg8[%get3A_189, %get3A_190] {strides = array<i32>} : memref<80x64xi32, #tpu.memory_space<vmem>>, vector<16xi32>,
        %bitcast3A_192 = vector.bitcast %get3A_191 : vector<16xi32> to vector<32xbf16>
        %get3A_193 = arith.index_cast %add3A_158 : i32 to index
        %get3A_194 = arith.constant 32 : index
        %get3A_195 = tpu.vector_load %arg9[%get3A_193, %get3A_194] {strides = array<i32>} : memref<80x64xi32, #tpu.memory_space<vmem>>, vector<16xi32>,
        %bitcast3A_196 = vector.bitcast %get3A_195 : vector<16xi32> to vector<32xbf16>
        %mul3A_197 = arith.mulf %bitcast3A_192, %bitcast3A_196 : vector<32xbf16>
        %unpack3A_198 = tpu.unpack_subelements %mul3A_197, 0 {pack_format = #tpu.pack_format<interleaved>} : vector<32xbf16> -> vector<16xf32>
        %unpack3A_199 = tpu.unpack_subelements %mul3A_197, 1 {pack_format = #tpu.pack_format<interleaved>} : vector<32xbf16> -> vector<16xf32>
        %add3A_200 = arith.addf %add3A_187, %unpack3A_198 : vector<16xf32>
        %add3A_201 = arith.addf %add3A_188, %unpack3A_199 : vector<16xf32>
        %get3A_202 = arith.index_cast %add3A_158 : i32 to index
        %get3A_203 = arith.constant 48 : index
        %get3A_204 = tpu.vector_load %arg8[%get3A_202, %get3A_203] {strides = array<i32>} : memref<80x64xi32, #tpu.memory_space<vmem>>, vector<16xi32>,
        %bitcast3A_205 = vector.bitcast %get3A_204 : vector<16xi32> to vector<32xbf16>
        %get3A_206 = arith.index_cast %add3A_158 : i32 to index
        %get3A_207 = arith.constant 48 : index
        %get3A_208 = tpu.vector_load %arg9[%get3A_206, %get3A_207] {strides = array<i32>} : memref<80x64xi32, #tpu.memory_space<vmem>>, vector<16xi32>,
        %bitcast3A_209 = vector.bitcast %get3A_208 : vector<16xi32> to vector<32xbf16>
        %mul3A_210 = arith.mulf %bitcast3A_205, %bitcast3A_209 : vector<32xbf16>
        %unpack3A_211 = tpu.unpack_subelements %mul3A_210, 0 {pack_format = #tpu.pack_format<interleaved>} : vector<32xbf16> -> vector<16xf32>
        %unpack3A_212 = tpu.unpack_subelements %mul3A_210, 1 {pack_format = #tpu.pack_format<interleaved>} : vector<32xbf16> -> vector<16xf32>
        %add3A_213 = arith.addf %add3A_200, %unpack3A_211 : vector<16xf32>
        %add3A_214 = arith.addf %add3A_201, %unpack3A_212 : vector<16xf32>
        %mul3A_215 = arith.constant 17 : i32
        %mul3A_216 = vector.broadcast %mul3A_215 : i32 to vector<16xi32>
        %mul3A_217 = arith.muli %iota3A, %mul3A_216 : vector<16xi32>
        %add3A_218 = arith.constant 1 : i32
        %add3A_219 = vector.broadcast %add3A_218 : i32 to vector<16xi32>
        %add3A_220 = arith.addi %mul3A_217, %add3A_219 : vector<16xi32>
        %add3A_221 = arith.addf %add3A_213, %add3A_214 : vector<16xf32>
        tpu.vector_store_idx %arg13[%add3A_220], %add3A_221 : memref<272xf32, #tpu.memory_space<vmem>>[vector<16xi32>], vector<16xf32>,
        %add3A_222 = arith.constant 2 : i32
        %add3A_223 = arith.addi %mul3A_95, %add3A_222 : i32
        %broadcast_in_dim3A_224 = arith.constant 0.000000e+00 : f32
        %broadcast_in_dim3A_225 = vector.broadcast %broadcast_in_dim3A_224 : f32 to vector<16xf32>
        %broadcast_in_dim3A_226 = arith.constant 0.000000e+00 : f32
        %broadcast_in_dim3A_227 = vector.broadcast %broadcast_in_dim3A_226 : f32 to vector<16xf32>
        %get3A_228 = arith.index_cast %add3A_223 : i32 to index
        %get3A_229 = arith.constant 0 : index
        %get3A_230 = tpu.vector_load %arg8[%get3A_228, %get3A_229] {strides = array<i32>} : memref<80x64xi32, #tpu.memory_space<vmem>>, vector<16xi32>,
        %bitcast3A_231 = vector.bitcast %get3A_230 : vector<16xi32> to vector<32xbf16>
        %get3A_232 = arith.index_cast %add3A_223 : i32 to index
        %get3A_233 = arith.constant 0 : index
        %get3A_234 = tpu.vector_load %arg9[%get3A_232, %get3A_233] {strides = array<i32>} : memref<80x64xi32, #tpu.memory_space<vmem>>, vector<16xi32>,
        %bitcast3A_235 = vector.bitcast %get3A_234 : vector<16xi32> to vector<32xbf16>
        %mul3A_236 = arith.mulf %bitcast3A_231, %bitcast3A_235 : vector<32xbf16>
        %unpack3A_237 = tpu.unpack_subelements %mul3A_236, 0 {pack_format = #tpu.pack_format<interleaved>} : vector<32xbf16> -> vector<16xf32>
        %unpack3A_238 = tpu.unpack_subelements %mul3A_236, 1 {pack_format = #tpu.pack_format<interleaved>} : vector<32xbf16> -> vector<16xf32>
        %add3A_239 = arith.addf %broadcast_in_dim3A_225, %unpack3A_237 : vector<16xf32>
        %add3A_240 = arith.addf %broadcast_in_dim3A_227, %unpack3A_238 : vector<16xf32>
        %get3A_241 = arith.index_cast %add3A_223 : i32 to index
        %get3A_242 = arith.constant 16 : index
        %get3A_243 = tpu.vector_load %arg8[%get3A_241, %get3A_242] {strides = array<i32>} : memref<80x64xi32, #tpu.memory_space<vmem>>, vector<16xi32>,
        %bitcast3A_244 = vector.bitcast %get3A_243 : vector<16xi32> to vector<32xbf16>
        %get3A_245 = arith.index_cast %add3A_223 : i32 to index
        %get3A_246 = arith.constant 16 : index
        %get3A_247 = tpu.vector_load %arg9[%get3A_245, %get3A_246] {strides = array<i32>} : memref<80x64xi32, #tpu.memory_space<vmem>>, vector<16xi32>,
        %bitcast3A_248 = vector.bitcast %get3A_247 : vector<16xi32> to vector<32xbf16>
        %mul3A_249 = arith.mulf %bitcast3A_244, %bitcast3A_248 : vector<32xbf16>
        %unpack3A_250 = tpu.unpack_subelements %mul3A_249, 0 {pack_format = #tpu.pack_format<interleaved>} : vector<32xbf16> -> vector<16xf32>
        %unpack3A_251 = tpu.unpack_subelements %mul3A_249, 1 {pack_format = #tpu.pack_format<interleaved>} : vector<32xbf16> -> vector<16xf32>
        %add3A_252 = arith.addf %add3A_239, %unpack3A_250 : vector<16xf32>
        %add3A_253 = arith.addf %add3A_240, %unpack3A_251 : vector<16xf32>
        %get3A_254 = arith.index_cast %add3A_223 : i32 to index
        %get3A_255 = arith.constant 32 : index
        %get3A_256 = tpu.vector_load %arg8[%get3A_254, %get3A_255] {strides = array<i32>} : memref<80x64xi32, #tpu.memory_space<vmem>>, vector<16xi32>,
        %bitcast3A_257 = vector.bitcast %get3A_256 : vector<16xi32> to vector<32xbf16>
        %get3A_258 = arith.index_cast %add3A_223 : i32 to index
        %get3A_259 = arith.constant 32 : index
        %get3A_260 = tpu.vector_load %arg9[%get3A_258, %get3A_259] {strides = array<i32>} : memref<80x64xi32, #tpu.memory_space<vmem>>, vector<16xi32>,
        %bitcast3A_261 = vector.bitcast %get3A_260 : vector<16xi32> to vector<32xbf16>
        %mul3A_262 = arith.mulf %bitcast3A_257, %bitcast3A_261 : vector<32xbf16>
        %unpack3A_263 = tpu.unpack_subelements %mul3A_262, 0 {pack_format = #tpu.pack_format<interleaved>} : vector<32xbf16> -> vector<16xf32>
        %unpack3A_264 = tpu.unpack_subelements %mul3A_262, 1 {pack_format = #tpu.pack_format<interleaved>} : vector<32xbf16> -> vector<16xf32>
        %add3A_265 = arith.addf %add3A_252, %unpack3A_263 : vector<16xf32>
        %add3A_266 = arith.addf %add3A_253, %unpack3A_264 : vector<16xf32>
        %get3A_267 = arith.index_cast %add3A_223 : i32 to index
        %get3A_268 = arith.constant 48 : index
        %get3A_269 = tpu.vector_load %arg8[%get3A_267, %get3A_268] {strides = array<i32>} : memref<80x64xi32, #tpu.memory_space<vmem>>, vector<16xi32>,
        %bitcast3A_270 = vector.bitcast %get3A_269 : vector<16xi32> to vector<32xbf16>
        %get3A_271 = arith.index_cast %add3A_223 : i32 to index
        %get3A_272 = arith.constant 48 : index
        %get3A_273 = tpu.vector_load %arg9[%get3A_271, %get3A_272] {strides = array<i32>} : memref<80x64xi32, #tpu.memory_space<vmem>>, vector<16xi32>,
        %bitcast3A_274 = vector.bitcast %get3A_273 : vector<16xi32> to vector<32xbf16>
        %mul3A_275 = arith.mulf %bitcast3A_270, %bitcast3A_274 : vector<32xbf16>
        %unpack3A_276 = tpu.unpack_subelements %mul3A_275, 0 {pack_format = #tpu.pack_format<interleaved>} : vector<32xbf16> -> vector<16xf32>
        %unpack3A_277 = tpu.unpack_subelements %mul3A_275, 1 {pack_format = #tpu.pack_format<interleaved>} : vector<32xbf16> -> vector<16xf32>
        %add3A_278 = arith.addf %add3A_265, %unpack3A_276 : vector<16xf32>
        %add3A_279 = arith.addf %add3A_266, %unpack3A_277 : vector<16xf32>
        %mul3A_280 = arith.constant 17 : i32
        %mul3A_281 = vector.broadcast %mul3A_280 : i32 to vector<16xi32>
        %mul3A_282 = arith.muli %iota3A, %mul3A_281 : vector<16xi32>
        %add3A_283 = arith.constant 2 : i32
        %add3A_284 = vector.broadcast %add3A_283 : i32 to vector<16xi32>
        %add3A_285 = arith.addi %mul3A_282, %add3A_284 : vector<16xi32>
        %add3A_286 = arith.addf %add3A_278, %add3A_279 : vector<16xf32>
        tpu.vector_store_idx %arg13[%add3A_285], %add3A_286 : memref<272xf32, #tpu.memory_space<vmem>>[vector<16xi32>], vector<16xf32>,
        %add3A_287 = arith.constant 3 : i32
        %add3A_288 = arith.addi %mul3A_95, %add3A_287 : i32
        %broadcast_in_dim3A_289 = arith.constant 0.000000e+00 : f32
        %broadcast_in_dim3A_290 = vector.broadcast %broadcast_in_dim3A_289 : f32 to vector<16xf32>
        %broadcast_in_dim3A_291 = arith.constant 0.000000e+00 : f32
        %broadcast_in_dim3A_292 = vector.broadcast %broadcast_in_dim3A_291 : f32 to vector<16xf32>
        %get3A_293 = arith.index_cast %add3A_288 : i32 to index
        %get3A_294 = arith.constant 0 : index
        %get3A_295 = tpu.vector_load %arg8[%get3A_293, %get3A_294] {strides = array<i32>} : memref<80x64xi32, #tpu.memory_space<vmem>>, vector<16xi32>,
        %bitcast3A_296 = vector.bitcast %get3A_295 : vector<16xi32> to vector<32xbf16>
        %get3A_297 = arith.index_cast %add3A_288 : i32 to index
        %get3A_298 = arith.constant 0 : index
        %get3A_299 = tpu.vector_load %arg9[%get3A_297, %get3A_298] {strides = array<i32>} : memref<80x64xi32, #tpu.memory_space<vmem>>, vector<16xi32>,
        %bitcast3A_300 = vector.bitcast %get3A_299 : vector<16xi32> to vector<32xbf16>
        %mul3A_301 = arith.mulf %bitcast3A_296, %bitcast3A_300 : vector<32xbf16>
        %unpack3A_302 = tpu.unpack_subelements %mul3A_301, 0 {pack_format = #tpu.pack_format<interleaved>} : vector<32xbf16> -> vector<16xf32>
        %unpack3A_303 = tpu.unpack_subelements %mul3A_301, 1 {pack_format = #tpu.pack_format<interleaved>} : vector<32xbf16> -> vector<16xf32>
        %add3A_304 = arith.addf %broadcast_in_dim3A_290, %unpack3A_302 : vector<16xf32>
        %add3A_305 = arith.addf %broadcast_in_dim3A_292, %unpack3A_303 : vector<16xf32>
        %get3A_306 = arith.index_cast %add3A_288 : i32 to index
        %get3A_307 = arith.constant 16 : index
        %get3A_308 = tpu.vector_load %arg8[%get3A_306, %get3A_307] {strides = array<i32>} : memref<80x64xi32, #tpu.memory_space<vmem>>, vector<16xi32>,
        %bitcast3A_309 = vector.bitcast %get3A_308 : vector<16xi32> to vector<32xbf16>
        %get3A_310 = arith.index_cast %add3A_288 : i32 to index
        %get3A_311 = arith.constant 16 : index
        %get3A_312 = tpu.vector_load %arg9[%get3A_310, %get3A_311] {strides = array<i32>} : memref<80x64xi32, #tpu.memory_space<vmem>>, vector<16xi32>,
        %bitcast3A_313 = vector.bitcast %get3A_312 : vector<16xi32> to vector<32xbf16>
        %mul3A_314 = arith.mulf %bitcast3A_309, %bitcast3A_313 : vector<32xbf16>
        %unpack3A_315 = tpu.unpack_subelements %mul3A_314, 0 {pack_format = #tpu.pack_format<interleaved>} : vector<32xbf16> -> vector<16xf32>
        %unpack3A_316 = tpu.unpack_subelements %mul3A_314, 1 {pack_format = #tpu.pack_format<interleaved>} : vector<32xbf16> -> vector<16xf32>
        %add3A_317 = arith.addf %add3A_304, %unpack3A_315 : vector<16xf32>
        %add3A_318 = arith.addf %add3A_305, %unpack3A_316 : vector<16xf32>
        %get3A_319 = arith.index_cast %add3A_288 : i32 to index
        %get3A_320 = arith.constant 32 : index
        %get3A_321 = tpu.vector_load %arg8[%get3A_319, %get3A_320] {strides = array<i32>} : memref<80x64xi32, #tpu.memory_space<vmem>>, vector<16xi32>,
        %bitcast3A_322 = vector.bitcast %get3A_321 : vector<16xi32> to vector<32xbf16>
        %get3A_323 = arith.index_cast %add3A_288 : i32 to index
        %get3A_324 = arith.constant 32 : index
        %get3A_325 = tpu.vector_load %arg9[%get3A_323, %get3A_324] {strides = array<i32>} : memref<80x64xi32, #tpu.memory_space<vmem>>, vector<16xi32>,
        %bitcast3A_326 = vector.bitcast %get3A_325 : vector<16xi32> to vector<32xbf16>
        %mul3A_327 = arith.mulf %bitcast3A_322, %bitcast3A_326 : vector<32xbf16>
        %unpack3A_328 = tpu.unpack_subelements %mul3A_327, 0 {pack_format = #tpu.pack_format<interleaved>} : vector<32xbf16> -> vector<16xf32>
        %unpack3A_329 = tpu.unpack_subelements %mul3A_327, 1 {pack_format = #tpu.pack_format<interleaved>} : vector<32xbf16> -> vector<16xf32>
        %add3A_330 = arith.addf %add3A_317, %unpack3A_328 : vector<16xf32>
        %add3A_331 = arith.addf %add3A_318, %unpack3A_329 : vector<16xf32>
        %get3A_332 = arith.index_cast %add3A_288 : i32 to index
        %get3A_333 = arith.constant 48 : index
        %get3A_334 = tpu.vector_load %arg8[%get3A_332, %get3A_333] {strides = array<i32>} : memref<80x64xi32, #tpu.memory_space<vmem>>, vector<16xi32>,
        %bitcast3A_335 = vector.bitcast %get3A_334 : vector<16xi32> to vector<32xbf16>
        %get3A_336 = arith.index_cast %add3A_288 : i32 to index
        %get3A_337 = arith.constant 48 : index
        %get3A_338 = tpu.vector_load %arg9[%get3A_336, %get3A_337] {strides = array<i32>} : memref<80x64xi32, #tpu.memory_space<vmem>>, vector<16xi32>,
        %bitcast3A_339 = vector.bitcast %get3A_338 : vector<16xi32> to vector<32xbf16>
        %mul3A_340 = arith.mulf %bitcast3A_335, %bitcast3A_339 : vector<32xbf16>
        %unpack3A_341 = tpu.unpack_subelements %mul3A_340, 0 {pack_format = #tpu.pack_format<interleaved>} : vector<32xbf16> -> vector<16xf32>
        %unpack3A_342 = tpu.unpack_subelements %mul3A_340, 1 {pack_format = #tpu.pack_format<interleaved>} : vector<32xbf16> -> vector<16xf32>
        %add3A_343 = arith.addf %add3A_330, %unpack3A_341 : vector<16xf32>
        %add3A_344 = arith.addf %add3A_331, %unpack3A_342 : vector<16xf32>
        %mul3A_345 = arith.constant 17 : i32
        %mul3A_346 = vector.broadcast %mul3A_345 : i32 to vector<16xi32>
        %mul3A_347 = arith.muli %iota3A, %mul3A_346 : vector<16xi32>
        %add3A_348 = arith.constant 3 : i32
        %add3A_349 = vector.broadcast %add3A_348 : i32 to vector<16xi32>
        %add3A_350 = arith.addi %mul3A_347, %add3A_349 : vector<16xi32>
        %add3A_351 = arith.addf %add3A_343, %add3A_344 : vector<16xf32>
        tpu.vector_store_idx %arg13[%add3A_350], %add3A_351 : memref<272xf32, #tpu.memory_space<vmem>>[vector<16xi32>], vector<16xf32>,
        %add3A_352 = arith.constant 4 : i32
        %add3A_353 = arith.addi %mul3A_95, %add3A_352 : i32
        %broadcast_in_dim3A_354 = arith.constant 0.000000e+00 : f32
        %broadcast_in_dim3A_355 = vector.broadcast %broadcast_in_dim3A_354 : f32 to vector<16xf32>
        %broadcast_in_dim3A_356 = arith.constant 0.000000e+00 : f32
        %broadcast_in_dim3A_357 = vector.broadcast %broadcast_in_dim3A_356 : f32 to vector<16xf32>
        %get3A_358 = arith.index_cast %add3A_353 : i32 to index
        %get3A_359 = arith.constant 0 : index
        %get3A_360 = tpu.vector_load %arg8[%get3A_358, %get3A_359] {strides = array<i32>} : memref<80x64xi32, #tpu.memory_space<vmem>>, vector<16xi32>,
        %bitcast3A_361 = vector.bitcast %get3A_360 : vector<16xi32> to vector<32xbf16>
        %get3A_362 = arith.index_cast %add3A_353 : i32 to index
        %get3A_363 = arith.constant 0 : index
        %get3A_364 = tpu.vector_load %arg9[%get3A_362, %get3A_363] {strides = array<i32>} : memref<80x64xi32, #tpu.memory_space<vmem>>, vector<16xi32>,
        %bitcast3A_365 = vector.bitcast %get3A_364 : vector<16xi32> to vector<32xbf16>
        %mul3A_366 = arith.mulf %bitcast3A_361, %bitcast3A_365 : vector<32xbf16>
        %unpack3A_367 = tpu.unpack_subelements %mul3A_366, 0 {pack_format = #tpu.pack_format<interleaved>} : vector<32xbf16> -> vector<16xf32>
        %unpack3A_368 = tpu.unpack_subelements %mul3A_366, 1 {pack_format = #tpu.pack_format<interleaved>} : vector<32xbf16> -> vector<16xf32>
        %add3A_369 = arith.addf %broadcast_in_dim3A_355, %unpack3A_367 : vector<16xf32>
        %add3A_370 = arith.addf %broadcast_in_dim3A_357, %unpack3A_368 : vector<16xf32>
        %get3A_371 = arith.index_cast %add3A_353 : i32 to index
        %get3A_372 = arith.constant 16 : index
        %get3A_373 = tpu.vector_load %arg8[%get3A_371, %get3A_372] {strides = array<i32>} : memref<80x64xi32, #tpu.memory_space<vmem>>, vector<16xi32>,
        %bitcast3A_374 = vector.bitcast %get3A_373 : vector<16xi32> to vector<32xbf16>
        %get3A_375 = arith.index_cast %add3A_353 : i32 to index
        %get3A_376 = arith.constant 16 : index
        %get3A_377 = tpu.vector_load %arg9[%get3A_375, %get3A_376] {strides = array<i32>} : memref<80x64xi32, #tpu.memory_space<vmem>>, vector<16xi32>,
        %bitcast3A_378 = vector.bitcast %get3A_377 : vector<16xi32> to vector<32xbf16>
        %mul3A_379 = arith.mulf %bitcast3A_374, %bitcast3A_378 : vector<32xbf16>
        %unpack3A_380 = tpu.unpack_subelements %mul3A_379, 0 {pack_format = #tpu.pack_format<interleaved>} : vector<32xbf16> -> vector<16xf32>
        %unpack3A_381 = tpu.unpack_subelements %mul3A_379, 1 {pack_format = #tpu.pack_format<interleaved>} : vector<32xbf16> -> vector<16xf32>
        %add3A_382 = arith.addf %add3A_369, %unpack3A_380 : vector<16xf32>
        %add3A_383 = arith.addf %add3A_370, %unpack3A_381 : vector<16xf32>
        %get3A_384 = arith.index_cast %add3A_353 : i32 to index
        %get3A_385 = arith.constant 32 : index
        %get3A_386 = tpu.vector_load %arg8[%get3A_384, %get3A_385] {strides = array<i32>} : memref<80x64xi32, #tpu.memory_space<vmem>>, vector<16xi32>,
        %bitcast3A_387 = vector.bitcast %get3A_386 : vector<16xi32> to vector<32xbf16>
        %get3A_388 = arith.index_cast %add3A_353 : i32 to index
        %get3A_389 = arith.constant 32 : index
        %get3A_390 = tpu.vector_load %arg9[%get3A_388, %get3A_389] {strides = array<i32>} : memref<80x64xi32, #tpu.memory_space<vmem>>, vector<16xi32>,
        %bitcast3A_391 = vector.bitcast %get3A_390 : vector<16xi32> to vector<32xbf16>
        %mul3A_392 = arith.mulf %bitcast3A_387, %bitcast3A_391 : vector<32xbf16>
        %unpack3A_393 = tpu.unpack_subelements %mul3A_392, 0 {pack_format = #tpu.pack_format<interleaved>} : vector<32xbf16> -> vector<16xf32>
        %unpack3A_394 = tpu.unpack_subelements %mul3A_392, 1 {pack_format = #tpu.pack_format<interleaved>} : vector<32xbf16> -> vector<16xf32>
        %add3A_395 = arith.addf %add3A_382, %unpack3A_393 : vector<16xf32>
        %add3A_396 = arith.addf %add3A_383, %unpack3A_394 : vector<16xf32>
        %get3A_397 = arith.index_cast %add3A_353 : i32 to index
        %get3A_398 = arith.constant 48 : index
        %get3A_399 = tpu.vector_load %arg8[%get3A_397, %get3A_398] {strides = array<i32>} : memref<80x64xi32, #tpu.memory_space<vmem>>, vector<16xi32>,
        %bitcast3A_400 = vector.bitcast %get3A_399 : vector<16xi32> to vector<32xbf16>
        %get3A_401 = arith.index_cast %add3A_353 : i32 to index
        %get3A_402 = arith.constant 48 : index
        %get3A_403 = tpu.vector_load %arg9[%get3A_401, %get3A_402] {strides = array<i32>} : memref<80x64xi32, #tpu.memory_space<vmem>>, vector<16xi32>,
        %bitcast3A_404 = vector.bitcast %get3A_403 : vector<16xi32> to vector<32xbf16>
        %mul3A_405 = arith.mulf %bitcast3A_400, %bitcast3A_404 : vector<32xbf16>
        %unpack3A_406 = tpu.unpack_subelements %mul3A_405, 0 {pack_format = #tpu.pack_format<interleaved>} : vector<32xbf16> -> vector<16xf32>
        %unpack3A_407 = tpu.unpack_subelements %mul3A_405, 1 {pack_format = #tpu.pack_format<interleaved>} : vector<32xbf16> -> vector<16xf32>
        %add3A_408 = arith.addf %add3A_395, %unpack3A_406 : vector<16xf32>
        %add3A_409 = arith.addf %add3A_396, %unpack3A_407 : vector<16xf32>
        %mul3A_410 = arith.constant 17 : i32
        %mul3A_411 = vector.broadcast %mul3A_410 : i32 to vector<16xi32>
        %mul3A_412 = arith.muli %iota3A, %mul3A_411 : vector<16xi32>
        %add3A_413 = arith.constant 4 : i32
        %add3A_414 = vector.broadcast %add3A_413 : i32 to vector<16xi32>
        %add3A_415 = arith.addi %mul3A_412, %add3A_414 : vector<16xi32>
        %add3A_416 = arith.addf %add3A_408, %add3A_409 : vector<16xf32>
        tpu.vector_store_idx %arg13[%add3A_415], %add3A_416 : memref<272xf32, #tpu.memory_space<vmem>>[vector<16xi32>], vector<16xf32>,
        %add3A_417 = arith.constant 5 : i32
        %add3A_418 = arith.addi %mul3A_95, %add3A_417 : i32
        %broadcast_in_dim3A_419 = arith.constant 0.000000e+00 : f32
        %broadcast_in_dim3A_420 = vector.broadcast %broadcast_in_dim3A_419 : f32 to vector<16xf32>
        %broadcast_in_dim3A_421 = arith.constant 0.000000e+00 : f32
        %broadcast_in_dim3A_422 = vector.broadcast %broadcast_in_dim3A_421 : f32 to vector<16xf32>
        %get3A_423 = arith.index_cast %add3A_418 : i32 to index
        %get3A_424 = arith.constant 0 : index
        %get3A_425 = tpu.vector_load %arg8[%get3A_423, %get3A_424] {strides = array<i32>} : memref<80x64xi32, #tpu.memory_space<vmem>>, vector<16xi32>,
        %bitcast3A_426 = vector.bitcast %get3A_425 : vector<16xi32> to vector<32xbf16>
        %get3A_427 = arith.index_cast %add3A_418 : i32 to index
        %get3A_428 = arith.constant 0 : index
        %get3A_429 = tpu.vector_load %arg9[%get3A_427, %get3A_428] {strides = array<i32>} : memref<80x64xi32, #tpu.memory_space<vmem>>, vector<16xi32>,
        %bitcast3A_430 = vector.bitcast %get3A_429 : vector<16xi32> to vector<32xbf16>
        %mul3A_431 = arith.mulf %bitcast3A_426, %bitcast3A_430 : vector<32xbf16>
        %unpack3A_432 = tpu.unpack_subelements %mul3A_431, 0 {pack_format = #tpu.pack_format<interleaved>} : vector<32xbf16> -> vector<16xf32>
        %unpack3A_433 = tpu.unpack_subelements %mul3A_431, 1 {pack_format = #tpu.pack_format<interleaved>} : vector<32xbf16> -> vector<16xf32>
        %add3A_434 = arith.addf %broadcast_in_dim3A_420, %unpack3A_432 : vector<16xf32>
        %add3A_435 = arith.addf %broadcast_in_dim3A_422, %unpack3A_433 : vector<16xf32>
        %get3A_436 = arith.index_cast %add3A_418 : i32 to index
        %get3A_437 = arith.constant 16 : index
        %get3A_438 = tpu.vector_load %arg8[%get3A_436, %get3A_437] {strides = array<i32>} : memref<80x64xi32, #tpu.memory_space<vmem>>, vector<16xi32>,
        %bitcast3A_439 = vector.bitcast %get3A_438 : vector<16xi32> to vector<32xbf16>
        %get3A_440 = arith.index_cast %add3A_418 : i32 to index
        %get3A_441 = arith.constant 16 : index
        %get3A_442 = tpu.vector_load %arg9[%get3A_440, %get3A_441] {strides = array<i32>} : memref<80x64xi32, #tpu.memory_space<vmem>>, vector<16xi32>,
        %bitcast3A_443 = vector.bitcast %get3A_442 : vector<16xi32> to vector<32xbf16>
        %mul3A_444 = arith.mulf %bitcast3A_439, %bitcast3A_443 : vector<32xbf16>
        %unpack3A_445 = tpu.unpack_subelements %mul3A_444, 0 {pack_format = #tpu.pack_format<interleaved>} : vector<32xbf16> -> vector<16xf32>
        %unpack3A_446 = tpu.unpack_subelements %mul3A_444, 1 {pack_format = #tpu.pack_format<interleaved>} : vector<32xbf16> -> vector<16xf32>
        %add3A_447 = arith.addf %add3A_434, %unpack3A_445 : vector<16xf32>
        %add3A_448 = arith.addf %add3A_435, %unpack3A_446 : vector<16xf32>
        %get3A_449 = arith.index_cast %add3A_418 : i32 to index
        %get3A_450 = arith.constant 32 : index
        %get3A_451 = tpu.vector_load %arg8[%get3A_449, %get3A_450] {strides = array<i32>} : memref<80x64xi32, #tpu.memory_space<vmem>>, vector<16xi32>,
        %bitcast3A_452 = vector.bitcast %get3A_451 : vector<16xi32> to vector<32xbf16>
        %get3A_453 = arith.index_cast %add3A_418 : i32 to index
        %get3A_454 = arith.constant 32 : index
        %get3A_455 = tpu.vector_load %arg9[%get3A_453, %get3A_454] {strides = array<i32>} : memref<80x64xi32, #tpu.memory_space<vmem>>, vector<16xi32>,
        %bitcast3A_456 = vector.bitcast %get3A_455 : vector<16xi32> to vector<32xbf16>
        %mul3A_457 = arith.mulf %bitcast3A_452, %bitcast3A_456 : vector<32xbf16>
        %unpack3A_458 = tpu.unpack_subelements %mul3A_457, 0 {pack_format = #tpu.pack_format<interleaved>} : vector<32xbf16> -> vector<16xf32>
        %unpack3A_459 = tpu.unpack_subelements %mul3A_457, 1 {pack_format = #tpu.pack_format<interleaved>} : vector<32xbf16> -> vector<16xf32>
        %add3A_460 = arith.addf %add3A_447, %unpack3A_458 : vector<16xf32>
        %add3A_461 = arith.addf %add3A_448, %unpack3A_459 : vector<16xf32>
        %get3A_462 = arith.index_cast %add3A_418 : i32 to index
        %get3A_463 = arith.constant 48 : index
        %get3A_464 = tpu.vector_load %arg8[%get3A_462, %get3A_463] {strides = array<i32>} : memref<80x64xi32, #tpu.memory_space<vmem>>, vector<16xi32>,
        %bitcast3A_465 = vector.bitcast %get3A_464 : vector<16xi32> to vector<32xbf16>
        %get3A_466 = arith.index_cast %add3A_418 : i32 to index
        %get3A_467 = arith.constant 48 : index
        %get3A_468 = tpu.vector_load %arg9[%get3A_466, %get3A_467] {strides = array<i32>} : memref<80x64xi32, #tpu.memory_space<vmem>>, vector<16xi32>,
        %bitcast3A_469 = vector.bitcast %get3A_468 : vector<16xi32> to vector<32xbf16>
        %mul3A_470 = arith.mulf %bitcast3A_465, %bitcast3A_469 : vector<32xbf16>
        %unpack3A_471 = tpu.unpack_subelements %mul3A_470, 0 {pack_format = #tpu.pack_format<interleaved>} : vector<32xbf16> -> vector<16xf32>
        %unpack3A_472 = tpu.unpack_subelements %mul3A_470, 1 {pack_format = #tpu.pack_format<interleaved>} : vector<32xbf16> -> vector<16xf32>
        %add3A_473 = arith.addf %add3A_460, %unpack3A_471 : vector<16xf32>
        %add3A_474 = arith.addf %add3A_461, %unpack3A_472 : vector<16xf32>
        %mul3A_475 = arith.constant 17 : i32
        %mul3A_476 = vector.broadcast %mul3A_475 : i32 to vector<16xi32>
        %mul3A_477 = arith.muli %iota3A, %mul3A_476 : vector<16xi32>
        %add3A_478 = arith.constant 5 : i32
        %add3A_479 = vector.broadcast %add3A_478 : i32 to vector<16xi32>
        %add3A_480 = arith.addi %mul3A_477, %add3A_479 : vector<16xi32>
        %add3A_481 = arith.addf %add3A_473, %add3A_474 : vector<16xf32>
        tpu.vector_store_idx %arg13[%add3A_480], %add3A_481 : memref<272xf32, #tpu.memory_space<vmem>>[vector<16xi32>], vector<16xf32>,
        %add3A_482 = arith.constant 6 : i32
        %add3A_483 = arith.addi %mul3A_95, %add3A_482 : i32
        %broadcast_in_dim3A_484 = arith.constant 0.000000e+00 : f32
        %broadcast_in_dim3A_485 = vector.broadcast %broadcast_in_dim3A_484 : f32 to vector<16xf32>
        %broadcast_in_dim3A_486 = arith.constant 0.000000e+00 : f32
        %broadcast_in_dim3A_487 = vector.broadcast %broadcast_in_dim3A_486 : f32 to vector<16xf32>
        %get3A_488 = arith.index_cast %add3A_483 : i32 to index
        %get3A_489 = arith.constant 0 : index
        %get3A_490 = tpu.vector_load %arg8[%get3A_488, %get3A_489] {strides = array<i32>} : memref<80x64xi32, #tpu.memory_space<vmem>>, vector<16xi32>,
        %bitcast3A_491 = vector.bitcast %get3A_490 : vector<16xi32> to vector<32xbf16>
        %get3A_492 = arith.index_cast %add3A_483 : i32 to index
        %get3A_493 = arith.constant 0 : index
        %get3A_494 = tpu.vector_load %arg9[%get3A_492, %get3A_493] {strides = array<i32>} : memref<80x64xi32, #tpu.memory_space<vmem>>, vector<16xi32>,
        %bitcast3A_495 = vector.bitcast %get3A_494 : vector<16xi32> to vector<32xbf16>
        %mul3A_496 = arith.mulf %bitcast3A_491, %bitcast3A_495 : vector<32xbf16>
        %unpack3A_497 = tpu.unpack_subelements %mul3A_496, 0 {pack_format = #tpu.pack_format<interleaved>} : vector<32xbf16> -> vector<16xf32>
        %unpack3A_498 = tpu.unpack_subelements %mul3A_496, 1 {pack_format = #tpu.pack_format<interleaved>} : vector<32xbf16> -> vector<16xf32>
        %add3A_499 = arith.addf %broadcast_in_dim3A_485, %unpack3A_497 : vector<16xf32>
        %add3A_500 = arith.addf %broadcast_in_dim3A_487, %unpack3A_498 : vector<16xf32>
        %get3A_501 = arith.index_cast %add3A_483 : i32 to index
        %get3A_502 = arith.constant 16 : index
        %get3A_503 = tpu.vector_load %arg8[%get3A_501, %get3A_502] {strides = array<i32>} : memref<80x64xi32, #tpu.memory_space<vmem>>, vector<16xi32>,
        %bitcast3A_504 = vector.bitcast %get3A_503 : vector<16xi32> to vector<32xbf16>
        %get3A_505 = arith.index_cast %add3A_483 : i32 to index
        %get3A_506 = arith.constant 16 : index
        %get3A_507 = tpu.vector_load %arg9[%get3A_505, %get3A_506] {strides = array<i32>} : memref<80x64xi32, #tpu.memory_space<vmem>>, vector<16xi32>,
        %bitcast3A_508 = vector.bitcast %get3A_507 : vector<16xi32> to vector<32xbf16>
        %mul3A_509 = arith.mulf %bitcast3A_504, %bitcast3A_508 : vector<32xbf16>
        %unpack3A_510 = tpu.unpack_subelements %mul3A_509, 0 {pack_format = #tpu.pack_format<interleaved>} : vector<32xbf16> -> vector<16xf32>
        %unpack3A_511 = tpu.unpack_subelements %mul3A_509, 1 {pack_format = #tpu.pack_format<interleaved>} : vector<32xbf16> -> vector<16xf32>
        %add3A_512 = arith.addf %add3A_499, %unpack3A_510 : vector<16xf32>
        %add3A_513 = arith.addf %add3A_500, %unpack3A_511 : vector<16xf32>
        %get3A_514 = arith.index_cast %add3A_483 : i32 to index
        %get3A_515 = arith.constant 32 : index
        %get3A_516 = tpu.vector_load %arg8[%get3A_514, %get3A_515] {strides = array<i32>} : memref<80x64xi32, #tpu.memory_space<vmem>>, vector<16xi32>,
        %bitcast3A_517 = vector.bitcast %get3A_516 : vector<16xi32> to vector<32xbf16>
        %get3A_518 = arith.index_cast %add3A_483 : i32 to index
        %get3A_519 = arith.constant 32 : index
        %get3A_520 = tpu.vector_load %arg9[%get3A_518, %get3A_519] {strides = array<i32>} : memref<80x64xi32, #tpu.memory_space<vmem>>, vector<16xi32>,
        %bitcast3A_521 = vector.bitcast %get3A_520 : vector<16xi32> to vector<32xbf16>
        %mul3A_522 = arith.mulf %bitcast3A_517, %bitcast3A_521 : vector<32xbf16>
        %unpack3A_523 = tpu.unpack_subelements %mul3A_522, 0 {pack_format = #tpu.pack_format<interleaved>} : vector<32xbf16> -> vector<16xf32>
        %unpack3A_524 = tpu.unpack_subelements %mul3A_522, 1 {pack_format = #tpu.pack_format<interleaved>} : vector<32xbf16> -> vector<16xf32>
        %add3A_525 = arith.addf %add3A_512, %unpack3A_523 : vector<16xf32>
        %add3A_526 = arith.addf %add3A_513, %unpack3A_524 : vector<16xf32>
        %get3A_527 = arith.index_cast %add3A_483 : i32 to index
        %get3A_528 = arith.constant 48 : index
        %get3A_529 = tpu.vector_load %arg8[%get3A_527, %get3A_528] {strides = array<i32>} : memref<80x64xi32, #tpu.memory_space<vmem>>, vector<16xi32>,
        %bitcast3A_530 = vector.bitcast %get3A_529 : vector<16xi32> to vector<32xbf16>
        %get3A_531 = arith.index_cast %add3A_483 : i32 to index
        %get3A_532 = arith.constant 48 : index
        %get3A_533 = tpu.vector_load %arg9[%get3A_531, %get3A_532] {strides = array<i32>} : memref<80x64xi32, #tpu.memory_space<vmem>>, vector<16xi32>,
        %bitcast3A_534 = vector.bitcast %get3A_533 : vector<16xi32> to vector<32xbf16>
        %mul3A_535 = arith.mulf %bitcast3A_530, %bitcast3A_534 : vector<32xbf16>
        %unpack3A_536 = tpu.unpack_subelements %mul3A_535, 0 {pack_format = #tpu.pack_format<interleaved>} : vector<32xbf16> -> vector<16xf32>
        %unpack3A_537 = tpu.unpack_subelements %mul3A_535, 1 {pack_format = #tpu.pack_format<interleaved>} : vector<32xbf16> -> vector<16xf32>
        %add3A_538 = arith.addf %add3A_525, %unpack3A_536 : vector<16xf32>
        %add3A_539 = arith.addf %add3A_526, %unpack3A_537 : vector<16xf32>
        %mul3A_540 = arith.constant 17 : i32
        %mul3A_541 = vector.broadcast %mul3A_540 : i32 to vector<16xi32>
        %mul3A_542 = arith.muli %iota3A, %mul3A_541 : vector<16xi32>
        %add3A_543 = arith.constant 6 : i32
        %add3A_544 = vector.broadcast %add3A_543 : i32 to vector<16xi32>
        %add3A_545 = arith.addi %mul3A_542, %add3A_544 : vector<16xi32>
        %add3A_546 = arith.addf %add3A_538, %add3A_539 : vector<16xf32>
        tpu.vector_store_idx %arg13[%add3A_545], %add3A_546 : memref<272xf32, #tpu.memory_space<vmem>>[vector<16xi32>], vector<16xf32>,
        %add3A_547 = arith.constant 7 : i32
        %add3A_548 = arith.addi %mul3A_95, %add3A_547 : i32
        %broadcast_in_dim3A_549 = arith.constant 0.000000e+00 : f32
        %broadcast_in_dim3A_550 = vector.broadcast %broadcast_in_dim3A_549 : f32 to vector<16xf32>
        %broadcast_in_dim3A_551 = arith.constant 0.000000e+00 : f32
        %broadcast_in_dim3A_552 = vector.broadcast %broadcast_in_dim3A_551 : f32 to vector<16xf32>
        %get3A_553 = arith.index_cast %add3A_548 : i32 to index
        %get3A_554 = arith.constant 0 : index
        %get3A_555 = tpu.vector_load %arg8[%get3A_553, %get3A_554] {strides = array<i32>} : memref<80x64xi32, #tpu.memory_space<vmem>>, vector<16xi32>,
        %bitcast3A_556 = vector.bitcast %get3A_555 : vector<16xi32> to vector<32xbf16>
        %get3A_557 = arith.index_cast %add3A_548 : i32 to index
        %get3A_558 = arith.constant 0 : index
        %get3A_559 = tpu.vector_load %arg9[%get3A_557, %get3A_558] {strides = array<i32>} : memref<80x64xi32, #tpu.memory_space<vmem>>, vector<16xi32>,
        %bitcast3A_560 = vector.bitcast %get3A_559 : vector<16xi32> to vector<32xbf16>
        %mul3A_561 = arith.mulf %bitcast3A_556, %bitcast3A_560 : vector<32xbf16>
        %unpack3A_562 = tpu.unpack_subelements %mul3A_561, 0 {pack_format = #tpu.pack_format<interleaved>} : vector<32xbf16> -> vector<16xf32>
        %unpack3A_563 = tpu.unpack_subelements %mul3A_561, 1 {pack_format = #tpu.pack_format<interleaved>} : vector<32xbf16> -> vector<16xf32>
        %add3A_564 = arith.addf %broadcast_in_dim3A_550, %unpack3A_562 : vector<16xf32>
        %add3A_565 = arith.addf %broadcast_in_dim3A_552, %unpack3A_563 : vector<16xf32>
        %get3A_566 = arith.index_cast %add3A_548 : i32 to index
        %get3A_567 = arith.constant 16 : index
        %get3A_568 = tpu.vector_load %arg8[%get3A_566, %get3A_567] {strides = array<i32>} : memref<80x64xi32, #tpu.memory_space<vmem>>, vector<16xi32>,
        %bitcast3A_569 = vector.bitcast %get3A_568 : vector<16xi32> to vector<32xbf16>
        %get3A_570 = arith.index_cast %add3A_548 : i32 to index
        %get3A_571 = arith.constant 16 : index
        %get3A_572 = tpu.vector_load %arg9[%get3A_570, %get3A_571] {strides = array<i32>} : memref<80x64xi32, #tpu.memory_space<vmem>>, vector<16xi32>,
        %bitcast3A_573 = vector.bitcast %get3A_572 : vector<16xi32> to vector<32xbf16>
        %mul3A_574 = arith.mulf %bitcast3A_569, %bitcast3A_573 : vector<32xbf16>
        %unpack3A_575 = tpu.unpack_subelements %mul3A_574, 0 {pack_format = #tpu.pack_format<interleaved>} : vector<32xbf16> -> vector<16xf32>
        %unpack3A_576 = tpu.unpack_subelements %mul3A_574, 1 {pack_format = #tpu.pack_format<interleaved>} : vector<32xbf16> -> vector<16xf32>
        %add3A_577 = arith.addf %add3A_564, %unpack3A_575 : vector<16xf32>
        %add3A_578 = arith.addf %add3A_565, %unpack3A_576 : vector<16xf32>
        %get3A_579 = arith.index_cast %add3A_548 : i32 to index
        %get3A_580 = arith.constant 32 : index
        %get3A_581 = tpu.vector_load %arg8[%get3A_579, %get3A_580] {strides = array<i32>} : memref<80x64xi32, #tpu.memory_space<vmem>>, vector<16xi32>,
        %bitcast3A_582 = vector.bitcast %get3A_581 : vector<16xi32> to vector<32xbf16>
        %get3A_583 = arith.index_cast %add3A_548 : i32 to index
        %get3A_584 = arith.constant 32 : index
        %get3A_585 = tpu.vector_load %arg9[%get3A_583, %get3A_584] {strides = array<i32>} : memref<80x64xi32, #tpu.memory_space<vmem>>, vector<16xi32>,
        %bitcast3A_586 = vector.bitcast %get3A_585 : vector<16xi32> to vector<32xbf16>
        %mul3A_587 = arith.mulf %bitcast3A_582, %bitcast3A_586 : vector<32xbf16>
        %unpack3A_588 = tpu.unpack_subelements %mul3A_587, 0 {pack_format = #tpu.pack_format<interleaved>} : vector<32xbf16> -> vector<16xf32>
        %unpack3A_589 = tpu.unpack_subelements %mul3A_587, 1 {pack_format = #tpu.pack_format<interleaved>} : vector<32xbf16> -> vector<16xf32>
        %add3A_590 = arith.addf %add3A_577, %unpack3A_588 : vector<16xf32>
        %add3A_591 = arith.addf %add3A_578, %unpack3A_589 : vector<16xf32>
        %get3A_592 = arith.index_cast %add3A_548 : i32 to index
        %get3A_593 = arith.constant 48 : index
        %get3A_594 = tpu.vector_load %arg8[%get3A_592, %get3A_593] {strides = array<i32>} : memref<80x64xi32, #tpu.memory_space<vmem>>, vector<16xi32>,
        %bitcast3A_595 = vector.bitcast %get3A_594 : vector<16xi32> to vector<32xbf16>
        %get3A_596 = arith.index_cast %add3A_548 : i32 to index
        %get3A_597 = arith.constant 48 : index
        %get3A_598 = tpu.vector_load %arg9[%get3A_596, %get3A_597] {strides = array<i32>} : memref<80x64xi32, #tpu.memory_space<vmem>>, vector<16xi32>,
        %bitcast3A_599 = vector.bitcast %get3A_598 : vector<16xi32> to vector<32xbf16>
        %mul3A_600 = arith.mulf %bitcast3A_595, %bitcast3A_599 : vector<32xbf16>
        %unpack3A_601 = tpu.unpack_subelements %mul3A_600, 0 {pack_format = #tpu.pack_format<interleaved>} : vector<32xbf16> -> vector<16xf32>
        %unpack3A_602 = tpu.unpack_subelements %mul3A_600, 1 {pack_format = #tpu.pack_format<interleaved>} : vector<32xbf16> -> vector<16xf32>
        %add3A_603 = arith.addf %add3A_590, %unpack3A_601 : vector<16xf32>
        %add3A_604 = arith.addf %add3A_591, %unpack3A_602 : vector<16xf32>
        %mul3A_605 = arith.constant 17 : i32
        %mul3A_606 = vector.broadcast %mul3A_605 : i32 to vector<16xi32>
        %mul3A_607 = arith.muli %iota3A, %mul3A_606 : vector<16xi32>
        %add3A_608 = arith.constant 7 : i32
        %add3A_609 = vector.broadcast %add3A_608 : i32 to vector<16xi32>
        %add3A_610 = arith.addi %mul3A_607, %add3A_609 : vector<16xi32>
        %add3A_611 = arith.addf %add3A_603, %add3A_604 : vector<16xf32>
        tpu.vector_store_idx %arg13[%add3A_610], %add3A_611 : memref<272xf32, #tpu.memory_space<vmem>>[vector<16xi32>], vector<16xf32>,
        %add3A_612 = arith.constant 8 : i32
        %add3A_613 = arith.addi %mul3A_95, %add3A_612 : i32
        %broadcast_in_dim3A_614 = arith.constant 0.000000e+00 : f32
        %broadcast_in_dim3A_615 = vector.broadcast %broadcast_in_dim3A_614 : f32 to vector<16xf32>
        %broadcast_in_dim3A_616 = arith.constant 0.000000e+00 : f32
        %broadcast_in_dim3A_617 = vector.broadcast %broadcast_in_dim3A_616 : f32 to vector<16xf32>
        %get3A_618 = arith.index_cast %add3A_613 : i32 to index
        %get3A_619 = arith.constant 0 : index
        %get3A_620 = tpu.vector_load %arg8[%get3A_618, %get3A_619] {strides = array<i32>} : memref<80x64xi32, #tpu.memory_space<vmem>>, vector<16xi32>,
        %bitcast3A_621 = vector.bitcast %get3A_620 : vector<16xi32> to vector<32xbf16>
        %get3A_622 = arith.index_cast %add3A_613 : i32 to index
        %get3A_623 = arith.constant 0 : index
        %get3A_624 = tpu.vector_load %arg9[%get3A_622, %get3A_623] {strides = array<i32>} : memref<80x64xi32, #tpu.memory_space<vmem>>, vector<16xi32>,
        %bitcast3A_625 = vector.bitcast %get3A_624 : vector<16xi32> to vector<32xbf16>
        %mul3A_626 = arith.mulf %bitcast3A_621, %bitcast3A_625 : vector<32xbf16>
        %unpack3A_627 = tpu.unpack_subelements %mul3A_626, 0 {pack_format = #tpu.pack_format<interleaved>} : vector<32xbf16> -> vector<16xf32>
        %unpack3A_628 = tpu.unpack_subelements %mul3A_626, 1 {pack_format = #tpu.pack_format<interleaved>} : vector<32xbf16> -> vector<16xf32>
        %add3A_629 = arith.addf %broadcast_in_dim3A_615, %unpack3A_627 : vector<16xf32>
        %add3A_630 = arith.addf %broadcast_in_dim3A_617, %unpack3A_628 : vector<16xf32>
        %get3A_631 = arith.index_cast %add3A_613 : i32 to index
        %get3A_632 = arith.constant 16 : index
        %get3A_633 = tpu.vector_load %arg8[%get3A_631, %get3A_632] {strides = array<i32>} : memref<80x64xi32, #tpu.memory_space<vmem>>, vector<16xi32>,
        %bitcast3A_634 = vector.bitcast %get3A_633 : vector<16xi32> to vector<32xbf16>
        %get3A_635 = arith.index_cast %add3A_613 : i32 to index
        %get3A_636 = arith.constant 16 : index
        %get3A_637 = tpu.vector_load %arg9[%get3A_635, %get3A_636] {strides = array<i32>} : memref<80x64xi32, #tpu.memory_space<vmem>>, vector<16xi32>,
        %bitcast3A_638 = vector.bitcast %get3A_637 : vector<16xi32> to vector<32xbf16>
        %mul3A_639 = arith.mulf %bitcast3A_634, %bitcast3A_638 : vector<32xbf16>
        %unpack3A_640 = tpu.unpack_subelements %mul3A_639, 0 {pack_format = #tpu.pack_format<interleaved>} : vector<32xbf16> -> vector<16xf32>
        %unpack3A_641 = tpu.unpack_subelements %mul3A_639, 1 {pack_format = #tpu.pack_format<interleaved>} : vector<32xbf16> -> vector<16xf32>
        %add3A_642 = arith.addf %add3A_629, %unpack3A_640 : vector<16xf32>
        %add3A_643 = arith.addf %add3A_630, %unpack3A_641 : vector<16xf32>
        %get3A_644 = arith.index_cast %add3A_613 : i32 to index
        %get3A_645 = arith.constant 32 : index
        %get3A_646 = tpu.vector_load %arg8[%get3A_644, %get3A_645] {strides = array<i32>} : memref<80x64xi32, #tpu.memory_space<vmem>>, vector<16xi32>,
        %bitcast3A_647 = vector.bitcast %get3A_646 : vector<16xi32> to vector<32xbf16>
        %get3A_648 = arith.index_cast %add3A_613 : i32 to index
        %get3A_649 = arith.constant 32 : index
        %get3A_650 = tpu.vector_load %arg9[%get3A_648, %get3A_649] {strides = array<i32>} : memref<80x64xi32, #tpu.memory_space<vmem>>, vector<16xi32>,
        %bitcast3A_651 = vector.bitcast %get3A_650 : vector<16xi32> to vector<32xbf16>
        %mul3A_652 = arith.mulf %bitcast3A_647, %bitcast3A_651 : vector<32xbf16>
        %unpack3A_653 = tpu.unpack_subelements %mul3A_652, 0 {pack_format = #tpu.pack_format<interleaved>} : vector<32xbf16> -> vector<16xf32>
        %unpack3A_654 = tpu.unpack_subelements %mul3A_652, 1 {pack_format = #tpu.pack_format<interleaved>} : vector<32xbf16> -> vector<16xf32>
        %add3A_655 = arith.addf %add3A_642, %unpack3A_653 : vector<16xf32>
        %add3A_656 = arith.addf %add3A_643, %unpack3A_654 : vector<16xf32>
        %get3A_657 = arith.index_cast %add3A_613 : i32 to index
        %get3A_658 = arith.constant 48 : index
        %get3A_659 = tpu.vector_load %arg8[%get3A_657, %get3A_658] {strides = array<i32>} : memref<80x64xi32, #tpu.memory_space<vmem>>, vector<16xi32>,
        %bitcast3A_660 = vector.bitcast %get3A_659 : vector<16xi32> to vector<32xbf16>
        %get3A_661 = arith.index_cast %add3A_613 : i32 to index
        %get3A_662 = arith.constant 48 : index
        %get3A_663 = tpu.vector_load %arg9[%get3A_661, %get3A_662] {strides = array<i32>} : memref<80x64xi32, #tpu.memory_space<vmem>>, vector<16xi32>,
        %bitcast3A_664 = vector.bitcast %get3A_663 : vector<16xi32> to vector<32xbf16>
        %mul3A_665 = arith.mulf %bitcast3A_660, %bitcast3A_664 : vector<32xbf16>
        %unpack3A_666 = tpu.unpack_subelements %mul3A_665, 0 {pack_format = #tpu.pack_format<interleaved>} : vector<32xbf16> -> vector<16xf32>
        %unpack3A_667 = tpu.unpack_subelements %mul3A_665, 1 {pack_format = #tpu.pack_format<interleaved>} : vector<32xbf16> -> vector<16xf32>
        %add3A_668 = arith.addf %add3A_655, %unpack3A_666 : vector<16xf32>
        %add3A_669 = arith.addf %add3A_656, %unpack3A_667 : vector<16xf32>
        %mul3A_670 = arith.constant 17 : i32
        %mul3A_671 = vector.broadcast %mul3A_670 : i32 to vector<16xi32>
        %mul3A_672 = arith.muli %iota3A, %mul3A_671 : vector<16xi32>
        %add3A_673 = arith.constant 8 : i32
        %add3A_674 = vector.broadcast %add3A_673 : i32 to vector<16xi32>
        %add3A_675 = arith.addi %mul3A_672, %add3A_674 : vector<16xi32>
        %add3A_676 = arith.addf %add3A_668, %add3A_669 : vector<16xf32>
        tpu.vector_store_idx %arg13[%add3A_675], %add3A_676 : memref<272xf32, #tpu.memory_space<vmem>>[vector<16xi32>], vector<16xf32>,
        %add3A_677 = arith.constant 9 : i32
        %add3A_678 = arith.addi %mul3A_95, %add3A_677 : i32
        %broadcast_in_dim3A_679 = arith.constant 0.000000e+00 : f32
        %broadcast_in_dim3A_680 = vector.broadcast %broadcast_in_dim3A_679 : f32 to vector<16xf32>
        %broadcast_in_dim3A_681 = arith.constant 0.000000e+00 : f32
        %broadcast_in_dim3A_682 = vector.broadcast %broadcast_in_dim3A_681 : f32 to vector<16xf32>
        %get3A_683 = arith.index_cast %add3A_678 : i32 to index
        %get3A_684 = arith.constant 0 : index
        %get3A_685 = tpu.vector_load %arg8[%get3A_683, %get3A_684] {strides = array<i32>} : memref<80x64xi32, #tpu.memory_space<vmem>>, vector<16xi32>,
        %bitcast3A_686 = vector.bitcast %get3A_685 : vector<16xi32> to vector<32xbf16>
        %get3A_687 = arith.index_cast %add3A_678 : i32 to index
        %get3A_688 = arith.constant 0 : index
        %get3A_689 = tpu.vector_load %arg9[%get3A_687, %get3A_688] {strides = array<i32>} : memref<80x64xi32, #tpu.memory_space<vmem>>, vector<16xi32>,
        %bitcast3A_690 = vector.bitcast %get3A_689 : vector<16xi32> to vector<32xbf16>
        %mul3A_691 = arith.mulf %bitcast3A_686, %bitcast3A_690 : vector<32xbf16>
        %unpack3A_692 = tpu.unpack_subelements %mul3A_691, 0 {pack_format = #tpu.pack_format<interleaved>} : vector<32xbf16> -> vector<16xf32>
        %unpack3A_693 = tpu.unpack_subelements %mul3A_691, 1 {pack_format = #tpu.pack_format<interleaved>} : vector<32xbf16> -> vector<16xf32>
        %add3A_694 = arith.addf %broadcast_in_dim3A_680, %unpack3A_692 : vector<16xf32>
        %add3A_695 = arith.addf %broadcast_in_dim3A_682, %unpack3A_693 : vector<16xf32>
        %get3A_696 = arith.index_cast %add3A_678 : i32 to index
        %get3A_697 = arith.constant 16 : index
        %get3A_698 = tpu.vector_load %arg8[%get3A_696, %get3A_697] {strides = array<i32>} : memref<80x64xi32, #tpu.memory_space<vmem>>, vector<16xi32>,
        %bitcast3A_699 = vector.bitcast %get3A_698 : vector<16xi32> to vector<32xbf16>
        %get3A_700 = arith.index_cast %add3A_678 : i32 to index
        %get3A_701 = arith.constant 16 : index
        %get3A_702 = tpu.vector_load %arg9[%get3A_700, %get3A_701] {strides = array<i32>} : memref<80x64xi32, #tpu.memory_space<vmem>>, vector<16xi32>,
        %bitcast3A_703 = vector.bitcast %get3A_702 : vector<16xi32> to vector<32xbf16>
        %mul3A_704 = arith.mulf %bitcast3A_699, %bitcast3A_703 : vector<32xbf16>
        %unpack3A_705 = tpu.unpack_subelements %mul3A_704, 0 {pack_format = #tpu.pack_format<interleaved>} : vector<32xbf16> -> vector<16xf32>
        %unpack3A_706 = tpu.unpack_subelements %mul3A_704, 1 {pack_format = #tpu.pack_format<interleaved>} : vector<32xbf16> -> vector<16xf32>
        %add3A_707 = arith.addf %add3A_694, %unpack3A_705 : vector<16xf32>
        %add3A_708 = arith.addf %add3A_695, %unpack3A_706 : vector<16xf32>
        %get3A_709 = arith.index_cast %add3A_678 : i32 to index
        %get3A_710 = arith.constant 32 : index
        %get3A_711 = tpu.vector_load %arg8[%get3A_709, %get3A_710] {strides = array<i32>} : memref<80x64xi32, #tpu.memory_space<vmem>>, vector<16xi32>,
        %bitcast3A_712 = vector.bitcast %get3A_711 : vector<16xi32> to vector<32xbf16>
        %get3A_713 = arith.index_cast %add3A_678 : i32 to index
        %get3A_714 = arith.constant 32 : index
        %get3A_715 = tpu.vector_load %arg9[%get3A_713, %get3A_714] {strides = array<i32>} : memref<80x64xi32, #tpu.memory_space<vmem>>, vector<16xi32>,
        %bitcast3A_716 = vector.bitcast %get3A_715 : vector<16xi32> to vector<32xbf16>
        %mul3A_717 = arith.mulf %bitcast3A_712, %bitcast3A_716 : vector<32xbf16>
        %unpack3A_718 = tpu.unpack_subelements %mul3A_717, 0 {pack_format = #tpu.pack_format<interleaved>} : vector<32xbf16> -> vector<16xf32>
        %unpack3A_719 = tpu.unpack_subelements %mul3A_717, 1 {pack_format = #tpu.pack_format<interleaved>} : vector<32xbf16> -> vector<16xf32>
        %add3A_720 = arith.addf %add3A_707, %unpack3A_718 : vector<16xf32>
        %add3A_721 = arith.addf %add3A_708, %unpack3A_719 : vector<16xf32>
        %get3A_722 = arith.index_cast %add3A_678 : i32 to index
        %get3A_723 = arith.constant 48 : index
        %get3A_724 = tpu.vector_load %arg8[%get3A_722, %get3A_723] {strides = array<i32>} : memref<80x64xi32, #tpu.memory_space<vmem>>, vector<16xi32>,
        %bitcast3A_725 = vector.bitcast %get3A_724 : vector<16xi32> to vector<32xbf16>
        %get3A_726 = arith.index_cast %add3A_678 : i32 to index
        %get3A_727 = arith.constant 48 : index
        %get3A_728 = tpu.vector_load %arg9[%get3A_726, %get3A_727] {strides = array<i32>} : memref<80x64xi32, #tpu.memory_space<vmem>>, vector<16xi32>,
        %bitcast3A_729 = vector.bitcast %get3A_728 : vector<16xi32> to vector<32xbf16>
        %mul3A_730 = arith.mulf %bitcast3A_725, %bitcast3A_729 : vector<32xbf16>
        %unpack3A_731 = tpu.unpack_subelements %mul3A_730, 0 {pack_format = #tpu.pack_format<interleaved>} : vector<32xbf16> -> vector<16xf32>
        %unpack3A_732 = tpu.unpack_subelements %mul3A_730, 1 {pack_format = #tpu.pack_format<interleaved>} : vector<32xbf16> -> vector<16xf32>
        %add3A_733 = arith.addf %add3A_720, %unpack3A_731 : vector<16xf32>
        %add3A_734 = arith.addf %add3A_721, %unpack3A_732 : vector<16xf32>
        %mul3A_735 = arith.constant 17 : i32
        %mul3A_736 = vector.broadcast %mul3A_735 : i32 to vector<16xi32>
        %mul3A_737 = arith.muli %iota3A, %mul3A_736 : vector<16xi32>
        %add3A_738 = arith.constant 9 : i32
        %add3A_739 = vector.broadcast %add3A_738 : i32 to vector<16xi32>
        %add3A_740 = arith.addi %mul3A_737, %add3A_739 : vector<16xi32>
        %add3A_741 = arith.addf %add3A_733, %add3A_734 : vector<16xf32>
        tpu.vector_store_idx %arg13[%add3A_740], %add3A_741 : memref<272xf32, #tpu.memory_space<vmem>>[vector<16xi32>], vector<16xf32>,
        %add3A_742 = arith.constant 10 : i32
        %add3A_743 = arith.addi %mul3A_95, %add3A_742 : i32
        %broadcast_in_dim3A_744 = arith.constant 0.000000e+00 : f32
        %broadcast_in_dim3A_745 = vector.broadcast %broadcast_in_dim3A_744 : f32 to vector<16xf32>
        %broadcast_in_dim3A_746 = arith.constant 0.000000e+00 : f32
        %broadcast_in_dim3A_747 = vector.broadcast %broadcast_in_dim3A_746 : f32 to vector<16xf32>
        %get3A_748 = arith.index_cast %add3A_743 : i32 to index
        %get3A_749 = arith.constant 0 : index
        %get3A_750 = tpu.vector_load %arg8[%get3A_748, %get3A_749] {strides = array<i32>} : memref<80x64xi32, #tpu.memory_space<vmem>>, vector<16xi32>,
        %bitcast3A_751 = vector.bitcast %get3A_750 : vector<16xi32> to vector<32xbf16>
        %get3A_752 = arith.index_cast %add3A_743 : i32 to index
        %get3A_753 = arith.constant 0 : index
        %get3A_754 = tpu.vector_load %arg9[%get3A_752, %get3A_753] {strides = array<i32>} : memref<80x64xi32, #tpu.memory_space<vmem>>, vector<16xi32>,
        %bitcast3A_755 = vector.bitcast %get3A_754 : vector<16xi32> to vector<32xbf16>
        %mul3A_756 = arith.mulf %bitcast3A_751, %bitcast3A_755 : vector<32xbf16>
        %unpack3A_757 = tpu.unpack_subelements %mul3A_756, 0 {pack_format = #tpu.pack_format<interleaved>} : vector<32xbf16> -> vector<16xf32>
        %unpack3A_758 = tpu.unpack_subelements %mul3A_756, 1 {pack_format = #tpu.pack_format<interleaved>} : vector<32xbf16> -> vector<16xf32>
        %add3A_759 = arith.addf %broadcast_in_dim3A_745, %unpack3A_757 : vector<16xf32>
        %add3A_760 = arith.addf %broadcast_in_dim3A_747, %unpack3A_758 : vector<16xf32>
        %get3A_761 = arith.index_cast %add3A_743 : i32 to index
        %get3A_762 = arith.constant 16 : index
        %get3A_763 = tpu.vector_load %arg8[%get3A_761, %get3A_762] {strides = array<i32>} : memref<80x64xi32, #tpu.memory_space<vmem>>, vector<16xi32>,
        %bitcast3A_764 = vector.bitcast %get3A_763 : vector<16xi32> to vector<32xbf16>
        %get3A_765 = arith.index_cast %add3A_743 : i32 to index
        %get3A_766 = arith.constant 16 : index
        %get3A_767 = tpu.vector_load %arg9[%get3A_765, %get3A_766] {strides = array<i32>} : memref<80x64xi32, #tpu.memory_space<vmem>>, vector<16xi32>,
        %bitcast3A_768 = vector.bitcast %get3A_767 : vector<16xi32> to vector<32xbf16>
        %mul3A_769 = arith.mulf %bitcast3A_764, %bitcast3A_768 : vector<32xbf16>
        %unpack3A_770 = tpu.unpack_subelements %mul3A_769, 0 {pack_format = #tpu.pack_format<interleaved>} : vector<32xbf16> -> vector<16xf32>
        %unpack3A_771 = tpu.unpack_subelements %mul3A_769, 1 {pack_format = #tpu.pack_format<interleaved>} : vector<32xbf16> -> vector<16xf32>
        %add3A_772 = arith.addf %add3A_759, %unpack3A_770 : vector<16xf32>
        %add3A_773 = arith.addf %add3A_760, %unpack3A_771 : vector<16xf32>
        %get3A_774 = arith.index_cast %add3A_743 : i32 to index
        %get3A_775 = arith.constant 32 : index
        %get3A_776 = tpu.vector_load %arg8[%get3A_774, %get3A_775] {strides = array<i32>} : memref<80x64xi32, #tpu.memory_space<vmem>>, vector<16xi32>,
        %bitcast3A_777 = vector.bitcast %get3A_776 : vector<16xi32> to vector<32xbf16>
        %get3A_778 = arith.index_cast %add3A_743 : i32 to index
        %get3A_779 = arith.constant 32 : index
        %get3A_780 = tpu.vector_load %arg9[%get3A_778, %get3A_779] {strides = array<i32>} : memref<80x64xi32, #tpu.memory_space<vmem>>, vector<16xi32>,
        %bitcast3A_781 = vector.bitcast %get3A_780 : vector<16xi32> to vector<32xbf16>
        %mul3A_782 = arith.mulf %bitcast3A_777, %bitcast3A_781 : vector<32xbf16>
        %unpack3A_783 = tpu.unpack_subelements %mul3A_782, 0 {pack_format = #tpu.pack_format<interleaved>} : vector<32xbf16> -> vector<16xf32>
        %unpack3A_784 = tpu.unpack_subelements %mul3A_782, 1 {pack_format = #tpu.pack_format<interleaved>} : vector<32xbf16> -> vector<16xf32>
        %add3A_785 = arith.addf %add3A_772, %unpack3A_783 : vector<16xf32>
        %add3A_786 = arith.addf %add3A_773, %unpack3A_784 : vector<16xf32>
        %get3A_787 = arith.index_cast %add3A_743 : i32 to index
        %get3A_788 = arith.constant 48 : index
        %get3A_789 = tpu.vector_load %arg8[%get3A_787, %get3A_788] {strides = array<i32>} : memref<80x64xi32, #tpu.memory_space<vmem>>, vector<16xi32>,
        %bitcast3A_790 = vector.bitcast %get3A_789 : vector<16xi32> to vector<32xbf16>
        %get3A_791 = arith.index_cast %add3A_743 : i32 to index
        %get3A_792 = arith.constant 48 : index
        %get3A_793 = tpu.vector_load %arg9[%get3A_791, %get3A_792] {strides = array<i32>} : memref<80x64xi32, #tpu.memory_space<vmem>>, vector<16xi32>,
        %bitcast3A_794 = vector.bitcast %get3A_793 : vector<16xi32> to vector<32xbf16>
        %mul3A_795 = arith.mulf %bitcast3A_790, %bitcast3A_794 : vector<32xbf16>
        %unpack3A_796 = tpu.unpack_subelements %mul3A_795, 0 {pack_format = #tpu.pack_format<interleaved>} : vector<32xbf16> -> vector<16xf32>
        %unpack3A_797 = tpu.unpack_subelements %mul3A_795, 1 {pack_format = #tpu.pack_format<interleaved>} : vector<32xbf16> -> vector<16xf32>
        %add3A_798 = arith.addf %add3A_785, %unpack3A_796 : vector<16xf32>
        %add3A_799 = arith.addf %add3A_786, %unpack3A_797 : vector<16xf32>
        %mul3A_800 = arith.constant 17 : i32
        %mul3A_801 = vector.broadcast %mul3A_800 : i32 to vector<16xi32>
        %mul3A_802 = arith.muli %iota3A, %mul3A_801 : vector<16xi32>
        %add3A_803 = arith.constant 10 : i32
        %add3A_804 = vector.broadcast %add3A_803 : i32 to vector<16xi32>
        %add3A_805 = arith.addi %mul3A_802, %add3A_804 : vector<16xi32>
        %add3A_806 = arith.addf %add3A_798, %add3A_799 : vector<16xf32>
        tpu.vector_store_idx %arg13[%add3A_805], %add3A_806 : memref<272xf32, #tpu.memory_space<vmem>>[vector<16xi32>], vector<16xf32>,
        %add3A_807 = arith.constant 11 : i32
        %add3A_808 = arith.addi %mul3A_95, %add3A_807 : i32
        %broadcast_in_dim3A_809 = arith.constant 0.000000e+00 : f32
        %broadcast_in_dim3A_810 = vector.broadcast %broadcast_in_dim3A_809 : f32 to vector<16xf32>
        %broadcast_in_dim3A_811 = arith.constant 0.000000e+00 : f32
        %broadcast_in_dim3A_812 = vector.broadcast %broadcast_in_dim3A_811 : f32 to vector<16xf32>
        %get3A_813 = arith.index_cast %add3A_808 : i32 to index
        %get3A_814 = arith.constant 0 : index
        %get3A_815 = tpu.vector_load %arg8[%get3A_813, %get3A_814] {strides = array<i32>} : memref<80x64xi32, #tpu.memory_space<vmem>>, vector<16xi32>,
        %bitcast3A_816 = vector.bitcast %get3A_815 : vector<16xi32> to vector<32xbf16>
        %get3A_817 = arith.index_cast %add3A_808 : i32 to index
        %get3A_818 = arith.constant 0 : index
        %get3A_819 = tpu.vector_load %arg9[%get3A_817, %get3A_818] {strides = array<i32>} : memref<80x64xi32, #tpu.memory_space<vmem>>, vector<16xi32>,
        %bitcast3A_820 = vector.bitcast %get3A_819 : vector<16xi32> to vector<32xbf16>
        %mul3A_821 = arith.mulf %bitcast3A_816, %bitcast3A_820 : vector<32xbf16>
        %unpack3A_822 = tpu.unpack_subelements %mul3A_821, 0 {pack_format = #tpu.pack_format<interleaved>} : vector<32xbf16> -> vector<16xf32>
        %unpack3A_823 = tpu.unpack_subelements %mul3A_821, 1 {pack_format = #tpu.pack_format<interleaved>} : vector<32xbf16> -> vector<16xf32>
        %add3A_824 = arith.addf %broadcast_in_dim3A_810, %unpack3A_822 : vector<16xf32>
        %add3A_825 = arith.addf %broadcast_in_dim3A_812, %unpack3A_823 : vector<16xf32>
        %get3A_826 = arith.index_cast %add3A_808 : i32 to index
        %get3A_827 = arith.constant 16 : index
        %get3A_828 = tpu.vector_load %arg8[%get3A_826, %get3A_827] {strides = array<i32>} : memref<80x64xi32, #tpu.memory_space<vmem>>, vector<16xi32>,
        %bitcast3A_829 = vector.bitcast %get3A_828 : vector<16xi32> to vector<32xbf16>
        %get3A_830 = arith.index_cast %add3A_808 : i32 to index
        %get3A_831 = arith.constant 16 : index
        %get3A_832 = tpu.vector_load %arg9[%get3A_830, %get3A_831] {strides = array<i32>} : memref<80x64xi32, #tpu.memory_space<vmem>>, vector<16xi32>,
        %bitcast3A_833 = vector.bitcast %get3A_832 : vector<16xi32> to vector<32xbf16>
        %mul3A_834 = arith.mulf %bitcast3A_829, %bitcast3A_833 : vector<32xbf16>
        %unpack3A_835 = tpu.unpack_subelements %mul3A_834, 0 {pack_format = #tpu.pack_format<interleaved>} : vector<32xbf16> -> vector<16xf32>
        %unpack3A_836 = tpu.unpack_subelements %mul3A_834, 1 {pack_format = #tpu.pack_format<interleaved>} : vector<32xbf16> -> vector<16xf32>
        %add3A_837 = arith.addf %add3A_824, %unpack3A_835 : vector<16xf32>
        %add3A_838 = arith.addf %add3A_825, %unpack3A_836 : vector<16xf32>
        %get3A_839 = arith.index_cast %add3A_808 : i32 to index
        %get3A_840 = arith.constant 32 : index
        %get3A_841 = tpu.vector_load %arg8[%get3A_839, %get3A_840] {strides = array<i32>} : memref<80x64xi32, #tpu.memory_space<vmem>>, vector<16xi32>,
        %bitcast3A_842 = vector.bitcast %get3A_841 : vector<16xi32> to vector<32xbf16>
        %get3A_843 = arith.index_cast %add3A_808 : i32 to index
        %get3A_844 = arith.constant 32 : index
        %get3A_845 = tpu.vector_load %arg9[%get3A_843, %get3A_844] {strides = array<i32>} : memref<80x64xi32, #tpu.memory_space<vmem>>, vector<16xi32>,
        %bitcast3A_846 = vector.bitcast %get3A_845 : vector<16xi32> to vector<32xbf16>
        %mul3A_847 = arith.mulf %bitcast3A_842, %bitcast3A_846 : vector<32xbf16>
        %unpack3A_848 = tpu.unpack_subelements %mul3A_847, 0 {pack_format = #tpu.pack_format<interleaved>} : vector<32xbf16> -> vector<16xf32>
        %unpack3A_849 = tpu.unpack_subelements %mul3A_847, 1 {pack_format = #tpu.pack_format<interleaved>} : vector<32xbf16> -> vector<16xf32>
        %add3A_850 = arith.addf %add3A_837, %unpack3A_848 : vector<16xf32>
        %add3A_851 = arith.addf %add3A_838, %unpack3A_849 : vector<16xf32>
        %get3A_852 = arith.index_cast %add3A_808 : i32 to index
        %get3A_853 = arith.constant 48 : index
        %get3A_854 = tpu.vector_load %arg8[%get3A_852, %get3A_853] {strides = array<i32>} : memref<80x64xi32, #tpu.memory_space<vmem>>, vector<16xi32>,
        %bitcast3A_855 = vector.bitcast %get3A_854 : vector<16xi32> to vector<32xbf16>
        %get3A_856 = arith.index_cast %add3A_808 : i32 to index
        %get3A_857 = arith.constant 48 : index
        %get3A_858 = tpu.vector_load %arg9[%get3A_856, %get3A_857] {strides = array<i32>} : memref<80x64xi32, #tpu.memory_space<vmem>>, vector<16xi32>,
        %bitcast3A_859 = vector.bitcast %get3A_858 : vector<16xi32> to vector<32xbf16>
        %mul3A_860 = arith.mulf %bitcast3A_855, %bitcast3A_859 : vector<32xbf16>
        %unpack3A_861 = tpu.unpack_subelements %mul3A_860, 0 {pack_format = #tpu.pack_format<interleaved>} : vector<32xbf16> -> vector<16xf32>
        %unpack3A_862 = tpu.unpack_subelements %mul3A_860, 1 {pack_format = #tpu.pack_format<interleaved>} : vector<32xbf16> -> vector<16xf32>
        %add3A_863 = arith.addf %add3A_850, %unpack3A_861 : vector<16xf32>
        %add3A_864 = arith.addf %add3A_851, %unpack3A_862 : vector<16xf32>
        %mul3A_865 = arith.constant 17 : i32
        %mul3A_866 = vector.broadcast %mul3A_865 : i32 to vector<16xi32>
        %mul3A_867 = arith.muli %iota3A, %mul3A_866 : vector<16xi32>
        %add3A_868 = arith.constant 11 : i32
        %add3A_869 = vector.broadcast %add3A_868 : i32 to vector<16xi32>
        %add3A_870 = arith.addi %mul3A_867, %add3A_869 : vector<16xi32>
        %add3A_871 = arith.addf %add3A_863, %add3A_864 : vector<16xf32>
        tpu.vector_store_idx %arg13[%add3A_870], %add3A_871 : memref<272xf32, #tpu.memory_space<vmem>>[vector<16xi32>], vector<16xf32>,
        %add3A_872 = arith.constant 12 : i32
        %add3A_873 = arith.addi %mul3A_95, %add3A_872 : i32
        %broadcast_in_dim3A_874 = arith.constant 0.000000e+00 : f32
        %broadcast_in_dim3A_875 = vector.broadcast %broadcast_in_dim3A_874 : f32 to vector<16xf32>
        %broadcast_in_dim3A_876 = arith.constant 0.000000e+00 : f32
        %broadcast_in_dim3A_877 = vector.broadcast %broadcast_in_dim3A_876 : f32 to vector<16xf32>
        %get3A_878 = arith.index_cast %add3A_873 : i32 to index
        %get3A_879 = arith.constant 0 : index
        %get3A_880 = tpu.vector_load %arg8[%get3A_878, %get3A_879] {strides = array<i32>} : memref<80x64xi32, #tpu.memory_space<vmem>>, vector<16xi32>,
        %bitcast3A_881 = vector.bitcast %get3A_880 : vector<16xi32> to vector<32xbf16>
        %get3A_882 = arith.index_cast %add3A_873 : i32 to index
        %get3A_883 = arith.constant 0 : index
        %get3A_884 = tpu.vector_load %arg9[%get3A_882, %get3A_883] {strides = array<i32>} : memref<80x64xi32, #tpu.memory_space<vmem>>, vector<16xi32>,
        %bitcast3A_885 = vector.bitcast %get3A_884 : vector<16xi32> to vector<32xbf16>
        %mul3A_886 = arith.mulf %bitcast3A_881, %bitcast3A_885 : vector<32xbf16>
        %unpack3A_887 = tpu.unpack_subelements %mul3A_886, 0 {pack_format = #tpu.pack_format<interleaved>} : vector<32xbf16> -> vector<16xf32>
        %unpack3A_888 = tpu.unpack_subelements %mul3A_886, 1 {pack_format = #tpu.pack_format<interleaved>} : vector<32xbf16> -> vector<16xf32>
        %add3A_889 = arith.addf %broadcast_in_dim3A_875, %unpack3A_887 : vector<16xf32>
        %add3A_890 = arith.addf %broadcast_in_dim3A_877, %unpack3A_888 : vector<16xf32>
        %get3A_891 = arith.index_cast %add3A_873 : i32 to index
        %get3A_892 = arith.constant 16 : index
        %get3A_893 = tpu.vector_load %arg8[%get3A_891, %get3A_892] {strides = array<i32>} : memref<80x64xi32, #tpu.memory_space<vmem>>, vector<16xi32>,
        %bitcast3A_894 = vector.bitcast %get3A_893 : vector<16xi32> to vector<32xbf16>
        %get3A_895 = arith.index_cast %add3A_873 : i32 to index
        %get3A_896 = arith.constant 16 : index
        %get3A_897 = tpu.vector_load %arg9[%get3A_895, %get3A_896] {strides = array<i32>} : memref<80x64xi32, #tpu.memory_space<vmem>>, vector<16xi32>,
        %bitcast3A_898 = vector.bitcast %get3A_897 : vector<16xi32> to vector<32xbf16>
        %mul3A_899 = arith.mulf %bitcast3A_894, %bitcast3A_898 : vector<32xbf16>
        %unpack3A_900 = tpu.unpack_subelements %mul3A_899, 0 {pack_format = #tpu.pack_format<interleaved>} : vector<32xbf16> -> vector<16xf32>
        %unpack3A_901 = tpu.unpack_subelements %mul3A_899, 1 {pack_format = #tpu.pack_format<interleaved>} : vector<32xbf16> -> vector<16xf32>
        %add3A_902 = arith.addf %add3A_889, %unpack3A_900 : vector<16xf32>
        %add3A_903 = arith.addf %add3A_890, %unpack3A_901 : vector<16xf32>
        %get3A_904 = arith.index_cast %add3A_873 : i32 to index
        %get3A_905 = arith.constant 32 : index
        %get3A_906 = tpu.vector_load %arg8[%get3A_904, %get3A_905] {strides = array<i32>} : memref<80x64xi32, #tpu.memory_space<vmem>>, vector<16xi32>,
        %bitcast3A_907 = vector.bitcast %get3A_906 : vector<16xi32> to vector<32xbf16>
        %get3A_908 = arith.index_cast %add3A_873 : i32 to index
        %get3A_909 = arith.constant 32 : index
        %get3A_910 = tpu.vector_load %arg9[%get3A_908, %get3A_909] {strides = array<i32>} : memref<80x64xi32, #tpu.memory_space<vmem>>, vector<16xi32>,
        %bitcast3A_911 = vector.bitcast %get3A_910 : vector<16xi32> to vector<32xbf16>
        %mul3A_912 = arith.mulf %bitcast3A_907, %bitcast3A_911 : vector<32xbf16>
        %unpack3A_913 = tpu.unpack_subelements %mul3A_912, 0 {pack_format = #tpu.pack_format<interleaved>} : vector<32xbf16> -> vector<16xf32>
        %unpack3A_914 = tpu.unpack_subelements %mul3A_912, 1 {pack_format = #tpu.pack_format<interleaved>} : vector<32xbf16> -> vector<16xf32>
        %add3A_915 = arith.addf %add3A_902, %unpack3A_913 : vector<16xf32>
        %add3A_916 = arith.addf %add3A_903, %unpack3A_914 : vector<16xf32>
        %get3A_917 = arith.index_cast %add3A_873 : i32 to index
        %get3A_918 = arith.constant 48 : index
        %get3A_919 = tpu.vector_load %arg8[%get3A_917, %get3A_918] {strides = array<i32>} : memref<80x64xi32, #tpu.memory_space<vmem>>, vector<16xi32>,
        %bitcast3A_920 = vector.bitcast %get3A_919 : vector<16xi32> to vector<32xbf16>
        %get3A_921 = arith.index_cast %add3A_873 : i32 to index
        %get3A_922 = arith.constant 48 : index
        %get3A_923 = tpu.vector_load %arg9[%get3A_921, %get3A_922] {strides = array<i32>} : memref<80x64xi32, #tpu.memory_space<vmem>>, vector<16xi32>,
        %bitcast3A_924 = vector.bitcast %get3A_923 : vector<16xi32> to vector<32xbf16>
        %mul3A_925 = arith.mulf %bitcast3A_920, %bitcast3A_924 : vector<32xbf16>
        %unpack3A_926 = tpu.unpack_subelements %mul3A_925, 0 {pack_format = #tpu.pack_format<interleaved>} : vector<32xbf16> -> vector<16xf32>
        %unpack3A_927 = tpu.unpack_subelements %mul3A_925, 1 {pack_format = #tpu.pack_format<interleaved>} : vector<32xbf16> -> vector<16xf32>
        %add3A_928 = arith.addf %add3A_915, %unpack3A_926 : vector<16xf32>
        %add3A_929 = arith.addf %add3A_916, %unpack3A_927 : vector<16xf32>
        %mul3A_930 = arith.constant 17 : i32
        %mul3A_931 = vector.broadcast %mul3A_930 : i32 to vector<16xi32>
        %mul3A_932 = arith.muli %iota3A, %mul3A_931 : vector<16xi32>
        %add3A_933 = arith.constant 12 : i32
        %add3A_934 = vector.broadcast %add3A_933 : i32 to vector<16xi32>
        %add3A_935 = arith.addi %mul3A_932, %add3A_934 : vector<16xi32>
        %add3A_936 = arith.addf %add3A_928, %add3A_929 : vector<16xf32>
        tpu.vector_store_idx %arg13[%add3A_935], %add3A_936 : memref<272xf32, #tpu.memory_space<vmem>>[vector<16xi32>], vector<16xf32>,
        %add3A_937 = arith.constant 13 : i32
        %add3A_938 = arith.addi %mul3A_95, %add3A_937 : i32
        %broadcast_in_dim3A_939 = arith.constant 0.000000e+00 : f32
        %broadcast_in_dim3A_940 = vector.broadcast %broadcast_in_dim3A_939 : f32 to vector<16xf32>
        %broadcast_in_dim3A_941 = arith.constant 0.000000e+00 : f32
        %broadcast_in_dim3A_942 = vector.broadcast %broadcast_in_dim3A_941 : f32 to vector<16xf32>
        %get3A_943 = arith.index_cast %add3A_938 : i32 to index
        %get3A_944 = arith.constant 0 : index
        %get3A_945 = tpu.vector_load %arg8[%get3A_943, %get3A_944] {strides = array<i32>} : memref<80x64xi32, #tpu.memory_space<vmem>>, vector<16xi32>,
        %bitcast3A_946 = vector.bitcast %get3A_945 : vector<16xi32> to vector<32xbf16>
        %get3A_947 = arith.index_cast %add3A_938 : i32 to index
        %get3A_948 = arith.constant 0 : index
        %get3A_949 = tpu.vector_load %arg9[%get3A_947, %get3A_948] {strides = array<i32>} : memref<80x64xi32, #tpu.memory_space<vmem>>, vector<16xi32>,
        %bitcast3A_950 = vector.bitcast %get3A_949 : vector<16xi32> to vector<32xbf16>
        %mul3A_951 = arith.mulf %bitcast3A_946, %bitcast3A_950 : vector<32xbf16>
        %unpack3A_952 = tpu.unpack_subelements %mul3A_951, 0 {pack_format = #tpu.pack_format<interleaved>} : vector<32xbf16> -> vector<16xf32>
        %unpack3A_953 = tpu.unpack_subelements %mul3A_951, 1 {pack_format = #tpu.pack_format<interleaved>} : vector<32xbf16> -> vector<16xf32>
        %add3A_954 = arith.addf %broadcast_in_dim3A_940, %unpack3A_952 : vector<16xf32>
        %add3A_955 = arith.addf %broadcast_in_dim3A_942, %unpack3A_953 : vector<16xf32>
        %get3A_956 = arith.index_cast %add3A_938 : i32 to index
        %get3A_957 = arith.constant 16 : index
        %get3A_958 = tpu.vector_load %arg8[%get3A_956, %get3A_957] {strides = array<i32>} : memref<80x64xi32, #tpu.memory_space<vmem>>, vector<16xi32>,
        %bitcast3A_959 = vector.bitcast %get3A_958 : vector<16xi32> to vector<32xbf16>
        %get3A_960 = arith.index_cast %add3A_938 : i32 to index
        %get3A_961 = arith.constant 16 : index
        %get3A_962 = tpu.vector_load %arg9[%get3A_960, %get3A_961] {strides = array<i32>} : memref<80x64xi32, #tpu.memory_space<vmem>>, vector<16xi32>,
        %bitcast3A_963 = vector.bitcast %get3A_962 : vector<16xi32> to vector<32xbf16>
        %mul3A_964 = arith.mulf %bitcast3A_959, %bitcast3A_963 : vector<32xbf16>
        %unpack3A_965 = tpu.unpack_subelements %mul3A_964, 0 {pack_format = #tpu.pack_format<interleaved>} : vector<32xbf16> -> vector<16xf32>
        %unpack3A_966 = tpu.unpack_subelements %mul3A_964, 1 {pack_format = #tpu.pack_format<interleaved>} : vector<32xbf16> -> vector<16xf32>
        %add3A_967 = arith.addf %add3A_954, %unpack3A_965 : vector<16xf32>
        %add3A_968 = arith.addf %add3A_955, %unpack3A_966 : vector<16xf32>
        %get3A_969 = arith.index_cast %add3A_938 : i32 to index
        %get3A_970 = arith.constant 32 : index
        %get3A_971 = tpu.vector_load %arg8[%get3A_969, %get3A_970] {strides = array<i32>} : memref<80x64xi32, #tpu.memory_space<vmem>>, vector<16xi32>,
        %bitcast3A_972 = vector.bitcast %get3A_971 : vector<16xi32> to vector<32xbf16>
        %get3A_973 = arith.index_cast %add3A_938 : i32 to index
        %get3A_974 = arith.constant 32 : index
        %get3A_975 = tpu.vector_load %arg9[%get3A_973, %get3A_974] {strides = array<i32>} : memref<80x64xi32, #tpu.memory_space<vmem>>, vector<16xi32>,
        %bitcast3A_976 = vector.bitcast %get3A_975 : vector<16xi32> to vector<32xbf16>
        %mul3A_977 = arith.mulf %bitcast3A_972, %bitcast3A_976 : vector<32xbf16>
        %unpack3A_978 = tpu.unpack_subelements %mul3A_977, 0 {pack_format = #tpu.pack_format<interleaved>} : vector<32xbf16> -> vector<16xf32>
        %unpack3A_979 = tpu.unpack_subelements %mul3A_977, 1 {pack_format = #tpu.pack_format<interleaved>} : vector<32xbf16> -> vector<16xf32>
        %add3A_980 = arith.addf %add3A_967, %unpack3A_978 : vector<16xf32>
        %add3A_981 = arith.addf %add3A_968, %unpack3A_979 : vector<16xf32>
        %get3A_982 = arith.index_cast %add3A_938 : i32 to index
        %get3A_983 = arith.constant 48 : index
        %get3A_984 = tpu.vector_load %arg8[%get3A_982, %get3A_983] {strides = array<i32>} : memref<80x64xi32, #tpu.memory_space<vmem>>, vector<16xi32>,
        %bitcast3A_985 = vector.bitcast %get3A_984 : vector<16xi32> to vector<32xbf16>
        %get3A_986 = arith.index_cast %add3A_938 : i32 to index
        %get3A_987 = arith.constant 48 : index
        %get3A_988 = tpu.vector_load %arg9[%get3A_986, %get3A_987] {strides = array<i32>} : memref<80x64xi32, #tpu.memory_space<vmem>>, vector<16xi32>,
        %bitcast3A_989 = vector.bitcast %get3A_988 : vector<16xi32> to vector<32xbf16>
        %mul3A_990 = arith.mulf %bitcast3A_985, %bitcast3A_989 : vector<32xbf16>
        %unpack3A_991 = tpu.unpack_subelements %mul3A_990, 0 {pack_format = #tpu.pack_format<interleaved>} : vector<32xbf16> -> vector<16xf32>
        %unpack3A_992 = tpu.unpack_subelements %mul3A_990, 1 {pack_format = #tpu.pack_format<interleaved>} : vector<32xbf16> -> vector<16xf32>
        %add3A_993 = arith.addf %add3A_980, %unpack3A_991 : vector<16xf32>
        %add3A_994 = arith.addf %add3A_981, %unpack3A_992 : vector<16xf32>
        %mul3A_995 = arith.constant 17 : i32
        %mul3A_996 = vector.broadcast %mul3A_995 : i32 to vector<16xi32>
        %mul3A_997 = arith.muli %iota3A, %mul3A_996 : vector<16xi32>
        %add3A_998 = arith.constant 13 : i32
        %add3A_999 = vector.broadcast %add3A_998 : i32 to vector<16xi32>
        %add3A_1000 = arith.addi %mul3A_997, %add3A_999 : vector<16xi32>
        %add3A_1001 = arith.addf %add3A_993, %add3A_994 : vector<16xf32>
        tpu.vector_store_idx %arg13[%add3A_1000], %add3A_1001 : memref<272xf32, #tpu.memory_space<vmem>>[vector<16xi32>], vector<16xf32>,
        %add3A_1002 = arith.constant 14 : i32
        %add3A_1003 = arith.addi %mul3A_95, %add3A_1002 : i32
        %broadcast_in_dim3A_1004 = arith.constant 0.000000e+00 : f32
        %broadcast_in_dim3A_1005 = vector.broadcast %broadcast_in_dim3A_1004 : f32 to vector<16xf32>
        %broadcast_in_dim3A_1006 = arith.constant 0.000000e+00 : f32
        %broadcast_in_dim3A_1007 = vector.broadcast %broadcast_in_dim3A_1006 : f32 to vector<16xf32>
        %get3A_1008 = arith.index_cast %add3A_1003 : i32 to index
        %get3A_1009 = arith.constant 0 : index
        %get3A_1010 = tpu.vector_load %arg8[%get3A_1008, %get3A_1009] {strides = array<i32>} : memref<80x64xi32, #tpu.memory_space<vmem>>, vector<16xi32>,
        %bitcast3A_1011 = vector.bitcast %get3A_1010 : vector<16xi32> to vector<32xbf16>
        %get3A_1012 = arith.index_cast %add3A_1003 : i32 to index
        %get3A_1013 = arith.constant 0 : index
        %get3A_1014 = tpu.vector_load %arg9[%get3A_1012, %get3A_1013] {strides = array<i32>} : memref<80x64xi32, #tpu.memory_space<vmem>>, vector<16xi32>,
        %bitcast3A_1015 = vector.bitcast %get3A_1014 : vector<16xi32> to vector<32xbf16>
        %mul3A_1016 = arith.mulf %bitcast3A_1011, %bitcast3A_1015 : vector<32xbf16>
        %unpack3A_1017 = tpu.unpack_subelements %mul3A_1016, 0 {pack_format = #tpu.pack_format<interleaved>} : vector<32xbf16> -> vector<16xf32>
        %unpack3A_1018 = tpu.unpack_subelements %mul3A_1016, 1 {pack_format = #tpu.pack_format<interleaved>} : vector<32xbf16> -> vector<16xf32>
        %add3A_1019 = arith.addf %broadcast_in_dim3A_1005, %unpack3A_1017 : vector<16xf32>
        %add3A_1020 = arith.addf %broadcast_in_dim3A_1007, %unpack3A_1018 : vector<16xf32>
        %get3A_1021 = arith.index_cast %add3A_1003 : i32 to index
        %get3A_1022 = arith.constant 16 : index
        %get3A_1023 = tpu.vector_load %arg8[%get3A_1021, %get3A_1022] {strides = array<i32>} : memref<80x64xi32, #tpu.memory_space<vmem>>, vector<16xi32>,
        %bitcast3A_1024 = vector.bitcast %get3A_1023 : vector<16xi32> to vector<32xbf16>
        %get3A_1025 = arith.index_cast %add3A_1003 : i32 to index
        %get3A_1026 = arith.constant 16 : index
        %get3A_1027 = tpu.vector_load %arg9[%get3A_1025, %get3A_1026] {strides = array<i32>} : memref<80x64xi32, #tpu.memory_space<vmem>>, vector<16xi32>,
        %bitcast3A_1028 = vector.bitcast %get3A_1027 : vector<16xi32> to vector<32xbf16>
        %mul3A_1029 = arith.mulf %bitcast3A_1024, %bitcast3A_1028 : vector<32xbf16>
        %unpack3A_1030 = tpu.unpack_subelements %mul3A_1029, 0 {pack_format = #tpu.pack_format<interleaved>} : vector<32xbf16> -> vector<16xf32>
        %unpack3A_1031 = tpu.unpack_subelements %mul3A_1029, 1 {pack_format = #tpu.pack_format<interleaved>} : vector<32xbf16> -> vector<16xf32>
        %add3A_1032 = arith.addf %add3A_1019, %unpack3A_1030 : vector<16xf32>
        %add3A_1033 = arith.addf %add3A_1020, %unpack3A_1031 : vector<16xf32>
        %get3A_1034 = arith.index_cast %add3A_1003 : i32 to index
        %get3A_1035 = arith.constant 32 : index
        %get3A_1036 = tpu.vector_load %arg8[%get3A_1034, %get3A_1035] {strides = array<i32>} : memref<80x64xi32, #tpu.memory_space<vmem>>, vector<16xi32>,
        %bitcast3A_1037 = vector.bitcast %get3A_1036 : vector<16xi32> to vector<32xbf16>
        %get3A_1038 = arith.index_cast %add3A_1003 : i32 to index
        %get3A_1039 = arith.constant 32 : index
        %get3A_1040 = tpu.vector_load %arg9[%get3A_1038, %get3A_1039] {strides = array<i32>} : memref<80x64xi32, #tpu.memory_space<vmem>>, vector<16xi32>,
        %bitcast3A_1041 = vector.bitcast %get3A_1040 : vector<16xi32> to vector<32xbf16>
        %mul3A_1042 = arith.mulf %bitcast3A_1037, %bitcast3A_1041 : vector<32xbf16>
        %unpack3A_1043 = tpu.unpack_subelements %mul3A_1042, 0 {pack_format = #tpu.pack_format<interleaved>} : vector<32xbf16> -> vector<16xf32>
        %unpack3A_1044 = tpu.unpack_subelements %mul3A_1042, 1 {pack_format = #tpu.pack_format<interleaved>} : vector<32xbf16> -> vector<16xf32>
        %add3A_1045 = arith.addf %add3A_1032, %unpack3A_1043 : vector<16xf32>
        %add3A_1046 = arith.addf %add3A_1033, %unpack3A_1044 : vector<16xf32>
        %get3A_1047 = arith.index_cast %add3A_1003 : i32 to index
        %get3A_1048 = arith.constant 48 : index
        %get3A_1049 = tpu.vector_load %arg8[%get3A_1047, %get3A_1048] {strides = array<i32>} : memref<80x64xi32, #tpu.memory_space<vmem>>, vector<16xi32>,
        %bitcast3A_1050 = vector.bitcast %get3A_1049 : vector<16xi32> to vector<32xbf16>
        %get3A_1051 = arith.index_cast %add3A_1003 : i32 to index
        %get3A_1052 = arith.constant 48 : index
        %get3A_1053 = tpu.vector_load %arg9[%get3A_1051, %get3A_1052] {strides = array<i32>} : memref<80x64xi32, #tpu.memory_space<vmem>>, vector<16xi32>,
        %bitcast3A_1054 = vector.bitcast %get3A_1053 : vector<16xi32> to vector<32xbf16>
        %mul3A_1055 = arith.mulf %bitcast3A_1050, %bitcast3A_1054 : vector<32xbf16>
        %unpack3A_1056 = tpu.unpack_subelements %mul3A_1055, 0 {pack_format = #tpu.pack_format<interleaved>} : vector<32xbf16> -> vector<16xf32>
        %unpack3A_1057 = tpu.unpack_subelements %mul3A_1055, 1 {pack_format = #tpu.pack_format<interleaved>} : vector<32xbf16> -> vector<16xf32>
        %add3A_1058 = arith.addf %add3A_1045, %unpack3A_1056 : vector<16xf32>
        %add3A_1059 = arith.addf %add3A_1046, %unpack3A_1057 : vector<16xf32>
        %mul3A_1060 = arith.constant 17 : i32
        %mul3A_1061 = vector.broadcast %mul3A_1060 : i32 to vector<16xi32>
        %mul3A_1062 = arith.muli %iota3A, %mul3A_1061 : vector<16xi32>
        %add3A_1063 = arith.constant 14 : i32
        %add3A_1064 = vector.broadcast %add3A_1063 : i32 to vector<16xi32>
        %add3A_1065 = arith.addi %mul3A_1062, %add3A_1064 : vector<16xi32>
        %add3A_1066 = arith.addf %add3A_1058, %add3A_1059 : vector<16xf32>
        tpu.vector_store_idx %arg13[%add3A_1065], %add3A_1066 : memref<272xf32, #tpu.memory_space<vmem>>[vector<16xi32>], vector<16xf32>,
        %add3A_1067 = arith.constant 15 : i32
        %add3A_1068 = arith.addi %mul3A_95, %add3A_1067 : i32
        %broadcast_in_dim3A_1069 = arith.constant 0.000000e+00 : f32
        %broadcast_in_dim3A_1070 = vector.broadcast %broadcast_in_dim3A_1069 : f32 to vector<16xf32>
        %broadcast_in_dim3A_1071 = arith.constant 0.000000e+00 : f32
        %broadcast_in_dim3A_1072 = vector.broadcast %broadcast_in_dim3A_1071 : f32 to vector<16xf32>
        %get3A_1073 = arith.index_cast %add3A_1068 : i32 to index
        %get3A_1074 = arith.constant 0 : index
        %get3A_1075 = tpu.vector_load %arg8[%get3A_1073, %get3A_1074] {strides = array<i32>} : memref<80x64xi32, #tpu.memory_space<vmem>>, vector<16xi32>,
        %bitcast3A_1076 = vector.bitcast %get3A_1075 : vector<16xi32> to vector<32xbf16>
        %get3A_1077 = arith.index_cast %add3A_1068 : i32 to index
        %get3A_1078 = arith.constant 0 : index
        %get3A_1079 = tpu.vector_load %arg9[%get3A_1077, %get3A_1078] {strides = array<i32>} : memref<80x64xi32, #tpu.memory_space<vmem>>, vector<16xi32>,
        %bitcast3A_1080 = vector.bitcast %get3A_1079 : vector<16xi32> to vector<32xbf16>
        %mul3A_1081 = arith.mulf %bitcast3A_1076, %bitcast3A_1080 : vector<32xbf16>
        %unpack3A_1082 = tpu.unpack_subelements %mul3A_1081, 0 {pack_format = #tpu.pack_format<interleaved>} : vector<32xbf16> -> vector<16xf32>
        %unpack3A_1083 = tpu.unpack_subelements %mul3A_1081, 1 {pack_format = #tpu.pack_format<interleaved>} : vector<32xbf16> -> vector<16xf32>
        %add3A_1084 = arith.addf %broadcast_in_dim3A_1070, %unpack3A_1082 : vector<16xf32>
        %add3A_1085 = arith.addf %broadcast_in_dim3A_1072, %unpack3A_1083 : vector<16xf32>
        %get3A_1086 = arith.index_cast %add3A_1068 : i32 to index
        %get3A_1087 = arith.constant 16 : index
        %get3A_1088 = tpu.vector_load %arg8[%get3A_1086, %get3A_1087] {strides = array<i32>} : memref<80x64xi32, #tpu.memory_space<vmem>>, vector<16xi32>,
        %bitcast3A_1089 = vector.bitcast %get3A_1088 : vector<16xi32> to vector<32xbf16>
        %get3A_1090 = arith.index_cast %add3A_1068 : i32 to index
        %get3A_1091 = arith.constant 16 : index
        %get3A_1092 = tpu.vector_load %arg9[%get3A_1090, %get3A_1091] {strides = array<i32>} : memref<80x64xi32, #tpu.memory_space<vmem>>, vector<16xi32>,
        %bitcast3A_1093 = vector.bitcast %get3A_1092 : vector<16xi32> to vector<32xbf16>
        %mul3A_1094 = arith.mulf %bitcast3A_1089, %bitcast3A_1093 : vector<32xbf16>
        %unpack3A_1095 = tpu.unpack_subelements %mul3A_1094, 0 {pack_format = #tpu.pack_format<interleaved>} : vector<32xbf16> -> vector<16xf32>
        %unpack3A_1096 = tpu.unpack_subelements %mul3A_1094, 1 {pack_format = #tpu.pack_format<interleaved>} : vector<32xbf16> -> vector<16xf32>
        %add3A_1097 = arith.addf %add3A_1084, %unpack3A_1095 : vector<16xf32>
        %add3A_1098 = arith.addf %add3A_1085, %unpack3A_1096 : vector<16xf32>
        %get3A_1099 = arith.index_cast %add3A_1068 : i32 to index
        %get3A_1100 = arith.constant 32 : index
        %get3A_1101 = tpu.vector_load %arg8[%get3A_1099, %get3A_1100] {strides = array<i32>} : memref<80x64xi32, #tpu.memory_space<vmem>>, vector<16xi32>,
        %bitcast3A_1102 = vector.bitcast %get3A_1101 : vector<16xi32> to vector<32xbf16>
        %get3A_1103 = arith.index_cast %add3A_1068 : i32 to index
        %get3A_1104 = arith.constant 32 : index
        %get3A_1105 = tpu.vector_load %arg9[%get3A_1103, %get3A_1104] {strides = array<i32>} : memref<80x64xi32, #tpu.memory_space<vmem>>, vector<16xi32>,
        %bitcast3A_1106 = vector.bitcast %get3A_1105 : vector<16xi32> to vector<32xbf16>
        %mul3A_1107 = arith.mulf %bitcast3A_1102, %bitcast3A_1106 : vector<32xbf16>
        %unpack3A_1108 = tpu.unpack_subelements %mul3A_1107, 0 {pack_format = #tpu.pack_format<interleaved>} : vector<32xbf16> -> vector<16xf32>
        %unpack3A_1109 = tpu.unpack_subelements %mul3A_1107, 1 {pack_format = #tpu.pack_format<interleaved>} : vector<32xbf16> -> vector<16xf32>
        %add3A_1110 = arith.addf %add3A_1097, %unpack3A_1108 : vector<16xf32>
        %add3A_1111 = arith.addf %add3A_1098, %unpack3A_1109 : vector<16xf32>
        %get3A_1112 = arith.index_cast %add3A_1068 : i32 to index
        %get3A_1113 = arith.constant 48 : index
        %get3A_1114 = tpu.vector_load %arg8[%get3A_1112, %get3A_1113] {strides = array<i32>} : memref<80x64xi32, #tpu.memory_space<vmem>>, vector<16xi32>,
        %bitcast3A_1115 = vector.bitcast %get3A_1114 : vector<16xi32> to vector<32xbf16>
        %get3A_1116 = arith.index_cast %add3A_1068 : i32 to index
        %get3A_1117 = arith.constant 48 : index
        %get3A_1118 = tpu.vector_load %arg9[%get3A_1116, %get3A_1117] {strides = array<i32>} : memref<80x64xi32, #tpu.memory_space<vmem>>, vector<16xi32>,
        %bitcast3A_1119 = vector.bitcast %get3A_1118 : vector<16xi32> to vector<32xbf16>
        %mul3A_1120 = arith.mulf %bitcast3A_1115, %bitcast3A_1119 : vector<32xbf16>
        %unpack3A_1121 = tpu.unpack_subelements %mul3A_1120, 0 {pack_format = #tpu.pack_format<interleaved>} : vector<32xbf16> -> vector<16xf32>
        %unpack3A_1122 = tpu.unpack_subelements %mul3A_1120, 1 {pack_format = #tpu.pack_format<interleaved>} : vector<32xbf16> -> vector<16xf32>
        %add3A_1123 = arith.addf %add3A_1110, %unpack3A_1121 : vector<16xf32>
        %add3A_1124 = arith.addf %add3A_1111, %unpack3A_1122 : vector<16xf32>
        %mul3A_1125 = arith.constant 17 : i32
        %mul3A_1126 = vector.broadcast %mul3A_1125 : i32 to vector<16xi32>
        %mul3A_1127 = arith.muli %iota3A, %mul3A_1126 : vector<16xi32>
        %add3A_1128 = arith.constant 15 : i32
        %add3A_1129 = vector.broadcast %add3A_1128 : i32 to vector<16xi32>
        %add3A_1130 = arith.addi %mul3A_1127, %add3A_1129 : vector<16xi32>
        %add3A_1131 = arith.addf %add3A_1123, %add3A_1124 : vector<16xf32>
        tpu.vector_store_idx %arg13[%add3A_1130], %add3A_1131 : memref<272xf32, #tpu.memory_space<vmem>>[vector<16xi32>], vector<16xf32>,
        %get3A_1132 = arith.constant 0 : index
        %get3A_1133 = tpu.vector_load %arg13[%get3A_1132] {strides = array<i32>} : memref<272xf32, #tpu.memory_space<vmem>>, vector<16xf32>,
        %get3A_1134 = arith.constant 17 : index
        %get3A_1135 = tpu.vector_load %arg13[%get3A_1134] {strides = array<i32>} : memref<272xf32, #tpu.memory_space<vmem>>, vector<16xf32>,
        %get3A_1136 = arith.constant 34 : index
        %get3A_1137 = tpu.vector_load %arg13[%get3A_1136] {strides = array<i32>} : memref<272xf32, #tpu.memory_space<vmem>>, vector<16xf32>,
        %get3A_1138 = arith.constant 51 : index
        %get3A_1139 = tpu.vector_load %arg13[%get3A_1138] {strides = array<i32>} : memref<272xf32, #tpu.memory_space<vmem>>, vector<16xf32>,
        %get3A_1140 = arith.constant 68 : index
        %get3A_1141 = tpu.vector_load %arg13[%get3A_1140] {strides = array<i32>} : memref<272xf32, #tpu.memory_space<vmem>>, vector<16xf32>,
        %get3A_1142 = arith.constant 85 : index
        %get3A_1143 = tpu.vector_load %arg13[%get3A_1142] {strides = array<i32>} : memref<272xf32, #tpu.memory_space<vmem>>, vector<16xf32>,
        %get3A_1144 = arith.constant 102 : index
        %get3A_1145 = tpu.vector_load %arg13[%get3A_1144] {strides = array<i32>} : memref<272xf32, #tpu.memory_space<vmem>>, vector<16xf32>,
        %get3A_1146 = arith.constant 119 : index
        %get3A_1147 = tpu.vector_load %arg13[%get3A_1146] {strides = array<i32>} : memref<272xf32, #tpu.memory_space<vmem>>, vector<16xf32>,
        %get3A_1148 = arith.constant 136 : index
        %get3A_1149 = tpu.vector_load %arg13[%get3A_1148] {strides = array<i32>} : memref<272xf32, #tpu.memory_space<vmem>>, vector<16xf32>,
        %get3A_1150 = arith.constant 153 : index
        %get3A_1151 = tpu.vector_load %arg13[%get3A_1150] {strides = array<i32>} : memref<272xf32, #tpu.memory_space<vmem>>, vector<16xf32>,
        %get3A_1152 = arith.constant 170 : index
        %get3A_1153 = tpu.vector_load %arg13[%get3A_1152] {strides = array<i32>} : memref<272xf32, #tpu.memory_space<vmem>>, vector<16xf32>,
        %get3A_1154 = arith.constant 187 : index
        %get3A_1155 = tpu.vector_load %arg13[%get3A_1154] {strides = array<i32>} : memref<272xf32, #tpu.memory_space<vmem>>, vector<16xf32>,
        %get3A_1156 = arith.constant 204 : index
        %get3A_1157 = tpu.vector_load %arg13[%get3A_1156] {strides = array<i32>} : memref<272xf32, #tpu.memory_space<vmem>>, vector<16xf32>,
        %get3A_1158 = arith.constant 221 : index
        %get3A_1159 = tpu.vector_load %arg13[%get3A_1158] {strides = array<i32>} : memref<272xf32, #tpu.memory_space<vmem>>, vector<16xf32>,
        %get3A_1160 = arith.constant 238 : index
        %get3A_1161 = tpu.vector_load %arg13[%get3A_1160] {strides = array<i32>} : memref<272xf32, #tpu.memory_space<vmem>>, vector<16xf32>,
        %get3A_1162 = arith.constant 255 : index
        %get3A_1163 = tpu.vector_load %arg13[%get3A_1162] {strides = array<i32>} : memref<272xf32, #tpu.memory_space<vmem>>, vector<16xf32>,
        %add3A_1164 = arith.addf %get3A_1133, %get3A_1135 : vector<16xf32>
        %add3A_1165 = arith.addf %get3A_1137, %get3A_1139 : vector<16xf32>
        %add3A_1166 = arith.addf %get3A_1141, %get3A_1143 : vector<16xf32>
        %add3A_1167 = arith.addf %get3A_1145, %get3A_1147 : vector<16xf32>
        %add3A_1168 = arith.addf %get3A_1149, %get3A_1151 : vector<16xf32>
        %add3A_1169 = arith.addf %get3A_1153, %get3A_1155 : vector<16xf32>
        %add3A_1170 = arith.addf %get3A_1157, %get3A_1159 : vector<16xf32>
        %add3A_1171 = arith.addf %get3A_1161, %get3A_1163 : vector<16xf32>
        %add3A_1172 = arith.addf %add3A_1164, %add3A_1165 : vector<16xf32>
        %add3A_1173 = arith.addf %add3A_1166, %add3A_1167 : vector<16xf32>
        %add3A_1174 = arith.addf %add3A_1168, %add3A_1169 : vector<16xf32>
        %add3A_1175 = arith.addf %add3A_1170, %add3A_1171 : vector<16xf32>
        %add3A_1176 = arith.addf %add3A_1172, %add3A_1173 : vector<16xf32>
        %add3A_1177 = arith.addf %add3A_1174, %add3A_1175 : vector<16xf32>
        %add3A_1178 = arith.addf %add3A_1176, %add3A_1177 : vector<16xf32>
        %neg3A = arith.constant 0.000000e+00 : f32
        %neg3A_1179 = vector.broadcast %neg3A : f32 to vector<16xf32>
        %neg3A_1180 = arith.subf %neg3A_1179, %add3A_1178 : vector<16xf32>
        %exp3A = math.exp %neg3A_1180 : vector<16xf32>
        %add3A_1181 = arith.constant 1.000000e+00 : f32
        %add3A_1182 = vector.broadcast %add3A_1181 : f32 to vector<16xf32>
        %add3A_1183 = arith.addf %add3A_1182, %exp3A : vector<16xf32>
        %div3A = arith.constant 1.000000e+00 : f32
        %div3A_1184 = vector.broadcast %div3A : f32 to vector<16xf32>
        %div3A_1185 = arith.divf %div3A_1184, %add3A_1183 : vector<16xf32>
        %mul3A_1186 = arith.constant 80 : i32
        %mul3A_1187 = arith.muli %mul3A_34, %mul3A_1186 : i32
        %mul3A_1188 = arith.constant 16 : i32
        %mul3A_1189 = arith.muli %scan3A_93, %mul3A_1188 : i32
        %add3A_1190 = arith.addi %mul3A_1187, %mul3A_1189 : i32
        %swap3A = arith.index_cast %add3A_1190 : i32 to index
        %swap3A_1191 = tpu.vector_load %arg12[%swap3A] {strides = array<i32>} : memref<10000xf32, #tpu.memory_space<vmem>>, vector<16xf32>,
        tpu.vector_store %arg12[%swap3A], %div3A_1185 {strides = array<i32>} : memref<10000xf32, #tpu.memory_space<vmem>>, vector<16xf32>,
      }
      %scan3A_62 = arith.constant 5 : i32
      %add3A_63 = arith.constant 2 : i32
      %add3A_64 = arith.addi %mul3A_34, %add3A_63 : i32
      %mul3A_65 = arith.constant 80 : i32
      %mul3A_66 = arith.muli %add3A_64, %mul3A_65 : i32
      %dma_start3A_67 = tpu.memref_slice %arg6[%mul3A_66] : memref<10000xi32, #tpu.memory_space<vmem>> -> memref<80xi32, #tpu.memory_space<vmem>>
      %dma_start3A_68 = arith.constant 0 : i32
      %dma_start3A_69 = arith.constant 0 : i32
      %dma_start3A_70 = tpu.memref_slice %arg2[%dma_start3A_68, %dma_start3A_69] : memref<10000x64xi32, #tpu.memory_space<hbm>> -> memref<10000x64xi32, #tpu.memory_space<hbm>>
      tpu.enqueue_indirect_dma source(%dma_start3A_70 : memref<10000x64xi32, #tpu.memory_space<hbm>>) target(%arg8 : memref<80x64xi32, #tpu.memory_space<vmem>>) offsets(%dma_start3A_67 : memref<80xi32, #tpu.memory_space<vmem>>) semaphore(%arg14 : memref<!tpu.dma_semaphore, #tpu.memory_space<semaphore_mem>>)
      %dma_start3A_71 = tpu.memref_slice %arg7[%mul3A_66] : memref<10000xi32, #tpu.memory_space<vmem>> -> memref<80xi32, #tpu.memory_space<vmem>>
      %dma_start3A_72 = arith.constant 0 : i32
      %dma_start3A_73 = arith.constant 0 : i32
      %dma_start3A_74 = tpu.memref_slice %arg2[%dma_start3A_72, %dma_start3A_73] : memref<10000x64xi32, #tpu.memory_space<hbm>> -> memref<10000x64xi32, #tpu.memory_space<hbm>>
      tpu.enqueue_indirect_dma source(%dma_start3A_74 : memref<10000x64xi32, #tpu.memory_space<hbm>>) target(%arg9 : memref<80x64xi32, #tpu.memory_space<vmem>>) offsets(%dma_start3A_71 : memref<80xi32, #tpu.memory_space<vmem>>) semaphore(%arg14 : memref<!tpu.dma_semaphore, #tpu.memory_space<semaphore_mem>>)
      %dma_wait3A_75 = arith.constant 0 : i32
      %dma_wait3A_76 = tpu.memref_slice %arg6[%dma_wait3A_75] : memref<10000xi32, #tpu.memory_space<vmem>> -> memref<80xi32, #tpu.memory_space<vmem>>
      %dma_wait3A_77 = arith.constant 0 : i32
      %dma_wait3A_78 = arith.constant 0 : i32
      %dma_wait3A_79 = tpu.memref_slice %arg2[%dma_wait3A_77, %dma_wait3A_78] : memref<10000x64xi32, #tpu.memory_space<hbm>> -> memref<10000x64xi32, #tpu.memory_space<hbm>>
      tpu.wait_indirect_dma semaphore(%arg15 : memref<!tpu.dma_semaphore, #tpu.memory_space<semaphore_mem>>) src(%dma_wait3A_79 : memref<10000x64xi32, #tpu.memory_space<hbm>>) dst(%arg10 : memref<80x64xi32, #tpu.memory_space<vmem>>)
      %dma_wait3A_80 = arith.constant 0 : i32
      %dma_wait3A_81 = tpu.memref_slice %arg7[%dma_wait3A_80] : memref<10000xi32, #tpu.memory_space<vmem>> -> memref<80xi32, #tpu.memory_space<vmem>>
      %dma_wait3A_82 = arith.constant 0 : i32
      %dma_wait3A_83 = arith.constant 0 : i32
      %dma_wait3A_84 = tpu.memref_slice %arg2[%dma_wait3A_82, %dma_wait3A_83] : memref<10000x64xi32, #tpu.memory_space<hbm>> -> memref<10000x64xi32, #tpu.memory_space<hbm>>
      tpu.wait_indirect_dma semaphore(%arg15 : memref<!tpu.dma_semaphore, #tpu.memory_space<semaphore_mem>>) src(%dma_wait3A_84 : memref<10000x64xi32, #tpu.memory_space<hbm>>) dst(%arg11 : memref<80x64xi32, #tpu.memory_space<vmem>>)
      %add3A_85 = arith.constant 1 : i32
      %add3A_86 = arith.addi %mul3A_34, %add3A_85 : i32
      %scan3A_87 = arith.constant 0 : i32
      %scan3A_88 = arith.constant 0 : i32
      %scan3A_89 = arith.constant 5 : i32
      %scan3A_90 = arith.addi %scan3A_88, %scan3A_89 : i32
      %scan3A_91 = arith.constant 1 : i32
      scf.for %scan3A_93 = %scan3A_88 to %scan3A_90 step %scan3A_91  : i32 {
        %mul3A_94 = arith.constant 16 : i32
        %mul3A_95 = arith.muli %scan3A_93, %mul3A_94 : i32
        %add3A_96 = arith.constant 0 : i32
        %add3A_97 = arith.addi %mul3A_95, %add3A_96 : i32
        %broadcast_in_dim3A = arith.constant 0.000000e+00 : f32
        %broadcast_in_dim3A_98 = vector.broadcast %broadcast_in_dim3A : f32 to vector<16xf32>
        %broadcast_in_dim3A_99 = arith.constant 0.000000e+00 : f32
        %broadcast_in_dim3A_100 = vector.broadcast %broadcast_in_dim3A_99 : f32 to vector<16xf32>
        %get3A = arith.index_cast %add3A_97 : i32 to index
        %get3A_101 = arith.constant 0 : index
        %get3A_102 = tpu.vector_load %arg10[%get3A, %get3A_101] {strides = array<i32>} : memref<80x64xi32, #tpu.memory_space<vmem>>, vector<16xi32>,
        %bitcast3A = vector.bitcast %get3A_102 : vector<16xi32> to vector<32xbf16>
        %get3A_103 = arith.index_cast %add3A_97 : i32 to index
        %get3A_104 = arith.constant 0 : index
        %get3A_105 = tpu.vector_load %arg11[%get3A_103, %get3A_104] {strides = array<i32>} : memref<80x64xi32, #tpu.memory_space<vmem>>, vector<16xi32>,
        %bitcast3A_106 = vector.bitcast %get3A_105 : vector<16xi32> to vector<32xbf16>
        %mul3A_107 = arith.mulf %bitcast3A, %bitcast3A_106 : vector<32xbf16>
        %unpack3A = tpu.unpack_subelements %mul3A_107, 0 {pack_format = #tpu.pack_format<interleaved>} : vector<32xbf16> -> vector<16xf32>
        %unpack3A_108 = tpu.unpack_subelements %mul3A_107, 1 {pack_format = #tpu.pack_format<interleaved>} : vector<32xbf16> -> vector<16xf32>
        %add3A_109 = arith.addf %broadcast_in_dim3A_98, %unpack3A : vector<16xf32>
        %add3A_110 = arith.addf %broadcast_in_dim3A_100, %unpack3A_108 : vector<16xf32>
        %get3A_111 = arith.index_cast %add3A_97 : i32 to index
        %get3A_112 = arith.constant 16 : index
        %get3A_113 = tpu.vector_load %arg10[%get3A_111, %get3A_112] {strides = array<i32>} : memref<80x64xi32, #tpu.memory_space<vmem>>, vector<16xi32>,
        %bitcast3A_114 = vector.bitcast %get3A_113 : vector<16xi32> to vector<32xbf16>
        %get3A_115 = arith.index_cast %add3A_97 : i32 to index
        %get3A_116 = arith.constant 16 : index
        %get3A_117 = tpu.vector_load %arg11[%get3A_115, %get3A_116] {strides = array<i32>} : memref<80x64xi32, #tpu.memory_space<vmem>>, vector<16xi32>,
        %bitcast3A_118 = vector.bitcast %get3A_117 : vector<16xi32> to vector<32xbf16>
        %mul3A_119 = arith.mulf %bitcast3A_114, %bitcast3A_118 : vector<32xbf16>
        %unpack3A_120 = tpu.unpack_subelements %mul3A_119, 0 {pack_format = #tpu.pack_format<interleaved>} : vector<32xbf16> -> vector<16xf32>
        %unpack3A_121 = tpu.unpack_subelements %mul3A_119, 1 {pack_format = #tpu.pack_format<interleaved>} : vector<32xbf16> -> vector<16xf32>
        %add3A_122 = arith.addf %add3A_109, %unpack3A_120 : vector<16xf32>
        %add3A_123 = arith.addf %add3A_110, %unpack3A_121 : vector<16xf32>
        %get3A_124 = arith.index_cast %add3A_97 : i32 to index
        %get3A_125 = arith.constant 32 : index
        %get3A_126 = tpu.vector_load %arg10[%get3A_124, %get3A_125] {strides = array<i32>} : memref<80x64xi32, #tpu.memory_space<vmem>>, vector<16xi32>,
        %bitcast3A_127 = vector.bitcast %get3A_126 : vector<16xi32> to vector<32xbf16>
        %get3A_128 = arith.index_cast %add3A_97 : i32 to index
        %get3A_129 = arith.constant 32 : index
        %get3A_130 = tpu.vector_load %arg11[%get3A_128, %get3A_129] {strides = array<i32>} : memref<80x64xi32, #tpu.memory_space<vmem>>, vector<16xi32>,
        %bitcast3A_131 = vector.bitcast %get3A_130 : vector<16xi32> to vector<32xbf16>
        %mul3A_132 = arith.mulf %bitcast3A_127, %bitcast3A_131 : vector<32xbf16>
        %unpack3A_133 = tpu.unpack_subelements %mul3A_132, 0 {pack_format = #tpu.pack_format<interleaved>} : vector<32xbf16> -> vector<16xf32>
        %unpack3A_134 = tpu.unpack_subelements %mul3A_132, 1 {pack_format = #tpu.pack_format<interleaved>} : vector<32xbf16> -> vector<16xf32>
        %add3A_135 = arith.addf %add3A_122, %unpack3A_133 : vector<16xf32>
        %add3A_136 = arith.addf %add3A_123, %unpack3A_134 : vector<16xf32>
        %get3A_137 = arith.index_cast %add3A_97 : i32 to index
        %get3A_138 = arith.constant 48 : index
        %get3A_139 = tpu.vector_load %arg10[%get3A_137, %get3A_138] {strides = array<i32>} : memref<80x64xi32, #tpu.memory_space<vmem>>, vector<16xi32>,
        %bitcast3A_140 = vector.bitcast %get3A_139 : vector<16xi32> to vector<32xbf16>
        %get3A_141 = arith.index_cast %add3A_97 : i32 to index
        %get3A_142 = arith.constant 48 : index
        %get3A_143 = tpu.vector_load %arg11[%get3A_141, %get3A_142] {strides = array<i32>} : memref<80x64xi32, #tpu.memory_space<vmem>>, vector<16xi32>,
        %bitcast3A_144 = vector.bitcast %get3A_143 : vector<16xi32> to vector<32xbf16>
        %mul3A_145 = arith.mulf %bitcast3A_140, %bitcast3A_144 : vector<32xbf16>
        %unpack3A_146 = tpu.unpack_subelements %mul3A_145, 0 {pack_format = #tpu.pack_format<interleaved>} : vector<32xbf16> -> vector<16xf32>
        %unpack3A_147 = tpu.unpack_subelements %mul3A_145, 1 {pack_format = #tpu.pack_format<interleaved>} : vector<32xbf16> -> vector<16xf32>
        %add3A_148 = arith.addf %add3A_135, %unpack3A_146 : vector<16xf32>
        %add3A_149 = arith.addf %add3A_136, %unpack3A_147 : vector<16xf32>
        %mul3A_150 = arith.constant 17 : i32
        %mul3A_151 = vector.broadcast %mul3A_150 : i32 to vector<16xi32>
        %mul3A_152 = arith.muli %iota3A, %mul3A_151 : vector<16xi32>
        %add3A_153 = arith.constant 0 : i32
        %add3A_154 = vector.broadcast %add3A_153 : i32 to vector<16xi32>
        %add3A_155 = arith.addi %mul3A_152, %add3A_154 : vector<16xi32>
        %add3A_156 = arith.addf %add3A_148, %add3A_149 : vector<16xf32>
        tpu.vector_store_idx %arg13[%add3A_155], %add3A_156 : memref<272xf32, #tpu.memory_space<vmem>>[vector<16xi32>], vector<16xf32>,
        %add3A_157 = arith.constant 1 : i32
        %add3A_158 = arith.addi %mul3A_95, %add3A_157 : i32
        %broadcast_in_dim3A_159 = arith.constant 0.000000e+00 : f32
        %broadcast_in_dim3A_160 = vector.broadcast %broadcast_in_dim3A_159 : f32 to vector<16xf32>
        %broadcast_in_dim3A_161 = arith.constant 0.000000e+00 : f32
        %broadcast_in_dim3A_162 = vector.broadcast %broadcast_in_dim3A_161 : f32 to vector<16xf32>
        %get3A_163 = arith.index_cast %add3A_158 : i32 to index
        %get3A_164 = arith.constant 0 : index
        %get3A_165 = tpu.vector_load %arg10[%get3A_163, %get3A_164] {strides = array<i32>} : memref<80x64xi32, #tpu.memory_space<vmem>>, vector<16xi32>,
        %bitcast3A_166 = vector.bitcast %get3A_165 : vector<16xi32> to vector<32xbf16>
        %get3A_167 = arith.index_cast %add3A_158 : i32 to index
        %get3A_168 = arith.constant 0 : index
        %get3A_169 = tpu.vector_load %arg11[%get3A_167, %get3A_168] {strides = array<i32>} : memref<80x64xi32, #tpu.memory_space<vmem>>, vector<16xi32>,
        %bitcast3A_170 = vector.bitcast %get3A_169 : vector<16xi32> to vector<32xbf16>
        %mul3A_171 = arith.mulf %bitcast3A_166, %bitcast3A_170 : vector<32xbf16>
        %unpack3A_172 = tpu.unpack_subelements %mul3A_171, 0 {pack_format = #tpu.pack_format<interleaved>} : vector<32xbf16> -> vector<16xf32>
        %unpack3A_173 = tpu.unpack_subelements %mul3A_171, 1 {pack_format = #tpu.pack_format<interleaved>} : vector<32xbf16> -> vector<16xf32>
        %add3A_174 = arith.addf %broadcast_in_dim3A_160, %unpack3A_172 : vector<16xf32>
        %add3A_175 = arith.addf %broadcast_in_dim3A_162, %unpack3A_173 : vector<16xf32>
        %get3A_176 = arith.index_cast %add3A_158 : i32 to index
        %get3A_177 = arith.constant 16 : index
        %get3A_178 = tpu.vector_load %arg10[%get3A_176, %get3A_177] {strides = array<i32>} : memref<80x64xi32, #tpu.memory_space<vmem>>, vector<16xi32>,
        %bitcast3A_179 = vector.bitcast %get3A_178 : vector<16xi32> to vector<32xbf16>
        %get3A_180 = arith.index_cast %add3A_158 : i32 to index
        %get3A_181 = arith.constant 16 : index
        %get3A_182 = tpu.vector_load %arg11[%get3A_180, %get3A_181] {strides = array<i32>} : memref<80x64xi32, #tpu.memory_space<vmem>>, vector<16xi32>,
        %bitcast3A_183 = vector.bitcast %get3A_182 : vector<16xi32> to vector<32xbf16>
        %mul3A_184 = arith.mulf %bitcast3A_179, %bitcast3A_183 : vector<32xbf16>
        %unpack3A_185 = tpu.unpack_subelements %mul3A_184, 0 {pack_format = #tpu.pack_format<interleaved>} : vector<32xbf16> -> vector<16xf32>
        %unpack3A_186 = tpu.unpack_subelements %mul3A_184, 1 {pack_format = #tpu.pack_format<interleaved>} : vector<32xbf16> -> vector<16xf32>
        %add3A_187 = arith.addf %add3A_174, %unpack3A_185 : vector<16xf32>
        %add3A_188 = arith.addf %add3A_175, %unpack3A_186 : vector<16xf32>
        %get3A_189 = arith.index_cast %add3A_158 : i32 to index
        %get3A_190 = arith.constant 32 : index
        %get3A_191 = tpu.vector_load %arg10[%get3A_189, %get3A_190] {strides = array<i32>} : memref<80x64xi32, #tpu.memory_space<vmem>>, vector<16xi32>,
        %bitcast3A_192 = vector.bitcast %get3A_191 : vector<16xi32> to vector<32xbf16>
        %get3A_193 = arith.index_cast %add3A_158 : i32 to index
        %get3A_194 = arith.constant 32 : index
        %get3A_195 = tpu.vector_load %arg11[%get3A_193, %get3A_194] {strides = array<i32>} : memref<80x64xi32, #tpu.memory_space<vmem>>, vector<16xi32>,
        %bitcast3A_196 = vector.bitcast %get3A_195 : vector<16xi32> to vector<32xbf16>
        %mul3A_197 = arith.mulf %bitcast3A_192, %bitcast3A_196 : vector<32xbf16>
        %unpack3A_198 = tpu.unpack_subelements %mul3A_197, 0 {pack_format = #tpu.pack_format<interleaved>} : vector<32xbf16> -> vector<16xf32>
        %unpack3A_199 = tpu.unpack_subelements %mul3A_197, 1 {pack_format = #tpu.pack_format<interleaved>} : vector<32xbf16> -> vector<16xf32>
        %add3A_200 = arith.addf %add3A_187, %unpack3A_198 : vector<16xf32>
        %add3A_201 = arith.addf %add3A_188, %unpack3A_199 : vector<16xf32>
        %get3A_202 = arith.index_cast %add3A_158 : i32 to index
        %get3A_203 = arith.constant 48 : index
        %get3A_204 = tpu.vector_load %arg10[%get3A_202, %get3A_203] {strides = array<i32>} : memref<80x64xi32, #tpu.memory_space<vmem>>, vector<16xi32>,
        %bitcast3A_205 = vector.bitcast %get3A_204 : vector<16xi32> to vector<32xbf16>
        %get3A_206 = arith.index_cast %add3A_158 : i32 to index
        %get3A_207 = arith.constant 48 : index
        %get3A_208 = tpu.vector_load %arg11[%get3A_206, %get3A_207] {strides = array<i32>} : memref<80x64xi32, #tpu.memory_space<vmem>>, vector<16xi32>,
        %bitcast3A_209 = vector.bitcast %get3A_208 : vector<16xi32> to vector<32xbf16>
        %mul3A_210 = arith.mulf %bitcast3A_205, %bitcast3A_209 : vector<32xbf16>
        %unpack3A_211 = tpu.unpack_subelements %mul3A_210, 0 {pack_format = #tpu.pack_format<interleaved>} : vector<32xbf16> -> vector<16xf32>
        %unpack3A_212 = tpu.unpack_subelements %mul3A_210, 1 {pack_format = #tpu.pack_format<interleaved>} : vector<32xbf16> -> vector<16xf32>
        %add3A_213 = arith.addf %add3A_200, %unpack3A_211 : vector<16xf32>
        %add3A_214 = arith.addf %add3A_201, %unpack3A_212 : vector<16xf32>
        %mul3A_215 = arith.constant 17 : i32
        %mul3A_216 = vector.broadcast %mul3A_215 : i32 to vector<16xi32>
        %mul3A_217 = arith.muli %iota3A, %mul3A_216 : vector<16xi32>
        %add3A_218 = arith.constant 1 : i32
        %add3A_219 = vector.broadcast %add3A_218 : i32 to vector<16xi32>
        %add3A_220 = arith.addi %mul3A_217, %add3A_219 : vector<16xi32>
        %add3A_221 = arith.addf %add3A_213, %add3A_214 : vector<16xf32>
        tpu.vector_store_idx %arg13[%add3A_220], %add3A_221 : memref<272xf32, #tpu.memory_space<vmem>>[vector<16xi32>], vector<16xf32>,
        %add3A_222 = arith.constant 2 : i32
        %add3A_223 = arith.addi %mul3A_95, %add3A_222 : i32
        %broadcast_in_dim3A_224 = arith.constant 0.000000e+00 : f32
        %broadcast_in_dim3A_225 = vector.broadcast %broadcast_in_dim3A_224 : f32 to vector<16xf32>
        %broadcast_in_dim3A_226 = arith.constant 0.000000e+00 : f32
        %broadcast_in_dim3A_227 = vector.broadcast %broadcast_in_dim3A_226 : f32 to vector<16xf32>
        %get3A_228 = arith.index_cast %add3A_223 : i32 to index
        %get3A_229 = arith.constant 0 : index
        %get3A_230 = tpu.vector_load %arg10[%get3A_228, %get3A_229] {strides = array<i32>} : memref<80x64xi32, #tpu.memory_space<vmem>>, vector<16xi32>,
        %bitcast3A_231 = vector.bitcast %get3A_230 : vector<16xi32> to vector<32xbf16>
        %get3A_232 = arith.index_cast %add3A_223 : i32 to index
        %get3A_233 = arith.constant 0 : index
        %get3A_234 = tpu.vector_load %arg11[%get3A_232, %get3A_233] {strides = array<i32>} : memref<80x64xi32, #tpu.memory_space<vmem>>, vector<16xi32>,
        %bitcast3A_235 = vector.bitcast %get3A_234 : vector<16xi32> to vector<32xbf16>
        %mul3A_236 = arith.mulf %bitcast3A_231, %bitcast3A_235 : vector<32xbf16>
        %unpack3A_237 = tpu.unpack_subelements %mul3A_236, 0 {pack_format = #tpu.pack_format<interleaved>} : vector<32xbf16> -> vector<16xf32>
        %unpack3A_238 = tpu.unpack_subelements %mul3A_236, 1 {pack_format = #tpu.pack_format<interleaved>} : vector<32xbf16> -> vector<16xf32>
        %add3A_239 = arith.addf %broadcast_in_dim3A_225, %unpack3A_237 : vector<16xf32>
        %add3A_240 = arith.addf %broadcast_in_dim3A_227, %unpack3A_238 : vector<16xf32>
        %get3A_241 = arith.index_cast %add3A_223 : i32 to index
        %get3A_242 = arith.constant 16 : index
        %get3A_243 = tpu.vector_load %arg10[%get3A_241, %get3A_242] {strides = array<i32>} : memref<80x64xi32, #tpu.memory_space<vmem>>, vector<16xi32>,
        %bitcast3A_244 = vector.bitcast %get3A_243 : vector<16xi32> to vector<32xbf16>
        %get3A_245 = arith.index_cast %add3A_223 : i32 to index
        %get3A_246 = arith.constant 16 : index
        %get3A_247 = tpu.vector_load %arg11[%get3A_245, %get3A_246] {strides = array<i32>} : memref<80x64xi32, #tpu.memory_space<vmem>>, vector<16xi32>,
        %bitcast3A_248 = vector.bitcast %get3A_247 : vector<16xi32> to vector<32xbf16>
        %mul3A_249 = arith.mulf %bitcast3A_244, %bitcast3A_248 : vector<32xbf16>
        %unpack3A_250 = tpu.unpack_subelements %mul3A_249, 0 {pack_format = #tpu.pack_format<interleaved>} : vector<32xbf16> -> vector<16xf32>
        %unpack3A_251 = tpu.unpack_subelements %mul3A_249, 1 {pack_format = #tpu.pack_format<interleaved>} : vector<32xbf16> -> vector<16xf32>
        %add3A_252 = arith.addf %add3A_239, %unpack3A_250 : vector<16xf32>
        %add3A_253 = arith.addf %add3A_240, %unpack3A_251 : vector<16xf32>
        %get3A_254 = arith.index_cast %add3A_223 : i32 to index
        %get3A_255 = arith.constant 32 : index
        %get3A_256 = tpu.vector_load %arg10[%get3A_254, %get3A_255] {strides = array<i32>} : memref<80x64xi32, #tpu.memory_space<vmem>>, vector<16xi32>,
        %bitcast3A_257 = vector.bitcast %get3A_256 : vector<16xi32> to vector<32xbf16>
        %get3A_258 = arith.index_cast %add3A_223 : i32 to index
        %get3A_259 = arith.constant 32 : index
        %get3A_260 = tpu.vector_load %arg11[%get3A_258, %get3A_259] {strides = array<i32>} : memref<80x64xi32, #tpu.memory_space<vmem>>, vector<16xi32>,
        %bitcast3A_261 = vector.bitcast %get3A_260 : vector<16xi32> to vector<32xbf16>
        %mul3A_262 = arith.mulf %bitcast3A_257, %bitcast3A_261 : vector<32xbf16>
        %unpack3A_263 = tpu.unpack_subelements %mul3A_262, 0 {pack_format = #tpu.pack_format<interleaved>} : vector<32xbf16> -> vector<16xf32>
        %unpack3A_264 = tpu.unpack_subelements %mul3A_262, 1 {pack_format = #tpu.pack_format<interleaved>} : vector<32xbf16> -> vector<16xf32>
        %add3A_265 = arith.addf %add3A_252, %unpack3A_263 : vector<16xf32>
        %add3A_266 = arith.addf %add3A_253, %unpack3A_264 : vector<16xf32>
        %get3A_267 = arith.index_cast %add3A_223 : i32 to index
        %get3A_268 = arith.constant 48 : index
        %get3A_269 = tpu.vector_load %arg10[%get3A_267, %get3A_268] {strides = array<i32>} : memref<80x64xi32, #tpu.memory_space<vmem>>, vector<16xi32>,
        %bitcast3A_270 = vector.bitcast %get3A_269 : vector<16xi32> to vector<32xbf16>
        %get3A_271 = arith.index_cast %add3A_223 : i32 to index
        %get3A_272 = arith.constant 48 : index
        %get3A_273 = tpu.vector_load %arg11[%get3A_271, %get3A_272] {strides = array<i32>} : memref<80x64xi32, #tpu.memory_space<vmem>>, vector<16xi32>,
        %bitcast3A_274 = vector.bitcast %get3A_273 : vector<16xi32> to vector<32xbf16>
        %mul3A_275 = arith.mulf %bitcast3A_270, %bitcast3A_274 : vector<32xbf16>
        %unpack3A_276 = tpu.unpack_subelements %mul3A_275, 0 {pack_format = #tpu.pack_format<interleaved>} : vector<32xbf16> -> vector<16xf32>
        %unpack3A_277 = tpu.unpack_subelements %mul3A_275, 1 {pack_format = #tpu.pack_format<interleaved>} : vector<32xbf16> -> vector<16xf32>
        %add3A_278 = arith.addf %add3A_265, %unpack3A_276 : vector<16xf32>
        %add3A_279 = arith.addf %add3A_266, %unpack3A_277 : vector<16xf32>
        %mul3A_280 = arith.constant 17 : i32
        %mul3A_281 = vector.broadcast %mul3A_280 : i32 to vector<16xi32>
        %mul3A_282 = arith.muli %iota3A, %mul3A_281 : vector<16xi32>
        %add3A_283 = arith.constant 2 : i32
        %add3A_284 = vector.broadcast %add3A_283 : i32 to vector<16xi32>
        %add3A_285 = arith.addi %mul3A_282, %add3A_284 : vector<16xi32>
        %add3A_286 = arith.addf %add3A_278, %add3A_279 : vector<16xf32>
        tpu.vector_store_idx %arg13[%add3A_285], %add3A_286 : memref<272xf32, #tpu.memory_space<vmem>>[vector<16xi32>], vector<16xf32>,
        %add3A_287 = arith.constant 3 : i32
        %add3A_288 = arith.addi %mul3A_95, %add3A_287 : i32
        %broadcast_in_dim3A_289 = arith.constant 0.000000e+00 : f32
        %broadcast_in_dim3A_290 = vector.broadcast %broadcast_in_dim3A_289 : f32 to vector<16xf32>
        %broadcast_in_dim3A_291 = arith.constant 0.000000e+00 : f32
        %broadcast_in_dim3A_292 = vector.broadcast %broadcast_in_dim3A_291 : f32 to vector<16xf32>
        %get3A_293 = arith.index_cast %add3A_288 : i32 to index
        %get3A_294 = arith.constant 0 : index
        %get3A_295 = tpu.vector_load %arg10[%get3A_293, %get3A_294] {strides = array<i32>} : memref<80x64xi32, #tpu.memory_space<vmem>>, vector<16xi32>,
        %bitcast3A_296 = vector.bitcast %get3A_295 : vector<16xi32> to vector<32xbf16>
        %get3A_297 = arith.index_cast %add3A_288 : i32 to index
        %get3A_298 = arith.constant 0 : index
        %get3A_299 = tpu.vector_load %arg11[%get3A_297, %get3A_298] {strides = array<i32>} : memref<80x64xi32, #tpu.memory_space<vmem>>, vector<16xi32>,
        %bitcast3A_300 = vector.bitcast %get3A_299 : vector<16xi32> to vector<32xbf16>
        %mul3A_301 = arith.mulf %bitcast3A_296, %bitcast3A_300 : vector<32xbf16>
        %unpack3A_302 = tpu.unpack_subelements %mul3A_301, 0 {pack_format = #tpu.pack_format<interleaved>} : vector<32xbf16> -> vector<16xf32>
        %unpack3A_303 = tpu.unpack_subelements %mul3A_301, 1 {pack_format = #tpu.pack_format<interleaved>} : vector<32xbf16> -> vector<16xf32>
        %add3A_304 = arith.addf %broadcast_in_dim3A_290, %unpack3A_302 : vector<16xf32>
        %add3A_305 = arith.addf %broadcast_in_dim3A_292, %unpack3A_303 : vector<16xf32>
        %get3A_306 = arith.index_cast %add3A_288 : i32 to index
        %get3A_307 = arith.constant 16 : index
        %get3A_308 = tpu.vector_load %arg10[%get3A_306, %get3A_307] {strides = array<i32>} : memref<80x64xi32, #tpu.memory_space<vmem>>, vector<16xi32>,
        %bitcast3A_309 = vector.bitcast %get3A_308 : vector<16xi32> to vector<32xbf16>
        %get3A_310 = arith.index_cast %add3A_288 : i32 to index
        %get3A_311 = arith.constant 16 : index
        %get3A_312 = tpu.vector_load %arg11[%get3A_310, %get3A_311] {strides = array<i32>} : memref<80x64xi32, #tpu.memory_space<vmem>>, vector<16xi32>,
        %bitcast3A_313 = vector.bitcast %get3A_312 : vector<16xi32> to vector<32xbf16>
        %mul3A_314 = arith.mulf %bitcast3A_309, %bitcast3A_313 : vector<32xbf16>
        %unpack3A_315 = tpu.unpack_subelements %mul3A_314, 0 {pack_format = #tpu.pack_format<interleaved>} : vector<32xbf16> -> vector<16xf32>
        %unpack3A_316 = tpu.unpack_subelements %mul3A_314, 1 {pack_format = #tpu.pack_format<interleaved>} : vector<32xbf16> -> vector<16xf32>
        %add3A_317 = arith.addf %add3A_304, %unpack3A_315 : vector<16xf32>
        %add3A_318 = arith.addf %add3A_305, %unpack3A_316 : vector<16xf32>
        %get3A_319 = arith.index_cast %add3A_288 : i32 to index
        %get3A_320 = arith.constant 32 : index
        %get3A_321 = tpu.vector_load %arg10[%get3A_319, %get3A_320] {strides = array<i32>} : memref<80x64xi32, #tpu.memory_space<vmem>>, vector<16xi32>,
        %bitcast3A_322 = vector.bitcast %get3A_321 : vector<16xi32> to vector<32xbf16>
        %get3A_323 = arith.index_cast %add3A_288 : i32 to index
        %get3A_324 = arith.constant 32 : index
        %get3A_325 = tpu.vector_load %arg11[%get3A_323, %get3A_324] {strides = array<i32>} : memref<80x64xi32, #tpu.memory_space<vmem>>, vector<16xi32>,
        %bitcast3A_326 = vector.bitcast %get3A_325 : vector<16xi32> to vector<32xbf16>
        %mul3A_327 = arith.mulf %bitcast3A_322, %bitcast3A_326 : vector<32xbf16>
        %unpack3A_328 = tpu.unpack_subelements %mul3A_327, 0 {pack_format = #tpu.pack_format<interleaved>} : vector<32xbf16> -> vector<16xf32>
        %unpack3A_329 = tpu.unpack_subelements %mul3A_327, 1 {pack_format = #tpu.pack_format<interleaved>} : vector<32xbf16> -> vector<16xf32>
        %add3A_330 = arith.addf %add3A_317, %unpack3A_328 : vector<16xf32>
        %add3A_331 = arith.addf %add3A_318, %unpack3A_329 : vector<16xf32>
        %get3A_332 = arith.index_cast %add3A_288 : i32 to index
        %get3A_333 = arith.constant 48 : index
        %get3A_334 = tpu.vector_load %arg10[%get3A_332, %get3A_333] {strides = array<i32>} : memref<80x64xi32, #tpu.memory_space<vmem>>, vector<16xi32>,
        %bitcast3A_335 = vector.bitcast %get3A_334 : vector<16xi32> to vector<32xbf16>
        %get3A_336 = arith.index_cast %add3A_288 : i32 to index
        %get3A_337 = arith.constant 48 : index
        %get3A_338 = tpu.vector_load %arg11[%get3A_336, %get3A_337] {strides = array<i32>} : memref<80x64xi32, #tpu.memory_space<vmem>>, vector<16xi32>,
        %bitcast3A_339 = vector.bitcast %get3A_338 : vector<16xi32> to vector<32xbf16>
        %mul3A_340 = arith.mulf %bitcast3A_335, %bitcast3A_339 : vector<32xbf16>
        %unpack3A_341 = tpu.unpack_subelements %mul3A_340, 0 {pack_format = #tpu.pack_format<interleaved>} : vector<32xbf16> -> vector<16xf32>
        %unpack3A_342 = tpu.unpack_subelements %mul3A_340, 1 {pack_format = #tpu.pack_format<interleaved>} : vector<32xbf16> -> vector<16xf32>
        %add3A_343 = arith.addf %add3A_330, %unpack3A_341 : vector<16xf32>
        %add3A_344 = arith.addf %add3A_331, %unpack3A_342 : vector<16xf32>
        %mul3A_345 = arith.constant 17 : i32
        %mul3A_346 = vector.broadcast %mul3A_345 : i32 to vector<16xi32>
        %mul3A_347 = arith.muli %iota3A, %mul3A_346 : vector<16xi32>
        %add3A_348 = arith.constant 3 : i32
        %add3A_349 = vector.broadcast %add3A_348 : i32 to vector<16xi32>
        %add3A_350 = arith.addi %mul3A_347, %add3A_349 : vector<16xi32>
        %add3A_351 = arith.addf %add3A_343, %add3A_344 : vector<16xf32>
        tpu.vector_store_idx %arg13[%add3A_350], %add3A_351 : memref<272xf32, #tpu.memory_space<vmem>>[vector<16xi32>], vector<16xf32>,
        %add3A_352 = arith.constant 4 : i32
        %add3A_353 = arith.addi %mul3A_95, %add3A_352 : i32
        %broadcast_in_dim3A_354 = arith.constant 0.000000e+00 : f32
        %broadcast_in_dim3A_355 = vector.broadcast %broadcast_in_dim3A_354 : f32 to vector<16xf32>
        %broadcast_in_dim3A_356 = arith.constant 0.000000e+00 : f32
        %broadcast_in_dim3A_357 = vector.broadcast %broadcast_in_dim3A_356 : f32 to vector<16xf32>
        %get3A_358 = arith.index_cast %add3A_353 : i32 to index
        %get3A_359 = arith.constant 0 : index
        %get3A_360 = tpu.vector_load %arg10[%get3A_358, %get3A_359] {strides = array<i32>} : memref<80x64xi32, #tpu.memory_space<vmem>>, vector<16xi32>,
        %bitcast3A_361 = vector.bitcast %get3A_360 : vector<16xi32> to vector<32xbf16>
        %get3A_362 = arith.index_cast %add3A_353 : i32 to index
        %get3A_363 = arith.constant 0 : index
        %get3A_364 = tpu.vector_load %arg11[%get3A_362, %get3A_363] {strides = array<i32>} : memref<80x64xi32, #tpu.memory_space<vmem>>, vector<16xi32>,
        %bitcast3A_365 = vector.bitcast %get3A_364 : vector<16xi32> to vector<32xbf16>
        %mul3A_366 = arith.mulf %bitcast3A_361, %bitcast3A_365 : vector<32xbf16>
        %unpack3A_367 = tpu.unpack_subelements %mul3A_366, 0 {pack_format = #tpu.pack_format<interleaved>} : vector<32xbf16> -> vector<16xf32>
        %unpack3A_368 = tpu.unpack_subelements %mul3A_366, 1 {pack_format = #tpu.pack_format<interleaved>} : vector<32xbf16> -> vector<16xf32>
        %add3A_369 = arith.addf %broadcast_in_dim3A_355, %unpack3A_367 : vector<16xf32>
        %add3A_370 = arith.addf %broadcast_in_dim3A_357, %unpack3A_368 : vector<16xf32>
        %get3A_371 = arith.index_cast %add3A_353 : i32 to index
        %get3A_372 = arith.constant 16 : index
        %get3A_373 = tpu.vector_load %arg10[%get3A_371, %get3A_372] {strides = array<i32>} : memref<80x64xi32, #tpu.memory_space<vmem>>, vector<16xi32>,
        %bitcast3A_374 = vector.bitcast %get3A_373 : vector<16xi32> to vector<32xbf16>
        %get3A_375 = arith.index_cast %add3A_353 : i32 to index
        %get3A_376 = arith.constant 16 : index
        %get3A_377 = tpu.vector_load %arg11[%get3A_375, %get3A_376] {strides = array<i32>} : memref<80x64xi32, #tpu.memory_space<vmem>>, vector<16xi32>,
        %bitcast3A_378 = vector.bitcast %get3A_377 : vector<16xi32> to vector<32xbf16>
        %mul3A_379 = arith.mulf %bitcast3A_374, %bitcast3A_378 : vector<32xbf16>
        %unpack3A_380 = tpu.unpack_subelements %mul3A_379, 0 {pack_format = #tpu.pack_format<interleaved>} : vector<32xbf16> -> vector<16xf32>
        %unpack3A_381 = tpu.unpack_subelements %mul3A_379, 1 {pack_format = #tpu.pack_format<interleaved>} : vector<32xbf16> -> vector<16xf32>
        %add3A_382 = arith.addf %add3A_369, %unpack3A_380 : vector<16xf32>
        %add3A_383 = arith.addf %add3A_370, %unpack3A_381 : vector<16xf32>
        %get3A_384 = arith.index_cast %add3A_353 : i32 to index
        %get3A_385 = arith.constant 32 : index
        %get3A_386 = tpu.vector_load %arg10[%get3A_384, %get3A_385] {strides = array<i32>} : memref<80x64xi32, #tpu.memory_space<vmem>>, vector<16xi32>,
        %bitcast3A_387 = vector.bitcast %get3A_386 : vector<16xi32> to vector<32xbf16>
        %get3A_388 = arith.index_cast %add3A_353 : i32 to index
        %get3A_389 = arith.constant 32 : index
        %get3A_390 = tpu.vector_load %arg11[%get3A_388, %get3A_389] {strides = array<i32>} : memref<80x64xi32, #tpu.memory_space<vmem>>, vector<16xi32>,
        %bitcast3A_391 = vector.bitcast %get3A_390 : vector<16xi32> to vector<32xbf16>
        %mul3A_392 = arith.mulf %bitcast3A_387, %bitcast3A_391 : vector<32xbf16>
        %unpack3A_393 = tpu.unpack_subelements %mul3A_392, 0 {pack_format = #tpu.pack_format<interleaved>} : vector<32xbf16> -> vector<16xf32>
        %unpack3A_394 = tpu.unpack_subelements %mul3A_392, 1 {pack_format = #tpu.pack_format<interleaved>} : vector<32xbf16> -> vector<16xf32>
        %add3A_395 = arith.addf %add3A_382, %unpack3A_393 : vector<16xf32>
        %add3A_396 = arith.addf %add3A_383, %unpack3A_394 : vector<16xf32>
        %get3A_397 = arith.index_cast %add3A_353 : i32 to index
        %get3A_398 = arith.constant 48 : index
        %get3A_399 = tpu.vector_load %arg10[%get3A_397, %get3A_398] {strides = array<i32>} : memref<80x64xi32, #tpu.memory_space<vmem>>, vector<16xi32>,
        %bitcast3A_400 = vector.bitcast %get3A_399 : vector<16xi32> to vector<32xbf16>
        %get3A_401 = arith.index_cast %add3A_353 : i32 to index
        %get3A_402 = arith.constant 48 : index
        %get3A_403 = tpu.vector_load %arg11[%get3A_401, %get3A_402] {strides = array<i32>} : memref<80x64xi32, #tpu.memory_space<vmem>>, vector<16xi32>,
        %bitcast3A_404 = vector.bitcast %get3A_403 : vector<16xi32> to vector<32xbf16>
        %mul3A_405 = arith.mulf %bitcast3A_400, %bitcast3A_404 : vector<32xbf16>
        %unpack3A_406 = tpu.unpack_subelements %mul3A_405, 0 {pack_format = #tpu.pack_format<interleaved>} : vector<32xbf16> -> vector<16xf32>
        %unpack3A_407 = tpu.unpack_subelements %mul3A_405, 1 {pack_format = #tpu.pack_format<interleaved>} : vector<32xbf16> -> vector<16xf32>
        %add3A_408 = arith.addf %add3A_395, %unpack3A_406 : vector<16xf32>
        %add3A_409 = arith.addf %add3A_396, %unpack3A_407 : vector<16xf32>
        %mul3A_410 = arith.constant 17 : i32
        %mul3A_411 = vector.broadcast %mul3A_410 : i32 to vector<16xi32>
        %mul3A_412 = arith.muli %iota3A, %mul3A_411 : vector<16xi32>
        %add3A_413 = arith.constant 4 : i32
        %add3A_414 = vector.broadcast %add3A_413 : i32 to vector<16xi32>
        %add3A_415 = arith.addi %mul3A_412, %add3A_414 : vector<16xi32>
        %add3A_416 = arith.addf %add3A_408, %add3A_409 : vector<16xf32>
        tpu.vector_store_idx %arg13[%add3A_415], %add3A_416 : memref<272xf32, #tpu.memory_space<vmem>>[vector<16xi32>], vector<16xf32>,
        %add3A_417 = arith.constant 5 : i32
        %add3A_418 = arith.addi %mul3A_95, %add3A_417 : i32
        %broadcast_in_dim3A_419 = arith.constant 0.000000e+00 : f32
        %broadcast_in_dim3A_420 = vector.broadcast %broadcast_in_dim3A_419 : f32 to vector<16xf32>
        %broadcast_in_dim3A_421 = arith.constant 0.000000e+00 : f32
        %broadcast_in_dim3A_422 = vector.broadcast %broadcast_in_dim3A_421 : f32 to vector<16xf32>
        %get3A_423 = arith.index_cast %add3A_418 : i32 to index
        %get3A_424 = arith.constant 0 : index
        %get3A_425 = tpu.vector_load %arg10[%get3A_423, %get3A_424] {strides = array<i32>} : memref<80x64xi32, #tpu.memory_space<vmem>>, vector<16xi32>,
        %bitcast3A_426 = vector.bitcast %get3A_425 : vector<16xi32> to vector<32xbf16>
        %get3A_427 = arith.index_cast %add3A_418 : i32 to index
        %get3A_428 = arith.constant 0 : index
        %get3A_429 = tpu.vector_load %arg11[%get3A_427, %get3A_428] {strides = array<i32>} : memref<80x64xi32, #tpu.memory_space<vmem>>, vector<16xi32>,
        %bitcast3A_430 = vector.bitcast %get3A_429 : vector<16xi32> to vector<32xbf16>
        %mul3A_431 = arith.mulf %bitcast3A_426, %bitcast3A_430 : vector<32xbf16>
        %unpack3A_432 = tpu.unpack_subelements %mul3A_431, 0 {pack_format = #tpu.pack_format<interleaved>} : vector<32xbf16> -> vector<16xf32>
        %unpack3A_433 = tpu.unpack_subelements %mul3A_431, 1 {pack_format = #tpu.pack_format<interleaved>} : vector<32xbf16> -> vector<16xf32>
        %add3A_434 = arith.addf %broadcast_in_dim3A_420, %unpack3A_432 : vector<16xf32>
        %add3A_435 = arith.addf %broadcast_in_dim3A_422, %unpack3A_433 : vector<16xf32>
        %get3A_436 = arith.index_cast %add3A_418 : i32 to index
        %get3A_437 = arith.constant 16 : index
        %get3A_438 = tpu.vector_load %arg10[%get3A_436, %get3A_437] {strides = array<i32>} : memref<80x64xi32, #tpu.memory_space<vmem>>, vector<16xi32>,
        %bitcast3A_439 = vector.bitcast %get3A_438 : vector<16xi32> to vector<32xbf16>
        %get3A_440 = arith.index_cast %add3A_418 : i32 to index
        %get3A_441 = arith.constant 16 : index
        %get3A_442 = tpu.vector_load %arg11[%get3A_440, %get3A_441] {strides = array<i32>} : memref<80x64xi32, #tpu.memory_space<vmem>>, vector<16xi32>,
        %bitcast3A_443 = vector.bitcast %get3A_442 : vector<16xi32> to vector<32xbf16>
        %mul3A_444 = arith.mulf %bitcast3A_439, %bitcast3A_443 : vector<32xbf16>
        %unpack3A_445 = tpu.unpack_subelements %mul3A_444, 0 {pack_format = #tpu.pack_format<interleaved>} : vector<32xbf16> -> vector<16xf32>
        %unpack3A_446 = tpu.unpack_subelements %mul3A_444, 1 {pack_format = #tpu.pack_format<interleaved>} : vector<32xbf16> -> vector<16xf32>
        %add3A_447 = arith.addf %add3A_434, %unpack3A_445 : vector<16xf32>
        %add3A_448 = arith.addf %add3A_435, %unpack3A_446 : vector<16xf32>
        %get3A_449 = arith.index_cast %add3A_418 : i32 to index
        %get3A_450 = arith.constant 32 : index
        %get3A_451 = tpu.vector_load %arg10[%get3A_449, %get3A_450] {strides = array<i32>} : memref<80x64xi32, #tpu.memory_space<vmem>>, vector<16xi32>,
        %bitcast3A_452 = vector.bitcast %get3A_451 : vector<16xi32> to vector<32xbf16>
        %get3A_453 = arith.index_cast %add3A_418 : i32 to index
        %get3A_454 = arith.constant 32 : index
        %get3A_455 = tpu.vector_load %arg11[%get3A_453, %get3A_454] {strides = array<i32>} : memref<80x64xi32, #tpu.memory_space<vmem>>, vector<16xi32>,
        %bitcast3A_456 = vector.bitcast %get3A_455 : vector<16xi32> to vector<32xbf16>
        %mul3A_457 = arith.mulf %bitcast3A_452, %bitcast3A_456 : vector<32xbf16>
        %unpack3A_458 = tpu.unpack_subelements %mul3A_457, 0 {pack_format = #tpu.pack_format<interleaved>} : vector<32xbf16> -> vector<16xf32>
        %unpack3A_459 = tpu.unpack_subelements %mul3A_457, 1 {pack_format = #tpu.pack_format<interleaved>} : vector<32xbf16> -> vector<16xf32>
        %add3A_460 = arith.addf %add3A_447, %unpack3A_458 : vector<16xf32>
        %add3A_461 = arith.addf %add3A_448, %unpack3A_459 : vector<16xf32>
        %get3A_462 = arith.index_cast %add3A_418 : i32 to index
        %get3A_463 = arith.constant 48 : index
        %get3A_464 = tpu.vector_load %arg10[%get3A_462, %get3A_463] {strides = array<i32>} : memref<80x64xi32, #tpu.memory_space<vmem>>, vector<16xi32>,
        %bitcast3A_465 = vector.bitcast %get3A_464 : vector<16xi32> to vector<32xbf16>
        %get3A_466 = arith.index_cast %add3A_418 : i32 to index
        %get3A_467 = arith.constant 48 : index
        %get3A_468 = tpu.vector_load %arg11[%get3A_466, %get3A_467] {strides = array<i32>} : memref<80x64xi32, #tpu.memory_space<vmem>>, vector<16xi32>,
        %bitcast3A_469 = vector.bitcast %get3A_468 : vector<16xi32> to vector<32xbf16>
        %mul3A_470 = arith.mulf %bitcast3A_465, %bitcast3A_469 : vector<32xbf16>
        %unpack3A_471 = tpu.unpack_subelements %mul3A_470, 0 {pack_format = #tpu.pack_format<interleaved>} : vector<32xbf16> -> vector<16xf32>
        %unpack3A_472 = tpu.unpack_subelements %mul3A_470, 1 {pack_format = #tpu.pack_format<interleaved>} : vector<32xbf16> -> vector<16xf32>
        %add3A_473 = arith.addf %add3A_460, %unpack3A_471 : vector<16xf32>
        %add3A_474 = arith.addf %add3A_461, %unpack3A_472 : vector<16xf32>
        %mul3A_475 = arith.constant 17 : i32
        %mul3A_476 = vector.broadcast %mul3A_475 : i32 to vector<16xi32>
        %mul3A_477 = arith.muli %iota3A, %mul3A_476 : vector<16xi32>
        %add3A_478 = arith.constant 5 : i32
        %add3A_479 = vector.broadcast %add3A_478 : i32 to vector<16xi32>
        %add3A_480 = arith.addi %mul3A_477, %add3A_479 : vector<16xi32>
        %add3A_481 = arith.addf %add3A_473, %add3A_474 : vector<16xf32>
        tpu.vector_store_idx %arg13[%add3A_480], %add3A_481 : memref<272xf32, #tpu.memory_space<vmem>>[vector<16xi32>], vector<16xf32>,
        %add3A_482 = arith.constant 6 : i32
        %add3A_483 = arith.addi %mul3A_95, %add3A_482 : i32
        %broadcast_in_dim3A_484 = arith.constant 0.000000e+00 : f32
        %broadcast_in_dim3A_485 = vector.broadcast %broadcast_in_dim3A_484 : f32 to vector<16xf32>
        %broadcast_in_dim3A_486 = arith.constant 0.000000e+00 : f32
        %broadcast_in_dim3A_487 = vector.broadcast %broadcast_in_dim3A_486 : f32 to vector<16xf32>
        %get3A_488 = arith.index_cast %add3A_483 : i32 to index
        %get3A_489 = arith.constant 0 : index
        %get3A_490 = tpu.vector_load %arg10[%get3A_488, %get3A_489] {strides = array<i32>} : memref<80x64xi32, #tpu.memory_space<vmem>>, vector<16xi32>,
        %bitcast3A_491 = vector.bitcast %get3A_490 : vector<16xi32> to vector<32xbf16>
        %get3A_492 = arith.index_cast %add3A_483 : i32 to index
        %get3A_493 = arith.constant 0 : index
        %get3A_494 = tpu.vector_load %arg11[%get3A_492, %get3A_493] {strides = array<i32>} : memref<80x64xi32, #tpu.memory_space<vmem>>, vector<16xi32>,
        %bitcast3A_495 = vector.bitcast %get3A_494 : vector<16xi32> to vector<32xbf16>
        %mul3A_496 = arith.mulf %bitcast3A_491, %bitcast3A_495 : vector<32xbf16>
        %unpack3A_497 = tpu.unpack_subelements %mul3A_496, 0 {pack_format = #tpu.pack_format<interleaved>} : vector<32xbf16> -> vector<16xf32>
        %unpack3A_498 = tpu.unpack_subelements %mul3A_496, 1 {pack_format = #tpu.pack_format<interleaved>} : vector<32xbf16> -> vector<16xf32>
        %add3A_499 = arith.addf %broadcast_in_dim3A_485, %unpack3A_497 : vector<16xf32>
        %add3A_500 = arith.addf %broadcast_in_dim3A_487, %unpack3A_498 : vector<16xf32>
        %get3A_501 = arith.index_cast %add3A_483 : i32 to index
        %get3A_502 = arith.constant 16 : index
        %get3A_503 = tpu.vector_load %arg10[%get3A_501, %get3A_502] {strides = array<i32>} : memref<80x64xi32, #tpu.memory_space<vmem>>, vector<16xi32>,
        %bitcast3A_504 = vector.bitcast %get3A_503 : vector<16xi32> to vector<32xbf16>
        %get3A_505 = arith.index_cast %add3A_483 : i32 to index
        %get3A_506 = arith.constant 16 : index
        %get3A_507 = tpu.vector_load %arg11[%get3A_505, %get3A_506] {strides = array<i32>} : memref<80x64xi32, #tpu.memory_space<vmem>>, vector<16xi32>,
        %bitcast3A_508 = vector.bitcast %get3A_507 : vector<16xi32> to vector<32xbf16>
        %mul3A_509 = arith.mulf %bitcast3A_504, %bitcast3A_508 : vector<32xbf16>
        %unpack3A_510 = tpu.unpack_subelements %mul3A_509, 0 {pack_format = #tpu.pack_format<interleaved>} : vector<32xbf16> -> vector<16xf32>
        %unpack3A_511 = tpu.unpack_subelements %mul3A_509, 1 {pack_format = #tpu.pack_format<interleaved>} : vector<32xbf16> -> vector<16xf32>
        %add3A_512 = arith.addf %add3A_499, %unpack3A_510 : vector<16xf32>
        %add3A_513 = arith.addf %add3A_500, %unpack3A_511 : vector<16xf32>
        %get3A_514 = arith.index_cast %add3A_483 : i32 to index
        %get3A_515 = arith.constant 32 : index
        %get3A_516 = tpu.vector_load %arg10[%get3A_514, %get3A_515] {strides = array<i32>} : memref<80x64xi32, #tpu.memory_space<vmem>>, vector<16xi32>,
        %bitcast3A_517 = vector.bitcast %get3A_516 : vector<16xi32> to vector<32xbf16>
        %get3A_518 = arith.index_cast %add3A_483 : i32 to index
        %get3A_519 = arith.constant 32 : index
        %get3A_520 = tpu.vector_load %arg11[%get3A_518, %get3A_519] {strides = array<i32>} : memref<80x64xi32, #tpu.memory_space<vmem>>, vector<16xi32>,
        %bitcast3A_521 = vector.bitcast %get3A_520 : vector<16xi32> to vector<32xbf16>
        %mul3A_522 = arith.mulf %bitcast3A_517, %bitcast3A_521 : vector<32xbf16>
        %unpack3A_523 = tpu.unpack_subelements %mul3A_522, 0 {pack_format = #tpu.pack_format<interleaved>} : vector<32xbf16> -> vector<16xf32>
        %unpack3A_524 = tpu.unpack_subelements %mul3A_522, 1 {pack_format = #tpu.pack_format<interleaved>} : vector<32xbf16> -> vector<16xf32>
        %add3A_525 = arith.addf %add3A_512, %unpack3A_523 : vector<16xf32>
        %add3A_526 = arith.addf %add3A_513, %unpack3A_524 : vector<16xf32>
        %get3A_527 = arith.index_cast %add3A_483 : i32 to index
        %get3A_528 = arith.constant 48 : index
        %get3A_529 = tpu.vector_load %arg10[%get3A_527, %get3A_528] {strides = array<i32>} : memref<80x64xi32, #tpu.memory_space<vmem>>, vector<16xi32>,
        %bitcast3A_530 = vector.bitcast %get3A_529 : vector<16xi32> to vector<32xbf16>
        %get3A_531 = arith.index_cast %add3A_483 : i32 to index
        %get3A_532 = arith.constant 48 : index
        %get3A_533 = tpu.vector_load %arg11[%get3A_531, %get3A_532] {strides = array<i32>} : memref<80x64xi32, #tpu.memory_space<vmem>>, vector<16xi32>,
        %bitcast3A_534 = vector.bitcast %get3A_533 : vector<16xi32> to vector<32xbf16>
        %mul3A_535 = arith.mulf %bitcast3A_530, %bitcast3A_534 : vector<32xbf16>
        %unpack3A_536 = tpu.unpack_subelements %mul3A_535, 0 {pack_format = #tpu.pack_format<interleaved>} : vector<32xbf16> -> vector<16xf32>
        %unpack3A_537 = tpu.unpack_subelements %mul3A_535, 1 {pack_format = #tpu.pack_format<interleaved>} : vector<32xbf16> -> vector<16xf32>
        %add3A_538 = arith.addf %add3A_525, %unpack3A_536 : vector<16xf32>
        %add3A_539 = arith.addf %add3A_526, %unpack3A_537 : vector<16xf32>
        %mul3A_540 = arith.constant 17 : i32
        %mul3A_541 = vector.broadcast %mul3A_540 : i32 to vector<16xi32>
        %mul3A_542 = arith.muli %iota3A, %mul3A_541 : vector<16xi32>
        %add3A_543 = arith.constant 6 : i32
        %add3A_544 = vector.broadcast %add3A_543 : i32 to vector<16xi32>
        %add3A_545 = arith.addi %mul3A_542, %add3A_544 : vector<16xi32>
        %add3A_546 = arith.addf %add3A_538, %add3A_539 : vector<16xf32>
        tpu.vector_store_idx %arg13[%add3A_545], %add3A_546 : memref<272xf32, #tpu.memory_space<vmem>>[vector<16xi32>], vector<16xf32>,
        %add3A_547 = arith.constant 7 : i32
        %add3A_548 = arith.addi %mul3A_95, %add3A_547 : i32
        %broadcast_in_dim3A_549 = arith.constant 0.000000e+00 : f32
        %broadcast_in_dim3A_550 = vector.broadcast %broadcast_in_dim3A_549 : f32 to vector<16xf32>
        %broadcast_in_dim3A_551 = arith.constant 0.000000e+00 : f32
        %broadcast_in_dim3A_552 = vector.broadcast %broadcast_in_dim3A_551 : f32 to vector<16xf32>
        %get3A_553 = arith.index_cast %add3A_548 : i32 to index
        %get3A_554 = arith.constant 0 : index
        %get3A_555 = tpu.vector_load %arg10[%get3A_553, %get3A_554] {strides = array<i32>} : memref<80x64xi32, #tpu.memory_space<vmem>>, vector<16xi32>,
        %bitcast3A_556 = vector.bitcast %get3A_555 : vector<16xi32> to vector<32xbf16>
        %get3A_557 = arith.index_cast %add3A_548 : i32 to index
        %get3A_558 = arith.constant 0 : index
        %get3A_559 = tpu.vector_load %arg11[%get3A_557, %get3A_558] {strides = array<i32>} : memref<80x64xi32, #tpu.memory_space<vmem>>, vector<16xi32>,
        %bitcast3A_560 = vector.bitcast %get3A_559 : vector<16xi32> to vector<32xbf16>
        %mul3A_561 = arith.mulf %bitcast3A_556, %bitcast3A_560 : vector<32xbf16>
        %unpack3A_562 = tpu.unpack_subelements %mul3A_561, 0 {pack_format = #tpu.pack_format<interleaved>} : vector<32xbf16> -> vector<16xf32>
        %unpack3A_563 = tpu.unpack_subelements %mul3A_561, 1 {pack_format = #tpu.pack_format<interleaved>} : vector<32xbf16> -> vector<16xf32>
        %add3A_564 = arith.addf %broadcast_in_dim3A_550, %unpack3A_562 : vector<16xf32>
        %add3A_565 = arith.addf %broadcast_in_dim3A_552, %unpack3A_563 : vector<16xf32>
        %get3A_566 = arith.index_cast %add3A_548 : i32 to index
        %get3A_567 = arith.constant 16 : index
        %get3A_568 = tpu.vector_load %arg10[%get3A_566, %get3A_567] {strides = array<i32>} : memref<80x64xi32, #tpu.memory_space<vmem>>, vector<16xi32>,
        %bitcast3A_569 = vector.bitcast %get3A_568 : vector<16xi32> to vector<32xbf16>
        %get3A_570 = arith.index_cast %add3A_548 : i32 to index
        %get3A_571 = arith.constant 16 : index
        %get3A_572 = tpu.vector_load %arg11[%get3A_570, %get3A_571] {strides = array<i32>} : memref<80x64xi32, #tpu.memory_space<vmem>>, vector<16xi32>,
        %bitcast3A_573 = vector.bitcast %get3A_572 : vector<16xi32> to vector<32xbf16>
        %mul3A_574 = arith.mulf %bitcast3A_569, %bitcast3A_573 : vector<32xbf16>
        %unpack3A_575 = tpu.unpack_subelements %mul3A_574, 0 {pack_format = #tpu.pack_format<interleaved>} : vector<32xbf16> -> vector<16xf32>
        %unpack3A_576 = tpu.unpack_subelements %mul3A_574, 1 {pack_format = #tpu.pack_format<interleaved>} : vector<32xbf16> -> vector<16xf32>
        %add3A_577 = arith.addf %add3A_564, %unpack3A_575 : vector<16xf32>
        %add3A_578 = arith.addf %add3A_565, %unpack3A_576 : vector<16xf32>
        %get3A_579 = arith.index_cast %add3A_548 : i32 to index
        %get3A_580 = arith.constant 32 : index
        %get3A_581 = tpu.vector_load %arg10[%get3A_579, %get3A_580] {strides = array<i32>} : memref<80x64xi32, #tpu.memory_space<vmem>>, vector<16xi32>,
        %bitcast3A_582 = vector.bitcast %get3A_581 : vector<16xi32> to vector<32xbf16>
        %get3A_583 = arith.index_cast %add3A_548 : i32 to index
        %get3A_584 = arith.constant 32 : index
        %get3A_585 = tpu.vector_load %arg11[%get3A_583, %get3A_584] {strides = array<i32>} : memref<80x64xi32, #tpu.memory_space<vmem>>, vector<16xi32>,
        %bitcast3A_586 = vector.bitcast %get3A_585 : vector<16xi32> to vector<32xbf16>
        %mul3A_587 = arith.mulf %bitcast3A_582, %bitcast3A_586 : vector<32xbf16>
        %unpack3A_588 = tpu.unpack_subelements %mul3A_587, 0 {pack_format = #tpu.pack_format<interleaved>} : vector<32xbf16> -> vector<16xf32>
        %unpack3A_589 = tpu.unpack_subelements %mul3A_587, 1 {pack_format = #tpu.pack_format<interleaved>} : vector<32xbf16> -> vector<16xf32>
        %add3A_590 = arith.addf %add3A_577, %unpack3A_588 : vector<16xf32>
        %add3A_591 = arith.addf %add3A_578, %unpack3A_589 : vector<16xf32>
        %get3A_592 = arith.index_cast %add3A_548 : i32 to index
        %get3A_593 = arith.constant 48 : index
        %get3A_594 = tpu.vector_load %arg10[%get3A_592, %get3A_593] {strides = array<i32>} : memref<80x64xi32, #tpu.memory_space<vmem>>, vector<16xi32>,
        %bitcast3A_595 = vector.bitcast %get3A_594 : vector<16xi32> to vector<32xbf16>
        %get3A_596 = arith.index_cast %add3A_548 : i32 to index
        %get3A_597 = arith.constant 48 : index
        %get3A_598 = tpu.vector_load %arg11[%get3A_596, %get3A_597] {strides = array<i32>} : memref<80x64xi32, #tpu.memory_space<vmem>>, vector<16xi32>,
        %bitcast3A_599 = vector.bitcast %get3A_598 : vector<16xi32> to vector<32xbf16>
        %mul3A_600 = arith.mulf %bitcast3A_595, %bitcast3A_599 : vector<32xbf16>
        %unpack3A_601 = tpu.unpack_subelements %mul3A_600, 0 {pack_format = #tpu.pack_format<interleaved>} : vector<32xbf16> -> vector<16xf32>
        %unpack3A_602 = tpu.unpack_subelements %mul3A_600, 1 {pack_format = #tpu.pack_format<interleaved>} : vector<32xbf16> -> vector<16xf32>
        %add3A_603 = arith.addf %add3A_590, %unpack3A_601 : vector<16xf32>
        %add3A_604 = arith.addf %add3A_591, %unpack3A_602 : vector<16xf32>
        %mul3A_605 = arith.constant 17 : i32
        %mul3A_606 = vector.broadcast %mul3A_605 : i32 to vector<16xi32>
        %mul3A_607 = arith.muli %iota3A, %mul3A_606 : vector<16xi32>
        %add3A_608 = arith.constant 7 : i32
        %add3A_609 = vector.broadcast %add3A_608 : i32 to vector<16xi32>
        %add3A_610 = arith.addi %mul3A_607, %add3A_609 : vector<16xi32>
        %add3A_611 = arith.addf %add3A_603, %add3A_604 : vector<16xf32>
        tpu.vector_store_idx %arg13[%add3A_610], %add3A_611 : memref<272xf32, #tpu.memory_space<vmem>>[vector<16xi32>], vector<16xf32>,
        %add3A_612 = arith.constant 8 : i32
        %add3A_613 = arith.addi %mul3A_95, %add3A_612 : i32
        %broadcast_in_dim3A_614 = arith.constant 0.000000e+00 : f32
        %broadcast_in_dim3A_615 = vector.broadcast %broadcast_in_dim3A_614 : f32 to vector<16xf32>
        %broadcast_in_dim3A_616 = arith.constant 0.000000e+00 : f32
        %broadcast_in_dim3A_617 = vector.broadcast %broadcast_in_dim3A_616 : f32 to vector<16xf32>
        %get3A_618 = arith.index_cast %add3A_613 : i32 to index
        %get3A_619 = arith.constant 0 : index
        %get3A_620 = tpu.vector_load %arg10[%get3A_618, %get3A_619] {strides = array<i32>} : memref<80x64xi32, #tpu.memory_space<vmem>>, vector<16xi32>,
        %bitcast3A_621 = vector.bitcast %get3A_620 : vector<16xi32> to vector<32xbf16>
        %get3A_622 = arith.index_cast %add3A_613 : i32 to index
        %get3A_623 = arith.constant 0 : index
        %get3A_624 = tpu.vector_load %arg11[%get3A_622, %get3A_623] {strides = array<i32>} : memref<80x64xi32, #tpu.memory_space<vmem>>, vector<16xi32>,
        %bitcast3A_625 = vector.bitcast %get3A_624 : vector<16xi32> to vector<32xbf16>
        %mul3A_626 = arith.mulf %bitcast3A_621, %bitcast3A_625 : vector<32xbf16>
        %unpack3A_627 = tpu.unpack_subelements %mul3A_626, 0 {pack_format = #tpu.pack_format<interleaved>} : vector<32xbf16> -> vector<16xf32>
        %unpack3A_628 = tpu.unpack_subelements %mul3A_626, 1 {pack_format = #tpu.pack_format<interleaved>} : vector<32xbf16> -> vector<16xf32>
        %add3A_629 = arith.addf %broadcast_in_dim3A_615, %unpack3A_627 : vector<16xf32>
        %add3A_630 = arith.addf %broadcast_in_dim3A_617, %unpack3A_628 : vector<16xf32>
        %get3A_631 = arith.index_cast %add3A_613 : i32 to index
        %get3A_632 = arith.constant 16 : index
        %get3A_633 = tpu.vector_load %arg10[%get3A_631, %get3A_632] {strides = array<i32>} : memref<80x64xi32, #tpu.memory_space<vmem>>, vector<16xi32>,
        %bitcast3A_634 = vector.bitcast %get3A_633 : vector<16xi32> to vector<32xbf16>
        %get3A_635 = arith.index_cast %add3A_613 : i32 to index
        %get3A_636 = arith.constant 16 : index
        %get3A_637 = tpu.vector_load %arg11[%get3A_635, %get3A_636] {strides = array<i32>} : memref<80x64xi32, #tpu.memory_space<vmem>>, vector<16xi32>,
        %bitcast3A_638 = vector.bitcast %get3A_637 : vector<16xi32> to vector<32xbf16>
        %mul3A_639 = arith.mulf %bitcast3A_634, %bitcast3A_638 : vector<32xbf16>
        %unpack3A_640 = tpu.unpack_subelements %mul3A_639, 0 {pack_format = #tpu.pack_format<interleaved>} : vector<32xbf16> -> vector<16xf32>
        %unpack3A_641 = tpu.unpack_subelements %mul3A_639, 1 {pack_format = #tpu.pack_format<interleaved>} : vector<32xbf16> -> vector<16xf32>
        %add3A_642 = arith.addf %add3A_629, %unpack3A_640 : vector<16xf32>
        %add3A_643 = arith.addf %add3A_630, %unpack3A_641 : vector<16xf32>
        %get3A_644 = arith.index_cast %add3A_613 : i32 to index
        %get3A_645 = arith.constant 32 : index
        %get3A_646 = tpu.vector_load %arg10[%get3A_644, %get3A_645] {strides = array<i32>} : memref<80x64xi32, #tpu.memory_space<vmem>>, vector<16xi32>,
        %bitcast3A_647 = vector.bitcast %get3A_646 : vector<16xi32> to vector<32xbf16>
        %get3A_648 = arith.index_cast %add3A_613 : i32 to index
        %get3A_649 = arith.constant 32 : index
        %get3A_650 = tpu.vector_load %arg11[%get3A_648, %get3A_649] {strides = array<i32>} : memref<80x64xi32, #tpu.memory_space<vmem>>, vector<16xi32>,
        %bitcast3A_651 = vector.bitcast %get3A_650 : vector<16xi32> to vector<32xbf16>
        %mul3A_652 = arith.mulf %bitcast3A_647, %bitcast3A_651 : vector<32xbf16>
        %unpack3A_653 = tpu.unpack_subelements %mul3A_652, 0 {pack_format = #tpu.pack_format<interleaved>} : vector<32xbf16> -> vector<16xf32>
        %unpack3A_654 = tpu.unpack_subelements %mul3A_652, 1 {pack_format = #tpu.pack_format<interleaved>} : vector<32xbf16> -> vector<16xf32>
        %add3A_655 = arith.addf %add3A_642, %unpack3A_653 : vector<16xf32>
        %add3A_656 = arith.addf %add3A_643, %unpack3A_654 : vector<16xf32>
        %get3A_657 = arith.index_cast %add3A_613 : i32 to index
        %get3A_658 = arith.constant 48 : index
        %get3A_659 = tpu.vector_load %arg10[%get3A_657, %get3A_658] {strides = array<i32>} : memref<80x64xi32, #tpu.memory_space<vmem>>, vector<16xi32>,
        %bitcast3A_660 = vector.bitcast %get3A_659 : vector<16xi32> to vector<32xbf16>
        %get3A_661 = arith.index_cast %add3A_613 : i32 to index
        %get3A_662 = arith.constant 48 : index
        %get3A_663 = tpu.vector_load %arg11[%get3A_661, %get3A_662] {strides = array<i32>} : memref<80x64xi32, #tpu.memory_space<vmem>>, vector<16xi32>,
        %bitcast3A_664 = vector.bitcast %get3A_663 : vector<16xi32> to vector<32xbf16>
        %mul3A_665 = arith.mulf %bitcast3A_660, %bitcast3A_664 : vector<32xbf16>
        %unpack3A_666 = tpu.unpack_subelements %mul3A_665, 0 {pack_format = #tpu.pack_format<interleaved>} : vector<32xbf16> -> vector<16xf32>
        %unpack3A_667 = tpu.unpack_subelements %mul3A_665, 1 {pack_format = #tpu.pack_format<interleaved>} : vector<32xbf16> -> vector<16xf32>
        %add3A_668 = arith.addf %add3A_655, %unpack3A_666 : vector<16xf32>
        %add3A_669 = arith.addf %add3A_656, %unpack3A_667 : vector<16xf32>
        %mul3A_670 = arith.constant 17 : i32
        %mul3A_671 = vector.broadcast %mul3A_670 : i32 to vector<16xi32>
        %mul3A_672 = arith.muli %iota3A, %mul3A_671 : vector<16xi32>
        %add3A_673 = arith.constant 8 : i32
        %add3A_674 = vector.broadcast %add3A_673 : i32 to vector<16xi32>
        %add3A_675 = arith.addi %mul3A_672, %add3A_674 : vector<16xi32>
        %add3A_676 = arith.addf %add3A_668, %add3A_669 : vector<16xf32>
        tpu.vector_store_idx %arg13[%add3A_675], %add3A_676 : memref<272xf32, #tpu.memory_space<vmem>>[vector<16xi32>], vector<16xf32>,
        %add3A_677 = arith.constant 9 : i32
        %add3A_678 = arith.addi %mul3A_95, %add3A_677 : i32
        %broadcast_in_dim3A_679 = arith.constant 0.000000e+00 : f32
        %broadcast_in_dim3A_680 = vector.broadcast %broadcast_in_dim3A_679 : f32 to vector<16xf32>
        %broadcast_in_dim3A_681 = arith.constant 0.000000e+00 : f32
        %broadcast_in_dim3A_682 = vector.broadcast %broadcast_in_dim3A_681 : f32 to vector<16xf32>
        %get3A_683 = arith.index_cast %add3A_678 : i32 to index
        %get3A_684 = arith.constant 0 : index
        %get3A_685 = tpu.vector_load %arg10[%get3A_683, %get3A_684] {strides = array<i32>} : memref<80x64xi32, #tpu.memory_space<vmem>>, vector<16xi32>,
        %bitcast3A_686 = vector.bitcast %get3A_685 : vector<16xi32> to vector<32xbf16>
        %get3A_687 = arith.index_cast %add3A_678 : i32 to index
        %get3A_688 = arith.constant 0 : index
        %get3A_689 = tpu.vector_load %arg11[%get3A_687, %get3A_688] {strides = array<i32>} : memref<80x64xi32, #tpu.memory_space<vmem>>, vector<16xi32>,
        %bitcast3A_690 = vector.bitcast %get3A_689 : vector<16xi32> to vector<32xbf16>
        %mul3A_691 = arith.mulf %bitcast3A_686, %bitcast3A_690 : vector<32xbf16>
        %unpack3A_692 = tpu.unpack_subelements %mul3A_691, 0 {pack_format = #tpu.pack_format<interleaved>} : vector<32xbf16> -> vector<16xf32>
        %unpack3A_693 = tpu.unpack_subelements %mul3A_691, 1 {pack_format = #tpu.pack_format<interleaved>} : vector<32xbf16> -> vector<16xf32>
        %add3A_694 = arith.addf %broadcast_in_dim3A_680, %unpack3A_692 : vector<16xf32>
        %add3A_695 = arith.addf %broadcast_in_dim3A_682, %unpack3A_693 : vector<16xf32>
        %get3A_696 = arith.index_cast %add3A_678 : i32 to index
        %get3A_697 = arith.constant 16 : index
        %get3A_698 = tpu.vector_load %arg10[%get3A_696, %get3A_697] {strides = array<i32>} : memref<80x64xi32, #tpu.memory_space<vmem>>, vector<16xi32>,
        %bitcast3A_699 = vector.bitcast %get3A_698 : vector<16xi32> to vector<32xbf16>
        %get3A_700 = arith.index_cast %add3A_678 : i32 to index
        %get3A_701 = arith.constant 16 : index
        %get3A_702 = tpu.vector_load %arg11[%get3A_700, %get3A_701] {strides = array<i32>} : memref<80x64xi32, #tpu.memory_space<vmem>>, vector<16xi32>,
        %bitcast3A_703 = vector.bitcast %get3A_702 : vector<16xi32> to vector<32xbf16>
        %mul3A_704 = arith.mulf %bitcast3A_699, %bitcast3A_703 : vector<32xbf16>
        %unpack3A_705 = tpu.unpack_subelements %mul3A_704, 0 {pack_format = #tpu.pack_format<interleaved>} : vector<32xbf16> -> vector<16xf32>
        %unpack3A_706 = tpu.unpack_subelements %mul3A_704, 1 {pack_format = #tpu.pack_format<interleaved>} : vector<32xbf16> -> vector<16xf32>
        %add3A_707 = arith.addf %add3A_694, %unpack3A_705 : vector<16xf32>
        %add3A_708 = arith.addf %add3A_695, %unpack3A_706 : vector<16xf32>
        %get3A_709 = arith.index_cast %add3A_678 : i32 to index
        %get3A_710 = arith.constant 32 : index
        %get3A_711 = tpu.vector_load %arg10[%get3A_709, %get3A_710] {strides = array<i32>} : memref<80x64xi32, #tpu.memory_space<vmem>>, vector<16xi32>,
        %bitcast3A_712 = vector.bitcast %get3A_711 : vector<16xi32> to vector<32xbf16>
        %get3A_713 = arith.index_cast %add3A_678 : i32 to index
        %get3A_714 = arith.constant 32 : index
        %get3A_715 = tpu.vector_load %arg11[%get3A_713, %get3A_714] {strides = array<i32>} : memref<80x64xi32, #tpu.memory_space<vmem>>, vector<16xi32>,
        %bitcast3A_716 = vector.bitcast %get3A_715 : vector<16xi32> to vector<32xbf16>
        %mul3A_717 = arith.mulf %bitcast3A_712, %bitcast3A_716 : vector<32xbf16>
        %unpack3A_718 = tpu.unpack_subelements %mul3A_717, 0 {pack_format = #tpu.pack_format<interleaved>} : vector<32xbf16> -> vector<16xf32>
        %unpack3A_719 = tpu.unpack_subelements %mul3A_717, 1 {pack_format = #tpu.pack_format<interleaved>} : vector<32xbf16> -> vector<16xf32>
        %add3A_720 = arith.addf %add3A_707, %unpack3A_718 : vector<16xf32>
        %add3A_721 = arith.addf %add3A_708, %unpack3A_719 : vector<16xf32>
        %get3A_722 = arith.index_cast %add3A_678 : i32 to index
        %get3A_723 = arith.constant 48 : index
        %get3A_724 = tpu.vector_load %arg10[%get3A_722, %get3A_723] {strides = array<i32>} : memref<80x64xi32, #tpu.memory_space<vmem>>, vector<16xi32>,
        %bitcast3A_725 = vector.bitcast %get3A_724 : vector<16xi32> to vector<32xbf16>
        %get3A_726 = arith.index_cast %add3A_678 : i32 to index
        %get3A_727 = arith.constant 48 : index
        %get3A_728 = tpu.vector_load %arg11[%get3A_726, %get3A_727] {strides = array<i32>} : memref<80x64xi32, #tpu.memory_space<vmem>>, vector<16xi32>,
        %bitcast3A_729 = vector.bitcast %get3A_728 : vector<16xi32> to vector<32xbf16>
        %mul3A_730 = arith.mulf %bitcast3A_725, %bitcast3A_729 : vector<32xbf16>
        %unpack3A_731 = tpu.unpack_subelements %mul3A_730, 0 {pack_format = #tpu.pack_format<interleaved>} : vector<32xbf16> -> vector<16xf32>
        %unpack3A_732 = tpu.unpack_subelements %mul3A_730, 1 {pack_format = #tpu.pack_format<interleaved>} : vector<32xbf16> -> vector<16xf32>
        %add3A_733 = arith.addf %add3A_720, %unpack3A_731 : vector<16xf32>
        %add3A_734 = arith.addf %add3A_721, %unpack3A_732 : vector<16xf32>
        %mul3A_735 = arith.constant 17 : i32
        %mul3A_736 = vector.broadcast %mul3A_735 : i32 to vector<16xi32>
        %mul3A_737 = arith.muli %iota3A, %mul3A_736 : vector<16xi32>
        %add3A_738 = arith.constant 9 : i32
        %add3A_739 = vector.broadcast %add3A_738 : i32 to vector<16xi32>
        %add3A_740 = arith.addi %mul3A_737, %add3A_739 : vector<16xi32>
        %add3A_741 = arith.addf %add3A_733, %add3A_734 : vector<16xf32>
        tpu.vector_store_idx %arg13[%add3A_740], %add3A_741 : memref<272xf32, #tpu.memory_space<vmem>>[vector<16xi32>], vector<16xf32>,
        %add3A_742 = arith.constant 10 : i32
        %add3A_743 = arith.addi %mul3A_95, %add3A_742 : i32
        %broadcast_in_dim3A_744 = arith.constant 0.000000e+00 : f32
        %broadcast_in_dim3A_745 = vector.broadcast %broadcast_in_dim3A_744 : f32 to vector<16xf32>
        %broadcast_in_dim3A_746 = arith.constant 0.000000e+00 : f32
        %broadcast_in_dim3A_747 = vector.broadcast %broadcast_in_dim3A_746 : f32 to vector<16xf32>
        %get3A_748 = arith.index_cast %add3A_743 : i32 to index
        %get3A_749 = arith.constant 0 : index
        %get3A_750 = tpu.vector_load %arg10[%get3A_748, %get3A_749] {strides = array<i32>} : memref<80x64xi32, #tpu.memory_space<vmem>>, vector<16xi32>,
        %bitcast3A_751 = vector.bitcast %get3A_750 : vector<16xi32> to vector<32xbf16>
        %get3A_752 = arith.index_cast %add3A_743 : i32 to index
        %get3A_753 = arith.constant 0 : index
        %get3A_754 = tpu.vector_load %arg11[%get3A_752, %get3A_753] {strides = array<i32>} : memref<80x64xi32, #tpu.memory_space<vmem>>, vector<16xi32>,
        %bitcast3A_755 = vector.bitcast %get3A_754 : vector<16xi32> to vector<32xbf16>
        %mul3A_756 = arith.mulf %bitcast3A_751, %bitcast3A_755 : vector<32xbf16>
        %unpack3A_757 = tpu.unpack_subelements %mul3A_756, 0 {pack_format = #tpu.pack_format<interleaved>} : vector<32xbf16> -> vector<16xf32>
        %unpack3A_758 = tpu.unpack_subelements %mul3A_756, 1 {pack_format = #tpu.pack_format<interleaved>} : vector<32xbf16> -> vector<16xf32>
        %add3A_759 = arith.addf %broadcast_in_dim3A_745, %unpack3A_757 : vector<16xf32>
        %add3A_760 = arith.addf %broadcast_in_dim3A_747, %unpack3A_758 : vector<16xf32>
        %get3A_761 = arith.index_cast %add3A_743 : i32 to index
        %get3A_762 = arith.constant 16 : index
        %get3A_763 = tpu.vector_load %arg10[%get3A_761, %get3A_762] {strides = array<i32>} : memref<80x64xi32, #tpu.memory_space<vmem>>, vector<16xi32>,
        %bitcast3A_764 = vector.bitcast %get3A_763 : vector<16xi32> to vector<32xbf16>
        %get3A_765 = arith.index_cast %add3A_743 : i32 to index
        %get3A_766 = arith.constant 16 : index
        %get3A_767 = tpu.vector_load %arg11[%get3A_765, %get3A_766] {strides = array<i32>} : memref<80x64xi32, #tpu.memory_space<vmem>>, vector<16xi32>,
        %bitcast3A_768 = vector.bitcast %get3A_767 : vector<16xi32> to vector<32xbf16>
        %mul3A_769 = arith.mulf %bitcast3A_764, %bitcast3A_768 : vector<32xbf16>
        %unpack3A_770 = tpu.unpack_subelements %mul3A_769, 0 {pack_format = #tpu.pack_format<interleaved>} : vector<32xbf16> -> vector<16xf32>
        %unpack3A_771 = tpu.unpack_subelements %mul3A_769, 1 {pack_format = #tpu.pack_format<interleaved>} : vector<32xbf16> -> vector<16xf32>
        %add3A_772 = arith.addf %add3A_759, %unpack3A_770 : vector<16xf32>
        %add3A_773 = arith.addf %add3A_760, %unpack3A_771 : vector<16xf32>
        %get3A_774 = arith.index_cast %add3A_743 : i32 to index
        %get3A_775 = arith.constant 32 : index
        %get3A_776 = tpu.vector_load %arg10[%get3A_774, %get3A_775] {strides = array<i32>} : memref<80x64xi32, #tpu.memory_space<vmem>>, vector<16xi32>,
        %bitcast3A_777 = vector.bitcast %get3A_776 : vector<16xi32> to vector<32xbf16>
        %get3A_778 = arith.index_cast %add3A_743 : i32 to index
        %get3A_779 = arith.constant 32 : index
        %get3A_780 = tpu.vector_load %arg11[%get3A_778, %get3A_779] {strides = array<i32>} : memref<80x64xi32, #tpu.memory_space<vmem>>, vector<16xi32>,
        %bitcast3A_781 = vector.bitcast %get3A_780 : vector<16xi32> to vector<32xbf16>
        %mul3A_782 = arith.mulf %bitcast3A_777, %bitcast3A_781 : vector<32xbf16>
        %unpack3A_783 = tpu.unpack_subelements %mul3A_782, 0 {pack_format = #tpu.pack_format<interleaved>} : vector<32xbf16> -> vector<16xf32>
        %unpack3A_784 = tpu.unpack_subelements %mul3A_782, 1 {pack_format = #tpu.pack_format<interleaved>} : vector<32xbf16> -> vector<16xf32>
        %add3A_785 = arith.addf %add3A_772, %unpack3A_783 : vector<16xf32>
        %add3A_786 = arith.addf %add3A_773, %unpack3A_784 : vector<16xf32>
        %get3A_787 = arith.index_cast %add3A_743 : i32 to index
        %get3A_788 = arith.constant 48 : index
        %get3A_789 = tpu.vector_load %arg10[%get3A_787, %get3A_788] {strides = array<i32>} : memref<80x64xi32, #tpu.memory_space<vmem>>, vector<16xi32>,
        %bitcast3A_790 = vector.bitcast %get3A_789 : vector<16xi32> to vector<32xbf16>
        %get3A_791 = arith.index_cast %add3A_743 : i32 to index
        %get3A_792 = arith.constant 48 : index
        %get3A_793 = tpu.vector_load %arg11[%get3A_791, %get3A_792] {strides = array<i32>} : memref<80x64xi32, #tpu.memory_space<vmem>>, vector<16xi32>,
        %bitcast3A_794 = vector.bitcast %get3A_793 : vector<16xi32> to vector<32xbf16>
        %mul3A_795 = arith.mulf %bitcast3A_790, %bitcast3A_794 : vector<32xbf16>
        %unpack3A_796 = tpu.unpack_subelements %mul3A_795, 0 {pack_format = #tpu.pack_format<interleaved>} : vector<32xbf16> -> vector<16xf32>
        %unpack3A_797 = tpu.unpack_subelements %mul3A_795, 1 {pack_format = #tpu.pack_format<interleaved>} : vector<32xbf16> -> vector<16xf32>
        %add3A_798 = arith.addf %add3A_785, %unpack3A_796 : vector<16xf32>
        %add3A_799 = arith.addf %add3A_786, %unpack3A_797 : vector<16xf32>
        %mul3A_800 = arith.constant 17 : i32
        %mul3A_801 = vector.broadcast %mul3A_800 : i32 to vector<16xi32>
        %mul3A_802 = arith.muli %iota3A, %mul3A_801 : vector<16xi32>
        %add3A_803 = arith.constant 10 : i32
        %add3A_804 = vector.broadcast %add3A_803 : i32 to vector<16xi32>
        %add3A_805 = arith.addi %mul3A_802, %add3A_804 : vector<16xi32>
        %add3A_806 = arith.addf %add3A_798, %add3A_799 : vector<16xf32>
        tpu.vector_store_idx %arg13[%add3A_805], %add3A_806 : memref<272xf32, #tpu.memory_space<vmem>>[vector<16xi32>], vector<16xf32>,
        %add3A_807 = arith.constant 11 : i32
        %add3A_808 = arith.addi %mul3A_95, %add3A_807 : i32
        %broadcast_in_dim3A_809 = arith.constant 0.000000e+00 : f32
        %broadcast_in_dim3A_810 = vector.broadcast %broadcast_in_dim3A_809 : f32 to vector<16xf32>
        %broadcast_in_dim3A_811 = arith.constant 0.000000e+00 : f32
        %broadcast_in_dim3A_812 = vector.broadcast %broadcast_in_dim3A_811 : f32 to vector<16xf32>
        %get3A_813 = arith.index_cast %add3A_808 : i32 to index
        %get3A_814 = arith.constant 0 : index
        %get3A_815 = tpu.vector_load %arg10[%get3A_813, %get3A_814] {strides = array<i32>} : memref<80x64xi32, #tpu.memory_space<vmem>>, vector<16xi32>,
        %bitcast3A_816 = vector.bitcast %get3A_815 : vector<16xi32> to vector<32xbf16>
        %get3A_817 = arith.index_cast %add3A_808 : i32 to index
        %get3A_818 = arith.constant 0 : index
        %get3A_819 = tpu.vector_load %arg11[%get3A_817, %get3A_818] {strides = array<i32>} : memref<80x64xi32, #tpu.memory_space<vmem>>, vector<16xi32>,
        %bitcast3A_820 = vector.bitcast %get3A_819 : vector<16xi32> to vector<32xbf16>
        %mul3A_821 = arith.mulf %bitcast3A_816, %bitcast3A_820 : vector<32xbf16>
        %unpack3A_822 = tpu.unpack_subelements %mul3A_821, 0 {pack_format = #tpu.pack_format<interleaved>} : vector<32xbf16> -> vector<16xf32>
        %unpack3A_823 = tpu.unpack_subelements %mul3A_821, 1 {pack_format = #tpu.pack_format<interleaved>} : vector<32xbf16> -> vector<16xf32>
        %add3A_824 = arith.addf %broadcast_in_dim3A_810, %unpack3A_822 : vector<16xf32>
        %add3A_825 = arith.addf %broadcast_in_dim3A_812, %unpack3A_823 : vector<16xf32>
        %get3A_826 = arith.index_cast %add3A_808 : i32 to index
        %get3A_827 = arith.constant 16 : index
        %get3A_828 = tpu.vector_load %arg10[%get3A_826, %get3A_827] {strides = array<i32>} : memref<80x64xi32, #tpu.memory_space<vmem>>, vector<16xi32>,
        %bitcast3A_829 = vector.bitcast %get3A_828 : vector<16xi32> to vector<32xbf16>
        %get3A_830 = arith.index_cast %add3A_808 : i32 to index
        %get3A_831 = arith.constant 16 : index
        %get3A_832 = tpu.vector_load %arg11[%get3A_830, %get3A_831] {strides = array<i32>} : memref<80x64xi32, #tpu.memory_space<vmem>>, vector<16xi32>,
        %bitcast3A_833 = vector.bitcast %get3A_832 : vector<16xi32> to vector<32xbf16>
        %mul3A_834 = arith.mulf %bitcast3A_829, %bitcast3A_833 : vector<32xbf16>
        %unpack3A_835 = tpu.unpack_subelements %mul3A_834, 0 {pack_format = #tpu.pack_format<interleaved>} : vector<32xbf16> -> vector<16xf32>
        %unpack3A_836 = tpu.unpack_subelements %mul3A_834, 1 {pack_format = #tpu.pack_format<interleaved>} : vector<32xbf16> -> vector<16xf32>
        %add3A_837 = arith.addf %add3A_824, %unpack3A_835 : vector<16xf32>
        %add3A_838 = arith.addf %add3A_825, %unpack3A_836 : vector<16xf32>
        %get3A_839 = arith.index_cast %add3A_808 : i32 to index
        %get3A_840 = arith.constant 32 : index
        %get3A_841 = tpu.vector_load %arg10[%get3A_839, %get3A_840] {strides = array<i32>} : memref<80x64xi32, #tpu.memory_space<vmem>>, vector<16xi32>,
        %bitcast3A_842 = vector.bitcast %get3A_841 : vector<16xi32> to vector<32xbf16>
        %get3A_843 = arith.index_cast %add3A_808 : i32 to index
        %get3A_844 = arith.constant 32 : index
        %get3A_845 = tpu.vector_load %arg11[%get3A_843, %get3A_844] {strides = array<i32>} : memref<80x64xi32, #tpu.memory_space<vmem>>, vector<16xi32>,
        %bitcast3A_846 = vector.bitcast %get3A_845 : vector<16xi32> to vector<32xbf16>
        %mul3A_847 = arith.mulf %bitcast3A_842, %bitcast3A_846 : vector<32xbf16>
        %unpack3A_848 = tpu.unpack_subelements %mul3A_847, 0 {pack_format = #tpu.pack_format<interleaved>} : vector<32xbf16> -> vector<16xf32>
        %unpack3A_849 = tpu.unpack_subelements %mul3A_847, 1 {pack_format = #tpu.pack_format<interleaved>} : vector<32xbf16> -> vector<16xf32>
        %add3A_850 = arith.addf %add3A_837, %unpack3A_848 : vector<16xf32>
        %add3A_851 = arith.addf %add3A_838, %unpack3A_849 : vector<16xf32>
        %get3A_852 = arith.index_cast %add3A_808 : i32 to index
        %get3A_853 = arith.constant 48 : index
        %get3A_854 = tpu.vector_load %arg10[%get3A_852, %get3A_853] {strides = array<i32>} : memref<80x64xi32, #tpu.memory_space<vmem>>, vector<16xi32>,
        %bitcast3A_855 = vector.bitcast %get3A_854 : vector<16xi32> to vector<32xbf16>
        %get3A_856 = arith.index_cast %add3A_808 : i32 to index
        %get3A_857 = arith.constant 48 : index
        %get3A_858 = tpu.vector_load %arg11[%get3A_856, %get3A_857] {strides = array<i32>} : memref<80x64xi32, #tpu.memory_space<vmem>>, vector<16xi32>,
        %bitcast3A_859 = vector.bitcast %get3A_858 : vector<16xi32> to vector<32xbf16>
        %mul3A_860 = arith.mulf %bitcast3A_855, %bitcast3A_859 : vector<32xbf16>
        %unpack3A_861 = tpu.unpack_subelements %mul3A_860, 0 {pack_format = #tpu.pack_format<interleaved>} : vector<32xbf16> -> vector<16xf32>
        %unpack3A_862 = tpu.unpack_subelements %mul3A_860, 1 {pack_format = #tpu.pack_format<interleaved>} : vector<32xbf16> -> vector<16xf32>
        %add3A_863 = arith.addf %add3A_850, %unpack3A_861 : vector<16xf32>
        %add3A_864 = arith.addf %add3A_851, %unpack3A_862 : vector<16xf32>
        %mul3A_865 = arith.constant 17 : i32
        %mul3A_866 = vector.broadcast %mul3A_865 : i32 to vector<16xi32>
        %mul3A_867 = arith.muli %iota3A, %mul3A_866 : vector<16xi32>
        %add3A_868 = arith.constant 11 : i32
        %add3A_869 = vector.broadcast %add3A_868 : i32 to vector<16xi32>
        %add3A_870 = arith.addi %mul3A_867, %add3A_869 : vector<16xi32>
        %add3A_871 = arith.addf %add3A_863, %add3A_864 : vector<16xf32>
        tpu.vector_store_idx %arg13[%add3A_870], %add3A_871 : memref<272xf32, #tpu.memory_space<vmem>>[vector<16xi32>], vector<16xf32>,
        %add3A_872 = arith.constant 12 : i32
        %add3A_873 = arith.addi %mul3A_95, %add3A_872 : i32
        %broadcast_in_dim3A_874 = arith.constant 0.000000e+00 : f32
        %broadcast_in_dim3A_875 = vector.broadcast %broadcast_in_dim3A_874 : f32 to vector<16xf32>
        %broadcast_in_dim3A_876 = arith.constant 0.000000e+00 : f32
        %broadcast_in_dim3A_877 = vector.broadcast %broadcast_in_dim3A_876 : f32 to vector<16xf32>
        %get3A_878 = arith.index_cast %add3A_873 : i32 to index
        %get3A_879 = arith.constant 0 : index
        %get3A_880 = tpu.vector_load %arg10[%get3A_878, %get3A_879] {strides = array<i32>} : memref<80x64xi32, #tpu.memory_space<vmem>>, vector<16xi32>,
        %bitcast3A_881 = vector.bitcast %get3A_880 : vector<16xi32> to vector<32xbf16>
        %get3A_882 = arith.index_cast %add3A_873 : i32 to index
        %get3A_883 = arith.constant 0 : index
        %get3A_884 = tpu.vector_load %arg11[%get3A_882, %get3A_883] {strides = array<i32>} : memref<80x64xi32, #tpu.memory_space<vmem>>, vector<16xi32>,
        %bitcast3A_885 = vector.bitcast %get3A_884 : vector<16xi32> to vector<32xbf16>
        %mul3A_886 = arith.mulf %bitcast3A_881, %bitcast3A_885 : vector<32xbf16>
        %unpack3A_887 = tpu.unpack_subelements %mul3A_886, 0 {pack_format = #tpu.pack_format<interleaved>} : vector<32xbf16> -> vector<16xf32>
        %unpack3A_888 = tpu.unpack_subelements %mul3A_886, 1 {pack_format = #tpu.pack_format<interleaved>} : vector<32xbf16> -> vector<16xf32>
        %add3A_889 = arith.addf %broadcast_in_dim3A_875, %unpack3A_887 : vector<16xf32>
        %add3A_890 = arith.addf %broadcast_in_dim3A_877, %unpack3A_888 : vector<16xf32>
        %get3A_891 = arith.index_cast %add3A_873 : i32 to index
        %get3A_892 = arith.constant 16 : index
        %get3A_893 = tpu.vector_load %arg10[%get3A_891, %get3A_892] {strides = array<i32>} : memref<80x64xi32, #tpu.memory_space<vmem>>, vector<16xi32>,
        %bitcast3A_894 = vector.bitcast %get3A_893 : vector<16xi32> to vector<32xbf16>
        %get3A_895 = arith.index_cast %add3A_873 : i32 to index
        %get3A_896 = arith.constant 16 : index
        %get3A_897 = tpu.vector_load %arg11[%get3A_895, %get3A_896] {strides = array<i32>} : memref<80x64xi32, #tpu.memory_space<vmem>>, vector<16xi32>,
        %bitcast3A_898 = vector.bitcast %get3A_897 : vector<16xi32> to vector<32xbf16>
        %mul3A_899 = arith.mulf %bitcast3A_894, %bitcast3A_898 : vector<32xbf16>
        %unpack3A_900 = tpu.unpack_subelements %mul3A_899, 0 {pack_format = #tpu.pack_format<interleaved>} : vector<32xbf16> -> vector<16xf32>
        %unpack3A_901 = tpu.unpack_subelements %mul3A_899, 1 {pack_format = #tpu.pack_format<interleaved>} : vector<32xbf16> -> vector<16xf32>
        %add3A_902 = arith.addf %add3A_889, %unpack3A_900 : vector<16xf32>
        %add3A_903 = arith.addf %add3A_890, %unpack3A_901 : vector<16xf32>
        %get3A_904 = arith.index_cast %add3A_873 : i32 to index
        %get3A_905 = arith.constant 32 : index
        %get3A_906 = tpu.vector_load %arg10[%get3A_904, %get3A_905] {strides = array<i32>} : memref<80x64xi32, #tpu.memory_space<vmem>>, vector<16xi32>,
        %bitcast3A_907 = vector.bitcast %get3A_906 : vector<16xi32> to vector<32xbf16>
        %get3A_908 = arith.index_cast %add3A_873 : i32 to index
        %get3A_909 = arith.constant 32 : index
        %get3A_910 = tpu.vector_load %arg11[%get3A_908, %get3A_909] {strides = array<i32>} : memref<80x64xi32, #tpu.memory_space<vmem>>, vector<16xi32>,
        %bitcast3A_911 = vector.bitcast %get3A_910 : vector<16xi32> to vector<32xbf16>
        %mul3A_912 = arith.mulf %bitcast3A_907, %bitcast3A_911 : vector<32xbf16>
        %unpack3A_913 = tpu.unpack_subelements %mul3A_912, 0 {pack_format = #tpu.pack_format<interleaved>} : vector<32xbf16> -> vector<16xf32>
        %unpack3A_914 = tpu.unpack_subelements %mul3A_912, 1 {pack_format = #tpu.pack_format<interleaved>} : vector<32xbf16> -> vector<16xf32>
        %add3A_915 = arith.addf %add3A_902, %unpack3A_913 : vector<16xf32>
        %add3A_916 = arith.addf %add3A_903, %unpack3A_914 : vector<16xf32>
        %get3A_917 = arith.index_cast %add3A_873 : i32 to index
        %get3A_918 = arith.constant 48 : index
        %get3A_919 = tpu.vector_load %arg10[%get3A_917, %get3A_918] {strides = array<i32>} : memref<80x64xi32, #tpu.memory_space<vmem>>, vector<16xi32>,
        %bitcast3A_920 = vector.bitcast %get3A_919 : vector<16xi32> to vector<32xbf16>
        %get3A_921 = arith.index_cast %add3A_873 : i32 to index
        %get3A_922 = arith.constant 48 : index
        %get3A_923 = tpu.vector_load %arg11[%get3A_921, %get3A_922] {strides = array<i32>} : memref<80x64xi32, #tpu.memory_space<vmem>>, vector<16xi32>,
        %bitcast3A_924 = vector.bitcast %get3A_923 : vector<16xi32> to vector<32xbf16>
        %mul3A_925 = arith.mulf %bitcast3A_920, %bitcast3A_924 : vector<32xbf16>
        %unpack3A_926 = tpu.unpack_subelements %mul3A_925, 0 {pack_format = #tpu.pack_format<interleaved>} : vector<32xbf16> -> vector<16xf32>
        %unpack3A_927 = tpu.unpack_subelements %mul3A_925, 1 {pack_format = #tpu.pack_format<interleaved>} : vector<32xbf16> -> vector<16xf32>
        %add3A_928 = arith.addf %add3A_915, %unpack3A_926 : vector<16xf32>
        %add3A_929 = arith.addf %add3A_916, %unpack3A_927 : vector<16xf32>
        %mul3A_930 = arith.constant 17 : i32
        %mul3A_931 = vector.broadcast %mul3A_930 : i32 to vector<16xi32>
        %mul3A_932 = arith.muli %iota3A, %mul3A_931 : vector<16xi32>
        %add3A_933 = arith.constant 12 : i32
        %add3A_934 = vector.broadcast %add3A_933 : i32 to vector<16xi32>
        %add3A_935 = arith.addi %mul3A_932, %add3A_934 : vector<16xi32>
        %add3A_936 = arith.addf %add3A_928, %add3A_929 : vector<16xf32>
        tpu.vector_store_idx %arg13[%add3A_935], %add3A_936 : memref<272xf32, #tpu.memory_space<vmem>>[vector<16xi32>], vector<16xf32>,
        %add3A_937 = arith.constant 13 : i32
        %add3A_938 = arith.addi %mul3A_95, %add3A_937 : i32
        %broadcast_in_dim3A_939 = arith.constant 0.000000e+00 : f32
        %broadcast_in_dim3A_940 = vector.broadcast %broadcast_in_dim3A_939 : f32 to vector<16xf32>
        %broadcast_in_dim3A_941 = arith.constant 0.000000e+00 : f32
        %broadcast_in_dim3A_942 = vector.broadcast %broadcast_in_dim3A_941 : f32 to vector<16xf32>
        %get3A_943 = arith.index_cast %add3A_938 : i32 to index
        %get3A_944 = arith.constant 0 : index
        %get3A_945 = tpu.vector_load %arg10[%get3A_943, %get3A_944] {strides = array<i32>} : memref<80x64xi32, #tpu.memory_space<vmem>>, vector<16xi32>,
        %bitcast3A_946 = vector.bitcast %get3A_945 : vector<16xi32> to vector<32xbf16>
        %get3A_947 = arith.index_cast %add3A_938 : i32 to index
        %get3A_948 = arith.constant 0 : index
        %get3A_949 = tpu.vector_load %arg11[%get3A_947, %get3A_948] {strides = array<i32>} : memref<80x64xi32, #tpu.memory_space<vmem>>, vector<16xi32>,
        %bitcast3A_950 = vector.bitcast %get3A_949 : vector<16xi32> to vector<32xbf16>
        %mul3A_951 = arith.mulf %bitcast3A_946, %bitcast3A_950 : vector<32xbf16>
        %unpack3A_952 = tpu.unpack_subelements %mul3A_951, 0 {pack_format = #tpu.pack_format<interleaved>} : vector<32xbf16> -> vector<16xf32>
        %unpack3A_953 = tpu.unpack_subelements %mul3A_951, 1 {pack_format = #tpu.pack_format<interleaved>} : vector<32xbf16> -> vector<16xf32>
        %add3A_954 = arith.addf %broadcast_in_dim3A_940, %unpack3A_952 : vector<16xf32>
        %add3A_955 = arith.addf %broadcast_in_dim3A_942, %unpack3A_953 : vector<16xf32>
        %get3A_956 = arith.index_cast %add3A_938 : i32 to index
        %get3A_957 = arith.constant 16 : index
        %get3A_958 = tpu.vector_load %arg10[%get3A_956, %get3A_957] {strides = array<i32>} : memref<80x64xi32, #tpu.memory_space<vmem>>, vector<16xi32>,
        %bitcast3A_959 = vector.bitcast %get3A_958 : vector<16xi32> to vector<32xbf16>
        %get3A_960 = arith.index_cast %add3A_938 : i32 to index
        %get3A_961 = arith.constant 16 : index
        %get3A_962 = tpu.vector_load %arg11[%get3A_960, %get3A_961] {strides = array<i32>} : memref<80x64xi32, #tpu.memory_space<vmem>>, vector<16xi32>,
        %bitcast3A_963 = vector.bitcast %get3A_962 : vector<16xi32> to vector<32xbf16>
        %mul3A_964 = arith.mulf %bitcast3A_959, %bitcast3A_963 : vector<32xbf16>
        %unpack3A_965 = tpu.unpack_subelements %mul3A_964, 0 {pack_format = #tpu.pack_format<interleaved>} : vector<32xbf16> -> vector<16xf32>
        %unpack3A_966 = tpu.unpack_subelements %mul3A_964, 1 {pack_format = #tpu.pack_format<interleaved>} : vector<32xbf16> -> vector<16xf32>
        %add3A_967 = arith.addf %add3A_954, %unpack3A_965 : vector<16xf32>
        %add3A_968 = arith.addf %add3A_955, %unpack3A_966 : vector<16xf32>
        %get3A_969 = arith.index_cast %add3A_938 : i32 to index
        %get3A_970 = arith.constant 32 : index
        %get3A_971 = tpu.vector_load %arg10[%get3A_969, %get3A_970] {strides = array<i32>} : memref<80x64xi32, #tpu.memory_space<vmem>>, vector<16xi32>,
        %bitcast3A_972 = vector.bitcast %get3A_971 : vector<16xi32> to vector<32xbf16>
        %get3A_973 = arith.index_cast %add3A_938 : i32 to index
        %get3A_974 = arith.constant 32 : index
        %get3A_975 = tpu.vector_load %arg11[%get3A_973, %get3A_974] {strides = array<i32>} : memref<80x64xi32, #tpu.memory_space<vmem>>, vector<16xi32>,
        %bitcast3A_976 = vector.bitcast %get3A_975 : vector<16xi32> to vector<32xbf16>
        %mul3A_977 = arith.mulf %bitcast3A_972, %bitcast3A_976 : vector<32xbf16>
        %unpack3A_978 = tpu.unpack_subelements %mul3A_977, 0 {pack_format = #tpu.pack_format<interleaved>} : vector<32xbf16> -> vector<16xf32>
        %unpack3A_979 = tpu.unpack_subelements %mul3A_977, 1 {pack_format = #tpu.pack_format<interleaved>} : vector<32xbf16> -> vector<16xf32>
        %add3A_980 = arith.addf %add3A_967, %unpack3A_978 : vector<16xf32>
        %add3A_981 = arith.addf %add3A_968, %unpack3A_979 : vector<16xf32>
        %get3A_982 = arith.index_cast %add3A_938 : i32 to index
        %get3A_983 = arith.constant 48 : index
        %get3A_984 = tpu.vector_load %arg10[%get3A_982, %get3A_983] {strides = array<i32>} : memref<80x64xi32, #tpu.memory_space<vmem>>, vector<16xi32>,
        %bitcast3A_985 = vector.bitcast %get3A_984 : vector<16xi32> to vector<32xbf16>
        %get3A_986 = arith.index_cast %add3A_938 : i32 to index
        %get3A_987 = arith.constant 48 : index
        %get3A_988 = tpu.vector_load %arg11[%get3A_986, %get3A_987] {strides = array<i32>} : memref<80x64xi32, #tpu.memory_space<vmem>>, vector<16xi32>,
        %bitcast3A_989 = vector.bitcast %get3A_988 : vector<16xi32> to vector<32xbf16>
        %mul3A_990 = arith.mulf %bitcast3A_985, %bitcast3A_989 : vector<32xbf16>
        %unpack3A_991 = tpu.unpack_subelements %mul3A_990, 0 {pack_format = #tpu.pack_format<interleaved>} : vector<32xbf16> -> vector<16xf32>
        %unpack3A_992 = tpu.unpack_subelements %mul3A_990, 1 {pack_format = #tpu.pack_format<interleaved>} : vector<32xbf16> -> vector<16xf32>
        %add3A_993 = arith.addf %add3A_980, %unpack3A_991 : vector<16xf32>
        %add3A_994 = arith.addf %add3A_981, %unpack3A_992 : vector<16xf32>
        %mul3A_995 = arith.constant 17 : i32
        %mul3A_996 = vector.broadcast %mul3A_995 : i32 to vector<16xi32>
        %mul3A_997 = arith.muli %iota3A, %mul3A_996 : vector<16xi32>
        %add3A_998 = arith.constant 13 : i32
        %add3A_999 = vector.broadcast %add3A_998 : i32 to vector<16xi32>
        %add3A_1000 = arith.addi %mul3A_997, %add3A_999 : vector<16xi32>
        %add3A_1001 = arith.addf %add3A_993, %add3A_994 : vector<16xf32>
        tpu.vector_store_idx %arg13[%add3A_1000], %add3A_1001 : memref<272xf32, #tpu.memory_space<vmem>>[vector<16xi32>], vector<16xf32>,
        %add3A_1002 = arith.constant 14 : i32
        %add3A_1003 = arith.addi %mul3A_95, %add3A_1002 : i32
        %broadcast_in_dim3A_1004 = arith.constant 0.000000e+00 : f32
        %broadcast_in_dim3A_1005 = vector.broadcast %broadcast_in_dim3A_1004 : f32 to vector<16xf32>
        %broadcast_in_dim3A_1006 = arith.constant 0.000000e+00 : f32
        %broadcast_in_dim3A_1007 = vector.broadcast %broadcast_in_dim3A_1006 : f32 to vector<16xf32>
        %get3A_1008 = arith.index_cast %add3A_1003 : i32 to index
        %get3A_1009 = arith.constant 0 : index
        %get3A_1010 = tpu.vector_load %arg10[%get3A_1008, %get3A_1009] {strides = array<i32>} : memref<80x64xi32, #tpu.memory_space<vmem>>, vector<16xi32>,
        %bitcast3A_1011 = vector.bitcast %get3A_1010 : vector<16xi32> to vector<32xbf16>
        %get3A_1012 = arith.index_cast %add3A_1003 : i32 to index
        %get3A_1013 = arith.constant 0 : index
        %get3A_1014 = tpu.vector_load %arg11[%get3A_1012, %get3A_1013] {strides = array<i32>} : memref<80x64xi32, #tpu.memory_space<vmem>>, vector<16xi32>,
        %bitcast3A_1015 = vector.bitcast %get3A_1014 : vector<16xi32> to vector<32xbf16>
        %mul3A_1016 = arith.mulf %bitcast3A_1011, %bitcast3A_1015 : vector<32xbf16>
        %unpack3A_1017 = tpu.unpack_subelements %mul3A_1016, 0 {pack_format = #tpu.pack_format<interleaved>} : vector<32xbf16> -> vector<16xf32>
        %unpack3A_1018 = tpu.unpack_subelements %mul3A_1016, 1 {pack_format = #tpu.pack_format<interleaved>} : vector<32xbf16> -> vector<16xf32>
        %add3A_1019 = arith.addf %broadcast_in_dim3A_1005, %unpack3A_1017 : vector<16xf32>
        %add3A_1020 = arith.addf %broadcast_in_dim3A_1007, %unpack3A_1018 : vector<16xf32>
        %get3A_1021 = arith.index_cast %add3A_1003 : i32 to index
        %get3A_1022 = arith.constant 16 : index
        %get3A_1023 = tpu.vector_load %arg10[%get3A_1021, %get3A_1022] {strides = array<i32>} : memref<80x64xi32, #tpu.memory_space<vmem>>, vector<16xi32>,
        %bitcast3A_1024 = vector.bitcast %get3A_1023 : vector<16xi32> to vector<32xbf16>
        %get3A_1025 = arith.index_cast %add3A_1003 : i32 to index
        %get3A_1026 = arith.constant 16 : index
        %get3A_1027 = tpu.vector_load %arg11[%get3A_1025, %get3A_1026] {strides = array<i32>} : memref<80x64xi32, #tpu.memory_space<vmem>>, vector<16xi32>,
        %bitcast3A_1028 = vector.bitcast %get3A_1027 : vector<16xi32> to vector<32xbf16>
        %mul3A_1029 = arith.mulf %bitcast3A_1024, %bitcast3A_1028 : vector<32xbf16>
        %unpack3A_1030 = tpu.unpack_subelements %mul3A_1029, 0 {pack_format = #tpu.pack_format<interleaved>} : vector<32xbf16> -> vector<16xf32>
        %unpack3A_1031 = tpu.unpack_subelements %mul3A_1029, 1 {pack_format = #tpu.pack_format<interleaved>} : vector<32xbf16> -> vector<16xf32>
        %add3A_1032 = arith.addf %add3A_1019, %unpack3A_1030 : vector<16xf32>
        %add3A_1033 = arith.addf %add3A_1020, %unpack3A_1031 : vector<16xf32>
        %get3A_1034 = arith.index_cast %add3A_1003 : i32 to index
        %get3A_1035 = arith.constant 32 : index
        %get3A_1036 = tpu.vector_load %arg10[%get3A_1034, %get3A_1035] {strides = array<i32>} : memref<80x64xi32, #tpu.memory_space<vmem>>, vector<16xi32>,
        %bitcast3A_1037 = vector.bitcast %get3A_1036 : vector<16xi32> to vector<32xbf16>
        %get3A_1038 = arith.index_cast %add3A_1003 : i32 to index
        %get3A_1039 = arith.constant 32 : index
        %get3A_1040 = tpu.vector_load %arg11[%get3A_1038, %get3A_1039] {strides = array<i32>} : memref<80x64xi32, #tpu.memory_space<vmem>>, vector<16xi32>,
        %bitcast3A_1041 = vector.bitcast %get3A_1040 : vector<16xi32> to vector<32xbf16>
        %mul3A_1042 = arith.mulf %bitcast3A_1037, %bitcast3A_1041 : vector<32xbf16>
        %unpack3A_1043 = tpu.unpack_subelements %mul3A_1042, 0 {pack_format = #tpu.pack_format<interleaved>} : vector<32xbf16> -> vector<16xf32>
        %unpack3A_1044 = tpu.unpack_subelements %mul3A_1042, 1 {pack_format = #tpu.pack_format<interleaved>} : vector<32xbf16> -> vector<16xf32>
        %add3A_1045 = arith.addf %add3A_1032, %unpack3A_1043 : vector<16xf32>
        %add3A_1046 = arith.addf %add3A_1033, %unpack3A_1044 : vector<16xf32>
        %get3A_1047 = arith.index_cast %add3A_1003 : i32 to index
        %get3A_1048 = arith.constant 48 : index
        %get3A_1049 = tpu.vector_load %arg10[%get3A_1047, %get3A_1048] {strides = array<i32>} : memref<80x64xi32, #tpu.memory_space<vmem>>, vector<16xi32>,
        %bitcast3A_1050 = vector.bitcast %get3A_1049 : vector<16xi32> to vector<32xbf16>
        %get3A_1051 = arith.index_cast %add3A_1003 : i32 to index
        %get3A_1052 = arith.constant 48 : index
        %get3A_1053 = tpu.vector_load %arg11[%get3A_1051, %get3A_1052] {strides = array<i32>} : memref<80x64xi32, #tpu.memory_space<vmem>>, vector<16xi32>,
        %bitcast3A_1054 = vector.bitcast %get3A_1053 : vector<16xi32> to vector<32xbf16>
        %mul3A_1055 = arith.mulf %bitcast3A_1050, %bitcast3A_1054 : vector<32xbf16>
        %unpack3A_1056 = tpu.unpack_subelements %mul3A_1055, 0 {pack_format = #tpu.pack_format<interleaved>} : vector<32xbf16> -> vector<16xf32>
        %unpack3A_1057 = tpu.unpack_subelements %mul3A_1055, 1 {pack_format = #tpu.pack_format<interleaved>} : vector<32xbf16> -> vector<16xf32>
        %add3A_1058 = arith.addf %add3A_1045, %unpack3A_1056 : vector<16xf32>
        %add3A_1059 = arith.addf %add3A_1046, %unpack3A_1057 : vector<16xf32>
        %mul3A_1060 = arith.constant 17 : i32
        %mul3A_1061 = vector.broadcast %mul3A_1060 : i32 to vector<16xi32>
        %mul3A_1062 = arith.muli %iota3A, %mul3A_1061 : vector<16xi32>
        %add3A_1063 = arith.constant 14 : i32
        %add3A_1064 = vector.broadcast %add3A_1063 : i32 to vector<16xi32>
        %add3A_1065 = arith.addi %mul3A_1062, %add3A_1064 : vector<16xi32>
        %add3A_1066 = arith.addf %add3A_1058, %add3A_1059 : vector<16xf32>
        tpu.vector_store_idx %arg13[%add3A_1065], %add3A_1066 : memref<272xf32, #tpu.memory_space<vmem>>[vector<16xi32>], vector<16xf32>,
        %add3A_1067 = arith.constant 15 : i32
        %add3A_1068 = arith.addi %mul3A_95, %add3A_1067 : i32
        %broadcast_in_dim3A_1069 = arith.constant 0.000000e+00 : f32
        %broadcast_in_dim3A_1070 = vector.broadcast %broadcast_in_dim3A_1069 : f32 to vector<16xf32>
        %broadcast_in_dim3A_1071 = arith.constant 0.000000e+00 : f32
        %broadcast_in_dim3A_1072 = vector.broadcast %broadcast_in_dim3A_1071 : f32 to vector<16xf32>
        %get3A_1073 = arith.index_cast %add3A_1068 : i32 to index
        %get3A_1074 = arith.constant 0 : index
        %get3A_1075 = tpu.vector_load %arg10[%get3A_1073, %get3A_1074] {strides = array<i32>} : memref<80x64xi32, #tpu.memory_space<vmem>>, vector<16xi32>,
        %bitcast3A_1076 = vector.bitcast %get3A_1075 : vector<16xi32> to vector<32xbf16>
        %get3A_1077 = arith.index_cast %add3A_1068 : i32 to index
        %get3A_1078 = arith.constant 0 : index
        %get3A_1079 = tpu.vector_load %arg11[%get3A_1077, %get3A_1078] {strides = array<i32>} : memref<80x64xi32, #tpu.memory_space<vmem>>, vector<16xi32>,
        %bitcast3A_1080 = vector.bitcast %get3A_1079 : vector<16xi32> to vector<32xbf16>
        %mul3A_1081 = arith.mulf %bitcast3A_1076, %bitcast3A_1080 : vector<32xbf16>
        %unpack3A_1082 = tpu.unpack_subelements %mul3A_1081, 0 {pack_format = #tpu.pack_format<interleaved>} : vector<32xbf16> -> vector<16xf32>
        %unpack3A_1083 = tpu.unpack_subelements %mul3A_1081, 1 {pack_format = #tpu.pack_format<interleaved>} : vector<32xbf16> -> vector<16xf32>
        %add3A_1084 = arith.addf %broadcast_in_dim3A_1070, %unpack3A_1082 : vector<16xf32>
        %add3A_1085 = arith.addf %broadcast_in_dim3A_1072, %unpack3A_1083 : vector<16xf32>
        %get3A_1086 = arith.index_cast %add3A_1068 : i32 to index
        %get3A_1087 = arith.constant 16 : index
        %get3A_1088 = tpu.vector_load %arg10[%get3A_1086, %get3A_1087] {strides = array<i32>} : memref<80x64xi32, #tpu.memory_space<vmem>>, vector<16xi32>,
        %bitcast3A_1089 = vector.bitcast %get3A_1088 : vector<16xi32> to vector<32xbf16>
        %get3A_1090 = arith.index_cast %add3A_1068 : i32 to index
        %get3A_1091 = arith.constant 16 : index
        %get3A_1092 = tpu.vector_load %arg11[%get3A_1090, %get3A_1091] {strides = array<i32>} : memref<80x64xi32, #tpu.memory_space<vmem>>, vector<16xi32>,
        %bitcast3A_1093 = vector.bitcast %get3A_1092 : vector<16xi32> to vector<32xbf16>
        %mul3A_1094 = arith.mulf %bitcast3A_1089, %bitcast3A_1093 : vector<32xbf16>
        %unpack3A_1095 = tpu.unpack_subelements %mul3A_1094, 0 {pack_format = #tpu.pack_format<interleaved>} : vector<32xbf16> -> vector<16xf32>
        %unpack3A_1096 = tpu.unpack_subelements %mul3A_1094, 1 {pack_format = #tpu.pack_format<interleaved>} : vector<32xbf16> -> vector<16xf32>
        %add3A_1097 = arith.addf %add3A_1084, %unpack3A_1095 : vector<16xf32>
        %add3A_1098 = arith.addf %add3A_1085, %unpack3A_1096 : vector<16xf32>
        %get3A_1099 = arith.index_cast %add3A_1068 : i32 to index
        %get3A_1100 = arith.constant 32 : index
        %get3A_1101 = tpu.vector_load %arg10[%get3A_1099, %get3A_1100] {strides = array<i32>} : memref<80x64xi32, #tpu.memory_space<vmem>>, vector<16xi32>,
        %bitcast3A_1102 = vector.bitcast %get3A_1101 : vector<16xi32> to vector<32xbf16>
        %get3A_1103 = arith.index_cast %add3A_1068 : i32 to index
        %get3A_1104 = arith.constant 32 : index
        %get3A_1105 = tpu.vector_load %arg11[%get3A_1103, %get3A_1104] {strides = array<i32>} : memref<80x64xi32, #tpu.memory_space<vmem>>, vector<16xi32>,
        %bitcast3A_1106 = vector.bitcast %get3A_1105 : vector<16xi32> to vector<32xbf16>
        %mul3A_1107 = arith.mulf %bitcast3A_1102, %bitcast3A_1106 : vector<32xbf16>
        %unpack3A_1108 = tpu.unpack_subelements %mul3A_1107, 0 {pack_format = #tpu.pack_format<interleaved>} : vector<32xbf16> -> vector<16xf32>
        %unpack3A_1109 = tpu.unpack_subelements %mul3A_1107, 1 {pack_format = #tpu.pack_format<interleaved>} : vector<32xbf16> -> vector<16xf32>
        %add3A_1110 = arith.addf %add3A_1097, %unpack3A_1108 : vector<16xf32>
        %add3A_1111 = arith.addf %add3A_1098, %unpack3A_1109 : vector<16xf32>
        %get3A_1112 = arith.index_cast %add3A_1068 : i32 to index
        %get3A_1113 = arith.constant 48 : index
        %get3A_1114 = tpu.vector_load %arg10[%get3A_1112, %get3A_1113] {strides = array<i32>} : memref<80x64xi32, #tpu.memory_space<vmem>>, vector<16xi32>,
        %bitcast3A_1115 = vector.bitcast %get3A_1114 : vector<16xi32> to vector<32xbf16>
        %get3A_1116 = arith.index_cast %add3A_1068 : i32 to index
        %get3A_1117 = arith.constant 48 : index
        %get3A_1118 = tpu.vector_load %arg11[%get3A_1116, %get3A_1117] {strides = array<i32>} : memref<80x64xi32, #tpu.memory_space<vmem>>, vector<16xi32>,
        %bitcast3A_1119 = vector.bitcast %get3A_1118 : vector<16xi32> to vector<32xbf16>
        %mul3A_1120 = arith.mulf %bitcast3A_1115, %bitcast3A_1119 : vector<32xbf16>
        %unpack3A_1121 = tpu.unpack_subelements %mul3A_1120, 0 {pack_format = #tpu.pack_format<interleaved>} : vector<32xbf16> -> vector<16xf32>
        %unpack3A_1122 = tpu.unpack_subelements %mul3A_1120, 1 {pack_format = #tpu.pack_format<interleaved>} : vector<32xbf16> -> vector<16xf32>
        %add3A_1123 = arith.addf %add3A_1110, %unpack3A_1121 : vector<16xf32>
        %add3A_1124 = arith.addf %add3A_1111, %unpack3A_1122 : vector<16xf32>
        %mul3A_1125 = arith.constant 17 : i32
        %mul3A_1126 = vector.broadcast %mul3A_1125 : i32 to vector<16xi32>
        %mul3A_1127 = arith.muli %iota3A, %mul3A_1126 : vector<16xi32>
        %add3A_1128 = arith.constant 15 : i32
        %add3A_1129 = vector.broadcast %add3A_1128 : i32 to vector<16xi32>
        %add3A_1130 = arith.addi %mul3A_1127, %add3A_1129 : vector<16xi32>
        %add3A_1131 = arith.addf %add3A_1123, %add3A_1124 : vector<16xf32>
        tpu.vector_store_idx %arg13[%add3A_1130], %add3A_1131 : memref<272xf32, #tpu.memory_space<vmem>>[vector<16xi32>], vector<16xf32>,
        %get3A_1132 = arith.constant 0 : index
        %get3A_1133 = tpu.vector_load %arg13[%get3A_1132] {strides = array<i32>} : memref<272xf32, #tpu.memory_space<vmem>>, vector<16xf32>,
        %get3A_1134 = arith.constant 17 : index
        %get3A_1135 = tpu.vector_load %arg13[%get3A_1134] {strides = array<i32>} : memref<272xf32, #tpu.memory_space<vmem>>, vector<16xf32>,
        %get3A_1136 = arith.constant 34 : index
        %get3A_1137 = tpu.vector_load %arg13[%get3A_1136] {strides = array<i32>} : memref<272xf32, #tpu.memory_space<vmem>>, vector<16xf32>,
        %get3A_1138 = arith.constant 51 : index
        %get3A_1139 = tpu.vector_load %arg13[%get3A_1138] {strides = array<i32>} : memref<272xf32, #tpu.memory_space<vmem>>, vector<16xf32>,
        %get3A_1140 = arith.constant 68 : index
        %get3A_1141 = tpu.vector_load %arg13[%get3A_1140] {strides = array<i32>} : memref<272xf32, #tpu.memory_space<vmem>>, vector<16xf32>,
        %get3A_1142 = arith.constant 85 : index
        %get3A_1143 = tpu.vector_load %arg13[%get3A_1142] {strides = array<i32>} : memref<272xf32, #tpu.memory_space<vmem>>, vector<16xf32>,
        %get3A_1144 = arith.constant 102 : index
        %get3A_1145 = tpu.vector_load %arg13[%get3A_1144] {strides = array<i32>} : memref<272xf32, #tpu.memory_space<vmem>>, vector<16xf32>,
        %get3A_1146 = arith.constant 119 : index
        %get3A_1147 = tpu.vector_load %arg13[%get3A_1146] {strides = array<i32>} : memref<272xf32, #tpu.memory_space<vmem>>, vector<16xf32>,
        %get3A_1148 = arith.constant 136 : index
        %get3A_1149 = tpu.vector_load %arg13[%get3A_1148] {strides = array<i32>} : memref<272xf32, #tpu.memory_space<vmem>>, vector<16xf32>,
        %get3A_1150 = arith.constant 153 : index
        %get3A_1151 = tpu.vector_load %arg13[%get3A_1150] {strides = array<i32>} : memref<272xf32, #tpu.memory_space<vmem>>, vector<16xf32>,
        %get3A_1152 = arith.constant 170 : index
        %get3A_1153 = tpu.vector_load %arg13[%get3A_1152] {strides = array<i32>} : memref<272xf32, #tpu.memory_space<vmem>>, vector<16xf32>,
        %get3A_1154 = arith.constant 187 : index
        %get3A_1155 = tpu.vector_load %arg13[%get3A_1154] {strides = array<i32>} : memref<272xf32, #tpu.memory_space<vmem>>, vector<16xf32>,
        %get3A_1156 = arith.constant 204 : index
        %get3A_1157 = tpu.vector_load %arg13[%get3A_1156] {strides = array<i32>} : memref<272xf32, #tpu.memory_space<vmem>>, vector<16xf32>,
        %get3A_1158 = arith.constant 221 : index
        %get3A_1159 = tpu.vector_load %arg13[%get3A_1158] {strides = array<i32>} : memref<272xf32, #tpu.memory_space<vmem>>, vector<16xf32>,
        %get3A_1160 = arith.constant 238 : index
        %get3A_1161 = tpu.vector_load %arg13[%get3A_1160] {strides = array<i32>} : memref<272xf32, #tpu.memory_space<vmem>>, vector<16xf32>,
        %get3A_1162 = arith.constant 255 : index
        %get3A_1163 = tpu.vector_load %arg13[%get3A_1162] {strides = array<i32>} : memref<272xf32, #tpu.memory_space<vmem>>, vector<16xf32>,
        %add3A_1164 = arith.addf %get3A_1133, %get3A_1135 : vector<16xf32>
        %add3A_1165 = arith.addf %get3A_1137, %get3A_1139 : vector<16xf32>
        %add3A_1166 = arith.addf %get3A_1141, %get3A_1143 : vector<16xf32>
        %add3A_1167 = arith.addf %get3A_1145, %get3A_1147 : vector<16xf32>
        %add3A_1168 = arith.addf %get3A_1149, %get3A_1151 : vector<16xf32>
        %add3A_1169 = arith.addf %get3A_1153, %get3A_1155 : vector<16xf32>
        %add3A_1170 = arith.addf %get3A_1157, %get3A_1159 : vector<16xf32>
        %add3A_1171 = arith.addf %get3A_1161, %get3A_1163 : vector<16xf32>
        %add3A_1172 = arith.addf %add3A_1164, %add3A_1165 : vector<16xf32>
        %add3A_1173 = arith.addf %add3A_1166, %add3A_1167 : vector<16xf32>
        %add3A_1174 = arith.addf %add3A_1168, %add3A_1169 : vector<16xf32>
        %add3A_1175 = arith.addf %add3A_1170, %add3A_1171 : vector<16xf32>
        %add3A_1176 = arith.addf %add3A_1172, %add3A_1173 : vector<16xf32>
        %add3A_1177 = arith.addf %add3A_1174, %add3A_1175 : vector<16xf32>
        %add3A_1178 = arith.addf %add3A_1176, %add3A_1177 : vector<16xf32>
        %neg3A = arith.constant 0.000000e+00 : f32
        %neg3A_1179 = vector.broadcast %neg3A : f32 to vector<16xf32>
        %neg3A_1180 = arith.subf %neg3A_1179, %add3A_1178 : vector<16xf32>
        %exp3A = math.exp %neg3A_1180 : vector<16xf32>
        %add3A_1181 = arith.constant 1.000000e+00 : f32
        %add3A_1182 = vector.broadcast %add3A_1181 : f32 to vector<16xf32>
        %add3A_1183 = arith.addf %add3A_1182, %exp3A : vector<16xf32>
        %div3A = arith.constant 1.000000e+00 : f32
        %div3A_1184 = vector.broadcast %div3A : f32 to vector<16xf32>
        %div3A_1185 = arith.divf %div3A_1184, %add3A_1183 : vector<16xf32>
        %mul3A_1186 = arith.constant 80 : i32
        %mul3A_1187 = arith.muli %add3A_86, %mul3A_1186 : i32
        %mul3A_1188 = arith.constant 16 : i32
        %mul3A_1189 = arith.muli %scan3A_93, %mul3A_1188 : i32
        %add3A_1190 = arith.addi %mul3A_1187, %mul3A_1189 : i32
        %swap3A = arith.index_cast %add3A_1190 : i32 to index
        %swap3A_1191 = tpu.vector_load %arg12[%swap3A] {strides = array<i32>} : memref<10000xf32, #tpu.memory_space<vmem>>, vector<16xf32>,
        tpu.vector_store %arg12[%swap3A], %div3A_1185 {strides = array<i32>} : memref<10000xf32, #tpu.memory_space<vmem>>, vector<16xf32>,
      }
      %scan3A_92 = arith.constant 5 : i32
    }
    %scan3A_16 = arith.constant 62 : i32
    %dma_wait3A = arith.constant 0 : i32
    %dma_wait3A_17 = tpu.memref_slice %arg6[%dma_wait3A] : memref<10000xi32, #tpu.memory_space<vmem>> -> memref<80xi32, #tpu.memory_space<vmem>>
    %dma_wait3A_18 = arith.constant 0 : i32
    %dma_wait3A_19 = arith.constant 0 : i32
    %dma_wait3A_20 = tpu.memref_slice %arg2[%dma_wait3A_18, %dma_wait3A_19] : memref<10000x64xi32, #tpu.memory_space<hbm>> -> memref<10000x64xi32, #tpu.memory_space<hbm>>
    tpu.wait_indirect_dma semaphore(%arg14 : memref<!tpu.dma_semaphore, #tpu.memory_space<semaphore_mem>>) src(%dma_wait3A_20 : memref<10000x64xi32, #tpu.memory_space<hbm>>) dst(%arg8 : memref<80x64xi32, #tpu.memory_space<vmem>>)
    %dma_wait3A_21 = arith.constant 0 : i32
    %dma_wait3A_22 = tpu.memref_slice %arg7[%dma_wait3A_21] : memref<10000xi32, #tpu.memory_space<vmem>> -> memref<80xi32, #tpu.memory_space<vmem>>
    %dma_wait3A_23 = arith.constant 0 : i32
    %dma_wait3A_24 = arith.constant 0 : i32
    %dma_wait3A_25 = tpu.memref_slice %arg2[%dma_wait3A_23, %dma_wait3A_24] : memref<10000x64xi32, #tpu.memory_space<hbm>> -> memref<10000x64xi32, #tpu.memory_space<hbm>>
    tpu.wait_indirect_dma semaphore(%arg14 : memref<!tpu.dma_semaphore, #tpu.memory_space<semaphore_mem>>) src(%dma_wait3A_25 : memref<10000x64xi32, #tpu.memory_space<hbm>>) dst(%arg9 : memref<80x64xi32, #tpu.memory_space<vmem>>)
    %scan3A_26 = arith.constant 0 : i32
    %scan3A_27 = arith.constant 0 : i32
    %scan3A_28 = arith.constant 5 : i32
    %scan3A_29 = arith.addi %scan3A_27, %scan3A_28 : i32
    %scan3A_30 = arith.constant 1 : i32
    scf.for %scan3A_32 = %scan3A_27 to %scan3A_29 step %scan3A_30  : i32 {
      %mul3A_33 = arith.constant 16 : i32
      %mul3A_34 = arith.muli %scan3A_32, %mul3A_33 : i32
      %add3A_35 = arith.constant 0 : i32
      %add3A_36 = arith.addi %mul3A_34, %add3A_35 : i32
      %broadcast_in_dim3A = arith.constant 0.000000e+00 : f32
      %broadcast_in_dim3A_37 = vector.broadcast %broadcast_in_dim3A : f32 to vector<16xf32>
      %broadcast_in_dim3A_38 = arith.constant 0.000000e+00 : f32
      %broadcast_in_dim3A_39 = vector.broadcast %broadcast_in_dim3A_38 : f32 to vector<16xf32>
      %get3A = arith.index_cast %add3A_36 : i32 to index
      %get3A_40 = arith.constant 0 : index
      %get3A_41 = tpu.vector_load %arg8[%get3A, %get3A_40] {strides = array<i32>} : memref<80x64xi32, #tpu.memory_space<vmem>>, vector<16xi32>,
      %bitcast3A = vector.bitcast %get3A_41 : vector<16xi32> to vector<32xbf16>
      %get3A_42 = arith.index_cast %add3A_36 : i32 to index
      %get3A_43 = arith.constant 0 : index
      %get3A_44 = tpu.vector_load %arg9[%get3A_42, %get3A_43] {strides = array<i32>} : memref<80x64xi32, #tpu.memory_space<vmem>>, vector<16xi32>,
      %bitcast3A_45 = vector.bitcast %get3A_44 : vector<16xi32> to vector<32xbf16>
      %mul3A_46 = arith.mulf %bitcast3A, %bitcast3A_45 : vector<32xbf16>
      %unpack3A = tpu.unpack_subelements %mul3A_46, 0 {pack_format = #tpu.pack_format<interleaved>} : vector<32xbf16> -> vector<16xf32>
      %unpack3A_47 = tpu.unpack_subelements %mul3A_46, 1 {pack_format = #tpu.pack_format<interleaved>} : vector<32xbf16> -> vector<16xf32>
      %add3A_48 = arith.addf %broadcast_in_dim3A_37, %unpack3A : vector<16xf32>
      %add3A_49 = arith.addf %broadcast_in_dim3A_39, %unpack3A_47 : vector<16xf32>
      %get3A_50 = arith.index_cast %add3A_36 : i32 to index
      %get3A_51 = arith.constant 16 : index
      %get3A_52 = tpu.vector_load %arg8[%get3A_50, %get3A_51] {strides = array<i32>} : memref<80x64xi32, #tpu.memory_space<vmem>>, vector<16xi32>,
      %bitcast3A_53 = vector.bitcast %get3A_52 : vector<16xi32> to vector<32xbf16>
      %get3A_54 = arith.index_cast %add3A_36 : i32 to index
      %get3A_55 = arith.constant 16 : index
      %get3A_56 = tpu.vector_load %arg9[%get3A_54, %get3A_55] {strides = array<i32>} : memref<80x64xi32, #tpu.memory_space<vmem>>, vector<16xi32>,
      %bitcast3A_57 = vector.bitcast %get3A_56 : vector<16xi32> to vector<32xbf16>
      %mul3A_58 = arith.mulf %bitcast3A_53, %bitcast3A_57 : vector<32xbf16>
      %unpack3A_59 = tpu.unpack_subelements %mul3A_58, 0 {pack_format = #tpu.pack_format<interleaved>} : vector<32xbf16> -> vector<16xf32>
      %unpack3A_60 = tpu.unpack_subelements %mul3A_58, 1 {pack_format = #tpu.pack_format<interleaved>} : vector<32xbf16> -> vector<16xf32>
      %add3A_61 = arith.addf %add3A_48, %unpack3A_59 : vector<16xf32>
      %add3A_62 = arith.addf %add3A_49, %unpack3A_60 : vector<16xf32>
      %get3A_63 = arith.index_cast %add3A_36 : i32 to index
      %get3A_64 = arith.constant 32 : index
      %get3A_65 = tpu.vector_load %arg8[%get3A_63, %get3A_64] {strides = array<i32>} : memref<80x64xi32, #tpu.memory_space<vmem>>, vector<16xi32>,
      %bitcast3A_66 = vector.bitcast %get3A_65 : vector<16xi32> to vector<32xbf16>
      %get3A_67 = arith.index_cast %add3A_36 : i32 to index
      %get3A_68 = arith.constant 32 : index
      %get3A_69 = tpu.vector_load %arg9[%get3A_67, %get3A_68] {strides = array<i32>} : memref<80x64xi32, #tpu.memory_space<vmem>>, vector<16xi32>,
      %bitcast3A_70 = vector.bitcast %get3A_69 : vector<16xi32> to vector<32xbf16>
      %mul3A_71 = arith.mulf %bitcast3A_66, %bitcast3A_70 : vector<32xbf16>
      %unpack3A_72 = tpu.unpack_subelements %mul3A_71, 0 {pack_format = #tpu.pack_format<interleaved>} : vector<32xbf16> -> vector<16xf32>
      %unpack3A_73 = tpu.unpack_subelements %mul3A_71, 1 {pack_format = #tpu.pack_format<interleaved>} : vector<32xbf16> -> vector<16xf32>
      %add3A_74 = arith.addf %add3A_61, %unpack3A_72 : vector<16xf32>
      %add3A_75 = arith.addf %add3A_62, %unpack3A_73 : vector<16xf32>
      %get3A_76 = arith.index_cast %add3A_36 : i32 to index
      %get3A_77 = arith.constant 48 : index
      %get3A_78 = tpu.vector_load %arg8[%get3A_76, %get3A_77] {strides = array<i32>} : memref<80x64xi32, #tpu.memory_space<vmem>>, vector<16xi32>,
      %bitcast3A_79 = vector.bitcast %get3A_78 : vector<16xi32> to vector<32xbf16>
      %get3A_80 = arith.index_cast %add3A_36 : i32 to index
      %get3A_81 = arith.constant 48 : index
      %get3A_82 = tpu.vector_load %arg9[%get3A_80, %get3A_81] {strides = array<i32>} : memref<80x64xi32, #tpu.memory_space<vmem>>, vector<16xi32>,
      %bitcast3A_83 = vector.bitcast %get3A_82 : vector<16xi32> to vector<32xbf16>
      %mul3A_84 = arith.mulf %bitcast3A_79, %bitcast3A_83 : vector<32xbf16>
      %unpack3A_85 = tpu.unpack_subelements %mul3A_84, 0 {pack_format = #tpu.pack_format<interleaved>} : vector<32xbf16> -> vector<16xf32>
      %unpack3A_86 = tpu.unpack_subelements %mul3A_84, 1 {pack_format = #tpu.pack_format<interleaved>} : vector<32xbf16> -> vector<16xf32>
      %add3A_87 = arith.addf %add3A_74, %unpack3A_85 : vector<16xf32>
      %add3A_88 = arith.addf %add3A_75, %unpack3A_86 : vector<16xf32>
      %mul3A_89 = arith.constant 17 : i32
      %mul3A_90 = vector.broadcast %mul3A_89 : i32 to vector<16xi32>
      %mul3A_91 = arith.muli %iota3A, %mul3A_90 : vector<16xi32>
      %add3A_92 = arith.constant 0 : i32
      %add3A_93 = vector.broadcast %add3A_92 : i32 to vector<16xi32>
      %add3A_94 = arith.addi %mul3A_91, %add3A_93 : vector<16xi32>
      %add3A_95 = arith.addf %add3A_87, %add3A_88 : vector<16xf32>
      tpu.vector_store_idx %arg13[%add3A_94], %add3A_95 : memref<272xf32, #tpu.memory_space<vmem>>[vector<16xi32>], vector<16xf32>,
      %add3A_96 = arith.constant 1 : i32
      %add3A_97 = arith.addi %mul3A_34, %add3A_96 : i32
      %broadcast_in_dim3A_98 = arith.constant 0.000000e+00 : f32
      %broadcast_in_dim3A_99 = vector.broadcast %broadcast_in_dim3A_98 : f32 to vector<16xf32>
      %broadcast_in_dim3A_100 = arith.constant 0.000000e+00 : f32
      %broadcast_in_dim3A_101 = vector.broadcast %broadcast_in_dim3A_100 : f32 to vector<16xf32>
      %get3A_102 = arith.index_cast %add3A_97 : i32 to index
      %get3A_103 = arith.constant 0 : index
      %get3A_104 = tpu.vector_load %arg8[%get3A_102, %get3A_103] {strides = array<i32>} : memref<80x64xi32, #tpu.memory_space<vmem>>, vector<16xi32>,
      %bitcast3A_105 = vector.bitcast %get3A_104 : vector<16xi32> to vector<32xbf16>
      %get3A_106 = arith.index_cast %add3A_97 : i32 to index
      %get3A_107 = arith.constant 0 : index
      %get3A_108 = tpu.vector_load %arg9[%get3A_106, %get3A_107] {strides = array<i32>} : memref<80x64xi32, #tpu.memory_space<vmem>>, vector<16xi32>,
      %bitcast3A_109 = vector.bitcast %get3A_108 : vector<16xi32> to vector<32xbf16>
      %mul3A_110 = arith.mulf %bitcast3A_105, %bitcast3A_109 : vector<32xbf16>
      %unpack3A_111 = tpu.unpack_subelements %mul3A_110, 0 {pack_format = #tpu.pack_format<interleaved>} : vector<32xbf16> -> vector<16xf32>
      %unpack3A_112 = tpu.unpack_subelements %mul3A_110, 1 {pack_format = #tpu.pack_format<interleaved>} : vector<32xbf16> -> vector<16xf32>
      %add3A_113 = arith.addf %broadcast_in_dim3A_99, %unpack3A_111 : vector<16xf32>
      %add3A_114 = arith.addf %broadcast_in_dim3A_101, %unpack3A_112 : vector<16xf32>
      %get3A_115 = arith.index_cast %add3A_97 : i32 to index
      %get3A_116 = arith.constant 16 : index
      %get3A_117 = tpu.vector_load %arg8[%get3A_115, %get3A_116] {strides = array<i32>} : memref<80x64xi32, #tpu.memory_space<vmem>>, vector<16xi32>,
      %bitcast3A_118 = vector.bitcast %get3A_117 : vector<16xi32> to vector<32xbf16>
      %get3A_119 = arith.index_cast %add3A_97 : i32 to index
      %get3A_120 = arith.constant 16 : index
      %get3A_121 = tpu.vector_load %arg9[%get3A_119, %get3A_120] {strides = array<i32>} : memref<80x64xi32, #tpu.memory_space<vmem>>, vector<16xi32>,
      %bitcast3A_122 = vector.bitcast %get3A_121 : vector<16xi32> to vector<32xbf16>
      %mul3A_123 = arith.mulf %bitcast3A_118, %bitcast3A_122 : vector<32xbf16>
      %unpack3A_124 = tpu.unpack_subelements %mul3A_123, 0 {pack_format = #tpu.pack_format<interleaved>} : vector<32xbf16> -> vector<16xf32>
      %unpack3A_125 = tpu.unpack_subelements %mul3A_123, 1 {pack_format = #tpu.pack_format<interleaved>} : vector<32xbf16> -> vector<16xf32>
      %add3A_126 = arith.addf %add3A_113, %unpack3A_124 : vector<16xf32>
      %add3A_127 = arith.addf %add3A_114, %unpack3A_125 : vector<16xf32>
      %get3A_128 = arith.index_cast %add3A_97 : i32 to index
      %get3A_129 = arith.constant 32 : index
      %get3A_130 = tpu.vector_load %arg8[%get3A_128, %get3A_129] {strides = array<i32>} : memref<80x64xi32, #tpu.memory_space<vmem>>, vector<16xi32>,
      %bitcast3A_131 = vector.bitcast %get3A_130 : vector<16xi32> to vector<32xbf16>
      %get3A_132 = arith.index_cast %add3A_97 : i32 to index
      %get3A_133 = arith.constant 32 : index
      %get3A_134 = tpu.vector_load %arg9[%get3A_132, %get3A_133] {strides = array<i32>} : memref<80x64xi32, #tpu.memory_space<vmem>>, vector<16xi32>,
      %bitcast3A_135 = vector.bitcast %get3A_134 : vector<16xi32> to vector<32xbf16>
      %mul3A_136 = arith.mulf %bitcast3A_131, %bitcast3A_135 : vector<32xbf16>
      %unpack3A_137 = tpu.unpack_subelements %mul3A_136, 0 {pack_format = #tpu.pack_format<interleaved>} : vector<32xbf16> -> vector<16xf32>
      %unpack3A_138 = tpu.unpack_subelements %mul3A_136, 1 {pack_format = #tpu.pack_format<interleaved>} : vector<32xbf16> -> vector<16xf32>
      %add3A_139 = arith.addf %add3A_126, %unpack3A_137 : vector<16xf32>
      %add3A_140 = arith.addf %add3A_127, %unpack3A_138 : vector<16xf32>
      %get3A_141 = arith.index_cast %add3A_97 : i32 to index
      %get3A_142 = arith.constant 48 : index
      %get3A_143 = tpu.vector_load %arg8[%get3A_141, %get3A_142] {strides = array<i32>} : memref<80x64xi32, #tpu.memory_space<vmem>>, vector<16xi32>,
      %bitcast3A_144 = vector.bitcast %get3A_143 : vector<16xi32> to vector<32xbf16>
      %get3A_145 = arith.index_cast %add3A_97 : i32 to index
      %get3A_146 = arith.constant 48 : index
      %get3A_147 = tpu.vector_load %arg9[%get3A_145, %get3A_146] {strides = array<i32>} : memref<80x64xi32, #tpu.memory_space<vmem>>, vector<16xi32>,
      %bitcast3A_148 = vector.bitcast %get3A_147 : vector<16xi32> to vector<32xbf16>
      %mul3A_149 = arith.mulf %bitcast3A_144, %bitcast3A_148 : vector<32xbf16>
      %unpack3A_150 = tpu.unpack_subelements %mul3A_149, 0 {pack_format = #tpu.pack_format<interleaved>} : vector<32xbf16> -> vector<16xf32>
      %unpack3A_151 = tpu.unpack_subelements %mul3A_149, 1 {pack_format = #tpu.pack_format<interleaved>} : vector<32xbf16> -> vector<16xf32>
      %add3A_152 = arith.addf %add3A_139, %unpack3A_150 : vector<16xf32>
      %add3A_153 = arith.addf %add3A_140, %unpack3A_151 : vector<16xf32>
      %mul3A_154 = arith.constant 17 : i32
      %mul3A_155 = vector.broadcast %mul3A_154 : i32 to vector<16xi32>
      %mul3A_156 = arith.muli %iota3A, %mul3A_155 : vector<16xi32>
      %add3A_157 = arith.constant 1 : i32
      %add3A_158 = vector.broadcast %add3A_157 : i32 to vector<16xi32>
      %add3A_159 = arith.addi %mul3A_156, %add3A_158 : vector<16xi32>
      %add3A_160 = arith.addf %add3A_152, %add3A_153 : vector<16xf32>
      tpu.vector_store_idx %arg13[%add3A_159], %add3A_160 : memref<272xf32, #tpu.memory_space<vmem>>[vector<16xi32>], vector<16xf32>,
      %add3A_161 = arith.constant 2 : i32
      %add3A_162 = arith.addi %mul3A_34, %add3A_161 : i32
      %broadcast_in_dim3A_163 = arith.constant 0.000000e+00 : f32
      %broadcast_in_dim3A_164 = vector.broadcast %broadcast_in_dim3A_163 : f32 to vector<16xf32>
      %broadcast_in_dim3A_165 = arith.constant 0.000000e+00 : f32
      %broadcast_in_dim3A_166 = vector.broadcast %broadcast_in_dim3A_165 : f32 to vector<16xf32>
      %get3A_167 = arith.index_cast %add3A_162 : i32 to index
      %get3A_168 = arith.constant 0 : index
      %get3A_169 = tpu.vector_load %arg8[%get3A_167, %get3A_168] {strides = array<i32>} : memref<80x64xi32, #tpu.memory_space<vmem>>, vector<16xi32>,
      %bitcast3A_170 = vector.bitcast %get3A_169 : vector<16xi32> to vector<32xbf16>
      %get3A_171 = arith.index_cast %add3A_162 : i32 to index
      %get3A_172 = arith.constant 0 : index
      %get3A_173 = tpu.vector_load %arg9[%get3A_171, %get3A_172] {strides = array<i32>} : memref<80x64xi32, #tpu.memory_space<vmem>>, vector<16xi32>,
      %bitcast3A_174 = vector.bitcast %get3A_173 : vector<16xi32> to vector<32xbf16>
      %mul3A_175 = arith.mulf %bitcast3A_170, %bitcast3A_174 : vector<32xbf16>
      %unpack3A_176 = tpu.unpack_subelements %mul3A_175, 0 {pack_format = #tpu.pack_format<interleaved>} : vector<32xbf16> -> vector<16xf32>
      %unpack3A_177 = tpu.unpack_subelements %mul3A_175, 1 {pack_format = #tpu.pack_format<interleaved>} : vector<32xbf16> -> vector<16xf32>
      %add3A_178 = arith.addf %broadcast_in_dim3A_164, %unpack3A_176 : vector<16xf32>
      %add3A_179 = arith.addf %broadcast_in_dim3A_166, %unpack3A_177 : vector<16xf32>
      %get3A_180 = arith.index_cast %add3A_162 : i32 to index
      %get3A_181 = arith.constant 16 : index
      %get3A_182 = tpu.vector_load %arg8[%get3A_180, %get3A_181] {strides = array<i32>} : memref<80x64xi32, #tpu.memory_space<vmem>>, vector<16xi32>,
      %bitcast3A_183 = vector.bitcast %get3A_182 : vector<16xi32> to vector<32xbf16>
      %get3A_184 = arith.index_cast %add3A_162 : i32 to index
      %get3A_185 = arith.constant 16 : index
      %get3A_186 = tpu.vector_load %arg9[%get3A_184, %get3A_185] {strides = array<i32>} : memref<80x64xi32, #tpu.memory_space<vmem>>, vector<16xi32>,
      %bitcast3A_187 = vector.bitcast %get3A_186 : vector<16xi32> to vector<32xbf16>
      %mul3A_188 = arith.mulf %bitcast3A_183, %bitcast3A_187 : vector<32xbf16>
      %unpack3A_189 = tpu.unpack_subelements %mul3A_188, 0 {pack_format = #tpu.pack_format<interleaved>} : vector<32xbf16> -> vector<16xf32>
      %unpack3A_190 = tpu.unpack_subelements %mul3A_188, 1 {pack_format = #tpu.pack_format<interleaved>} : vector<32xbf16> -> vector<16xf32>
      %add3A_191 = arith.addf %add3A_178, %unpack3A_189 : vector<16xf32>
      %add3A_192 = arith.addf %add3A_179, %unpack3A_190 : vector<16xf32>
      %get3A_193 = arith.index_cast %add3A_162 : i32 to index
      %get3A_194 = arith.constant 32 : index
      %get3A_195 = tpu.vector_load %arg8[%get3A_193, %get3A_194] {strides = array<i32>} : memref<80x64xi32, #tpu.memory_space<vmem>>, vector<16xi32>,
      %bitcast3A_196 = vector.bitcast %get3A_195 : vector<16xi32> to vector<32xbf16>
      %get3A_197 = arith.index_cast %add3A_162 : i32 to index
      %get3A_198 = arith.constant 32 : index
      %get3A_199 = tpu.vector_load %arg9[%get3A_197, %get3A_198] {strides = array<i32>} : memref<80x64xi32, #tpu.memory_space<vmem>>, vector<16xi32>,
      %bitcast3A_200 = vector.bitcast %get3A_199 : vector<16xi32> to vector<32xbf16>
      %mul3A_201 = arith.mulf %bitcast3A_196, %bitcast3A_200 : vector<32xbf16>
      %unpack3A_202 = tpu.unpack_subelements %mul3A_201, 0 {pack_format = #tpu.pack_format<interleaved>} : vector<32xbf16> -> vector<16xf32>
      %unpack3A_203 = tpu.unpack_subelements %mul3A_201, 1 {pack_format = #tpu.pack_format<interleaved>} : vector<32xbf16> -> vector<16xf32>
      %add3A_204 = arith.addf %add3A_191, %unpack3A_202 : vector<16xf32>
      %add3A_205 = arith.addf %add3A_192, %unpack3A_203 : vector<16xf32>
      %get3A_206 = arith.index_cast %add3A_162 : i32 to index
      %get3A_207 = arith.constant 48 : index
      %get3A_208 = tpu.vector_load %arg8[%get3A_206, %get3A_207] {strides = array<i32>} : memref<80x64xi32, #tpu.memory_space<vmem>>, vector<16xi32>,
      %bitcast3A_209 = vector.bitcast %get3A_208 : vector<16xi32> to vector<32xbf16>
      %get3A_210 = arith.index_cast %add3A_162 : i32 to index
      %get3A_211 = arith.constant 48 : index
      %get3A_212 = tpu.vector_load %arg9[%get3A_210, %get3A_211] {strides = array<i32>} : memref<80x64xi32, #tpu.memory_space<vmem>>, vector<16xi32>,
      %bitcast3A_213 = vector.bitcast %get3A_212 : vector<16xi32> to vector<32xbf16>
      %mul3A_214 = arith.mulf %bitcast3A_209, %bitcast3A_213 : vector<32xbf16>
      %unpack3A_215 = tpu.unpack_subelements %mul3A_214, 0 {pack_format = #tpu.pack_format<interleaved>} : vector<32xbf16> -> vector<16xf32>
      %unpack3A_216 = tpu.unpack_subelements %mul3A_214, 1 {pack_format = #tpu.pack_format<interleaved>} : vector<32xbf16> -> vector<16xf32>
      %add3A_217 = arith.addf %add3A_204, %unpack3A_215 : vector<16xf32>
      %add3A_218 = arith.addf %add3A_205, %unpack3A_216 : vector<16xf32>
      %mul3A_219 = arith.constant 17 : i32
      %mul3A_220 = vector.broadcast %mul3A_219 : i32 to vector<16xi32>
      %mul3A_221 = arith.muli %iota3A, %mul3A_220 : vector<16xi32>
      %add3A_222 = arith.constant 2 : i32
      %add3A_223 = vector.broadcast %add3A_222 : i32 to vector<16xi32>
      %add3A_224 = arith.addi %mul3A_221, %add3A_223 : vector<16xi32>
      %add3A_225 = arith.addf %add3A_217, %add3A_218 : vector<16xf32>
      tpu.vector_store_idx %arg13[%add3A_224], %add3A_225 : memref<272xf32, #tpu.memory_space<vmem>>[vector<16xi32>], vector<16xf32>,
      %add3A_226 = arith.constant 3 : i32
      %add3A_227 = arith.addi %mul3A_34, %add3A_226 : i32
      %broadcast_in_dim3A_228 = arith.constant 0.000000e+00 : f32
      %broadcast_in_dim3A_229 = vector.broadcast %broadcast_in_dim3A_228 : f32 to vector<16xf32>
      %broadcast_in_dim3A_230 = arith.constant 0.000000e+00 : f32
      %broadcast_in_dim3A_231 = vector.broadcast %broadcast_in_dim3A_230 : f32 to vector<16xf32>
      %get3A_232 = arith.index_cast %add3A_227 : i32 to index
      %get3A_233 = arith.constant 0 : index
      %get3A_234 = tpu.vector_load %arg8[%get3A_232, %get3A_233] {strides = array<i32>} : memref<80x64xi32, #tpu.memory_space<vmem>>, vector<16xi32>,
      %bitcast3A_235 = vector.bitcast %get3A_234 : vector<16xi32> to vector<32xbf16>
      %get3A_236 = arith.index_cast %add3A_227 : i32 to index
      %get3A_237 = arith.constant 0 : index
      %get3A_238 = tpu.vector_load %arg9[%get3A_236, %get3A_237] {strides = array<i32>} : memref<80x64xi32, #tpu.memory_space<vmem>>, vector<16xi32>,
      %bitcast3A_239 = vector.bitcast %get3A_238 : vector<16xi32> to vector<32xbf16>
      %mul3A_240 = arith.mulf %bitcast3A_235, %bitcast3A_239 : vector<32xbf16>
      %unpack3A_241 = tpu.unpack_subelements %mul3A_240, 0 {pack_format = #tpu.pack_format<interleaved>} : vector<32xbf16> -> vector<16xf32>
      %unpack3A_242 = tpu.unpack_subelements %mul3A_240, 1 {pack_format = #tpu.pack_format<interleaved>} : vector<32xbf16> -> vector<16xf32>
      %add3A_243 = arith.addf %broadcast_in_dim3A_229, %unpack3A_241 : vector<16xf32>
      %add3A_244 = arith.addf %broadcast_in_dim3A_231, %unpack3A_242 : vector<16xf32>
      %get3A_245 = arith.index_cast %add3A_227 : i32 to index
      %get3A_246 = arith.constant 16 : index
      %get3A_247 = tpu.vector_load %arg8[%get3A_245, %get3A_246] {strides = array<i32>} : memref<80x64xi32, #tpu.memory_space<vmem>>, vector<16xi32>,
      %bitcast3A_248 = vector.bitcast %get3A_247 : vector<16xi32> to vector<32xbf16>
      %get3A_249 = arith.index_cast %add3A_227 : i32 to index
      %get3A_250 = arith.constant 16 : index
      %get3A_251 = tpu.vector_load %arg9[%get3A_249, %get3A_250] {strides = array<i32>} : memref<80x64xi32, #tpu.memory_space<vmem>>, vector<16xi32>,
      %bitcast3A_252 = vector.bitcast %get3A_251 : vector<16xi32> to vector<32xbf16>
      %mul3A_253 = arith.mulf %bitcast3A_248, %bitcast3A_252 : vector<32xbf16>
      %unpack3A_254 = tpu.unpack_subelements %mul3A_253, 0 {pack_format = #tpu.pack_format<interleaved>} : vector<32xbf16> -> vector<16xf32>
      %unpack3A_255 = tpu.unpack_subelements %mul3A_253, 1 {pack_format = #tpu.pack_format<interleaved>} : vector<32xbf16> -> vector<16xf32>
      %add3A_256 = arith.addf %add3A_243, %unpack3A_254 : vector<16xf32>
      %add3A_257 = arith.addf %add3A_244, %unpack3A_255 : vector<16xf32>
      %get3A_258 = arith.index_cast %add3A_227 : i32 to index
      %get3A_259 = arith.constant 32 : index
      %get3A_260 = tpu.vector_load %arg8[%get3A_258, %get3A_259] {strides = array<i32>} : memref<80x64xi32, #tpu.memory_space<vmem>>, vector<16xi32>,
      %bitcast3A_261 = vector.bitcast %get3A_260 : vector<16xi32> to vector<32xbf16>
      %get3A_262 = arith.index_cast %add3A_227 : i32 to index
      %get3A_263 = arith.constant 32 : index
      %get3A_264 = tpu.vector_load %arg9[%get3A_262, %get3A_263] {strides = array<i32>} : memref<80x64xi32, #tpu.memory_space<vmem>>, vector<16xi32>,
      %bitcast3A_265 = vector.bitcast %get3A_264 : vector<16xi32> to vector<32xbf16>
      %mul3A_266 = arith.mulf %bitcast3A_261, %bitcast3A_265 : vector<32xbf16>
      %unpack3A_267 = tpu.unpack_subelements %mul3A_266, 0 {pack_format = #tpu.pack_format<interleaved>} : vector<32xbf16> -> vector<16xf32>
      %unpack3A_268 = tpu.unpack_subelements %mul3A_266, 1 {pack_format = #tpu.pack_format<interleaved>} : vector<32xbf16> -> vector<16xf32>
      %add3A_269 = arith.addf %add3A_256, %unpack3A_267 : vector<16xf32>
      %add3A_270 = arith.addf %add3A_257, %unpack3A_268 : vector<16xf32>
      %get3A_271 = arith.index_cast %add3A_227 : i32 to index
      %get3A_272 = arith.constant 48 : index
      %get3A_273 = tpu.vector_load %arg8[%get3A_271, %get3A_272] {strides = array<i32>} : memref<80x64xi32, #tpu.memory_space<vmem>>, vector<16xi32>,
      %bitcast3A_274 = vector.bitcast %get3A_273 : vector<16xi32> to vector<32xbf16>
      %get3A_275 = arith.index_cast %add3A_227 : i32 to index
      %get3A_276 = arith.constant 48 : index
      %get3A_277 = tpu.vector_load %arg9[%get3A_275, %get3A_276] {strides = array<i32>} : memref<80x64xi32, #tpu.memory_space<vmem>>, vector<16xi32>,
      %bitcast3A_278 = vector.bitcast %get3A_277 : vector<16xi32> to vector<32xbf16>
      %mul3A_279 = arith.mulf %bitcast3A_274, %bitcast3A_278 : vector<32xbf16>
      %unpack3A_280 = tpu.unpack_subelements %mul3A_279, 0 {pack_format = #tpu.pack_format<interleaved>} : vector<32xbf16> -> vector<16xf32>
      %unpack3A_281 = tpu.unpack_subelements %mul3A_279, 1 {pack_format = #tpu.pack_format<interleaved>} : vector<32xbf16> -> vector<16xf32>
      %add3A_282 = arith.addf %add3A_269, %unpack3A_280 : vector<16xf32>
      %add3A_283 = arith.addf %add3A_270, %unpack3A_281 : vector<16xf32>
      %mul3A_284 = arith.constant 17 : i32
      %mul3A_285 = vector.broadcast %mul3A_284 : i32 to vector<16xi32>
      %mul3A_286 = arith.muli %iota3A, %mul3A_285 : vector<16xi32>
      %add3A_287 = arith.constant 3 : i32
      %add3A_288 = vector.broadcast %add3A_287 : i32 to vector<16xi32>
      %add3A_289 = arith.addi %mul3A_286, %add3A_288 : vector<16xi32>
      %add3A_290 = arith.addf %add3A_282, %add3A_283 : vector<16xf32>
      tpu.vector_store_idx %arg13[%add3A_289], %add3A_290 : memref<272xf32, #tpu.memory_space<vmem>>[vector<16xi32>], vector<16xf32>,
      %add3A_291 = arith.constant 4 : i32
      %add3A_292 = arith.addi %mul3A_34, %add3A_291 : i32
      %broadcast_in_dim3A_293 = arith.constant 0.000000e+00 : f32
      %broadcast_in_dim3A_294 = vector.broadcast %broadcast_in_dim3A_293 : f32 to vector<16xf32>
      %broadcast_in_dim3A_295 = arith.constant 0.000000e+00 : f32
      %broadcast_in_dim3A_296 = vector.broadcast %broadcast_in_dim3A_295 : f32 to vector<16xf32>
      %get3A_297 = arith.index_cast %add3A_292 : i32 to index
      %get3A_298 = arith.constant 0 : index
      %get3A_299 = tpu.vector_load %arg8[%get3A_297, %get3A_298] {strides = array<i32>} : memref<80x64xi32, #tpu.memory_space<vmem>>, vector<16xi32>,
      %bitcast3A_300 = vector.bitcast %get3A_299 : vector<16xi32> to vector<32xbf16>
      %get3A_301 = arith.index_cast %add3A_292 : i32 to index
      %get3A_302 = arith.constant 0 : index
      %get3A_303 = tpu.vector_load %arg9[%get3A_301, %get3A_302] {strides = array<i32>} : memref<80x64xi32, #tpu.memory_space<vmem>>, vector<16xi32>,
      %bitcast3A_304 = vector.bitcast %get3A_303 : vector<16xi32> to vector<32xbf16>
      %mul3A_305 = arith.mulf %bitcast3A_300, %bitcast3A_304 : vector<32xbf16>
      %unpack3A_306 = tpu.unpack_subelements %mul3A_305, 0 {pack_format = #tpu.pack_format<interleaved>} : vector<32xbf16> -> vector<16xf32>
      %unpack3A_307 = tpu.unpack_subelements %mul3A_305, 1 {pack_format = #tpu.pack_format<interleaved>} : vector<32xbf16> -> vector<16xf32>
      %add3A_308 = arith.addf %broadcast_in_dim3A_294, %unpack3A_306 : vector<16xf32>
      %add3A_309 = arith.addf %broadcast_in_dim3A_296, %unpack3A_307 : vector<16xf32>
      %get3A_310 = arith.index_cast %add3A_292 : i32 to index
      %get3A_311 = arith.constant 16 : index
      %get3A_312 = tpu.vector_load %arg8[%get3A_310, %get3A_311] {strides = array<i32>} : memref<80x64xi32, #tpu.memory_space<vmem>>, vector<16xi32>,
      %bitcast3A_313 = vector.bitcast %get3A_312 : vector<16xi32> to vector<32xbf16>
      %get3A_314 = arith.index_cast %add3A_292 : i32 to index
      %get3A_315 = arith.constant 16 : index
      %get3A_316 = tpu.vector_load %arg9[%get3A_314, %get3A_315] {strides = array<i32>} : memref<80x64xi32, #tpu.memory_space<vmem>>, vector<16xi32>,
      %bitcast3A_317 = vector.bitcast %get3A_316 : vector<16xi32> to vector<32xbf16>
      %mul3A_318 = arith.mulf %bitcast3A_313, %bitcast3A_317 : vector<32xbf16>
      %unpack3A_319 = tpu.unpack_subelements %mul3A_318, 0 {pack_format = #tpu.pack_format<interleaved>} : vector<32xbf16> -> vector<16xf32>
      %unpack3A_320 = tpu.unpack_subelements %mul3A_318, 1 {pack_format = #tpu.pack_format<interleaved>} : vector<32xbf16> -> vector<16xf32>
      %add3A_321 = arith.addf %add3A_308, %unpack3A_319 : vector<16xf32>
      %add3A_322 = arith.addf %add3A_309, %unpack3A_320 : vector<16xf32>
      %get3A_323 = arith.index_cast %add3A_292 : i32 to index
      %get3A_324 = arith.constant 32 : index
      %get3A_325 = tpu.vector_load %arg8[%get3A_323, %get3A_324] {strides = array<i32>} : memref<80x64xi32, #tpu.memory_space<vmem>>, vector<16xi32>,
      %bitcast3A_326 = vector.bitcast %get3A_325 : vector<16xi32> to vector<32xbf16>
      %get3A_327 = arith.index_cast %add3A_292 : i32 to index
      %get3A_328 = arith.constant 32 : index
      %get3A_329 = tpu.vector_load %arg9[%get3A_327, %get3A_328] {strides = array<i32>} : memref<80x64xi32, #tpu.memory_space<vmem>>, vector<16xi32>,
      %bitcast3A_330 = vector.bitcast %get3A_329 : vector<16xi32> to vector<32xbf16>
      %mul3A_331 = arith.mulf %bitcast3A_326, %bitcast3A_330 : vector<32xbf16>
      %unpack3A_332 = tpu.unpack_subelements %mul3A_331, 0 {pack_format = #tpu.pack_format<interleaved>} : vector<32xbf16> -> vector<16xf32>
      %unpack3A_333 = tpu.unpack_subelements %mul3A_331, 1 {pack_format = #tpu.pack_format<interleaved>} : vector<32xbf16> -> vector<16xf32>
      %add3A_334 = arith.addf %add3A_321, %unpack3A_332 : vector<16xf32>
      %add3A_335 = arith.addf %add3A_322, %unpack3A_333 : vector<16xf32>
      %get3A_336 = arith.index_cast %add3A_292 : i32 to index
      %get3A_337 = arith.constant 48 : index
      %get3A_338 = tpu.vector_load %arg8[%get3A_336, %get3A_337] {strides = array<i32>} : memref<80x64xi32, #tpu.memory_space<vmem>>, vector<16xi32>,
      %bitcast3A_339 = vector.bitcast %get3A_338 : vector<16xi32> to vector<32xbf16>
      %get3A_340 = arith.index_cast %add3A_292 : i32 to index
      %get3A_341 = arith.constant 48 : index
      %get3A_342 = tpu.vector_load %arg9[%get3A_340, %get3A_341] {strides = array<i32>} : memref<80x64xi32, #tpu.memory_space<vmem>>, vector<16xi32>,
      %bitcast3A_343 = vector.bitcast %get3A_342 : vector<16xi32> to vector<32xbf16>
      %mul3A_344 = arith.mulf %bitcast3A_339, %bitcast3A_343 : vector<32xbf16>
      %unpack3A_345 = tpu.unpack_subelements %mul3A_344, 0 {pack_format = #tpu.pack_format<interleaved>} : vector<32xbf16> -> vector<16xf32>
      %unpack3A_346 = tpu.unpack_subelements %mul3A_344, 1 {pack_format = #tpu.pack_format<interleaved>} : vector<32xbf16> -> vector<16xf32>
      %add3A_347 = arith.addf %add3A_334, %unpack3A_345 : vector<16xf32>
      %add3A_348 = arith.addf %add3A_335, %unpack3A_346 : vector<16xf32>
      %mul3A_349 = arith.constant 17 : i32
      %mul3A_350 = vector.broadcast %mul3A_349 : i32 to vector<16xi32>
      %mul3A_351 = arith.muli %iota3A, %mul3A_350 : vector<16xi32>
      %add3A_352 = arith.constant 4 : i32
      %add3A_353 = vector.broadcast %add3A_352 : i32 to vector<16xi32>
      %add3A_354 = arith.addi %mul3A_351, %add3A_353 : vector<16xi32>
      %add3A_355 = arith.addf %add3A_347, %add3A_348 : vector<16xf32>
      tpu.vector_store_idx %arg13[%add3A_354], %add3A_355 : memref<272xf32, #tpu.memory_space<vmem>>[vector<16xi32>], vector<16xf32>,
      %add3A_356 = arith.constant 5 : i32
      %add3A_357 = arith.addi %mul3A_34, %add3A_356 : i32
      %broadcast_in_dim3A_358 = arith.constant 0.000000e+00 : f32
      %broadcast_in_dim3A_359 = vector.broadcast %broadcast_in_dim3A_358 : f32 to vector<16xf32>
      %broadcast_in_dim3A_360 = arith.constant 0.000000e+00 : f32
      %broadcast_in_dim3A_361 = vector.broadcast %broadcast_in_dim3A_360 : f32 to vector<16xf32>
      %get3A_362 = arith.index_cast %add3A_357 : i32 to index
      %get3A_363 = arith.constant 0 : index
      %get3A_364 = tpu.vector_load %arg8[%get3A_362, %get3A_363] {strides = array<i32>} : memref<80x64xi32, #tpu.memory_space<vmem>>, vector<16xi32>,
      %bitcast3A_365 = vector.bitcast %get3A_364 : vector<16xi32> to vector<32xbf16>
      %get3A_366 = arith.index_cast %add3A_357 : i32 to index
      %get3A_367 = arith.constant 0 : index
      %get3A_368 = tpu.vector_load %arg9[%get3A_366, %get3A_367] {strides = array<i32>} : memref<80x64xi32, #tpu.memory_space<vmem>>, vector<16xi32>,
      %bitcast3A_369 = vector.bitcast %get3A_368 : vector<16xi32> to vector<32xbf16>
      %mul3A_370 = arith.mulf %bitcast3A_365, %bitcast3A_369 : vector<32xbf16>
      %unpack3A_371 = tpu.unpack_subelements %mul3A_370, 0 {pack_format = #tpu.pack_format<interleaved>} : vector<32xbf16> -> vector<16xf32>
      %unpack3A_372 = tpu.unpack_subelements %mul3A_370, 1 {pack_format = #tpu.pack_format<interleaved>} : vector<32xbf16> -> vector<16xf32>
      %add3A_373 = arith.addf %broadcast_in_dim3A_359, %unpack3A_371 : vector<16xf32>
      %add3A_374 = arith.addf %broadcast_in_dim3A_361, %unpack3A_372 : vector<16xf32>
      %get3A_375 = arith.index_cast %add3A_357 : i32 to index
      %get3A_376 = arith.constant 16 : index
      %get3A_377 = tpu.vector_load %arg8[%get3A_375, %get3A_376] {strides = array<i32>} : memref<80x64xi32, #tpu.memory_space<vmem>>, vector<16xi32>,
      %bitcast3A_378 = vector.bitcast %get3A_377 : vector<16xi32> to vector<32xbf16>
      %get3A_379 = arith.index_cast %add3A_357 : i32 to index
      %get3A_380 = arith.constant 16 : index
      %get3A_381 = tpu.vector_load %arg9[%get3A_379, %get3A_380] {strides = array<i32>} : memref<80x64xi32, #tpu.memory_space<vmem>>, vector<16xi32>,
      %bitcast3A_382 = vector.bitcast %get3A_381 : vector<16xi32> to vector<32xbf16>
      %mul3A_383 = arith.mulf %bitcast3A_378, %bitcast3A_382 : vector<32xbf16>
      %unpack3A_384 = tpu.unpack_subelements %mul3A_383, 0 {pack_format = #tpu.pack_format<interleaved>} : vector<32xbf16> -> vector<16xf32>
      %unpack3A_385 = tpu.unpack_subelements %mul3A_383, 1 {pack_format = #tpu.pack_format<interleaved>} : vector<32xbf16> -> vector<16xf32>
      %add3A_386 = arith.addf %add3A_373, %unpack3A_384 : vector<16xf32>
      %add3A_387 = arith.addf %add3A_374, %unpack3A_385 : vector<16xf32>
      %get3A_388 = arith.index_cast %add3A_357 : i32 to index
      %get3A_389 = arith.constant 32 : index
      %get3A_390 = tpu.vector_load %arg8[%get3A_388, %get3A_389] {strides = array<i32>} : memref<80x64xi32, #tpu.memory_space<vmem>>, vector<16xi32>,
      %bitcast3A_391 = vector.bitcast %get3A_390 : vector<16xi32> to vector<32xbf16>
      %get3A_392 = arith.index_cast %add3A_357 : i32 to index
      %get3A_393 = arith.constant 32 : index
      %get3A_394 = tpu.vector_load %arg9[%get3A_392, %get3A_393] {strides = array<i32>} : memref<80x64xi32, #tpu.memory_space<vmem>>, vector<16xi32>,
      %bitcast3A_395 = vector.bitcast %get3A_394 : vector<16xi32> to vector<32xbf16>
      %mul3A_396 = arith.mulf %bitcast3A_391, %bitcast3A_395 : vector<32xbf16>
      %unpack3A_397 = tpu.unpack_subelements %mul3A_396, 0 {pack_format = #tpu.pack_format<interleaved>} : vector<32xbf16> -> vector<16xf32>
      %unpack3A_398 = tpu.unpack_subelements %mul3A_396, 1 {pack_format = #tpu.pack_format<interleaved>} : vector<32xbf16> -> vector<16xf32>
      %add3A_399 = arith.addf %add3A_386, %unpack3A_397 : vector<16xf32>
      %add3A_400 = arith.addf %add3A_387, %unpack3A_398 : vector<16xf32>
      %get3A_401 = arith.index_cast %add3A_357 : i32 to index
      %get3A_402 = arith.constant 48 : index
      %get3A_403 = tpu.vector_load %arg8[%get3A_401, %get3A_402] {strides = array<i32>} : memref<80x64xi32, #tpu.memory_space<vmem>>, vector<16xi32>,
      %bitcast3A_404 = vector.bitcast %get3A_403 : vector<16xi32> to vector<32xbf16>
      %get3A_405 = arith.index_cast %add3A_357 : i32 to index
      %get3A_406 = arith.constant 48 : index
      %get3A_407 = tpu.vector_load %arg9[%get3A_405, %get3A_406] {strides = array<i32>} : memref<80x64xi32, #tpu.memory_space<vmem>>, vector<16xi32>,
      %bitcast3A_408 = vector.bitcast %get3A_407 : vector<16xi32> to vector<32xbf16>
      %mul3A_409 = arith.mulf %bitcast3A_404, %bitcast3A_408 : vector<32xbf16>
      %unpack3A_410 = tpu.unpack_subelements %mul3A_409, 0 {pack_format = #tpu.pack_format<interleaved>} : vector<32xbf16> -> vector<16xf32>
      %unpack3A_411 = tpu.unpack_subelements %mul3A_409, 1 {pack_format = #tpu.pack_format<interleaved>} : vector<32xbf16> -> vector<16xf32>
      %add3A_412 = arith.addf %add3A_399, %unpack3A_410 : vector<16xf32>
      %add3A_413 = arith.addf %add3A_400, %unpack3A_411 : vector<16xf32>
      %mul3A_414 = arith.constant 17 : i32
      %mul3A_415 = vector.broadcast %mul3A_414 : i32 to vector<16xi32>
      %mul3A_416 = arith.muli %iota3A, %mul3A_415 : vector<16xi32>
      %add3A_417 = arith.constant 5 : i32
      %add3A_418 = vector.broadcast %add3A_417 : i32 to vector<16xi32>
      %add3A_419 = arith.addi %mul3A_416, %add3A_418 : vector<16xi32>
      %add3A_420 = arith.addf %add3A_412, %add3A_413 : vector<16xf32>
      tpu.vector_store_idx %arg13[%add3A_419], %add3A_420 : memref<272xf32, #tpu.memory_space<vmem>>[vector<16xi32>], vector<16xf32>,
      %add3A_421 = arith.constant 6 : i32
      %add3A_422 = arith.addi %mul3A_34, %add3A_421 : i32
      %broadcast_in_dim3A_423 = arith.constant 0.000000e+00 : f32
      %broadcast_in_dim3A_424 = vector.broadcast %broadcast_in_dim3A_423 : f32 to vector<16xf32>
      %broadcast_in_dim3A_425 = arith.constant 0.000000e+00 : f32
      %broadcast_in_dim3A_426 = vector.broadcast %broadcast_in_dim3A_425 : f32 to vector<16xf32>
      %get3A_427 = arith.index_cast %add3A_422 : i32 to index
      %get3A_428 = arith.constant 0 : index
      %get3A_429 = tpu.vector_load %arg8[%get3A_427, %get3A_428] {strides = array<i32>} : memref<80x64xi32, #tpu.memory_space<vmem>>, vector<16xi32>,
      %bitcast3A_430 = vector.bitcast %get3A_429 : vector<16xi32> to vector<32xbf16>
      %get3A_431 = arith.index_cast %add3A_422 : i32 to index
      %get3A_432 = arith.constant 0 : index
      %get3A_433 = tpu.vector_load %arg9[%get3A_431, %get3A_432] {strides = array<i32>} : memref<80x64xi32, #tpu.memory_space<vmem>>, vector<16xi32>,
      %bitcast3A_434 = vector.bitcast %get3A_433 : vector<16xi32> to vector<32xbf16>
      %mul3A_435 = arith.mulf %bitcast3A_430, %bitcast3A_434 : vector<32xbf16>
      %unpack3A_436 = tpu.unpack_subelements %mul3A_435, 0 {pack_format = #tpu.pack_format<interleaved>} : vector<32xbf16> -> vector<16xf32>
      %unpack3A_437 = tpu.unpack_subelements %mul3A_435, 1 {pack_format = #tpu.pack_format<interleaved>} : vector<32xbf16> -> vector<16xf32>
      %add3A_438 = arith.addf %broadcast_in_dim3A_424, %unpack3A_436 : vector<16xf32>
      %add3A_439 = arith.addf %broadcast_in_dim3A_426, %unpack3A_437 : vector<16xf32>
      %get3A_440 = arith.index_cast %add3A_422 : i32 to index
      %get3A_441 = arith.constant 16 : index
      %get3A_442 = tpu.vector_load %arg8[%get3A_440, %get3A_441] {strides = array<i32>} : memref<80x64xi32, #tpu.memory_space<vmem>>, vector<16xi32>,
      %bitcast3A_443 = vector.bitcast %get3A_442 : vector<16xi32> to vector<32xbf16>
      %get3A_444 = arith.index_cast %add3A_422 : i32 to index
      %get3A_445 = arith.constant 16 : index
      %get3A_446 = tpu.vector_load %arg9[%get3A_444, %get3A_445] {strides = array<i32>} : memref<80x64xi32, #tpu.memory_space<vmem>>, vector<16xi32>,
      %bitcast3A_447 = vector.bitcast %get3A_446 : vector<16xi32> to vector<32xbf16>
      %mul3A_448 = arith.mulf %bitcast3A_443, %bitcast3A_447 : vector<32xbf16>
      %unpack3A_449 = tpu.unpack_subelements %mul3A_448, 0 {pack_format = #tpu.pack_format<interleaved>} : vector<32xbf16> -> vector<16xf32>
      %unpack3A_450 = tpu.unpack_subelements %mul3A_448, 1 {pack_format = #tpu.pack_format<interleaved>} : vector<32xbf16> -> vector<16xf32>
      %add3A_451 = arith.addf %add3A_438, %unpack3A_449 : vector<16xf32>
      %add3A_452 = arith.addf %add3A_439, %unpack3A_450 : vector<16xf32>
      %get3A_453 = arith.index_cast %add3A_422 : i32 to index
      %get3A_454 = arith.constant 32 : index
      %get3A_455 = tpu.vector_load %arg8[%get3A_453, %get3A_454] {strides = array<i32>} : memref<80x64xi32, #tpu.memory_space<vmem>>, vector<16xi32>,
      %bitcast3A_456 = vector.bitcast %get3A_455 : vector<16xi32> to vector<32xbf16>
      %get3A_457 = arith.index_cast %add3A_422 : i32 to index
      %get3A_458 = arith.constant 32 : index
      %get3A_459 = tpu.vector_load %arg9[%get3A_457, %get3A_458] {strides = array<i32>} : memref<80x64xi32, #tpu.memory_space<vmem>>, vector<16xi32>,
      %bitcast3A_460 = vector.bitcast %get3A_459 : vector<16xi32> to vector<32xbf16>
      %mul3A_461 = arith.mulf %bitcast3A_456, %bitcast3A_460 : vector<32xbf16>
      %unpack3A_462 = tpu.unpack_subelements %mul3A_461, 0 {pack_format = #tpu.pack_format<interleaved>} : vector<32xbf16> -> vector<16xf32>
      %unpack3A_463 = tpu.unpack_subelements %mul3A_461, 1 {pack_format = #tpu.pack_format<interleaved>} : vector<32xbf16> -> vector<16xf32>
      %add3A_464 = arith.addf %add3A_451, %unpack3A_462 : vector<16xf32>
      %add3A_465 = arith.addf %add3A_452, %unpack3A_463 : vector<16xf32>
      %get3A_466 = arith.index_cast %add3A_422 : i32 to index
      %get3A_467 = arith.constant 48 : index
      %get3A_468 = tpu.vector_load %arg8[%get3A_466, %get3A_467] {strides = array<i32>} : memref<80x64xi32, #tpu.memory_space<vmem>>, vector<16xi32>,
      %bitcast3A_469 = vector.bitcast %get3A_468 : vector<16xi32> to vector<32xbf16>
      %get3A_470 = arith.index_cast %add3A_422 : i32 to index
      %get3A_471 = arith.constant 48 : index
      %get3A_472 = tpu.vector_load %arg9[%get3A_470, %get3A_471] {strides = array<i32>} : memref<80x64xi32, #tpu.memory_space<vmem>>, vector<16xi32>,
      %bitcast3A_473 = vector.bitcast %get3A_472 : vector<16xi32> to vector<32xbf16>
      %mul3A_474 = arith.mulf %bitcast3A_469, %bitcast3A_473 : vector<32xbf16>
      %unpack3A_475 = tpu.unpack_subelements %mul3A_474, 0 {pack_format = #tpu.pack_format<interleaved>} : vector<32xbf16> -> vector<16xf32>
      %unpack3A_476 = tpu.unpack_subelements %mul3A_474, 1 {pack_format = #tpu.pack_format<interleaved>} : vector<32xbf16> -> vector<16xf32>
      %add3A_477 = arith.addf %add3A_464, %unpack3A_475 : vector<16xf32>
      %add3A_478 = arith.addf %add3A_465, %unpack3A_476 : vector<16xf32>
      %mul3A_479 = arith.constant 17 : i32
      %mul3A_480 = vector.broadcast %mul3A_479 : i32 to vector<16xi32>
      %mul3A_481 = arith.muli %iota3A, %mul3A_480 : vector<16xi32>
      %add3A_482 = arith.constant 6 : i32
      %add3A_483 = vector.broadcast %add3A_482 : i32 to vector<16xi32>
      %add3A_484 = arith.addi %mul3A_481, %add3A_483 : vector<16xi32>
      %add3A_485 = arith.addf %add3A_477, %add3A_478 : vector<16xf32>
      tpu.vector_store_idx %arg13[%add3A_484], %add3A_485 : memref<272xf32, #tpu.memory_space<vmem>>[vector<16xi32>], vector<16xf32>,
      %add3A_486 = arith.constant 7 : i32
      %add3A_487 = arith.addi %mul3A_34, %add3A_486 : i32
      %broadcast_in_dim3A_488 = arith.constant 0.000000e+00 : f32
      %broadcast_in_dim3A_489 = vector.broadcast %broadcast_in_dim3A_488 : f32 to vector<16xf32>
      %broadcast_in_dim3A_490 = arith.constant 0.000000e+00 : f32
      %broadcast_in_dim3A_491 = vector.broadcast %broadcast_in_dim3A_490 : f32 to vector<16xf32>
      %get3A_492 = arith.index_cast %add3A_487 : i32 to index
      %get3A_493 = arith.constant 0 : index
      %get3A_494 = tpu.vector_load %arg8[%get3A_492, %get3A_493] {strides = array<i32>} : memref<80x64xi32, #tpu.memory_space<vmem>>, vector<16xi32>,
      %bitcast3A_495 = vector.bitcast %get3A_494 : vector<16xi32> to vector<32xbf16>
      %get3A_496 = arith.index_cast %add3A_487 : i32 to index
      %get3A_497 = arith.constant 0 : index
      %get3A_498 = tpu.vector_load %arg9[%get3A_496, %get3A_497] {strides = array<i32>} : memref<80x64xi32, #tpu.memory_space<vmem>>, vector<16xi32>,
      %bitcast3A_499 = vector.bitcast %get3A_498 : vector<16xi32> to vector<32xbf16>
      %mul3A_500 = arith.mulf %bitcast3A_495, %bitcast3A_499 : vector<32xbf16>
      %unpack3A_501 = tpu.unpack_subelements %mul3A_500, 0 {pack_format = #tpu.pack_format<interleaved>} : vector<32xbf16> -> vector<16xf32>
      %unpack3A_502 = tpu.unpack_subelements %mul3A_500, 1 {pack_format = #tpu.pack_format<interleaved>} : vector<32xbf16> -> vector<16xf32>
      %add3A_503 = arith.addf %broadcast_in_dim3A_489, %unpack3A_501 : vector<16xf32>
      %add3A_504 = arith.addf %broadcast_in_dim3A_491, %unpack3A_502 : vector<16xf32>
      %get3A_505 = arith.index_cast %add3A_487 : i32 to index
      %get3A_506 = arith.constant 16 : index
      %get3A_507 = tpu.vector_load %arg8[%get3A_505, %get3A_506] {strides = array<i32>} : memref<80x64xi32, #tpu.memory_space<vmem>>, vector<16xi32>,
      %bitcast3A_508 = vector.bitcast %get3A_507 : vector<16xi32> to vector<32xbf16>
      %get3A_509 = arith.index_cast %add3A_487 : i32 to index
      %get3A_510 = arith.constant 16 : index
      %get3A_511 = tpu.vector_load %arg9[%get3A_509, %get3A_510] {strides = array<i32>} : memref<80x64xi32, #tpu.memory_space<vmem>>, vector<16xi32>,
      %bitcast3A_512 = vector.bitcast %get3A_511 : vector<16xi32> to vector<32xbf16>
      %mul3A_513 = arith.mulf %bitcast3A_508, %bitcast3A_512 : vector<32xbf16>
      %unpack3A_514 = tpu.unpack_subelements %mul3A_513, 0 {pack_format = #tpu.pack_format<interleaved>} : vector<32xbf16> -> vector<16xf32>
      %unpack3A_515 = tpu.unpack_subelements %mul3A_513, 1 {pack_format = #tpu.pack_format<interleaved>} : vector<32xbf16> -> vector<16xf32>
      %add3A_516 = arith.addf %add3A_503, %unpack3A_514 : vector<16xf32>
      %add3A_517 = arith.addf %add3A_504, %unpack3A_515 : vector<16xf32>
      %get3A_518 = arith.index_cast %add3A_487 : i32 to index
      %get3A_519 = arith.constant 32 : index
      %get3A_520 = tpu.vector_load %arg8[%get3A_518, %get3A_519] {strides = array<i32>} : memref<80x64xi32, #tpu.memory_space<vmem>>, vector<16xi32>,
      %bitcast3A_521 = vector.bitcast %get3A_520 : vector<16xi32> to vector<32xbf16>
      %get3A_522 = arith.index_cast %add3A_487 : i32 to index
      %get3A_523 = arith.constant 32 : index
      %get3A_524 = tpu.vector_load %arg9[%get3A_522, %get3A_523] {strides = array<i32>} : memref<80x64xi32, #tpu.memory_space<vmem>>, vector<16xi32>,
      %bitcast3A_525 = vector.bitcast %get3A_524 : vector<16xi32> to vector<32xbf16>
      %mul3A_526 = arith.mulf %bitcast3A_521, %bitcast3A_525 : vector<32xbf16>
      %unpack3A_527 = tpu.unpack_subelements %mul3A_526, 0 {pack_format = #tpu.pack_format<interleaved>} : vector<32xbf16> -> vector<16xf32>
      %unpack3A_528 = tpu.unpack_subelements %mul3A_526, 1 {pack_format = #tpu.pack_format<interleaved>} : vector<32xbf16> -> vector<16xf32>
      %add3A_529 = arith.addf %add3A_516, %unpack3A_527 : vector<16xf32>
      %add3A_530 = arith.addf %add3A_517, %unpack3A_528 : vector<16xf32>
      %get3A_531 = arith.index_cast %add3A_487 : i32 to index
      %get3A_532 = arith.constant 48 : index
      %get3A_533 = tpu.vector_load %arg8[%get3A_531, %get3A_532] {strides = array<i32>} : memref<80x64xi32, #tpu.memory_space<vmem>>, vector<16xi32>,
      %bitcast3A_534 = vector.bitcast %get3A_533 : vector<16xi32> to vector<32xbf16>
      %get3A_535 = arith.index_cast %add3A_487 : i32 to index
      %get3A_536 = arith.constant 48 : index
      %get3A_537 = tpu.vector_load %arg9[%get3A_535, %get3A_536] {strides = array<i32>} : memref<80x64xi32, #tpu.memory_space<vmem>>, vector<16xi32>,
      %bitcast3A_538 = vector.bitcast %get3A_537 : vector<16xi32> to vector<32xbf16>
      %mul3A_539 = arith.mulf %bitcast3A_534, %bitcast3A_538 : vector<32xbf16>
      %unpack3A_540 = tpu.unpack_subelements %mul3A_539, 0 {pack_format = #tpu.pack_format<interleaved>} : vector<32xbf16> -> vector<16xf32>
      %unpack3A_541 = tpu.unpack_subelements %mul3A_539, 1 {pack_format = #tpu.pack_format<interleaved>} : vector<32xbf16> -> vector<16xf32>
      %add3A_542 = arith.addf %add3A_529, %unpack3A_540 : vector<16xf32>
      %add3A_543 = arith.addf %add3A_530, %unpack3A_541 : vector<16xf32>
      %mul3A_544 = arith.constant 17 : i32
      %mul3A_545 = vector.broadcast %mul3A_544 : i32 to vector<16xi32>
      %mul3A_546 = arith.muli %iota3A, %mul3A_545 : vector<16xi32>
      %add3A_547 = arith.constant 7 : i32
      %add3A_548 = vector.broadcast %add3A_547 : i32 to vector<16xi32>
      %add3A_549 = arith.addi %mul3A_546, %add3A_548 : vector<16xi32>
      %add3A_550 = arith.addf %add3A_542, %add3A_543 : vector<16xf32>
      tpu.vector_store_idx %arg13[%add3A_549], %add3A_550 : memref<272xf32, #tpu.memory_space<vmem>>[vector<16xi32>], vector<16xf32>,
      %add3A_551 = arith.constant 8 : i32
      %add3A_552 = arith.addi %mul3A_34, %add3A_551 : i32
      %broadcast_in_dim3A_553 = arith.constant 0.000000e+00 : f32
      %broadcast_in_dim3A_554 = vector.broadcast %broadcast_in_dim3A_553 : f32 to vector<16xf32>
      %broadcast_in_dim3A_555 = arith.constant 0.000000e+00 : f32
      %broadcast_in_dim3A_556 = vector.broadcast %broadcast_in_dim3A_555 : f32 to vector<16xf32>
      %get3A_557 = arith.index_cast %add3A_552 : i32 to index
      %get3A_558 = arith.constant 0 : index
      %get3A_559 = tpu.vector_load %arg8[%get3A_557, %get3A_558] {strides = array<i32>} : memref<80x64xi32, #tpu.memory_space<vmem>>, vector<16xi32>,
      %bitcast3A_560 = vector.bitcast %get3A_559 : vector<16xi32> to vector<32xbf16>
      %get3A_561 = arith.index_cast %add3A_552 : i32 to index
      %get3A_562 = arith.constant 0 : index
      %get3A_563 = tpu.vector_load %arg9[%get3A_561, %get3A_562] {strides = array<i32>} : memref<80x64xi32, #tpu.memory_space<vmem>>, vector<16xi32>,
      %bitcast3A_564 = vector.bitcast %get3A_563 : vector<16xi32> to vector<32xbf16>
      %mul3A_565 = arith.mulf %bitcast3A_560, %bitcast3A_564 : vector<32xbf16>
      %unpack3A_566 = tpu.unpack_subelements %mul3A_565, 0 {pack_format = #tpu.pack_format<interleaved>} : vector<32xbf16> -> vector<16xf32>
      %unpack3A_567 = tpu.unpack_subelements %mul3A_565, 1 {pack_format = #tpu.pack_format<interleaved>} : vector<32xbf16> -> vector<16xf32>
      %add3A_568 = arith.addf %broadcast_in_dim3A_554, %unpack3A_566 : vector<16xf32>
      %add3A_569 = arith.addf %broadcast_in_dim3A_556, %unpack3A_567 : vector<16xf32>
      %get3A_570 = arith.index_cast %add3A_552 : i32 to index
      %get3A_571 = arith.constant 16 : index
      %get3A_572 = tpu.vector_load %arg8[%get3A_570, %get3A_571] {strides = array<i32>} : memref<80x64xi32, #tpu.memory_space<vmem>>, vector<16xi32>,
      %bitcast3A_573 = vector.bitcast %get3A_572 : vector<16xi32> to vector<32xbf16>
      %get3A_574 = arith.index_cast %add3A_552 : i32 to index
      %get3A_575 = arith.constant 16 : index
      %get3A_576 = tpu.vector_load %arg9[%get3A_574, %get3A_575] {strides = array<i32>} : memref<80x64xi32, #tpu.memory_space<vmem>>, vector<16xi32>,
      %bitcast3A_577 = vector.bitcast %get3A_576 : vector<16xi32> to vector<32xbf16>
      %mul3A_578 = arith.mulf %bitcast3A_573, %bitcast3A_577 : vector<32xbf16>
      %unpack3A_579 = tpu.unpack_subelements %mul3A_578, 0 {pack_format = #tpu.pack_format<interleaved>} : vector<32xbf16> -> vector<16xf32>
      %unpack3A_580 = tpu.unpack_subelements %mul3A_578, 1 {pack_format = #tpu.pack_format<interleaved>} : vector<32xbf16> -> vector<16xf32>
      %add3A_581 = arith.addf %add3A_568, %unpack3A_579 : vector<16xf32>
      %add3A_582 = arith.addf %add3A_569, %unpack3A_580 : vector<16xf32>
      %get3A_583 = arith.index_cast %add3A_552 : i32 to index
      %get3A_584 = arith.constant 32 : index
      %get3A_585 = tpu.vector_load %arg8[%get3A_583, %get3A_584] {strides = array<i32>} : memref<80x64xi32, #tpu.memory_space<vmem>>, vector<16xi32>,
      %bitcast3A_586 = vector.bitcast %get3A_585 : vector<16xi32> to vector<32xbf16>
      %get3A_587 = arith.index_cast %add3A_552 : i32 to index
      %get3A_588 = arith.constant 32 : index
      %get3A_589 = tpu.vector_load %arg9[%get3A_587, %get3A_588] {strides = array<i32>} : memref<80x64xi32, #tpu.memory_space<vmem>>, vector<16xi32>,
      %bitcast3A_590 = vector.bitcast %get3A_589 : vector<16xi32> to vector<32xbf16>
      %mul3A_591 = arith.mulf %bitcast3A_586, %bitcast3A_590 : vector<32xbf16>
      %unpack3A_592 = tpu.unpack_subelements %mul3A_591, 0 {pack_format = #tpu.pack_format<interleaved>} : vector<32xbf16> -> vector<16xf32>
      %unpack3A_593 = tpu.unpack_subelements %mul3A_591, 1 {pack_format = #tpu.pack_format<interleaved>} : vector<32xbf16> -> vector<16xf32>
      %add3A_594 = arith.addf %add3A_581, %unpack3A_592 : vector<16xf32>
      %add3A_595 = arith.addf %add3A_582, %unpack3A_593 : vector<16xf32>
      %get3A_596 = arith.index_cast %add3A_552 : i32 to index
      %get3A_597 = arith.constant 48 : index
      %get3A_598 = tpu.vector_load %arg8[%get3A_596, %get3A_597] {strides = array<i32>} : memref<80x64xi32, #tpu.memory_space<vmem>>, vector<16xi32>,
      %bitcast3A_599 = vector.bitcast %get3A_598 : vector<16xi32> to vector<32xbf16>
      %get3A_600 = arith.index_cast %add3A_552 : i32 to index
      %get3A_601 = arith.constant 48 : index
      %get3A_602 = tpu.vector_load %arg9[%get3A_600, %get3A_601] {strides = array<i32>} : memref<80x64xi32, #tpu.memory_space<vmem>>, vector<16xi32>,
      %bitcast3A_603 = vector.bitcast %get3A_602 : vector<16xi32> to vector<32xbf16>
      %mul3A_604 = arith.mulf %bitcast3A_599, %bitcast3A_603 : vector<32xbf16>
      %unpack3A_605 = tpu.unpack_subelements %mul3A_604, 0 {pack_format = #tpu.pack_format<interleaved>} : vector<32xbf16> -> vector<16xf32>
      %unpack3A_606 = tpu.unpack_subelements %mul3A_604, 1 {pack_format = #tpu.pack_format<interleaved>} : vector<32xbf16> -> vector<16xf32>
      %add3A_607 = arith.addf %add3A_594, %unpack3A_605 : vector<16xf32>
      %add3A_608 = arith.addf %add3A_595, %unpack3A_606 : vector<16xf32>
      %mul3A_609 = arith.constant 17 : i32
      %mul3A_610 = vector.broadcast %mul3A_609 : i32 to vector<16xi32>
      %mul3A_611 = arith.muli %iota3A, %mul3A_610 : vector<16xi32>
      %add3A_612 = arith.constant 8 : i32
      %add3A_613 = vector.broadcast %add3A_612 : i32 to vector<16xi32>
      %add3A_614 = arith.addi %mul3A_611, %add3A_613 : vector<16xi32>
      %add3A_615 = arith.addf %add3A_607, %add3A_608 : vector<16xf32>
      tpu.vector_store_idx %arg13[%add3A_614], %add3A_615 : memref<272xf32, #tpu.memory_space<vmem>>[vector<16xi32>], vector<16xf32>,
      %add3A_616 = arith.constant 9 : i32
      %add3A_617 = arith.addi %mul3A_34, %add3A_616 : i32
      %broadcast_in_dim3A_618 = arith.constant 0.000000e+00 : f32
      %broadcast_in_dim3A_619 = vector.broadcast %broadcast_in_dim3A_618 : f32 to vector<16xf32>
      %broadcast_in_dim3A_620 = arith.constant 0.000000e+00 : f32
      %broadcast_in_dim3A_621 = vector.broadcast %broadcast_in_dim3A_620 : f32 to vector<16xf32>
      %get3A_622 = arith.index_cast %add3A_617 : i32 to index
      %get3A_623 = arith.constant 0 : index
      %get3A_624 = tpu.vector_load %arg8[%get3A_622, %get3A_623] {strides = array<i32>} : memref<80x64xi32, #tpu.memory_space<vmem>>, vector<16xi32>,
      %bitcast3A_625 = vector.bitcast %get3A_624 : vector<16xi32> to vector<32xbf16>
      %get3A_626 = arith.index_cast %add3A_617 : i32 to index
      %get3A_627 = arith.constant 0 : index
      %get3A_628 = tpu.vector_load %arg9[%get3A_626, %get3A_627] {strides = array<i32>} : memref<80x64xi32, #tpu.memory_space<vmem>>, vector<16xi32>,
      %bitcast3A_629 = vector.bitcast %get3A_628 : vector<16xi32> to vector<32xbf16>
      %mul3A_630 = arith.mulf %bitcast3A_625, %bitcast3A_629 : vector<32xbf16>
      %unpack3A_631 = tpu.unpack_subelements %mul3A_630, 0 {pack_format = #tpu.pack_format<interleaved>} : vector<32xbf16> -> vector<16xf32>
      %unpack3A_632 = tpu.unpack_subelements %mul3A_630, 1 {pack_format = #tpu.pack_format<interleaved>} : vector<32xbf16> -> vector<16xf32>
      %add3A_633 = arith.addf %broadcast_in_dim3A_619, %unpack3A_631 : vector<16xf32>
      %add3A_634 = arith.addf %broadcast_in_dim3A_621, %unpack3A_632 : vector<16xf32>
      %get3A_635 = arith.index_cast %add3A_617 : i32 to index
      %get3A_636 = arith.constant 16 : index
      %get3A_637 = tpu.vector_load %arg8[%get3A_635, %get3A_636] {strides = array<i32>} : memref<80x64xi32, #tpu.memory_space<vmem>>, vector<16xi32>,
      %bitcast3A_638 = vector.bitcast %get3A_637 : vector<16xi32> to vector<32xbf16>
      %get3A_639 = arith.index_cast %add3A_617 : i32 to index
      %get3A_640 = arith.constant 16 : index
      %get3A_641 = tpu.vector_load %arg9[%get3A_639, %get3A_640] {strides = array<i32>} : memref<80x64xi32, #tpu.memory_space<vmem>>, vector<16xi32>,
      %bitcast3A_642 = vector.bitcast %get3A_641 : vector<16xi32> to vector<32xbf16>
      %mul3A_643 = arith.mulf %bitcast3A_638, %bitcast3A_642 : vector<32xbf16>
      %unpack3A_644 = tpu.unpack_subelements %mul3A_643, 0 {pack_format = #tpu.pack_format<interleaved>} : vector<32xbf16> -> vector<16xf32>
      %unpack3A_645 = tpu.unpack_subelements %mul3A_643, 1 {pack_format = #tpu.pack_format<interleaved>} : vector<32xbf16> -> vector<16xf32>
      %add3A_646 = arith.addf %add3A_633, %unpack3A_644 : vector<16xf32>
      %add3A_647 = arith.addf %add3A_634, %unpack3A_645 : vector<16xf32>
      %get3A_648 = arith.index_cast %add3A_617 : i32 to index
      %get3A_649 = arith.constant 32 : index
      %get3A_650 = tpu.vector_load %arg8[%get3A_648, %get3A_649] {strides = array<i32>} : memref<80x64xi32, #tpu.memory_space<vmem>>, vector<16xi32>,
      %bitcast3A_651 = vector.bitcast %get3A_650 : vector<16xi32> to vector<32xbf16>
      %get3A_652 = arith.index_cast %add3A_617 : i32 to index
      %get3A_653 = arith.constant 32 : index
      %get3A_654 = tpu.vector_load %arg9[%get3A_652, %get3A_653] {strides = array<i32>} : memref<80x64xi32, #tpu.memory_space<vmem>>, vector<16xi32>,
      %bitcast3A_655 = vector.bitcast %get3A_654 : vector<16xi32> to vector<32xbf16>
      %mul3A_656 = arith.mulf %bitcast3A_651, %bitcast3A_655 : vector<32xbf16>
      %unpack3A_657 = tpu.unpack_subelements %mul3A_656, 0 {pack_format = #tpu.pack_format<interleaved>} : vector<32xbf16> -> vector<16xf32>
      %unpack3A_658 = tpu.unpack_subelements %mul3A_656, 1 {pack_format = #tpu.pack_format<interleaved>} : vector<32xbf16> -> vector<16xf32>
      %add3A_659 = arith.addf %add3A_646, %unpack3A_657 : vector<16xf32>
      %add3A_660 = arith.addf %add3A_647, %unpack3A_658 : vector<16xf32>
      %get3A_661 = arith.index_cast %add3A_617 : i32 to index
      %get3A_662 = arith.constant 48 : index
      %get3A_663 = tpu.vector_load %arg8[%get3A_661, %get3A_662] {strides = array<i32>} : memref<80x64xi32, #tpu.memory_space<vmem>>, vector<16xi32>,
      %bitcast3A_664 = vector.bitcast %get3A_663 : vector<16xi32> to vector<32xbf16>
      %get3A_665 = arith.index_cast %add3A_617 : i32 to index
      %get3A_666 = arith.constant 48 : index
      %get3A_667 = tpu.vector_load %arg9[%get3A_665, %get3A_666] {strides = array<i32>} : memref<80x64xi32, #tpu.memory_space<vmem>>, vector<16xi32>,
      %bitcast3A_668 = vector.bitcast %get3A_667 : vector<16xi32> to vector<32xbf16>
      %mul3A_669 = arith.mulf %bitcast3A_664, %bitcast3A_668 : vector<32xbf16>
      %unpack3A_670 = tpu.unpack_subelements %mul3A_669, 0 {pack_format = #tpu.pack_format<interleaved>} : vector<32xbf16> -> vector<16xf32>
      %unpack3A_671 = tpu.unpack_subelements %mul3A_669, 1 {pack_format = #tpu.pack_format<interleaved>} : vector<32xbf16> -> vector<16xf32>
      %add3A_672 = arith.addf %add3A_659, %unpack3A_670 : vector<16xf32>
      %add3A_673 = arith.addf %add3A_660, %unpack3A_671 : vector<16xf32>
      %mul3A_674 = arith.constant 17 : i32
      %mul3A_675 = vector.broadcast %mul3A_674 : i32 to vector<16xi32>
      %mul3A_676 = arith.muli %iota3A, %mul3A_675 : vector<16xi32>
      %add3A_677 = arith.constant 9 : i32
      %add3A_678 = vector.broadcast %add3A_677 : i32 to vector<16xi32>
      %add3A_679 = arith.addi %mul3A_676, %add3A_678 : vector<16xi32>
      %add3A_680 = arith.addf %add3A_672, %add3A_673 : vector<16xf32>
      tpu.vector_store_idx %arg13[%add3A_679], %add3A_680 : memref<272xf32, #tpu.memory_space<vmem>>[vector<16xi32>], vector<16xf32>,
      %add3A_681 = arith.constant 10 : i32
      %add3A_682 = arith.addi %mul3A_34, %add3A_681 : i32
      %broadcast_in_dim3A_683 = arith.constant 0.000000e+00 : f32
      %broadcast_in_dim3A_684 = vector.broadcast %broadcast_in_dim3A_683 : f32 to vector<16xf32>
      %broadcast_in_dim3A_685 = arith.constant 0.000000e+00 : f32
      %broadcast_in_dim3A_686 = vector.broadcast %broadcast_in_dim3A_685 : f32 to vector<16xf32>
      %get3A_687 = arith.index_cast %add3A_682 : i32 to index
      %get3A_688 = arith.constant 0 : index
      %get3A_689 = tpu.vector_load %arg8[%get3A_687, %get3A_688] {strides = array<i32>} : memref<80x64xi32, #tpu.memory_space<vmem>>, vector<16xi32>,
      %bitcast3A_690 = vector.bitcast %get3A_689 : vector<16xi32> to vector<32xbf16>
      %get3A_691 = arith.index_cast %add3A_682 : i32 to index
      %get3A_692 = arith.constant 0 : index
      %get3A_693 = tpu.vector_load %arg9[%get3A_691, %get3A_692] {strides = array<i32>} : memref<80x64xi32, #tpu.memory_space<vmem>>, vector<16xi32>,
      %bitcast3A_694 = vector.bitcast %get3A_693 : vector<16xi32> to vector<32xbf16>
      %mul3A_695 = arith.mulf %bitcast3A_690, %bitcast3A_694 : vector<32xbf16>
      %unpack3A_696 = tpu.unpack_subelements %mul3A_695, 0 {pack_format = #tpu.pack_format<interleaved>} : vector<32xbf16> -> vector<16xf32>
      %unpack3A_697 = tpu.unpack_subelements %mul3A_695, 1 {pack_format = #tpu.pack_format<interleaved>} : vector<32xbf16> -> vector<16xf32>
      %add3A_698 = arith.addf %broadcast_in_dim3A_684, %unpack3A_696 : vector<16xf32>
      %add3A_699 = arith.addf %broadcast_in_dim3A_686, %unpack3A_697 : vector<16xf32>
      %get3A_700 = arith.index_cast %add3A_682 : i32 to index
      %get3A_701 = arith.constant 16 : index
      %get3A_702 = tpu.vector_load %arg8[%get3A_700, %get3A_701] {strides = array<i32>} : memref<80x64xi32, #tpu.memory_space<vmem>>, vector<16xi32>,
      %bitcast3A_703 = vector.bitcast %get3A_702 : vector<16xi32> to vector<32xbf16>
      %get3A_704 = arith.index_cast %add3A_682 : i32 to index
      %get3A_705 = arith.constant 16 : index
      %get3A_706 = tpu.vector_load %arg9[%get3A_704, %get3A_705] {strides = array<i32>} : memref<80x64xi32, #tpu.memory_space<vmem>>, vector<16xi32>,
      %bitcast3A_707 = vector.bitcast %get3A_706 : vector<16xi32> to vector<32xbf16>
      %mul3A_708 = arith.mulf %bitcast3A_703, %bitcast3A_707 : vector<32xbf16>
      %unpack3A_709 = tpu.unpack_subelements %mul3A_708, 0 {pack_format = #tpu.pack_format<interleaved>} : vector<32xbf16> -> vector<16xf32>
      %unpack3A_710 = tpu.unpack_subelements %mul3A_708, 1 {pack_format = #tpu.pack_format<interleaved>} : vector<32xbf16> -> vector<16xf32>
      %add3A_711 = arith.addf %add3A_698, %unpack3A_709 : vector<16xf32>
      %add3A_712 = arith.addf %add3A_699, %unpack3A_710 : vector<16xf32>
      %get3A_713 = arith.index_cast %add3A_682 : i32 to index
      %get3A_714 = arith.constant 32 : index
      %get3A_715 = tpu.vector_load %arg8[%get3A_713, %get3A_714] {strides = array<i32>} : memref<80x64xi32, #tpu.memory_space<vmem>>, vector<16xi32>,
      %bitcast3A_716 = vector.bitcast %get3A_715 : vector<16xi32> to vector<32xbf16>
      %get3A_717 = arith.index_cast %add3A_682 : i32 to index
      %get3A_718 = arith.constant 32 : index
      %get3A_719 = tpu.vector_load %arg9[%get3A_717, %get3A_718] {strides = array<i32>} : memref<80x64xi32, #tpu.memory_space<vmem>>, vector<16xi32>,
      %bitcast3A_720 = vector.bitcast %get3A_719 : vector<16xi32> to vector<32xbf16>
      %mul3A_721 = arith.mulf %bitcast3A_716, %bitcast3A_720 : vector<32xbf16>
      %unpack3A_722 = tpu.unpack_subelements %mul3A_721, 0 {pack_format = #tpu.pack_format<interleaved>} : vector<32xbf16> -> vector<16xf32>
      %unpack3A_723 = tpu.unpack_subelements %mul3A_721, 1 {pack_format = #tpu.pack_format<interleaved>} : vector<32xbf16> -> vector<16xf32>
      %add3A_724 = arith.addf %add3A_711, %unpack3A_722 : vector<16xf32>
      %add3A_725 = arith.addf %add3A_712, %unpack3A_723 : vector<16xf32>
      %get3A_726 = arith.index_cast %add3A_682 : i32 to index
      %get3A_727 = arith.constant 48 : index
      %get3A_728 = tpu.vector_load %arg8[%get3A_726, %get3A_727] {strides = array<i32>} : memref<80x64xi32, #tpu.memory_space<vmem>>, vector<16xi32>,
      %bitcast3A_729 = vector.bitcast %get3A_728 : vector<16xi32> to vector<32xbf16>
      %get3A_730 = arith.index_cast %add3A_682 : i32 to index
      %get3A_731 = arith.constant 48 : index
      %get3A_732 = tpu.vector_load %arg9[%get3A_730, %get3A_731] {strides = array<i32>} : memref<80x64xi32, #tpu.memory_space<vmem>>, vector<16xi32>,
      %bitcast3A_733 = vector.bitcast %get3A_732 : vector<16xi32> to vector<32xbf16>
      %mul3A_734 = arith.mulf %bitcast3A_729, %bitcast3A_733 : vector<32xbf16>
      %unpack3A_735 = tpu.unpack_subelements %mul3A_734, 0 {pack_format = #tpu.pack_format<interleaved>} : vector<32xbf16> -> vector<16xf32>
      %unpack3A_736 = tpu.unpack_subelements %mul3A_734, 1 {pack_format = #tpu.pack_format<interleaved>} : vector<32xbf16> -> vector<16xf32>
      %add3A_737 = arith.addf %add3A_724, %unpack3A_735 : vector<16xf32>
      %add3A_738 = arith.addf %add3A_725, %unpack3A_736 : vector<16xf32>
      %mul3A_739 = arith.constant 17 : i32
      %mul3A_740 = vector.broadcast %mul3A_739 : i32 to vector<16xi32>
      %mul3A_741 = arith.muli %iota3A, %mul3A_740 : vector<16xi32>
      %add3A_742 = arith.constant 10 : i32
      %add3A_743 = vector.broadcast %add3A_742 : i32 to vector<16xi32>
      %add3A_744 = arith.addi %mul3A_741, %add3A_743 : vector<16xi32>
      %add3A_745 = arith.addf %add3A_737, %add3A_738 : vector<16xf32>
      tpu.vector_store_idx %arg13[%add3A_744], %add3A_745 : memref<272xf32, #tpu.memory_space<vmem>>[vector<16xi32>], vector<16xf32>,
      %add3A_746 = arith.constant 11 : i32
      %add3A_747 = arith.addi %mul3A_34, %add3A_746 : i32
      %broadcast_in_dim3A_748 = arith.constant 0.000000e+00 : f32
      %broadcast_in_dim3A_749 = vector.broadcast %broadcast_in_dim3A_748 : f32 to vector<16xf32>
      %broadcast_in_dim3A_750 = arith.constant 0.000000e+00 : f32
      %broadcast_in_dim3A_751 = vector.broadcast %broadcast_in_dim3A_750 : f32 to vector<16xf32>
      %get3A_752 = arith.index_cast %add3A_747 : i32 to index
      %get3A_753 = arith.constant 0 : index
      %get3A_754 = tpu.vector_load %arg8[%get3A_752, %get3A_753] {strides = array<i32>} : memref<80x64xi32, #tpu.memory_space<vmem>>, vector<16xi32>,
      %bitcast3A_755 = vector.bitcast %get3A_754 : vector<16xi32> to vector<32xbf16>
      %get3A_756 = arith.index_cast %add3A_747 : i32 to index
      %get3A_757 = arith.constant 0 : index
      %get3A_758 = tpu.vector_load %arg9[%get3A_756, %get3A_757] {strides = array<i32>} : memref<80x64xi32, #tpu.memory_space<vmem>>, vector<16xi32>,
      %bitcast3A_759 = vector.bitcast %get3A_758 : vector<16xi32> to vector<32xbf16>
      %mul3A_760 = arith.mulf %bitcast3A_755, %bitcast3A_759 : vector<32xbf16>
      %unpack3A_761 = tpu.unpack_subelements %mul3A_760, 0 {pack_format = #tpu.pack_format<interleaved>} : vector<32xbf16> -> vector<16xf32>
      %unpack3A_762 = tpu.unpack_subelements %mul3A_760, 1 {pack_format = #tpu.pack_format<interleaved>} : vector<32xbf16> -> vector<16xf32>
      %add3A_763 = arith.addf %broadcast_in_dim3A_749, %unpack3A_761 : vector<16xf32>
      %add3A_764 = arith.addf %broadcast_in_dim3A_751, %unpack3A_762 : vector<16xf32>
      %get3A_765 = arith.index_cast %add3A_747 : i32 to index
      %get3A_766 = arith.constant 16 : index
      %get3A_767 = tpu.vector_load %arg8[%get3A_765, %get3A_766] {strides = array<i32>} : memref<80x64xi32, #tpu.memory_space<vmem>>, vector<16xi32>,
      %bitcast3A_768 = vector.bitcast %get3A_767 : vector<16xi32> to vector<32xbf16>
      %get3A_769 = arith.index_cast %add3A_747 : i32 to index
      %get3A_770 = arith.constant 16 : index
      %get3A_771 = tpu.vector_load %arg9[%get3A_769, %get3A_770] {strides = array<i32>} : memref<80x64xi32, #tpu.memory_space<vmem>>, vector<16xi32>,
      %bitcast3A_772 = vector.bitcast %get3A_771 : vector<16xi32> to vector<32xbf16>
      %mul3A_773 = arith.mulf %bitcast3A_768, %bitcast3A_772 : vector<32xbf16>
      %unpack3A_774 = tpu.unpack_subelements %mul3A_773, 0 {pack_format = #tpu.pack_format<interleaved>} : vector<32xbf16> -> vector<16xf32>
      %unpack3A_775 = tpu.unpack_subelements %mul3A_773, 1 {pack_format = #tpu.pack_format<interleaved>} : vector<32xbf16> -> vector<16xf32>
      %add3A_776 = arith.addf %add3A_763, %unpack3A_774 : vector<16xf32>
      %add3A_777 = arith.addf %add3A_764, %unpack3A_775 : vector<16xf32>
      %get3A_778 = arith.index_cast %add3A_747 : i32 to index
      %get3A_779 = arith.constant 32 : index
      %get3A_780 = tpu.vector_load %arg8[%get3A_778, %get3A_779] {strides = array<i32>} : memref<80x64xi32, #tpu.memory_space<vmem>>, vector<16xi32>,
      %bitcast3A_781 = vector.bitcast %get3A_780 : vector<16xi32> to vector<32xbf16>
      %get3A_782 = arith.index_cast %add3A_747 : i32 to index
      %get3A_783 = arith.constant 32 : index
      %get3A_784 = tpu.vector_load %arg9[%get3A_782, %get3A_783] {strides = array<i32>} : memref<80x64xi32, #tpu.memory_space<vmem>>, vector<16xi32>,
      %bitcast3A_785 = vector.bitcast %get3A_784 : vector<16xi32> to vector<32xbf16>
      %mul3A_786 = arith.mulf %bitcast3A_781, %bitcast3A_785 : vector<32xbf16>
      %unpack3A_787 = tpu.unpack_subelements %mul3A_786, 0 {pack_format = #tpu.pack_format<interleaved>} : vector<32xbf16> -> vector<16xf32>
      %unpack3A_788 = tpu.unpack_subelements %mul3A_786, 1 {pack_format = #tpu.pack_format<interleaved>} : vector<32xbf16> -> vector<16xf32>
      %add3A_789 = arith.addf %add3A_776, %unpack3A_787 : vector<16xf32>
      %add3A_790 = arith.addf %add3A_777, %unpack3A_788 : vector<16xf32>
      %get3A_791 = arith.index_cast %add3A_747 : i32 to index
      %get3A_792 = arith.constant 48 : index
      %get3A_793 = tpu.vector_load %arg8[%get3A_791, %get3A_792] {strides = array<i32>} : memref<80x64xi32, #tpu.memory_space<vmem>>, vector<16xi32>,
      %bitcast3A_794 = vector.bitcast %get3A_793 : vector<16xi32> to vector<32xbf16>
      %get3A_795 = arith.index_cast %add3A_747 : i32 to index
      %get3A_796 = arith.constant 48 : index
      %get3A_797 = tpu.vector_load %arg9[%get3A_795, %get3A_796] {strides = array<i32>} : memref<80x64xi32, #tpu.memory_space<vmem>>, vector<16xi32>,
      %bitcast3A_798 = vector.bitcast %get3A_797 : vector<16xi32> to vector<32xbf16>
      %mul3A_799 = arith.mulf %bitcast3A_794, %bitcast3A_798 : vector<32xbf16>
      %unpack3A_800 = tpu.unpack_subelements %mul3A_799, 0 {pack_format = #tpu.pack_format<interleaved>} : vector<32xbf16> -> vector<16xf32>
      %unpack3A_801 = tpu.unpack_subelements %mul3A_799, 1 {pack_format = #tpu.pack_format<interleaved>} : vector<32xbf16> -> vector<16xf32>
      %add3A_802 = arith.addf %add3A_789, %unpack3A_800 : vector<16xf32>
      %add3A_803 = arith.addf %add3A_790, %unpack3A_801 : vector<16xf32>
      %mul3A_804 = arith.constant 17 : i32
      %mul3A_805 = vector.broadcast %mul3A_804 : i32 to vector<16xi32>
      %mul3A_806 = arith.muli %iota3A, %mul3A_805 : vector<16xi32>
      %add3A_807 = arith.constant 11 : i32
      %add3A_808 = vector.broadcast %add3A_807 : i32 to vector<16xi32>
      %add3A_809 = arith.addi %mul3A_806, %add3A_808 : vector<16xi32>
      %add3A_810 = arith.addf %add3A_802, %add3A_803 : vector<16xf32>
      tpu.vector_store_idx %arg13[%add3A_809], %add3A_810 : memref<272xf32, #tpu.memory_space<vmem>>[vector<16xi32>], vector<16xf32>,
      %add3A_811 = arith.constant 12 : i32
      %add3A_812 = arith.addi %mul3A_34, %add3A_811 : i32
      %broadcast_in_dim3A_813 = arith.constant 0.000000e+00 : f32
      %broadcast_in_dim3A_814 = vector.broadcast %broadcast_in_dim3A_813 : f32 to vector<16xf32>
      %broadcast_in_dim3A_815 = arith.constant 0.000000e+00 : f32
      %broadcast_in_dim3A_816 = vector.broadcast %broadcast_in_dim3A_815 : f32 to vector<16xf32>
      %get3A_817 = arith.index_cast %add3A_812 : i32 to index
      %get3A_818 = arith.constant 0 : index
      %get3A_819 = tpu.vector_load %arg8[%get3A_817, %get3A_818] {strides = array<i32>} : memref<80x64xi32, #tpu.memory_space<vmem>>, vector<16xi32>,
      %bitcast3A_820 = vector.bitcast %get3A_819 : vector<16xi32> to vector<32xbf16>
      %get3A_821 = arith.index_cast %add3A_812 : i32 to index
      %get3A_822 = arith.constant 0 : index
      %get3A_823 = tpu.vector_load %arg9[%get3A_821, %get3A_822] {strides = array<i32>} : memref<80x64xi32, #tpu.memory_space<vmem>>, vector<16xi32>,
      %bitcast3A_824 = vector.bitcast %get3A_823 : vector<16xi32> to vector<32xbf16>
      %mul3A_825 = arith.mulf %bitcast3A_820, %bitcast3A_824 : vector<32xbf16>
      %unpack3A_826 = tpu.unpack_subelements %mul3A_825, 0 {pack_format = #tpu.pack_format<interleaved>} : vector<32xbf16> -> vector<16xf32>
      %unpack3A_827 = tpu.unpack_subelements %mul3A_825, 1 {pack_format = #tpu.pack_format<interleaved>} : vector<32xbf16> -> vector<16xf32>
      %add3A_828 = arith.addf %broadcast_in_dim3A_814, %unpack3A_826 : vector<16xf32>
      %add3A_829 = arith.addf %broadcast_in_dim3A_816, %unpack3A_827 : vector<16xf32>
      %get3A_830 = arith.index_cast %add3A_812 : i32 to index
      %get3A_831 = arith.constant 16 : index
      %get3A_832 = tpu.vector_load %arg8[%get3A_830, %get3A_831] {strides = array<i32>} : memref<80x64xi32, #tpu.memory_space<vmem>>, vector<16xi32>,
      %bitcast3A_833 = vector.bitcast %get3A_832 : vector<16xi32> to vector<32xbf16>
      %get3A_834 = arith.index_cast %add3A_812 : i32 to index
      %get3A_835 = arith.constant 16 : index
      %get3A_836 = tpu.vector_load %arg9[%get3A_834, %get3A_835] {strides = array<i32>} : memref<80x64xi32, #tpu.memory_space<vmem>>, vector<16xi32>,
      %bitcast3A_837 = vector.bitcast %get3A_836 : vector<16xi32> to vector<32xbf16>
      %mul3A_838 = arith.mulf %bitcast3A_833, %bitcast3A_837 : vector<32xbf16>
      %unpack3A_839 = tpu.unpack_subelements %mul3A_838, 0 {pack_format = #tpu.pack_format<interleaved>} : vector<32xbf16> -> vector<16xf32>
      %unpack3A_840 = tpu.unpack_subelements %mul3A_838, 1 {pack_format = #tpu.pack_format<interleaved>} : vector<32xbf16> -> vector<16xf32>
      %add3A_841 = arith.addf %add3A_828, %unpack3A_839 : vector<16xf32>
      %add3A_842 = arith.addf %add3A_829, %unpack3A_840 : vector<16xf32>
      %get3A_843 = arith.index_cast %add3A_812 : i32 to index
      %get3A_844 = arith.constant 32 : index
      %get3A_845 = tpu.vector_load %arg8[%get3A_843, %get3A_844] {strides = array<i32>} : memref<80x64xi32, #tpu.memory_space<vmem>>, vector<16xi32>,
      %bitcast3A_846 = vector.bitcast %get3A_845 : vector<16xi32> to vector<32xbf16>
      %get3A_847 = arith.index_cast %add3A_812 : i32 to index
      %get3A_848 = arith.constant 32 : index
      %get3A_849 = tpu.vector_load %arg9[%get3A_847, %get3A_848] {strides = array<i32>} : memref<80x64xi32, #tpu.memory_space<vmem>>, vector<16xi32>,
      %bitcast3A_850 = vector.bitcast %get3A_849 : vector<16xi32> to vector<32xbf16>
      %mul3A_851 = arith.mulf %bitcast3A_846, %bitcast3A_850 : vector<32xbf16>
      %unpack3A_852 = tpu.unpack_subelements %mul3A_851, 0 {pack_format = #tpu.pack_format<interleaved>} : vector<32xbf16> -> vector<16xf32>
      %unpack3A_853 = tpu.unpack_subelements %mul3A_851, 1 {pack_format = #tpu.pack_format<interleaved>} : vector<32xbf16> -> vector<16xf32>
      %add3A_854 = arith.addf %add3A_841, %unpack3A_852 : vector<16xf32>
      %add3A_855 = arith.addf %add3A_842, %unpack3A_853 : vector<16xf32>
      %get3A_856 = arith.index_cast %add3A_812 : i32 to index
      %get3A_857 = arith.constant 48 : index
      %get3A_858 = tpu.vector_load %arg8[%get3A_856, %get3A_857] {strides = array<i32>} : memref<80x64xi32, #tpu.memory_space<vmem>>, vector<16xi32>,
      %bitcast3A_859 = vector.bitcast %get3A_858 : vector<16xi32> to vector<32xbf16>
      %get3A_860 = arith.index_cast %add3A_812 : i32 to index
      %get3A_861 = arith.constant 48 : index
      %get3A_862 = tpu.vector_load %arg9[%get3A_860, %get3A_861] {strides = array<i32>} : memref<80x64xi32, #tpu.memory_space<vmem>>, vector<16xi32>,
      %bitcast3A_863 = vector.bitcast %get3A_862 : vector<16xi32> to vector<32xbf16>
      %mul3A_864 = arith.mulf %bitcast3A_859, %bitcast3A_863 : vector<32xbf16>
      %unpack3A_865 = tpu.unpack_subelements %mul3A_864, 0 {pack_format = #tpu.pack_format<interleaved>} : vector<32xbf16> -> vector<16xf32>
      %unpack3A_866 = tpu.unpack_subelements %mul3A_864, 1 {pack_format = #tpu.pack_format<interleaved>} : vector<32xbf16> -> vector<16xf32>
      %add3A_867 = arith.addf %add3A_854, %unpack3A_865 : vector<16xf32>
      %add3A_868 = arith.addf %add3A_855, %unpack3A_866 : vector<16xf32>
      %mul3A_869 = arith.constant 17 : i32
      %mul3A_870 = vector.broadcast %mul3A_869 : i32 to vector<16xi32>
      %mul3A_871 = arith.muli %iota3A, %mul3A_870 : vector<16xi32>
      %add3A_872 = arith.constant 12 : i32
      %add3A_873 = vector.broadcast %add3A_872 : i32 to vector<16xi32>
      %add3A_874 = arith.addi %mul3A_871, %add3A_873 : vector<16xi32>
      %add3A_875 = arith.addf %add3A_867, %add3A_868 : vector<16xf32>
      tpu.vector_store_idx %arg13[%add3A_874], %add3A_875 : memref<272xf32, #tpu.memory_space<vmem>>[vector<16xi32>], vector<16xf32>,
      %add3A_876 = arith.constant 13 : i32
      %add3A_877 = arith.addi %mul3A_34, %add3A_876 : i32
      %broadcast_in_dim3A_878 = arith.constant 0.000000e+00 : f32
      %broadcast_in_dim3A_879 = vector.broadcast %broadcast_in_dim3A_878 : f32 to vector<16xf32>
      %broadcast_in_dim3A_880 = arith.constant 0.000000e+00 : f32
      %broadcast_in_dim3A_881 = vector.broadcast %broadcast_in_dim3A_880 : f32 to vector<16xf32>
      %get3A_882 = arith.index_cast %add3A_877 : i32 to index
      %get3A_883 = arith.constant 0 : index
      %get3A_884 = tpu.vector_load %arg8[%get3A_882, %get3A_883] {strides = array<i32>} : memref<80x64xi32, #tpu.memory_space<vmem>>, vector<16xi32>,
      %bitcast3A_885 = vector.bitcast %get3A_884 : vector<16xi32> to vector<32xbf16>
      %get3A_886 = arith.index_cast %add3A_877 : i32 to index
      %get3A_887 = arith.constant 0 : index
      %get3A_888 = tpu.vector_load %arg9[%get3A_886, %get3A_887] {strides = array<i32>} : memref<80x64xi32, #tpu.memory_space<vmem>>, vector<16xi32>,
      %bitcast3A_889 = vector.bitcast %get3A_888 : vector<16xi32> to vector<32xbf16>
      %mul3A_890 = arith.mulf %bitcast3A_885, %bitcast3A_889 : vector<32xbf16>
      %unpack3A_891 = tpu.unpack_subelements %mul3A_890, 0 {pack_format = #tpu.pack_format<interleaved>} : vector<32xbf16> -> vector<16xf32>
      %unpack3A_892 = tpu.unpack_subelements %mul3A_890, 1 {pack_format = #tpu.pack_format<interleaved>} : vector<32xbf16> -> vector<16xf32>
      %add3A_893 = arith.addf %broadcast_in_dim3A_879, %unpack3A_891 : vector<16xf32>
      %add3A_894 = arith.addf %broadcast_in_dim3A_881, %unpack3A_892 : vector<16xf32>
      %get3A_895 = arith.index_cast %add3A_877 : i32 to index
      %get3A_896 = arith.constant 16 : index
      %get3A_897 = tpu.vector_load %arg8[%get3A_895, %get3A_896] {strides = array<i32>} : memref<80x64xi32, #tpu.memory_space<vmem>>, vector<16xi32>,
      %bitcast3A_898 = vector.bitcast %get3A_897 : vector<16xi32> to vector<32xbf16>
      %get3A_899 = arith.index_cast %add3A_877 : i32 to index
      %get3A_900 = arith.constant 16 : index
      %get3A_901 = tpu.vector_load %arg9[%get3A_899, %get3A_900] {strides = array<i32>} : memref<80x64xi32, #tpu.memory_space<vmem>>, vector<16xi32>,
      %bitcast3A_902 = vector.bitcast %get3A_901 : vector<16xi32> to vector<32xbf16>
      %mul3A_903 = arith.mulf %bitcast3A_898, %bitcast3A_902 : vector<32xbf16>
      %unpack3A_904 = tpu.unpack_subelements %mul3A_903, 0 {pack_format = #tpu.pack_format<interleaved>} : vector<32xbf16> -> vector<16xf32>
      %unpack3A_905 = tpu.unpack_subelements %mul3A_903, 1 {pack_format = #tpu.pack_format<interleaved>} : vector<32xbf16> -> vector<16xf32>
      %add3A_906 = arith.addf %add3A_893, %unpack3A_904 : vector<16xf32>
      %add3A_907 = arith.addf %add3A_894, %unpack3A_905 : vector<16xf32>
      %get3A_908 = arith.index_cast %add3A_877 : i32 to index
      %get3A_909 = arith.constant 32 : index
      %get3A_910 = tpu.vector_load %arg8[%get3A_908, %get3A_909] {strides = array<i32>} : memref<80x64xi32, #tpu.memory_space<vmem>>, vector<16xi32>,
      %bitcast3A_911 = vector.bitcast %get3A_910 : vector<16xi32> to vector<32xbf16>
      %get3A_912 = arith.index_cast %add3A_877 : i32 to index
      %get3A_913 = arith.constant 32 : index
      %get3A_914 = tpu.vector_load %arg9[%get3A_912, %get3A_913] {strides = array<i32>} : memref<80x64xi32, #tpu.memory_space<vmem>>, vector<16xi32>,
      %bitcast3A_915 = vector.bitcast %get3A_914 : vector<16xi32> to vector<32xbf16>
      %mul3A_916 = arith.mulf %bitcast3A_911, %bitcast3A_915 : vector<32xbf16>
      %unpack3A_917 = tpu.unpack_subelements %mul3A_916, 0 {pack_format = #tpu.pack_format<interleaved>} : vector<32xbf16> -> vector<16xf32>
      %unpack3A_918 = tpu.unpack_subelements %mul3A_916, 1 {pack_format = #tpu.pack_format<interleaved>} : vector<32xbf16> -> vector<16xf32>
      %add3A_919 = arith.addf %add3A_906, %unpack3A_917 : vector<16xf32>
      %add3A_920 = arith.addf %add3A_907, %unpack3A_918 : vector<16xf32>
      %get3A_921 = arith.index_cast %add3A_877 : i32 to index
      %get3A_922 = arith.constant 48 : index
      %get3A_923 = tpu.vector_load %arg8[%get3A_921, %get3A_922] {strides = array<i32>} : memref<80x64xi32, #tpu.memory_space<vmem>>, vector<16xi32>,
      %bitcast3A_924 = vector.bitcast %get3A_923 : vector<16xi32> to vector<32xbf16>
      %get3A_925 = arith.index_cast %add3A_877 : i32 to index
      %get3A_926 = arith.constant 48 : index
      %get3A_927 = tpu.vector_load %arg9[%get3A_925, %get3A_926] {strides = array<i32>} : memref<80x64xi32, #tpu.memory_space<vmem>>, vector<16xi32>,
      %bitcast3A_928 = vector.bitcast %get3A_927 : vector<16xi32> to vector<32xbf16>
      %mul3A_929 = arith.mulf %bitcast3A_924, %bitcast3A_928 : vector<32xbf16>
      %unpack3A_930 = tpu.unpack_subelements %mul3A_929, 0 {pack_format = #tpu.pack_format<interleaved>} : vector<32xbf16> -> vector<16xf32>
      %unpack3A_931 = tpu.unpack_subelements %mul3A_929, 1 {pack_format = #tpu.pack_format<interleaved>} : vector<32xbf16> -> vector<16xf32>
      %add3A_932 = arith.addf %add3A_919, %unpack3A_930 : vector<16xf32>
      %add3A_933 = arith.addf %add3A_920, %unpack3A_931 : vector<16xf32>
      %mul3A_934 = arith.constant 17 : i32
      %mul3A_935 = vector.broadcast %mul3A_934 : i32 to vector<16xi32>
      %mul3A_936 = arith.muli %iota3A, %mul3A_935 : vector<16xi32>
      %add3A_937 = arith.constant 13 : i32
      %add3A_938 = vector.broadcast %add3A_937 : i32 to vector<16xi32>
      %add3A_939 = arith.addi %mul3A_936, %add3A_938 : vector<16xi32>
      %add3A_940 = arith.addf %add3A_932, %add3A_933 : vector<16xf32>
      tpu.vector_store_idx %arg13[%add3A_939], %add3A_940 : memref<272xf32, #tpu.memory_space<vmem>>[vector<16xi32>], vector<16xf32>,
      %add3A_941 = arith.constant 14 : i32
      %add3A_942 = arith.addi %mul3A_34, %add3A_941 : i32
      %broadcast_in_dim3A_943 = arith.constant 0.000000e+00 : f32
      %broadcast_in_dim3A_944 = vector.broadcast %broadcast_in_dim3A_943 : f32 to vector<16xf32>
      %broadcast_in_dim3A_945 = arith.constant 0.000000e+00 : f32
      %broadcast_in_dim3A_946 = vector.broadcast %broadcast_in_dim3A_945 : f32 to vector<16xf32>
      %get3A_947 = arith.index_cast %add3A_942 : i32 to index
      %get3A_948 = arith.constant 0 : index
      %get3A_949 = tpu.vector_load %arg8[%get3A_947, %get3A_948] {strides = array<i32>} : memref<80x64xi32, #tpu.memory_space<vmem>>, vector<16xi32>,
      %bitcast3A_950 = vector.bitcast %get3A_949 : vector<16xi32> to vector<32xbf16>
      %get3A_951 = arith.index_cast %add3A_942 : i32 to index
      %get3A_952 = arith.constant 0 : index
      %get3A_953 = tpu.vector_load %arg9[%get3A_951, %get3A_952] {strides = array<i32>} : memref<80x64xi32, #tpu.memory_space<vmem>>, vector<16xi32>,
      %bitcast3A_954 = vector.bitcast %get3A_953 : vector<16xi32> to vector<32xbf16>
      %mul3A_955 = arith.mulf %bitcast3A_950, %bitcast3A_954 : vector<32xbf16>
      %unpack3A_956 = tpu.unpack_subelements %mul3A_955, 0 {pack_format = #tpu.pack_format<interleaved>} : vector<32xbf16> -> vector<16xf32>
      %unpack3A_957 = tpu.unpack_subelements %mul3A_955, 1 {pack_format = #tpu.pack_format<interleaved>} : vector<32xbf16> -> vector<16xf32>
      %add3A_958 = arith.addf %broadcast_in_dim3A_944, %unpack3A_956 : vector<16xf32>
      %add3A_959 = arith.addf %broadcast_in_dim3A_946, %unpack3A_957 : vector<16xf32>
      %get3A_960 = arith.index_cast %add3A_942 : i32 to index
      %get3A_961 = arith.constant 16 : index
      %get3A_962 = tpu.vector_load %arg8[%get3A_960, %get3A_961] {strides = array<i32>} : memref<80x64xi32, #tpu.memory_space<vmem>>, vector<16xi32>,
      %bitcast3A_963 = vector.bitcast %get3A_962 : vector<16xi32> to vector<32xbf16>
      %get3A_964 = arith.index_cast %add3A_942 : i32 to index
      %get3A_965 = arith.constant 16 : index
      %get3A_966 = tpu.vector_load %arg9[%get3A_964, %get3A_965] {strides = array<i32>} : memref<80x64xi32, #tpu.memory_space<vmem>>, vector<16xi32>,
      %bitcast3A_967 = vector.bitcast %get3A_966 : vector<16xi32> to vector<32xbf16>
      %mul3A_968 = arith.mulf %bitcast3A_963, %bitcast3A_967 : vector<32xbf16>
      %unpack3A_969 = tpu.unpack_subelements %mul3A_968, 0 {pack_format = #tpu.pack_format<interleaved>} : vector<32xbf16> -> vector<16xf32>
      %unpack3A_970 = tpu.unpack_subelements %mul3A_968, 1 {pack_format = #tpu.pack_format<interleaved>} : vector<32xbf16> -> vector<16xf32>
      %add3A_971 = arith.addf %add3A_958, %unpack3A_969 : vector<16xf32>
      %add3A_972 = arith.addf %add3A_959, %unpack3A_970 : vector<16xf32>
      %get3A_973 = arith.index_cast %add3A_942 : i32 to index
      %get3A_974 = arith.constant 32 : index
      %get3A_975 = tpu.vector_load %arg8[%get3A_973, %get3A_974] {strides = array<i32>} : memref<80x64xi32, #tpu.memory_space<vmem>>, vector<16xi32>,
      %bitcast3A_976 = vector.bitcast %get3A_975 : vector<16xi32> to vector<32xbf16>
      %get3A_977 = arith.index_cast %add3A_942 : i32 to index
      %get3A_978 = arith.constant 32 : index
      %get3A_979 = tpu.vector_load %arg9[%get3A_977, %get3A_978] {strides = array<i32>} : memref<80x64xi32, #tpu.memory_space<vmem>>, vector<16xi32>,
      %bitcast3A_980 = vector.bitcast %get3A_979 : vector<16xi32> to vector<32xbf16>
      %mul3A_981 = arith.mulf %bitcast3A_976, %bitcast3A_980 : vector<32xbf16>
      %unpack3A_982 = tpu.unpack_subelements %mul3A_981, 0 {pack_format = #tpu.pack_format<interleaved>} : vector<32xbf16> -> vector<16xf32>
      %unpack3A_983 = tpu.unpack_subelements %mul3A_981, 1 {pack_format = #tpu.pack_format<interleaved>} : vector<32xbf16> -> vector<16xf32>
      %add3A_984 = arith.addf %add3A_971, %unpack3A_982 : vector<16xf32>
      %add3A_985 = arith.addf %add3A_972, %unpack3A_983 : vector<16xf32>
      %get3A_986 = arith.index_cast %add3A_942 : i32 to index
      %get3A_987 = arith.constant 48 : index
      %get3A_988 = tpu.vector_load %arg8[%get3A_986, %get3A_987] {strides = array<i32>} : memref<80x64xi32, #tpu.memory_space<vmem>>, vector<16xi32>,
      %bitcast3A_989 = vector.bitcast %get3A_988 : vector<16xi32> to vector<32xbf16>
      %get3A_990 = arith.index_cast %add3A_942 : i32 to index
      %get3A_991 = arith.constant 48 : index
      %get3A_992 = tpu.vector_load %arg9[%get3A_990, %get3A_991] {strides = array<i32>} : memref<80x64xi32, #tpu.memory_space<vmem>>, vector<16xi32>,
      %bitcast3A_993 = vector.bitcast %get3A_992 : vector<16xi32> to vector<32xbf16>
      %mul3A_994 = arith.mulf %bitcast3A_989, %bitcast3A_993 : vector<32xbf16>
      %unpack3A_995 = tpu.unpack_subelements %mul3A_994, 0 {pack_format = #tpu.pack_format<interleaved>} : vector<32xbf16> -> vector<16xf32>
      %unpack3A_996 = tpu.unpack_subelements %mul3A_994, 1 {pack_format = #tpu.pack_format<interleaved>} : vector<32xbf16> -> vector<16xf32>
      %add3A_997 = arith.addf %add3A_984, %unpack3A_995 : vector<16xf32>
      %add3A_998 = arith.addf %add3A_985, %unpack3A_996 : vector<16xf32>
      %mul3A_999 = arith.constant 17 : i32
      %mul3A_1000 = vector.broadcast %mul3A_999 : i32 to vector<16xi32>
      %mul3A_1001 = arith.muli %iota3A, %mul3A_1000 : vector<16xi32>
      %add3A_1002 = arith.constant 14 : i32
      %add3A_1003 = vector.broadcast %add3A_1002 : i32 to vector<16xi32>
      %add3A_1004 = arith.addi %mul3A_1001, %add3A_1003 : vector<16xi32>
      %add3A_1005 = arith.addf %add3A_997, %add3A_998 : vector<16xf32>
      tpu.vector_store_idx %arg13[%add3A_1004], %add3A_1005 : memref<272xf32, #tpu.memory_space<vmem>>[vector<16xi32>], vector<16xf32>,
      %add3A_1006 = arith.constant 15 : i32
      %add3A_1007 = arith.addi %mul3A_34, %add3A_1006 : i32
      %broadcast_in_dim3A_1008 = arith.constant 0.000000e+00 : f32
      %broadcast_in_dim3A_1009 = vector.broadcast %broadcast_in_dim3A_1008 : f32 to vector<16xf32>
      %broadcast_in_dim3A_1010 = arith.constant 0.000000e+00 : f32
      %broadcast_in_dim3A_1011 = vector.broadcast %broadcast_in_dim3A_1010 : f32 to vector<16xf32>
      %get3A_1012 = arith.index_cast %add3A_1007 : i32 to index
      %get3A_1013 = arith.constant 0 : index
      %get3A_1014 = tpu.vector_load %arg8[%get3A_1012, %get3A_1013] {strides = array<i32>} : memref<80x64xi32, #tpu.memory_space<vmem>>, vector<16xi32>,
      %bitcast3A_1015 = vector.bitcast %get3A_1014 : vector<16xi32> to vector<32xbf16>
      %get3A_1016 = arith.index_cast %add3A_1007 : i32 to index
      %get3A_1017 = arith.constant 0 : index
      %get3A_1018 = tpu.vector_load %arg9[%get3A_1016, %get3A_1017] {strides = array<i32>} : memref<80x64xi32, #tpu.memory_space<vmem>>, vector<16xi32>,
      %bitcast3A_1019 = vector.bitcast %get3A_1018 : vector<16xi32> to vector<32xbf16>
      %mul3A_1020 = arith.mulf %bitcast3A_1015, %bitcast3A_1019 : vector<32xbf16>
      %unpack3A_1021 = tpu.unpack_subelements %mul3A_1020, 0 {pack_format = #tpu.pack_format<interleaved>} : vector<32xbf16> -> vector<16xf32>
      %unpack3A_1022 = tpu.unpack_subelements %mul3A_1020, 1 {pack_format = #tpu.pack_format<interleaved>} : vector<32xbf16> -> vector<16xf32>
      %add3A_1023 = arith.addf %broadcast_in_dim3A_1009, %unpack3A_1021 : vector<16xf32>
      %add3A_1024 = arith.addf %broadcast_in_dim3A_1011, %unpack3A_1022 : vector<16xf32>
      %get3A_1025 = arith.index_cast %add3A_1007 : i32 to index
      %get3A_1026 = arith.constant 16 : index
      %get3A_1027 = tpu.vector_load %arg8[%get3A_1025, %get3A_1026] {strides = array<i32>} : memref<80x64xi32, #tpu.memory_space<vmem>>, vector<16xi32>,
      %bitcast3A_1028 = vector.bitcast %get3A_1027 : vector<16xi32> to vector<32xbf16>
      %get3A_1029 = arith.index_cast %add3A_1007 : i32 to index
      %get3A_1030 = arith.constant 16 : index
      %get3A_1031 = tpu.vector_load %arg9[%get3A_1029, %get3A_1030] {strides = array<i32>} : memref<80x64xi32, #tpu.memory_space<vmem>>, vector<16xi32>,
      %bitcast3A_1032 = vector.bitcast %get3A_1031 : vector<16xi32> to vector<32xbf16>
      %mul3A_1033 = arith.mulf %bitcast3A_1028, %bitcast3A_1032 : vector<32xbf16>
      %unpack3A_1034 = tpu.unpack_subelements %mul3A_1033, 0 {pack_format = #tpu.pack_format<interleaved>} : vector<32xbf16> -> vector<16xf32>
      %unpack3A_1035 = tpu.unpack_subelements %mul3A_1033, 1 {pack_format = #tpu.pack_format<interleaved>} : vector<32xbf16> -> vector<16xf32>
      %add3A_1036 = arith.addf %add3A_1023, %unpack3A_1034 : vector<16xf32>
      %add3A_1037 = arith.addf %add3A_1024, %unpack3A_1035 : vector<16xf32>
      %get3A_1038 = arith.index_cast %add3A_1007 : i32 to index
      %get3A_1039 = arith.constant 32 : index
      %get3A_1040 = tpu.vector_load %arg8[%get3A_1038, %get3A_1039] {strides = array<i32>} : memref<80x64xi32, #tpu.memory_space<vmem>>, vector<16xi32>,
      %bitcast3A_1041 = vector.bitcast %get3A_1040 : vector<16xi32> to vector<32xbf16>
      %get3A_1042 = arith.index_cast %add3A_1007 : i32 to index
      %get3A_1043 = arith.constant 32 : index
      %get3A_1044 = tpu.vector_load %arg9[%get3A_1042, %get3A_1043] {strides = array<i32>} : memref<80x64xi32, #tpu.memory_space<vmem>>, vector<16xi32>,
      %bitcast3A_1045 = vector.bitcast %get3A_1044 : vector<16xi32> to vector<32xbf16>
      %mul3A_1046 = arith.mulf %bitcast3A_1041, %bitcast3A_1045 : vector<32xbf16>
      %unpack3A_1047 = tpu.unpack_subelements %mul3A_1046, 0 {pack_format = #tpu.pack_format<interleaved>} : vector<32xbf16> -> vector<16xf32>
      %unpack3A_1048 = tpu.unpack_subelements %mul3A_1046, 1 {pack_format = #tpu.pack_format<interleaved>} : vector<32xbf16> -> vector<16xf32>
      %add3A_1049 = arith.addf %add3A_1036, %unpack3A_1047 : vector<16xf32>
      %add3A_1050 = arith.addf %add3A_1037, %unpack3A_1048 : vector<16xf32>
      %get3A_1051 = arith.index_cast %add3A_1007 : i32 to index
      %get3A_1052 = arith.constant 48 : index
      %get3A_1053 = tpu.vector_load %arg8[%get3A_1051, %get3A_1052] {strides = array<i32>} : memref<80x64xi32, #tpu.memory_space<vmem>>, vector<16xi32>,
      %bitcast3A_1054 = vector.bitcast %get3A_1053 : vector<16xi32> to vector<32xbf16>
      %get3A_1055 = arith.index_cast %add3A_1007 : i32 to index
      %get3A_1056 = arith.constant 48 : index
      %get3A_1057 = tpu.vector_load %arg9[%get3A_1055, %get3A_1056] {strides = array<i32>} : memref<80x64xi32, #tpu.memory_space<vmem>>, vector<16xi32>,
      %bitcast3A_1058 = vector.bitcast %get3A_1057 : vector<16xi32> to vector<32xbf16>
      %mul3A_1059 = arith.mulf %bitcast3A_1054, %bitcast3A_1058 : vector<32xbf16>
      %unpack3A_1060 = tpu.unpack_subelements %mul3A_1059, 0 {pack_format = #tpu.pack_format<interleaved>} : vector<32xbf16> -> vector<16xf32>
      %unpack3A_1061 = tpu.unpack_subelements %mul3A_1059, 1 {pack_format = #tpu.pack_format<interleaved>} : vector<32xbf16> -> vector<16xf32>
      %add3A_1062 = arith.addf %add3A_1049, %unpack3A_1060 : vector<16xf32>
      %add3A_1063 = arith.addf %add3A_1050, %unpack3A_1061 : vector<16xf32>
      %mul3A_1064 = arith.constant 17 : i32
      %mul3A_1065 = vector.broadcast %mul3A_1064 : i32 to vector<16xi32>
      %mul3A_1066 = arith.muli %iota3A, %mul3A_1065 : vector<16xi32>
      %add3A_1067 = arith.constant 15 : i32
      %add3A_1068 = vector.broadcast %add3A_1067 : i32 to vector<16xi32>
      %add3A_1069 = arith.addi %mul3A_1066, %add3A_1068 : vector<16xi32>
      %add3A_1070 = arith.addf %add3A_1062, %add3A_1063 : vector<16xf32>
      tpu.vector_store_idx %arg13[%add3A_1069], %add3A_1070 : memref<272xf32, #tpu.memory_space<vmem>>[vector<16xi32>], vector<16xf32>,
      %get3A_1071 = arith.constant 0 : index
      %get3A_1072 = tpu.vector_load %arg13[%get3A_1071] {strides = array<i32>} : memref<272xf32, #tpu.memory_space<vmem>>, vector<16xf32>,
      %get3A_1073 = arith.constant 17 : index
      %get3A_1074 = tpu.vector_load %arg13[%get3A_1073] {strides = array<i32>} : memref<272xf32, #tpu.memory_space<vmem>>, vector<16xf32>,
      %get3A_1075 = arith.constant 34 : index
      %get3A_1076 = tpu.vector_load %arg13[%get3A_1075] {strides = array<i32>} : memref<272xf32, #tpu.memory_space<vmem>>, vector<16xf32>,
      %get3A_1077 = arith.constant 51 : index
      %get3A_1078 = tpu.vector_load %arg13[%get3A_1077] {strides = array<i32>} : memref<272xf32, #tpu.memory_space<vmem>>, vector<16xf32>,
      %get3A_1079 = arith.constant 68 : index
      %get3A_1080 = tpu.vector_load %arg13[%get3A_1079] {strides = array<i32>} : memref<272xf32, #tpu.memory_space<vmem>>, vector<16xf32>,
      %get3A_1081 = arith.constant 85 : index
      %get3A_1082 = tpu.vector_load %arg13[%get3A_1081] {strides = array<i32>} : memref<272xf32, #tpu.memory_space<vmem>>, vector<16xf32>,
      %get3A_1083 = arith.constant 102 : index
      %get3A_1084 = tpu.vector_load %arg13[%get3A_1083] {strides = array<i32>} : memref<272xf32, #tpu.memory_space<vmem>>, vector<16xf32>,
      %get3A_1085 = arith.constant 119 : index
      %get3A_1086 = tpu.vector_load %arg13[%get3A_1085] {strides = array<i32>} : memref<272xf32, #tpu.memory_space<vmem>>, vector<16xf32>,
      %get3A_1087 = arith.constant 136 : index
      %get3A_1088 = tpu.vector_load %arg13[%get3A_1087] {strides = array<i32>} : memref<272xf32, #tpu.memory_space<vmem>>, vector<16xf32>,
      %get3A_1089 = arith.constant 153 : index
      %get3A_1090 = tpu.vector_load %arg13[%get3A_1089] {strides = array<i32>} : memref<272xf32, #tpu.memory_space<vmem>>, vector<16xf32>,
      %get3A_1091 = arith.constant 170 : index
      %get3A_1092 = tpu.vector_load %arg13[%get3A_1091] {strides = array<i32>} : memref<272xf32, #tpu.memory_space<vmem>>, vector<16xf32>,
      %get3A_1093 = arith.constant 187 : index
      %get3A_1094 = tpu.vector_load %arg13[%get3A_1093] {strides = array<i32>} : memref<272xf32, #tpu.memory_space<vmem>>, vector<16xf32>,
      %get3A_1095 = arith.constant 204 : index
      %get3A_1096 = tpu.vector_load %arg13[%get3A_1095] {strides = array<i32>} : memref<272xf32, #tpu.memory_space<vmem>>, vector<16xf32>,
      %get3A_1097 = arith.constant 221 : index
      %get3A_1098 = tpu.vector_load %arg13[%get3A_1097] {strides = array<i32>} : memref<272xf32, #tpu.memory_space<vmem>>, vector<16xf32>,
      %get3A_1099 = arith.constant 238 : index
      %get3A_1100 = tpu.vector_load %arg13[%get3A_1099] {strides = array<i32>} : memref<272xf32, #tpu.memory_space<vmem>>, vector<16xf32>,
      %get3A_1101 = arith.constant 255 : index
      %get3A_1102 = tpu.vector_load %arg13[%get3A_1101] {strides = array<i32>} : memref<272xf32, #tpu.memory_space<vmem>>, vector<16xf32>,
      %add3A_1103 = arith.addf %get3A_1072, %get3A_1074 : vector<16xf32>
      %add3A_1104 = arith.addf %get3A_1076, %get3A_1078 : vector<16xf32>
      %add3A_1105 = arith.addf %get3A_1080, %get3A_1082 : vector<16xf32>
      %add3A_1106 = arith.addf %get3A_1084, %get3A_1086 : vector<16xf32>
      %add3A_1107 = arith.addf %get3A_1088, %get3A_1090 : vector<16xf32>
      %add3A_1108 = arith.addf %get3A_1092, %get3A_1094 : vector<16xf32>
      %add3A_1109 = arith.addf %get3A_1096, %get3A_1098 : vector<16xf32>
      %add3A_1110 = arith.addf %get3A_1100, %get3A_1102 : vector<16xf32>
      %add3A_1111 = arith.addf %add3A_1103, %add3A_1104 : vector<16xf32>
      %add3A_1112 = arith.addf %add3A_1105, %add3A_1106 : vector<16xf32>
      %add3A_1113 = arith.addf %add3A_1107, %add3A_1108 : vector<16xf32>
      %add3A_1114 = arith.addf %add3A_1109, %add3A_1110 : vector<16xf32>
      %add3A_1115 = arith.addf %add3A_1111, %add3A_1112 : vector<16xf32>
      %add3A_1116 = arith.addf %add3A_1113, %add3A_1114 : vector<16xf32>
      %add3A_1117 = arith.addf %add3A_1115, %add3A_1116 : vector<16xf32>
      %neg3A = arith.constant 0.000000e+00 : f32
      %neg3A_1118 = vector.broadcast %neg3A : f32 to vector<16xf32>
      %neg3A_1119 = arith.subf %neg3A_1118, %add3A_1117 : vector<16xf32>
      %exp3A = math.exp %neg3A_1119 : vector<16xf32>
      %add3A_1120 = arith.constant 1.000000e+00 : f32
      %add3A_1121 = vector.broadcast %add3A_1120 : f32 to vector<16xf32>
      %add3A_1122 = arith.addf %add3A_1121, %exp3A : vector<16xf32>
      %div3A = arith.constant 1.000000e+00 : f32
      %div3A_1123 = vector.broadcast %div3A : f32 to vector<16xf32>
      %div3A_1124 = arith.divf %div3A_1123, %add3A_1122 : vector<16xf32>
      %mul3A_1125 = arith.constant 16 : i32
      %mul3A_1126 = arith.muli %scan3A_32, %mul3A_1125 : i32
      %add3A_1127 = arith.constant 9920 : i32
      %add3A_1128 = arith.addi %add3A_1127, %mul3A_1126 : i32
      %swap3A = arith.index_cast %add3A_1128 : i32 to index
      %swap3A_1129 = tpu.vector_load %arg12[%swap3A] {strides = array<i32>} : memref<10000xf32, #tpu.memory_space<vmem>>, vector<16xf32>,
      tpu.vector_store %arg12[%swap3A], %div3A_1124 {strides = array<i32>} : memref<10000xf32, #tpu.memory_space<vmem>>, vector<16xf32>,
    }
    %scan3A_31 = arith.constant 5 : i32
    "tpu.region"() ({
      %run_scoped3A = tpu.sem_alloc : memref<!tpu.dma_semaphore, #tpu.memory_space<semaphore_mem>>
      %dma_start3A_32 = tpu.memref_slice %arg5[%mul3A_2] : memref<320000xf32, #tpu.memory_space<hbm>> -> memref<10000xf32, #tpu.memory_space<hbm>>
      %dma_start3A_33 = tpu.memref_slice %arg5[%mul3A_2] : memref<320000xf32, #tpu.memory_space<hbm>> -> memref<10000xf32, #tpu.memory_space<hbm>>
      tpu.enqueue_dma source(%arg12 : memref<10000xf32, #tpu.memory_space<vmem>>) target(%dma_start3A_33 : memref<10000xf32, #tpu.memory_space<hbm>>) target_semaphore(%run_scoped3A : memref<!tpu.dma_semaphore, #tpu.memory_space<semaphore_mem>>)
      %dma_wait3A_34 = tpu.memref_slice %arg5[%mul3A_2] : memref<320000xf32, #tpu.memory_space<hbm>> -> memref<10000xf32, #tpu.memory_space<hbm>>
      %dma_wait3A_35 = tpu.memref_slice %arg5[%mul3A_2] : memref<320000xf32, #tpu.memory_space<hbm>> -> memref<10000xf32, #tpu.memory_space<hbm>>
      tpu.wait_dma2 semaphore(%run_scoped3A : memref<!tpu.dma_semaphore, #tpu.memory_space<semaphore_mem>>) src(%arg12 : memref<10000xf32, #tpu.memory_space<vmem>>) dst(%dma_wait3A_35 : memref<10000xf32, #tpu.memory_space<hbm>>)
      tpu.yield
    }) : () -> ()
    return
  }
}

module attributes {stable_mosaic.version = 14 : i64} {
  func.func @_dense_body(%arg0: memref<10000x128xf32, #tpu.memory_space<vmem>>, %arg1: memref<128x1xf32, #tpu.memory_space<vmem>>, %arg2: memref<1x1xf32, #tpu.memory_space<vmem>>, %arg3: memref<128x128xf32, #tpu.memory_space<vmem>>, %arg4: memref<1x128xf32, #tpu.memory_space<vmem>>, %arg5: memref<10000x64xi32, #tpu.memory_space<vmem>>, %arg6: memref<10000x1xf32, #tpu.memory_space<vmem>>) attributes {dimension_semantics = [], scalar_prefetch = 0 : i64, scratch_operands = 0 : i64, tpu.core_type = #tpu.core_type<tc>} {
    %get3A = arith.constant 0 : index
    %get3A_0 = arith.constant 0 : index
    %get3A_1 = vector.load %arg0[%get3A, %get3A_0] : memref<10000x128xf32, #tpu.memory_space<vmem>>, vector<10000x128xf32>
    %get3A_2 = arith.constant 0 : index
    %get3A_3 = arith.constant 0 : index
    %get3A_4 = vector.load %arg3[%get3A_2, %get3A_3] : memref<128x128xf32, #tpu.memory_space<vmem>>, vector<128x128xf32>
    %dot_general3A = arith.constant dense<0.000000e+00> : vector<10000x128xf32>
    %dot_general3A_5 = tpu.matmul %get3A_1, %get3A_4, %dot_general3A {dimension_numbers = #tpu.dot_dimension_numbers<[1], [0], [0], [1], [0, 0, 1, 1], [], []>, transpose_lhs_hint = false} : vector<10000x128xf32>, vector<128x128xf32>, vector<10000x128xf32> -> vector<10000x128xf32>
    %get3A_6 = arith.constant 0 : index
    %get3A_7 = arith.constant 0 : index
    %get3A_8 = vector.load %arg4[%get3A_6, %get3A_7] : memref<1x128xf32, #tpu.memory_space<vmem>>, vector<1x128xf32>
    %add3A = vector.broadcast %get3A_8 : vector<1x128xf32> to vector<10000x128xf32>
    %add3A_9 = arith.addf %dot_general3A_5, %add3A : vector<10000x128xf32>
    %slice3A = vector.extract_strided_slice %add3A_9 {offsets = [0, 0], sizes = [10000, 64], strides = [1, 1]} : vector<10000x128xf32> to vector<10000x64xf32>
    %convert_element_type3A = arith.truncf %slice3A : vector<10000x64xf32> to vector<10000x64xbf16>
    %bitcast_convert_type3A = tpu.bitcast %convert_element_type3A : vector<10000x64xbf16> -> vector<10000x64xi16>
    %slice3A_10 = vector.extract_strided_slice %add3A_9 {offsets = [0, 64], sizes = [10000, 64], strides = [1, 1]} : vector<10000x128xf32> to vector<10000x64xf32>
    %convert_element_type3A_11 = arith.truncf %slice3A_10 : vector<10000x64xf32> to vector<10000x64xbf16>
    %bitcast_convert_type3A_12 = tpu.bitcast %convert_element_type3A_11 : vector<10000x64xbf16> -> vector<10000x64xi16>
    %convert_element_type3A_13 = arith.extui %bitcast_convert_type3A_12 : vector<10000x64xi16> to vector<10000x64xi32>
    %shift_left3A = arith.constant 16 : i32
    %shift_left3A_14 = vector.broadcast %shift_left3A : i32 to vector<10000x64xi32>
    %shift_left3A_15 = arith.shli %convert_element_type3A_13, %shift_left3A_14 : vector<10000x64xi32>
    %convert_element_type3A_16 = arith.extui %bitcast_convert_type3A : vector<10000x64xi16> to vector<10000x64xi32>
    %or3A = arith.ori %shift_left3A_15, %convert_element_type3A_16 : vector<10000x64xi32>
    %bitcast_convert_type3A_17 = tpu.bitcast %or3A : vector<10000x64xi32> -> vector<10000x64xi32>
    %swap3A = arith.constant 0 : index
    %swap3A_18 = arith.constant 0 : index
    %swap3A_19 = vector.load %arg5[%swap3A, %swap3A_18] : memref<10000x64xi32, #tpu.memory_space<vmem>>, vector<10000x64xi32>
    tpu.vector_store %arg5[%swap3A, %swap3A_18], %bitcast_convert_type3A_17 {strides = array<i32>} : memref<10000x64xi32, #tpu.memory_space<vmem>>, vector<10000x64xi32>,
    %get3A_20 = arith.constant 0 : index
    %get3A_21 = arith.constant 0 : index
    %get3A_22 = vector.load %arg1[%get3A_20, %get3A_21] : memref<128x1xf32, #tpu.memory_space<vmem>>, vector<128x1xf32>
    %dot_general3A_23 = arith.constant dense<0.000000e+00> : vector<10000x1xf32>
    %dot_general3A_24 = tpu.matmul %get3A_1, %get3A_22, %dot_general3A_23 {dimension_numbers = #tpu.dot_dimension_numbers<[1], [0], [0], [1], [0, 0, 1, 1], [], []>, transpose_lhs_hint = false} : vector<10000x128xf32>, vector<128x1xf32>, vector<10000x1xf32> -> vector<10000x1xf32>
    %get3A_25 = arith.constant 0 : index
    %get3A_26 = arith.constant 0 : index
    %get3A_27 = vector.load %arg2[%get3A_25, %get3A_26] : memref<1x1xf32, #tpu.memory_space<vmem>>, vector<1x1xf32>
    %add3A_28 = vector.broadcast %get3A_27 : vector<1x1xf32> to vector<10000x1xf32>
    %add3A_29 = arith.addf %dot_general3A_24, %add3A_28 : vector<10000x1xf32>
    %logistic3A = arith.negf %add3A_29 : vector<10000x1xf32>
    %logistic3A_30 = math.exp %logistic3A : vector<10000x1xf32>
    %logistic3A_31 = arith.constant 1.000000e+00 : f32
    %logistic3A_32 = vector.broadcast %logistic3A_31 : f32 to vector<10000x1xf32>
    %logistic3A_33 = arith.addf %logistic3A_32, %logistic3A_30 : vector<10000x1xf32>
    %logistic3A_34 = arith.divf %logistic3A_32, %logistic3A_33 : vector<10000x1xf32>
    %swap3A_35 = arith.constant 0 : index
    %swap3A_36 = arith.constant 0 : index
    %swap3A_37 = vector.load %arg6[%swap3A_35, %swap3A_36] : memref<10000x1xf32, #tpu.memory_space<vmem>>, vector<10000x1xf32>
    tpu.vector_store %arg6[%swap3A_35, %swap3A_36], %logistic3A_34 {strides = array<i32>} : memref<10000x1xf32, #tpu.memory_space<vmem>>, vector<10000x1xf32>,
    return
  }
}

</mosaic_0001>

<sc_bundles>
// kernel: kernel.4.cloned.1.call-start
scs
__scs_entry_jumppad:
0x0: {  	(pc) =	sbr.rel $0x88, $3  }
0x1: {  	(tag) =	ssettag $0x0;
	lr =	simm.s32 $0x1  }
0x2: {  	[smem:$0x3F9B] =	sst lr;
	_ =	strace $0xD0000000  }
0x3: {  	_ = 	snop  }
0x4: {  	_ = 	snop  }
0x5: {  	_ = 	snop  }
0x6: {  	_ = 	snop  }
0x7: {  	_ = 	snop  }
__scs_overlays_trampoline_lowered:
0x8: {  	[smem:$0x3FAA] =	sst s0  }
0x9: {  	[smem:$0x3FAB] =	sst s1  }
0xa: {  	[smem:$0x3FAC] =	sst s2  }
0xb: {  	[smem:$0x3FAD] =	sst s3  }
0xc: {  	[smem:$0x3FAE] =	sst s4  }
0xd: {  	[smem:$0x3FAF] =	sst s5  }
0xe: {  	[smem:$0x3FB0] =	sst s6  }
0xf: {  	[smem:$0x3FB1] =	sst s7  }
0x10: {  	[smem:$0x3FB2] =	sst s8  }
0x11: {  	[smem:$0x3FB3] =	sst s9;
	s0 =	simm.s32 @!p0 $0x0  }
0x12: {  	s1 =	sld [smem:$0x3F99];
	s0 =	simm.s32 @p0 $0x1  }
0x13: {  	[smem:$0x3FB4] =	sst s0;
	s0 =	simm.s32 @!p1 $0x0  }
0x14: {  	s2 =	sld [smem:$0x3F98];
	s0 =	simm.s32 @p1 $0x1  }
0x15: {  	[smem:$0x3FB5] =	sst s0;
	s0 =	simm.s32 @!p2 $0x0  }
0x16: {  	s3 =	sld [smem:$0x3FDB];
	s0 =	simm.s32 @p2 $0x1  }
0x17: {  	s4 =	simm.s32 $0x1BF5;
	[smem:$0x3FB7] =	sst s0  }
0x18: {  	s0 =	sld [smem:$0x3F9A];
	_ =	swait.ge [sflag:s4], $0x0  }
0x19: {  	s7 =	sld [smem:$0x3F9B]  }
0x1a: {  	s8 =	sadd.s32 $0xFFFFE003, lr  }
0x1b: {  	s9 =	sadd.s32 $0xFFFFFEF7, lr;
	s5 =	simm.s32 $0xFFFFFFFF;
	p2 =	slt.u32 s8, $0xFFFFF086  }
0x1c: {  	p1 =	slt.u32 s9, $0xF7A;
	s5 =	simm.s32 @!p2 $0x0  }
0x1d: {  	s5 =	simm.s32 @p1 $0x1;
	p0 =	seq.s32 s7, s2  }
0x1e: {  	s7 =	smul.u32 @!p0 $0xF7A, s2;
	p2 =	seq.s32 @!p0 s5, $0x0  }
0x1f: {  	s9 =	smul.u32 $0xF7A, s1;
	s8 =	simm.s32 @!p0 $0x1BF5;
	p2 =	por !p2, p0  }
0x20: {  	[sflag:s8] =	ssyncset.s32 @!p0 $0xFFFFF086;
	s6 =	sadd.s32 @!p0 s3, s7;
	s7 =	simm.s32 @!p0 $0x108  }
0x21: {  	s3 =	sadd.s32 s3, s9;
	s6 =	sadd.s32 @!p0 $0x88, s6;
	s7 =	simm.s32 @p2 $0x1082  }
0x22: {  	[simem:s7], [sflag:s8] =	dma.local @!p0 [hbm:s6], $0xF7A  }
0x23: {  	s9 =	sor.u32 $0xD0000000, s2;
	s6 =	simm.s32 $0x108;
	_ =	swait.ge @!p0 [sflag:s8], $0x0  }
0x24: {  	s3 =	sadd.s32 $0x88, s3;
	s6 =	simm.s32 @!p1 $0x1082;
	[sflag:s4] =	ssyncset.s32 $0xFFFFF086  }
0x25: {  	[simem:s6], [sflag:s4] =	dma.local [hbm:s3], $0xF7A  }
0x26: {  	[smem:$0x3F9B] =	sst s1;
	(tag) =	ssettag s2;
	_ =	strace s9  }
0x27: {  	s1 =	sld [smem:$0x3FAB]  }
0x28: {  	s2 =	sld [smem:$0x3FAC]  }
0x29: {  	s4 =	sld [smem:$0x3FAE]  }
0x2a: {  	p0 =	seq.s32 s5, $0x0;
	s5 =	sld [smem:$0x3FAF]  }
0x2b: {  	s6 =	sld [smem:$0x3FB0]  }
0x2c: {  	s7 =	sld [smem:$0x3FB1]  }
0x2d: {  	s3 =	simm.s32 $0x108;
	s8 =	sld [smem:$0x3FB2]  }
0x2e: {  	s3 =	simm.s32 @!p0 $0x1082;
	s9 =	sld [smem:$0x3FB3]  }
0x2f: {  	lr =	sadd.s32 s0, s3;
	s0 =	sld [smem:$0x3FAA]  }
0x30: {  	s3 =	sld [smem:$0x3FAD]  }
0x31: {  	[smem:$0x3FB6] =	sst s10  }
0x32: {  	s10 =	sld [smem:$0x3FB4];
	_ =	sdelay $0x3  }
0x33: {  	p0 =	seq.s32 s10, $0x1;
	s10 =	sld [smem:$0x3FB6];
	_ =	sdelay $0x3  }
0x34: {  	[smem:$0x3FB6] =	sst s10  }
0x35: {  	s10 =	sld [smem:$0x3FB5];
	_ =	sdelay $0x3  }
0x36: {  	p1 =	seq.s32 s10, $0x1;
	s10 =	sld [smem:$0x3FB6];
	_ =	sdelay $0x3  }
0x37: {  	[smem:$0x3FB6] =	sst s10  }
0x38: {  	s10 =	sld [smem:$0x3FB7]  }
0x39: {  	_ = 	snop;
	(pc) =	sbr.ind lr, $3  }
0x3a: {  	_ = 	snop  }
0x3b: {  	_ = 	snop  }
0x3c: {  	p2 =	seq.s32 s10, $0x1;
	s10 =	sld [smem:$0x3FB6]  }
0x3d: {  	_ =	shalt  }
0x3e: {  	_ =	shalt  }
0x3f: {  	_ =	shalt  }
0x40: {  	_ =	shalt  }
0x41: {  	_ =	shalt  }
0x42: {  	_ =	shalt  }
0x43: {  	_ =	shalt  }
0x44: {  	_ =	shalt  }
0x45: {  	_ =	shalt  }
0x46: {  	_ =	shalt  }
0x47: {  	_ =	shalt  }
0x48: {  	_ =	shalt  }
0x49: {  	_ =	shalt  }
0x4a: {  	_ =	shalt  }
0x4b: {  	_ =	shalt  }
0x4c: {  	_ =	shalt  }
0x4d: {  	_ =	shalt  }
0x4e: {  	_ =	shalt  }
0x4f: {  	_ =	shalt  }
0x50: {  	_ =	shalt  }
0x51: {  	_ =	shalt  }
0x52: {  	_ =	shalt  }
0x53: {  	_ =	shalt  }
0x54: {  	_ =	shalt  }
0x55: {  	_ =	shalt  }
0x56: {  	_ =	shalt  }
0x57: {  	_ =	shalt  }
0x58: {  	_ =	shalt  }
0x59: {  	_ =	shalt  }
0x5a: {  	_ =	shalt  }
0x5b: {  	_ =	shalt  }
0x5c: {  	_ =	shalt  }
0x5d: {  	_ =	shalt  }
0x5e: {  	_ =	shalt  }
0x5f: {  	_ =	shalt  }
0x60: {  	_ =	shalt  }
0x61: {  	_ =	shalt  }
0x62: {  	_ =	shalt  }
0x63: {  	_ =	shalt  }
0x64: {  	_ =	shalt  }
0x65: {  	_ =	shalt  }
0x66: {  	_ =	shalt  }
0x67: {  	_ =	shalt  }
0x68: {  	_ =	shalt  }
0x69: {  	_ =	shalt  }
0x6a: {  	_ =	shalt  }
0x6b: {  	_ =	shalt  }
0x6c: {  	_ =	shalt  }
0x6d: {  	_ =	shalt  }
0x6e: {  	_ =	shalt  }
0x6f: {  	_ =	shalt  }
0x70: {  	_ =	shalt  }
0x71: {  	_ =	shalt  }
0x72: {  	_ =	shalt  }
0x73: {  	_ =	shalt  }
0x74: {  	_ =	shalt  }
0x75: {  	_ =	shalt  }
0x76: {  	_ =	shalt  }
0x77: {  	_ =	shalt  }
0x78: {  	_ =	shalt  }
0x79: {  	_ =	shalt  }
0x7a: {  	_ =	shalt  }
0x7b: {  	_ =	shalt  }
0x7c: {  	_ =	shalt  }
0x7d: {  	_ =	shalt  }
0x7e: {  	_ =	shalt  }
0x7f: {  	_ =	shalt  }
0x80: {  	_ =	shalt  }
0x81: {  	_ =	shalt  }
0x82: {  	_ =	shalt  }
0x83: {  	_ =	shalt  }
0x84: {  	_ =	shalt  }
0x85: {  	_ =	shalt  }
0x86: {  	_ =	shalt  }
0x87: {  	_ =	shalt  }
.Lfunc_end0:
.L_simem_size_0:
called_computation_lowered:
.L_overlay_start_0:
0x88: {  	s2 =	sld [smem:$0x3FD9]  }
0x89: {  	s3 =	sld [smem:$0x3FFE];
	_ =	sdelay $0x1  }
0x8a: {  	s1 =	srdreg.scid  }
0x8b: {  	s0 =	sand.u32 $0x1, s1  }
0x8c: {  	s14 =	sshll.u32 s0, $0xA;
	s2 =	sadd.s32 s3, s2  }
0x8d: {  	s2 =	sadd.s32 s2, s14  }
0x8e: {  	[smem:$0x3FC2] =	sst s2  }
0x8f: {  	_ = 	snop  }
0x90: {  	s2 =	sld [smem:$0x3FD0];
	_ =	sdelay $0x2  }
0x91: {  	s15 =	simm.s32 $0xA;
	s4 =	simm.s32 $0x10  }
0x92: {  	[smem:s4], [sflag:s15] =	dma.local [hbm:s2], $0x1  }
0x93: {  	_ =	swait.eq [sflag:s15], $0x1  }
0x94: {  	[sflag:s15] =	ssyncset.done $0x0  }
0x95: {  	[sflag:s15] =	ssyncadd.s32 $0xFFFFFFFF  }
0x96: {  	s16 =	sld [smem:$0x11];
	(tm) =	ssettm $0x1  }
0x97: {  	s17 =	sld [smem:$0x3FFB];
	_ =	sdelay $0x3  }
0x98: {  	_ =	strace s17  }
0x99: {  	s3 =	sld [smem:$0x3FFC];
	_ =	sdelay $0x3  }
0x9a: {  	_ =	strace s3  }
0x9b: {  	s3 =	sld [smem:$0x3FFD];
	_ =	sdelay $0x3  }
0x9c: {  	_ =	strace s3  }
0x9d: {  	_ =	strace $0x8FFFFFFF  }
0x9e: {  	s18 =	sld [smem:$0x3FDB];
	_ =	sdelay $0x1  }
0x9f: {  	s19 =	simm.s32 $_scs_section_size  }
0xa0: {  	s5 =	simm.s32 $_size__tile_overlayer_lowered;
	s6 =	simm.s32 $_tile_overlayer_lowered  }
0xa1: {  	s22 =	simm.s32 $0x1BFF;
	s21 =	sshll.u32 s6, $0x1;
	s3 =	sadd.s32 s19, s18  }
0xa2: {  	s7 =	simm.s32 $0x0;
	s20 =	sshll.u32 s5, $0x1;
	s5 =	sadd.s32 s21, s3  }
0xa3: {  	[timem:s7], [sflag:s22] =	dma.local [hbm:s5], s20  }
0xa4: {  	_ =	swait.ge [sflag:s22], s20  }
0xa5: {  	s4 =	ssub.s32 $0x0, s20;
	[sflag:s22] =	ssyncset.done $0x0  }
0xa6: {  	[sflag:s22] =	ssyncadd.s32 s4;
	_ =	sdelay $0x1  }
0xa7: {  	s23 =	simm.s32 $0x1B8B  }
0xa8: {  	_ =	swait.ge [sflag:s23], $0x1  }
0xa9: {  	[sflag:s23] =	ssyncset.done $0x0  }
0xaa: {  	s25 =	simm.s32 $0x1B8E;
	s24 =	sld [smem:$0x3FFE];
	[sflag:s23] =	ssyncadd.s32 $0xFFFFFFFF  }
0xab: {  	s26 =	simm.s32 $execute0_lowered;
	[smem:$0x3FD2] =	sst s25  }
0xac: {  	s5 =	sshll.u32 s26, $0x1;
	_ =	strace $0x80000046;
	[dreg:$0x1] =	wrdreg $0xFFFFFFFF  }
0xad: {  	s28 =	simm.s32 $_size_execute0_lowered;
	s3 =	sadd.s32 s3, s5;
	[dreg:$0x0] =	wrdreg $0x0  }
0xae: {  	s5 =	sshll.u32 s28, $0x1;
	[dreg:$0x2] =	wrdreg s3  }
0xaf: {  	[dreg:$0x3] =	wrdreg s5  }
0xb0: {  	[dreg:$0x4] =	wrdreg $0xC0  }
0xb1: {  	_ =	task [dreg:s7], $0x5FFFF  }
0xb2: {  	[dreg:$0x1] =	wrdreg $0xFFFFFFFF  }
0xb3: {  	[dreg:$0x0] =	wrdreg $0x60  }
0xb4: {  	[dreg:$0x2] =	wrdreg s24  }
0xb5: {  	[dreg:$0x3] =	wrdreg s16  }
0xb6: {  	[dreg:$0x4] =	wrdreg $0x9  }
0xb7: {  	_ =	task.clear_ibuf [dreg:s7], $0x5FFFF;
	_ =	strace $0x90000046  }
0xb8: {  	s29 =	simm.s32 $0x9;
	_ =	strace $0x80000048  }
0xb9: {  	_ =	swait.ge [sflag:s29], $0x1  }
0xba: {  	[sflag:s29] =	ssyncadd.s32 $0xFFFFFFFF  }
0xbb: {  	_ =	strace $0x90000048  }
0xbc: {  	_ =	sfence  }
0xbd: {  	s30 =	sld [smem:$0x0];
	_ =	sdelay $0x2  }
0xbe: {  	s31 =	sshll.u32 s1, $0xD;
	s1 =	sshrl.u32 s1, $0x2  }
0xbf: {  	s3 =	sand.u32 $0x4000, s31;
	s1 =	sadd.s32 s1, s30  }
0xc0: {  	s0 =	sor.u32 s3, s0;
	s1 =	sshll.u32 s1, $0x11  }
0xc1: {  	s0 =	sor.u32 s1, s0  }
0xc2: {  	s0 =	sadd.s32 $0x8F2B, s0  }
0xc3: {  	[sflag:s0] =	ssyncadd.remote.s32 $0x1  }
0xc4: {  	_ =	sfence.sel $0xFFFF  }
0xc5: {  	[dreg:$0x0] =	wrdreg $0xFFFFFFFF;
	(pc) =	sbr.abs _section_cstart, $3  }
0xc6: {  	[dreg:$0x1] =	wrdreg $0xFFFFFFFF  }
0xc7: {  	_ =	task.clear_ibuf [dreg:s7], $0x2FFFF;
	_ =	strace $0x9FFFFFFF  }
0xc8: {  	(tm) =	ssettm $0x7FFFFFFF  }
0xc9: {  	_ =	shalt  }
tec
execute0_lowered:
.L_overlay_start_1:
0x0: {  	(tag) =	ssettag $0x1  }
0x1: {  	s1 =	srdreg.scid;
	s2 =	rddreg [dreg:$0x0]  }
0x2: {  	s0 =	stileid.u32;
	s6 =	rddreg [dreg:$0x1];
	s3 =	simm.s32 $0x0  }
0x3: {  	s9 =	simm.s32 $0x2710;
	s10 =	simm.s32 $0x50;
	s11 =	simm.s32 $0x4E20  }
0x4: {  	v0 =	vlaneseq.u32;
	s12 =	simm.s32 $0x6220;
	s13 =	simm.s32 $0x7620;
	s14 =	simm.s32 $0x8A20  }
0x5: {  	s15 =	simm.s32 $0x1;
	s16 =	simm.s32 $0xC530;
	s17 =	simm.s32 $0x2;
	v0 =	vmul.u32 $0x11, v0  }
0x6: {  	s18 =	simm.s32 $0x9E20;
	s4 =	sand.u32 $0x1, s1;
	s31 =	sshll.u32 s0, $0x1  }
0x7: {  	s19 =	simm.s32 $0x0;
	s1 =	sor.u32 s4, s31;
	s4 =	ssub.s32 $0x2, s4;
	v1 =	vadd.s32 $0x1, v0;
	v2 =	vadd.s32 $0x2, v0;
	v3 =	vadd.s32 $0x3, v0  }
0x8: {  	[smem:$0x7FF] =	sst s3;
	s7 =	smul.u32 $0x4E2, s1;
	s8 =	sshrl.u32 s4, $0x1;
	v4 =	vadd.s32 $0x4, v0;
	v5 =	vadd.s32 $0x5, v0;
	v6 =	vadd.s32 $0x6, v0  }
0x9: {  	s1 =	rddreg [dreg:$0x2];
	_ =	strace $0x80000047;
	v7 =	vadd.s32 $0x7, v0;
	v8 =	vadd.s32 $0x8, v0;
	v9 =	vadd.s32 $0x9, v0;
	s8 =	ssub.s32 s4, s8  }
0xa: {  	v10 =	vadd.s32 $0xA, v0;
	v11 =	vadd.s32 $0xB, v0;
	v12 =	vadd.s32 $0xC, v0;
	s5 =	sadd.s32 s7, s2;
	s6 =	sadd.s32 s6, s7;
	s7 =	smax.u32 s8, $0x1  }
0xb: {  	v13 =	vadd.s32 $0xD, v0;
	v14 =	vadd.s32 $0xE, v0;
	v15 =	vadd.s32 $0xF, v0;
	s8 =	simm.s32 $0x3;
	s4 =	sadd.s32 $0x1D800, s5;
	s5 =	sadd.s32 $0x13A00, s5  }
.LBB2_1:
0xc: {  	[tilespmem:s3], [sflag:$0x3] =	stream.linear.gather [hbm4b:s4+s3], $0x2710, $0x38;
	[tilespmem:$0xC640] =	vst v63  }
0xd: {  	_ =	swait.ge [sflag:s8], $0x2710  }
0xe: {  	[sflag:s8] =	ssyncset.done $0x0  }
0xf: {  	[sflag:s8] =	ssyncadd.s32 $0xFFFFD8F0  }
0x10: {  	[tilespmem:s9], [sflag:$0x3] =	stream.linear.gather [hbm4b:s5+s3], $0x2710, $0x38;
	[tilespmem:$0xC640] =	vst v63  }
0x11: {  	_ =	swait.ge [sflag:s8], $0x2710  }
0x12: {  	[sflag:s8] =	ssyncset.done $0x0  }
0x13: {  	[sflag:s8] =	ssyncadd.s32 $0xFFFFD8F0  }
0x14: {  	[tilespmem:s11], [sflag:$0x1] =	stream.indirect.gather [hbm4b:s2+s10], $0x40, s3, s10, $0xb8;
	[tilespmem:$0xC640] =	vst v63  }
0x15: {  	s20 =	simm.s32 $0x9E70;
	s21 =	simm.s32 $0x9E20;
	s22 =	simm.s32 $0x0  }
0x16: {  	[tilespmem:s12], [sflag:$0x1] =	stream.indirect.gather [hbm4b:s2+s10], $0x40, s9, s10, $0xb8;
	[tilespmem:$0xC640] =	vst v63  }
.LBB2_2:
0x17: {  	s23 =	smul.u32 $0xA0, s22;
	_ =	sdelay $0x1  }
0x18: {  	s24 =	sadd.s32 $0x50, s23  }
0x19: {  	[tilespmem:s13], [sflag:$0x2] =	stream.indirect.gather [hbm4b:s2+s10], $0x40, s24, s10, $0xb8;
	[tilespmem:$0xC640] =	vst v63  }
0x1a: {  	s31 =	sadd.s32 $0x2760, s23  }
0x1b: {  	[tilespmem:s14], [sflag:$0x2] =	stream.indirect.gather [hbm4b:s2+s10], $0x40, s31, s10, $0xb8;
	[tilespmem:$0xC640] =	vst v63  }
0x1c: {  	_ =	swait.ge [sflag:s15], $0x1400  }
0x1d: {  	[sflag:s15] =	ssyncset.done $0x0  }
0x1e: {  	[sflag:s15] =	ssyncadd.s32 $0xFFFFEC00  }
0x1f: {  	_ =	swait.ge [sflag:s15], $0x1400  }
0x20: {  	[sflag:s15] =	ssyncset.done $0x0  }
0x21: {  	s25 =	smov.u32 s21;
	s24 =	simm.s32 $0xFC0;
	[sflag:s15] =	ssyncadd.s32 $0xFFFFEC00  }
.LBB2_3:
0x22: {  	s26 =	sshra.s32 s24, $0x2  }
0x23: {  	v16 =	vld [tilespmem:s26+$0x4A30]  }
0x24: {  	v17 =	vld [tilespmem:s26+$0x5E30]  }
0x25: {  	v18 =	vld [tilespmem:s26+$0x4A40]  }
0x26: {  	v19 =	vld [tilespmem:s26+$0x5E40]  }
0x27: {  	v20 =	vld [tilespmem:s26+$0x4A50]  }
0x28: {  	v21 =	vld [tilespmem:s26+$0x5E50]  }
0x29: {  	v22 =	vld [tilespmem:s26+$0x5E60];
	v16 =	vmul.bf16 v17, v16  }
0x2a: {  	v17 =	vld [tilespmem:s26+$0x4A60]  }
0x2b: {  	v18 =	vmul.bf16 v19, v18;
	v23 =	vunpack.i.u.bf16.f32 v16;
	v16 =	vunpack.i.l.bf16.f32 v16  }
0x2c: {  	v16 =	vadd.f32 $0.0e+00, v16;
	v41 =	vadd.f32 $0.0e+00, v23  }
0x2d: {  	v20 =	vmul.bf16 v21, v20;
	v42 =	vunpack.i.u.bf16.f32 v18;
	v18 =	vunpack.i.l.bf16.f32 v18  }
0x2e: {  	v16 =	vadd.f32 v18, v16;
	v43 =	vadd.f32 v42, v41  }
0x2f: {  	v44 =	vunpack.i.u.bf16.f32 v20;
	v20 =	vunpack.i.l.bf16.f32 v20;
	v17 =	vmul.bf16 v22, v17  }
0x30: {  	v16 =	vadd.f32 v20, v16;
	v18 =	vadd.f32 v44, v43  }
0x31: {  	v45 =	vunpack.i.u.bf16.f32 v17;
	v17 =	vunpack.i.l.bf16.f32 v17  }
0x32: {  	v16 =	vadd.f32 v17, v16;
	v17 =	vadd.f32 v45, v18;
	_ =	sdelay $0x1  }
0x33: {  	v16 =	vadd.f32 v16, v17;
	_ =	sdelay $0x1  }
0x34: {  	[tilespmem:v0+s16+$0x0] =	vst.idx.msk $0xffff, v16  }
0x35: {  	v16 =	vld [tilespmem:s26+$0x4A70]  }
0x36: {  	v17 =	vld [tilespmem:s26+$0x5E70]  }
0x37: {  	v46 =	vld [tilespmem:s26+$0x4A80]  }
0x38: {  	v47 =	vld [tilespmem:s26+$0x5E80]  }
0x39: {  	v48 =	vld [tilespmem:s26+$0x4A90]  }
0x3a: {  	v49 =	vld [tilespmem:s26+$0x5E90]  }
0x3b: {  	v50 =	vld [tilespmem:s26+$0x5EA0];
	v16 =	vmul.bf16 v17, v16  }
0x3c: {  	v17 =	vld [tilespmem:s26+$0x4AA0]  }
0x3d: {  	v18 =	vmul.bf16 v47, v46;
	v51 =	vunpack.i.u.bf16.f32 v16;
	v16 =	vunpack.i.l.bf16.f32 v16  }
0x3e: {  	v16 =	vadd.f32 $0.0e+00, v16;
	v52 =	vadd.f32 $0.0e+00, v51  }
0x3f: {  	v20 =	vmul.bf16 v49, v48;
	v53 =	vunpack.i.u.bf16.f32 v18;
	v18 =	vunpack.i.l.bf16.f32 v18  }
0x40: {  	v16 =	vadd.f32 v18, v16;
	v54 =	vadd.f32 v53, v52  }
0x41: {  	v55 =	vunpack.i.u.bf16.f32 v20;
	v20 =	vunpack.i.l.bf16.f32 v20;
	v17 =	vmul.bf16 v50, v17  }
0x42: {  	v16 =	vadd.f32 v20, v16;
	v18 =	vadd.f32 v55, v54  }
0x43: {  	v56 =	vunpack.i.u.bf16.f32 v17;
	v17 =	vunpack.i.l.bf16.f32 v17  }
0x44: {  	v16 =	vadd.f32 v17, v16;
	v17 =	vadd.f32 v56, v18;
	_ =	sdelay $0x1  }
0x45: {  	v16 =	vadd.f32 v16, v17;
	_ =	sdelay $0x1  }
0x46: {  	[tilespmem:v1+s16+$0x0] =	vst.idx.msk $0xffff, v16  }
0x47: {  	v16 =	vld [tilespmem:s26+$0x4AB0]  }
0x48: {  	v17 =	vld [tilespmem:s26+$0x5EB0]  }
0x49: {  	v57 =	vld [tilespmem:s26+$0x4AC0]  }
0x4a: {  	v58 =	vld [tilespmem:s26+$0x5EC0]  }
0x4b: {  	v59 =	vld [tilespmem:s26+$0x4AD0]  }
0x4c: {  	v60 =	vld [tilespmem:s26+$0x5ED0]  }
0x4d: {  	v61 =	vld [tilespmem:s26+$0x5EE0];
	v16 =	vmul.bf16 v17, v16  }
0x4e: {  	v17 =	vld [tilespmem:s26+$0x4AE0]  }
0x4f: {  	v18 =	vmul.bf16 v58, v57;
	v62 =	vunpack.i.u.bf16.f32 v16;
	v16 =	vunpack.i.l.bf16.f32 v16  }
0x50: {  	v16 =	vadd.f32 $0.0e+00, v16;
	v63 =	vadd.f32 $0.0e+00, v62  }
0x51: {  	v20 =	vmul.bf16 v60, v59;
	v24 =	vunpack.i.u.bf16.f32 v18;
	v18 =	vunpack.i.l.bf16.f32 v18  }
0x52: {  	v16 =	vadd.f32 v18, v16;
	v25 =	vadd.f32 v24, v63  }
0x53: {  	v26 =	vunpack.i.u.bf16.f32 v20;
	v20 =	vunpack.i.l.bf16.f32 v20;
	v17 =	vmul.bf16 v61, v17  }
0x54: {  	v16 =	vadd.f32 v20, v16;
	v18 =	vadd.f32 v26, v25  }
0x55: {  	v27 =	vunpack.i.u.bf16.f32 v17;
	v17 =	vunpack.i.l.bf16.f32 v17  }
0x56: {  	v16 =	vadd.f32 v17, v16;
	v17 =	vadd.f32 v27, v18;
	_ =	sdelay $0x1  }
0x57: {  	v16 =	vadd.f32 v16, v17;
	_ =	sdelay $0x1  }
0x58: {  	[tilespmem:v2+s16+$0x0] =	vst.idx.msk $0xffff, v16  }
0x59: {  	v16 =	vld [tilespmem:s26+$0x4AF0]  }
0x5a: {  	v17 =	vld [tilespmem:s26+$0x5EF0]  }
0x5b: {  	v28 =	vld [tilespmem:s26+$0x4B00]  }
0x5c: {  	v29 =	vld [tilespmem:s26+$0x5F00]  }
0x5d: {  	v30 =	vld [tilespmem:s26+$0x4B10]  }
0x5e: {  	v31 =	vld [tilespmem:s26+$0x5F10]  }
0x5f: {  	v32 =	vld [tilespmem:s26+$0x5F20];
	v16 =	vmul.bf16 v17, v16  }
0x60: {  	v17 =	vld [tilespmem:s26+$0x4B20]  }
0x61: {  	v18 =	vmul.bf16 v29, v28;
	v33 =	vunpack.i.u.bf16.f32 v16;
	v16 =	vunpack.i.l.bf16.f32 v16  }
0x62: {  	v16 =	vadd.f32 $0.0e+00, v16;
	v34 =	vadd.f32 $0.0e+00, v33  }
0x63: {  	v20 =	vmul.bf16 v31, v30;
	v35 =	vunpack.i.u.bf16.f32 v18;
	v18 =	vunpack.i.l.bf16.f32 v18  }
0x64: {  	v16 =	vadd.f32 v18, v16;
	v36 =	vadd.f32 v35, v34  }
0x65: {  	v37 =	vunpack.i.u.bf16.f32 v20;
	v20 =	vunpack.i.l.bf16.f32 v20;
	v17 =	vmul.bf16 v32, v17  }
0x66: {  	v16 =	vadd.f32 v20, v16;
	v18 =	vadd.f32 v37, v36  }
0x67: {  	v38 =	vunpack.i.u.bf16.f32 v17;
	v17 =	vunpack.i.l.bf16.f32 v17  }
0x68: {  	v16 =	vadd.f32 v17, v16;
	v17 =	vadd.f32 v38, v18;
	_ =	sdelay $0x1  }
0x69: {  	v16 =	vadd.f32 v16, v17;
	_ =	sdelay $0x1  }
0x6a: {  	[tilespmem:v3+s16+$0x0] =	vst.idx.msk $0xffff, v16  }
0x6b: {  	v16 =	vld [tilespmem:s26+$0x4B30]  }
0x6c: {  	v17 =	vld [tilespmem:s26+$0x5F30]  }
0x6d: {  	v39 =	vld [tilespmem:s26+$0x4B40]  }
0x6e: {  	v40 =	vld [tilespmem:s26+$0x5F40]  }
0x6f: {  	v41 =	vld [tilespmem:s26+$0x4B50]  }
0x70: {  	v42 =	vld [tilespmem:s26+$0x5F50]  }
0x71: {  	v43 =	vld [tilespmem:s26+$0x5F60];
	v16 =	vmul.bf16 v17, v16  }
0x72: {  	v17 =	vld [tilespmem:s26+$0x4B60]  }
0x73: {  	v18 =	vmul.bf16 v40, v39;
	v44 =	vunpack.i.u.bf16.f32 v16;
	v16 =	vunpack.i.l.bf16.f32 v16  }
0x74: {  	v16 =	vadd.f32 $0.0e+00, v16;
	v45 =	vadd.f32 $0.0e+00, v44  }
0x75: {  	v20 =	vmul.bf16 v42, v41;
	v46 =	vunpack.i.u.bf16.f32 v18;
	v18 =	vunpack.i.l.bf16.f32 v18  }
0x76: {  	v16 =	vadd.f32 v18, v16;
	v47 =	vadd.f32 v46, v45  }
0x77: {  	v48 =	vunpack.i.u.bf16.f32 v20;
	v20 =	vunpack.i.l.bf16.f32 v20;
	v17 =	vmul.bf16 v43, v17  }
0x78: {  	v16 =	vadd.f32 v20, v16;
	v18 =	vadd.f32 v48, v47  }
0x79: {  	v49 =	vunpack.i.u.bf16.f32 v17;
	v17 =	vunpack.i.l.bf16.f32 v17  }
0x7a: {  	v16 =	vadd.f32 v17, v16;
	v17 =	vadd.f32 v49, v18;
	_ =	sdelay $0x1  }
0x7b: {  	v16 =	vadd.f32 v16, v17;
	_ =	sdelay $0x1  }
0x7c: {  	[tilespmem:v4+s16+$0x0] =	vst.idx.msk $0xffff, v16  }
0x7d: {  	v16 =	vld [tilespmem:s26+$0x4B70]  }
0x7e: {  	v17 =	vld [tilespmem:s26+$0x5F70]  }
0x7f: {  	v50 =	vld [tilespmem:s26+$0x4B80]  }
0x80: {  	v51 =	vld [tilespmem:s26+$0x5F80]  }
0x81: {  	v52 =	vld [tilespmem:s26+$0x4B90]  }
0x82: {  	v53 =	vld [tilespmem:s26+$0x5F90]  }
0x83: {  	v54 =	vld [tilespmem:s26+$0x5FA0];
	v16 =	vmul.bf16 v17, v16  }
0x84: {  	v17 =	vld [tilespmem:s26+$0x4BA0]  }
0x85: {  	v18 =	vmul.bf16 v51, v50;
	v55 =	vunpack.i.u.bf16.f32 v16;
	v16 =	vunpack.i.l.bf16.f32 v16  }
0x86: {  	v16 =	vadd.f32 $0.0e+00, v16;
	v56 =	vadd.f32 $0.0e+00, v55  }
0x87: {  	v20 =	vmul.bf16 v53, v52;
	v57 =	vunpack.i.u.bf16.f32 v18;
	v18 =	vunpack.i.l.bf16.f32 v18  }
0x88: {  	v16 =	vadd.f32 v18, v16;
	v58 =	vadd.f32 v57, v56  }
0x89: {  	v59 =	vunpack.i.u.bf16.f32 v20;
	v20 =	vunpack.i.l.bf16.f32 v20;
	v17 =	vmul.bf16 v54, v17  }
0x8a: {  	v16 =	vadd.f32 v20, v16;
	v18 =	vadd.f32 v59, v58  }
0x8b: {  	v60 =	vunpack.i.u.bf16.f32 v17;
	v17 =	vunpack.i.l.bf16.f32 v17  }
0x8c: {  	v16 =	vadd.f32 v17, v16;
	v17 =	vadd.f32 v60, v18;
	_ =	sdelay $0x1  }
0x8d: {  	v16 =	vadd.f32 v16, v17;
	_ =	sdelay $0x1  }
0x8e: {  	[tilespmem:v5+s16+$0x0] =	vst.idx.msk $0xffff, v16  }
0x8f: {  	v16 =	vld [tilespmem:s26+$0x4BB0]  }
0x90: {  	v17 =	vld [tilespmem:s26+$0x5FB0]  }
0x91: {  	v61 =	vld [tilespmem:s26+$0x4BC0]  }
0x92: {  	v62 =	vld [tilespmem:s26+$0x5FC0]  }
0x93: {  	v63 =	vld [tilespmem:s26+$0x4BD0]  }
0x94: {  	v24 =	vld [tilespmem:s26+$0x5FD0]  }
0x95: {  	v25 =	vld [tilespmem:s26+$0x5FE0];
	v16 =	vmul.bf16 v17, v16  }
0x96: {  	v17 =	vld [tilespmem:s26+$0x4BE0]  }
0x97: {  	v18 =	vmul.bf16 v62, v61;
	v26 =	vunpack.i.u.bf16.f32 v16;
	v16 =	vunpack.i.l.bf16.f32 v16  }
0x98: {  	v16 =	vadd.f32 $0.0e+00, v16;
	v27 =	vadd.f32 $0.0e+00, v26  }
0x99: {  	v20 =	vmul.bf16 v24, v63;
	v28 =	vunpack.i.u.bf16.f32 v18;
	v18 =	vunpack.i.l.bf16.f32 v18  }
0x9a: {  	v16 =	vadd.f32 v18, v16;
	v29 =	vadd.f32 v28, v27  }
0x9b: {  	v30 =	vunpack.i.u.bf16.f32 v20;
	v20 =	vunpack.i.l.bf16.f32 v20;
	v17 =	vmul.bf16 v25, v17  }
0x9c: {  	v16 =	vadd.f32 v20, v16;
	v18 =	vadd.f32 v30, v29  }
0x9d: {  	v31 =	vunpack.i.u.bf16.f32 v17;
	v17 =	vunpack.i.l.bf16.f32 v17  }
0x9e: {  	v16 =	vadd.f32 v17, v16;
	v17 =	vadd.f32 v31, v18;
	_ =	sdelay $0x1  }
0x9f: {  	v16 =	vadd.f32 v16, v17;
	_ =	sdelay $0x1  }
0xa0: {  	[tilespmem:v6+s16+$0x0] =	vst.idx.msk $0xffff, v16  }
0xa1: {  	v16 =	vld [tilespmem:s26+$0x4BF0]  }
0xa2: {  	v17 =	vld [tilespmem:s26+$0x5FF0]  }
0xa3: {  	v32 =	vld [tilespmem:s26+$0x4C00]  }
0xa4: {  	v33 =	vld [tilespmem:s26+$0x6000]  }
0xa5: {  	v34 =	vld [tilespmem:s26+$0x4C10]  }
0xa6: {  	v35 =	vld [tilespmem:s26+$0x6010]  }
0xa7: {  	v36 =	vld [tilespmem:s26+$0x6020];
	v16 =	vmul.bf16 v17, v16  }
0xa8: {  	v17 =	vld [tilespmem:s26+$0x4C20]  }
0xa9: {  	v18 =	vmul.bf16 v33, v32;
	v37 =	vunpack.i.u.bf16.f32 v16;
	v16 =	vunpack.i.l.bf16.f32 v16  }
0xaa: {  	v16 =	vadd.f32 $0.0e+00, v16;
	v38 =	vadd.f32 $0.0e+00, v37  }
0xab: {  	v20 =	vmul.bf16 v35, v34;
	v39 =	vunpack.i.u.bf16.f32 v18;
	v18 =	vunpack.i.l.bf16.f32 v18  }
0xac: {  	v16 =	vadd.f32 v18, v16;
	v40 =	vadd.f32 v39, v38  }
0xad: {  	v41 =	vunpack.i.u.bf16.f32 v20;
	v20 =	vunpack.i.l.bf16.f32 v20;
	v17 =	vmul.bf16 v36, v17  }
0xae: {  	v16 =	vadd.f32 v20, v16;
	v18 =	vadd.f32 v41, v40  }
0xaf: {  	v42 =	vunpack.i.u.bf16.f32 v17;
	v17 =	vunpack.i.l.bf16.f32 v17  }
0xb0: {  	v16 =	vadd.f32 v17, v16;
	v17 =	vadd.f32 v42, v18;
	_ =	sdelay $0x1  }
0xb1: {  	v16 =	vadd.f32 v16, v17;
	_ =	sdelay $0x1  }
0xb2: {  	[tilespmem:v7+s16+$0x0] =	vst.idx.msk $0xffff, v16  }
0xb3: {  	v16 =	vld [tilespmem:s26+$0x4C30]  }
0xb4: {  	v17 =	vld [tilespmem:s26+$0x6030]  }
0xb5: {  	v43 =	vld [tilespmem:s26+$0x4C40]  }
0xb6: {  	v44 =	vld [tilespmem:s26+$0x6040]  }
0xb7: {  	v45 =	vld [tilespmem:s26+$0x4C50]  }
0xb8: {  	v46 =	vld [tilespmem:s26+$0x6050]  }
0xb9: {  	v47 =	vld [tilespmem:s26+$0x6060];
	v16 =	vmul.bf16 v17, v16  }
0xba: {  	v17 =	vld [tilespmem:s26+$0x4C60]  }
0xbb: {  	v18 =	vmul.bf16 v44, v43;
	v48 =	vunpack.i.u.bf16.f32 v16;
	v16 =	vunpack.i.l.bf16.f32 v16  }
0xbc: {  	v16 =	vadd.f32 $0.0e+00, v16;
	v49 =	vadd.f32 $0.0e+00, v48  }
0xbd: {  	v20 =	vmul.bf16 v46, v45;
	v50 =	vunpack.i.u.bf16.f32 v18;
	v18 =	vunpack.i.l.bf16.f32 v18  }
0xbe: {  	v16 =	vadd.f32 v18, v16;
	v51 =	vadd.f32 v50, v49  }
0xbf: {  	v52 =	vunpack.i.u.bf16.f32 v20;
	v20 =	vunpack.i.l.bf16.f32 v20;
	v17 =	vmul.bf16 v47, v17  }
0xc0: {  	v16 =	vadd.f32 v20, v16;
	v18 =	vadd.f32 v52, v51  }
0xc1: {  	v53 =	vunpack.i.u.bf16.f32 v17;
	v17 =	vunpack.i.l.bf16.f32 v17  }
0xc2: {  	v16 =	vadd.f32 v17, v16;
	v17 =	vadd.f32 v53, v18;
	_ =	sdelay $0x1  }
0xc3: {  	v16 =	vadd.f32 v16, v17;
	_ =	sdelay $0x1  }
0xc4: {  	[tilespmem:v8+s16+$0x0] =	vst.idx.msk $0xffff, v16  }
0xc5: {  	v16 =	vld [tilespmem:s26+$0x4C70]  }
0xc6: {  	v17 =	vld [tilespmem:s26+$0x6070]  }
0xc7: {  	v54 =	vld [tilespmem:s26+$0x4C80]  }
0xc8: {  	v55 =	vld [tilespmem:s26+$0x6080]  }
0xc9: {  	v56 =	vld [tilespmem:s26+$0x4C90]  }
0xca: {  	v57 =	vld [tilespmem:s26+$0x6090]  }
0xcb: {  	v58 =	vld [tilespmem:s26+$0x60A0];
	v16 =	vmul.bf16 v17, v16  }
0xcc: {  	v17 =	vld [tilespmem:s26+$0x4CA0]  }
0xcd: {  	v18 =	vmul.bf16 v55, v54;
	v59 =	vunpack.i.u.bf16.f32 v16;
	v16 =	vunpack.i.l.bf16.f32 v16  }
0xce: {  	v16 =	vadd.f32 $0.0e+00, v16;
	v60 =	vadd.f32 $0.0e+00, v59  }
0xcf: {  	v20 =	vmul.bf16 v57, v56;
	v61 =	vunpack.i.u.bf16.f32 v18;
	v18 =	vunpack.i.l.bf16.f32 v18  }
0xd0: {  	v16 =	vadd.f32 v18, v16;
	v62 =	vadd.f32 v61, v60  }
0xd1: {  	v63 =	vunpack.i.u.bf16.f32 v20;
	v20 =	vunpack.i.l.bf16.f32 v20;
	v17 =	vmul.bf16 v58, v17  }
0xd2: {  	v16 =	vadd.f32 v20, v16;
	v18 =	vadd.f32 v63, v62  }
0xd3: {  	v23 =	vunpack.i.u.bf16.f32 v17;
	v17 =	vunpack.i.l.bf16.f32 v17  }
0xd4: {  	v16 =	vadd.f32 v17, v16;
	v17 =	vadd.f32 v23, v18;
	_ =	sdelay $0x1  }
0xd5: {  	v16 =	vadd.f32 v16, v17;
	_ =	sdelay $0x1  }
0xd6: {  	[tilespmem:v9+s16+$0x0] =	vst.idx.msk $0xffff, v16  }
0xd7: {  	v16 =	vld [tilespmem:s26+$0x4CB0]  }
0xd8: {  	v17 =	vld [tilespmem:s26+$0x60B0]  }
0xd9: {  	v24 =	vld [tilespmem:s26+$0x4CC0]  }
0xda: {  	v25 =	vld [tilespmem:s26+$0x60C0]  }
0xdb: {  	v26 =	vld [tilespmem:s26+$0x4CD0]  }
0xdc: {  	v27 =	vld [tilespmem:s26+$0x60D0]  }
0xdd: {  	v28 =	vld [tilespmem:s26+$0x60E0];
	v16 =	vmul.bf16 v17, v16  }
0xde: {  	v17 =	vld [tilespmem:s26+$0x4CE0]  }
0xdf: {  	v18 =	vmul.bf16 v25, v24;
	v29 =	vunpack.i.u.bf16.f32 v16;
	v16 =	vunpack.i.l.bf16.f32 v16  }
0xe0: {  	v16 =	vadd.f32 $0.0e+00, v16;
	v30 =	vadd.f32 $0.0e+00, v29  }
0xe1: {  	v20 =	vmul.bf16 v27, v26;
	v31 =	vunpack.i.u.bf16.f32 v18;
	v18 =	vunpack.i.l.bf16.f32 v18  }
0xe2: {  	v16 =	vadd.f32 v18, v16;
	v32 =	vadd.f32 v31, v30  }
0xe3: {  	v33 =	vunpack.i.u.bf16.f32 v20;
	v20 =	vunpack.i.l.bf16.f32 v20;
	v17 =	vmul.bf16 v28, v17  }
0xe4: {  	v16 =	vadd.f32 v20, v16;
	v18 =	vadd.f32 v33, v32  }
0xe5: {  	v34 =	vunpack.i.u.bf16.f32 v17;
	v17 =	vunpack.i.l.bf16.f32 v17  }
0xe6: {  	v16 =	vadd.f32 v17, v16;
	v17 =	vadd.f32 v34, v18;
	_ =	sdelay $0x1  }
0xe7: {  	v16 =	vadd.f32 v16, v17;
	_ =	sdelay $0x1  }
0xe8: {  	[tilespmem:v10+s16+$0x0] =	vst.idx.msk $0xffff, v16  }
0xe9: {  	v16 =	vld [tilespmem:s26+$0x4CF0]  }
0xea: {  	v17 =	vld [tilespmem:s26+$0x60F0]  }
0xeb: {  	v35 =	vld [tilespmem:s26+$0x4D00]  }
0xec: {  	v36 =	vld [tilespmem:s26+$0x6100]  }
0xed: {  	v37 =	vld [tilespmem:s26+$0x4D10]  }
0xee: {  	v38 =	vld [tilespmem:s26+$0x6110]  }
0xef: {  	v39 =	vld [tilespmem:s26+$0x6120];
	v16 =	vmul.bf16 v17, v16  }
0xf0: {  	v17 =	vld [tilespmem:s26+$0x4D20]  }
0xf1: {  	v18 =	vmul.bf16 v36, v35;
	v40 =	vunpack.i.u.bf16.f32 v16;
	v16 =	vunpack.i.l.bf16.f32 v16  }
0xf2: {  	v16 =	vadd.f32 $0.0e+00, v16;
	v41 =	vadd.f32 $0.0e+00, v40  }
0xf3: {  	v20 =	vmul.bf16 v38, v37;
	v42 =	vunpack.i.u.bf16.f32 v18;
	v18 =	vunpack.i.l.bf16.f32 v18  }
0xf4: {  	v16 =	vadd.f32 v18, v16;
	v43 =	vadd.f32 v42, v41  }
0xf5: {  	v44 =	vunpack.i.u.bf16.f32 v20;
	v20 =	vunpack.i.l.bf16.f32 v20;
	v17 =	vmul.bf16 v39, v17  }
0xf6: {  	v16 =	vadd.f32 v20, v16;
	v18 =	vadd.f32 v44, v43  }
0xf7: {  	v45 =	vunpack.i.u.bf16.f32 v17;
	v17 =	vunpack.i.l.bf16.f32 v17  }
0xf8: {  	v16 =	vadd.f32 v17, v16;
	v17 =	vadd.f32 v45, v18;
	_ =	sdelay $0x1  }
0xf9: {  	v16 =	vadd.f32 v16, v17;
	_ =	sdelay $0x1  }
0xfa: {  	[tilespmem:v11+s16+$0x0] =	vst.idx.msk $0xffff, v16  }
0xfb: {  	v16 =	vld [tilespmem:s26+$0x4D30]  }
0xfc: {  	v17 =	vld [tilespmem:s26+$0x6130]  }
0xfd: {  	v46 =	vld [tilespmem:s26+$0x4D40]  }
0xfe: {  	v47 =	vld [tilespmem:s26+$0x6140]  }
0xff: {  	v48 =	vld [tilespmem:s26+$0x4D50]  }
0x100: {  	v49 =	vld [tilespmem:s26+$0x6150]  }
0x101: {  	v50 =	vld [tilespmem:s26+$0x6160];
	v16 =	vmul.bf16 v17, v16  }
0x102: {  	v17 =	vld [tilespmem:s26+$0x4D60]  }
0x103: {  	v18 =	vmul.bf16 v47, v46;
	v51 =	vunpack.i.u.bf16.f32 v16;
	v16 =	vunpack.i.l.bf16.f32 v16  }
0x104: {  	v16 =	vadd.f32 $0.0e+00, v16;
	v52 =	vadd.f32 $0.0e+00, v51  }
0x105: {  	v20 =	vmul.bf16 v49, v48;
	v53 =	vunpack.i.u.bf16.f32 v18;
	v18 =	vunpack.i.l.bf16.f32 v18  }
0x106: {  	v16 =	vadd.f32 v18, v16;
	v54 =	vadd.f32 v53, v52  }
0x107: {  	v55 =	vunpack.i.u.bf16.f32 v20;
	v20 =	vunpack.i.l.bf16.f32 v20;
	v17 =	vmul.bf16 v50, v17  }
0x108: {  	v16 =	vadd.f32 v20, v16;
	v18 =	vadd.f32 v55, v54  }
0x109: {  	v56 =	vunpack.i.u.bf16.f32 v17;
	v17 =	vunpack.i.l.bf16.f32 v17  }
0x10a: {  	v16 =	vadd.f32 v17, v16;
	v17 =	vadd.f32 v56, v18;
	_ =	sdelay $0x1  }
0x10b: {  	v16 =	vadd.f32 v16, v17;
	_ =	sdelay $0x1  }
0x10c: {  	[tilespmem:v12+s16+$0x0] =	vst.idx.msk $0xffff, v16  }
0x10d: {  	v16 =	vld [tilespmem:s26+$0x4D70]  }
0x10e: {  	v17 =	vld [tilespmem:s26+$0x6170]  }
0x10f: {  	v57 =	vld [tilespmem:s26+$0x4D80]  }
0x110: {  	v58 =	vld [tilespmem:s26+$0x6180]  }
0x111: {  	v59 =	vld [tilespmem:s26+$0x4D90]  }
0x112: {  	v60 =	vld [tilespmem:s26+$0x6190]  }
0x113: {  	v61 =	vld [tilespmem:s26+$0x61A0];
	v16 =	vmul.bf16 v17, v16  }
0x114: {  	v17 =	vld [tilespmem:s26+$0x4DA0]  }
0x115: {  	v18 =	vmul.bf16 v58, v57;
	v62 =	vunpack.i.u.bf16.f32 v16;
	v16 =	vunpack.i.l.bf16.f32 v16  }
0x116: {  	v16 =	vadd.f32 $0.0e+00, v16;
	v63 =	vadd.f32 $0.0e+00, v62  }
0x117: {  	v20 =	vmul.bf16 v60, v59;
	v24 =	vunpack.i.u.bf16.f32 v18;
	v18 =	vunpack.i.l.bf16.f32 v18  }
0x118: {  	v16 =	vadd.f32 v18, v16;
	v25 =	vadd.f32 v24, v63  }
0x119: {  	v26 =	vunpack.i.u.bf16.f32 v20;
	v20 =	vunpack.i.l.bf16.f32 v20;
	v17 =	vmul.bf16 v61, v17  }
0x11a: {  	v16 =	vadd.f32 v20, v16;
	v18 =	vadd.f32 v26, v25  }
0x11b: {  	v27 =	vunpack.i.u.bf16.f32 v17;
	v17 =	vunpack.i.l.bf16.f32 v17  }
0x11c: {  	v16 =	vadd.f32 v17, v16;
	v17 =	vadd.f32 v27, v18;
	_ =	sdelay $0x1  }
0x11d: {  	v16 =	vadd.f32 v16, v17;
	_ =	sdelay $0x1  }
0x11e: {  	[tilespmem:v13+s16+$0x0] =	vst.idx.msk $0xffff, v16  }
0x11f: {  	v16 =	vld [tilespmem:s26+$0x4DB0]  }
0x120: {  	v17 =	vld [tilespmem:s26+$0x61B0]  }
0x121: {  	v28 =	vld [tilespmem:s26+$0x4DC0]  }
0x122: {  	v29 =	vld [tilespmem:s26+$0x61C0]  }
0x123: {  	v30 =	vld [tilespmem:s26+$0x4DD0]  }
0x124: {  	v31 =	vld [tilespmem:s26+$0x61D0]  }
0x125: {  	v32 =	vld [tilespmem:s26+$0x61E0];
	v16 =	vmul.bf16 v17, v16  }
0x126: {  	v17 =	vld [tilespmem:s26+$0x4DE0]  }
0x127: {  	v18 =	vmul.bf16 v29, v28;
	v33 =	vunpack.i.u.bf16.f32 v16;
	v16 =	vunpack.i.l.bf16.f32 v16  }
0x128: {  	v16 =	vadd.f32 $0.0e+00, v16;
	v34 =	vadd.f32 $0.0e+00, v33  }
0x129: {  	v20 =	vmul.bf16 v31, v30;
	v35 =	vunpack.i.u.bf16.f32 v18;
	v18 =	vunpack.i.l.bf16.f32 v18  }
0x12a: {  	v16 =	vadd.f32 v18, v16;
	v36 =	vadd.f32 v35, v34  }
0x12b: {  	v37 =	vunpack.i.u.bf16.f32 v20;
	v20 =	vunpack.i.l.bf16.f32 v20;
	v17 =	vmul.bf16 v32, v17  }
0x12c: {  	v16 =	vadd.f32 v20, v16;
	v18 =	vadd.f32 v37, v36  }
0x12d: {  	v38 =	vunpack.i.u.bf16.f32 v17;
	v17 =	vunpack.i.l.bf16.f32 v17  }
0x12e: {  	v16 =	vadd.f32 v17, v16;
	v17 =	vadd.f32 v38, v18;
	_ =	sdelay $0x1  }
0x12f: {  	v16 =	vadd.f32 v16, v17;
	_ =	sdelay $0x1  }
0x130: {  	[tilespmem:v14+s16+$0x0] =	vst.idx.msk $0xffff, v16  }
0x131: {  	v16 =	vld [tilespmem:s26+$0x4DF0]  }
0x132: {  	v17 =	vld [tilespmem:s26+$0x61F0]  }
0x133: {  	v39 =	vld [tilespmem:s26+$0x4E00]  }
0x134: {  	v40 =	vld [tilespmem:s26+$0x6200]  }
0x135: {  	v41 =	vld [tilespmem:s26+$0x4E10]  }
0x136: {  	v42 =	vld [tilespmem:s26+$0x6210]  }
0x137: {  	v43 =	vld [tilespmem:s26+$0x6220];
	v16 =	vmul.bf16 v17, v16  }
0x138: {  	v17 =	vld [tilespmem:s26+$0x4E20]  }
0x139: {  	v18 =	vmul.bf16 v40, v39;
	v44 =	vunpack.i.u.bf16.f32 v16;
	v16 =	vunpack.i.l.bf16.f32 v16  }
0x13a: {  	v16 =	vadd.f32 $0.0e+00, v16;
	v45 =	vadd.f32 $0.0e+00, v44  }
0x13b: {  	v20 =	vmul.bf16 v42, v41;
	v46 =	vunpack.i.u.bf16.f32 v18;
	v18 =	vunpack.i.l.bf16.f32 v18  }
0x13c: {  	v16 =	vadd.f32 v18, v16;
	v47 =	vadd.f32 v46, v45  }
0x13d: {  	v48 =	vunpack.i.u.bf16.f32 v20;
	v20 =	vunpack.i.l.bf16.f32 v20;
	v17 =	vmul.bf16 v43, v17  }
0x13e: {  	v16 =	vadd.f32 v20, v16;
	v18 =	vadd.f32 v48, v47  }
0x13f: {  	v49 =	vunpack.i.u.bf16.f32 v17;
	v17 =	vunpack.i.l.bf16.f32 v17  }
0x140: {  	v16 =	vadd.f32 v17, v16;
	v17 =	vadd.f32 v49, v18;
	_ =	sdelay $0x1  }
0x141: {  	v16 =	vadd.f32 v16, v17;
	_ =	sdelay $0x1  }
0x142: {  	[tilespmem:v15+s16+$0x0] =	vst.idx.msk $0xffff, v16  }
0x143: {  	v16 =	vld [tilespmem:$0xC530]  }
0x144: {  	v17 =	vld [tilespmem:$0xC541]  }
0x145: {  	v50 =	vld [tilespmem:$0xC552]  }
0x146: {  	v51 =	vld [tilespmem:$0xC563]  }
0x147: {  	v52 =	vld [tilespmem:$0xC574]  }
0x148: {  	v53 =	vld [tilespmem:$0xC585]  }
0x149: {  	v54 =	vld [tilespmem:$0xC596]  }
0x14a: {  	v55 =	vld [tilespmem:$0xC5A7]  }
0x14b: {  	v24 =	vld [tilespmem:$0xC5B8]  }
0x14c: {  	v25 =	vld [tilespmem:$0xC5C9]  }
0x14d: {  	v26 =	vld [tilespmem:$0xC5DA]  }
0x14e: {  	v27 =	vld [tilespmem:$0xC5EB]  }
0x14f: {  	v28 =	vld [tilespmem:$0xC5FC]  }
0x150: {  	v29 =	vld [tilespmem:$0xC60D]  }
0x151: {  	v30 =	vld [tilespmem:$0xC61E]  }
0x152: {  	v31 =	vld [tilespmem:$0xC62F];
	_ =	sdelay $0x1  }
0x153: {  	v16 =	vadd.f32 v17, v16;
	v17 =	vadd.f32 v51, v50  }
0x154: {  	v56 =	vadd.f32 v53, v52;
	v57 =	vadd.f32 v55, v54  }
0x155: {  	v58 =	vadd.f32 v25, v24;
	v59 =	vadd.f32 v27, v26  }
0x156: {  	v60 =	vadd.f32 v29, v28;
	v61 =	vadd.f32 v31, v30  }
0x157: {  	v16 =	vadd.f32 v17, v16;
	v17 =	vadd.f32 v57, v56  }
0x158: {  	v62 =	vadd.f32 v59, v58;
	v63 =	vadd.f32 v61, v60;
	_ =	sdelay $0x1  }
0x159: {  	v16 =	vadd.f32 v17, v16;
	v17 =	vadd.f32 v63, v62;
	_ =	sdelay $0x1  }
0x15a: {  	v16 =	vadd.f32 v17, v16;
	_ =	sdelay $0x1  }
0x15b: {  	v16 =	vsub.f32 $0.0e+00, v16;
	_ =	sdelay $0x1  }
0x15c: {  	v16 =	vmul.f32 $1.442695020e+00, v16;
	_ =	sdelay $0x1  }
0x15d: {  	(erf) = vpow2.f32 v16;
	_ =	sdelay $0x8  }
0x15e: {  	v16 =	vpop (erf)  }
0x15f: {  	v16 =	vadd.f32 $1.000000000e+00, v16;
	_ =	sdelay $0x1  }
0x160: {  	(erf) = vrcp.f32 v16;
	_ =	sdelay $0x4  }
0x161: {  	p0 =	sne.s32 s24, $0x4FC0  }
.Ltmp0:
0x162: {  	_ = 	snop;
	(pc) =	sbr.rel @p0 .LBB2_3-.Ltmp0, $3  }
0x163: {  	_ =	sdelay $0x1  }
0x164: {  	v16 =	vpop (erf)  }
0x165: {  	s24 =	sadd.s32 $0x1000, s24;
	[tilespmem:s25+$0x0] =	vst v16;
	s25 =	sadd.s32 $0x10, s25  }
0x166: {  	s24 =	sadd.s32 $0xA0, s23  }
0x167: {  	[tilespmem:s11], [sflag:$0x1] =	stream.indirect.gather [hbm4b:s2+s10], $0x40, s24, s10, $0xb8;
	[tilespmem:$0xC640] =	vst v63  }
0x168: {  	s31 =	sadd.s32 $0x27B0, s23  }
0x169: {  	[tilespmem:s12], [sflag:$0x1] =	stream.indirect.gather [hbm4b:s2+s10], $0x40, s31, s10, $0xb8;
	[tilespmem:$0xC640] =	vst v63  }
0x16a: {  	_ =	swait.ge [sflag:s17], $0x1400  }
0x16b: {  	[sflag:s17] =	ssyncset.done $0x0  }
0x16c: {  	[sflag:s17] =	ssyncadd.s32 $0xFFFFEC00  }
0x16d: {  	_ =	swait.ge [sflag:s17], $0x1400  }
0x16e: {  	[sflag:s17] =	ssyncset.done $0x0  }
0x16f: {  	s23 =	simm.s32 $0xFC0;
	s24 =	smov.u32 s20;
	[sflag:s17] =	ssyncadd.s32 $0xFFFFEC00  }
.LBB2_5:
0x170: {  	s25 =	sshra.s32 s23, $0x2  }
0x171: {  	v16 =	vld [tilespmem:s25+$0x7230]  }
0x172: {  	v17 =	vld [tilespmem:s25+$0x8630]  }
0x173: {  	v18 =	vld [tilespmem:s25+$0x7240]  }
0x174: {  	v19 =	vld [tilespmem:s25+$0x8640]  }
0x175: {  	v20 =	vld [tilespmem:s25+$0x7250]  }
0x176: {  	v21 =	vld [tilespmem:s25+$0x8650]  }
0x177: {  	v22 =	vld [tilespmem:s25+$0x8660];
	v16 =	vmul.bf16 v17, v16  }
0x178: {  	v17 =	vld [tilespmem:s25+$0x7260]  }
0x179: {  	v18 =	vmul.bf16 v19, v18;
	v23 =	vunpack.i.u.bf16.f32 v16;
	v16 =	vunpack.i.l.bf16.f32 v16  }
0x17a: {  	v16 =	vadd.f32 $0.0e+00, v16;
	v41 =	vadd.f32 $0.0e+00, v23  }
0x17b: {  	v20 =	vmul.bf16 v21, v20;
	v42 =	vunpack.i.u.bf16.f32 v18;
	v18 =	vunpack.i.l.bf16.f32 v18  }
0x17c: {  	v16 =	vadd.f32 v18, v16;
	v43 =	vadd.f32 v42, v41  }
0x17d: {  	v44 =	vunpack.i.u.bf16.f32 v20;
	v20 =	vunpack.i.l.bf16.f32 v20;
	v17 =	vmul.bf16 v22, v17  }
0x17e: {  	v16 =	vadd.f32 v20, v16;
	v18 =	vadd.f32 v44, v43  }
0x17f: {  	v45 =	vunpack.i.u.bf16.f32 v17;
	v17 =	vunpack.i.l.bf16.f32 v17  }
0x180: {  	v16 =	vadd.f32 v17, v16;
	v17 =	vadd.f32 v45, v18;
	_ =	sdelay $0x1  }
0x181: {  	v16 =	vadd.f32 v16, v17;
	_ =	sdelay $0x1  }
0x182: {  	[tilespmem:v0+s16+$0x0] =	vst.idx.msk $0xffff, v16  }
0x183: {  	v16 =	vld [tilespmem:s25+$0x7270]  }
0x184: {  	v17 =	vld [tilespmem:s25+$0x8670]  }
0x185: {  	v46 =	vld [tilespmem:s25+$0x7280]  }
0x186: {  	v47 =	vld [tilespmem:s25+$0x8680]  }
0x187: {  	v48 =	vld [tilespmem:s25+$0x7290]  }
0x188: {  	v49 =	vld [tilespmem:s25+$0x8690]  }
0x189: {  	v50 =	vld [tilespmem:s25+$0x86A0];
	v16 =	vmul.bf16 v17, v16  }
0x18a: {  	v17 =	vld [tilespmem:s25+$0x72A0]  }
0x18b: {  	v18 =	vmul.bf16 v47, v46;
	v51 =	vunpack.i.u.bf16.f32 v16;
	v16 =	vunpack.i.l.bf16.f32 v16  }
0x18c: {  	v16 =	vadd.f32 $0.0e+00, v16;
	v52 =	vadd.f32 $0.0e+00, v51  }
0x18d: {  	v20 =	vmul.bf16 v49, v48;
	v53 =	vunpack.i.u.bf16.f32 v18;
	v18 =	vunpack.i.l.bf16.f32 v18  }
0x18e: {  	v16 =	vadd.f32 v18, v16;
	v54 =	vadd.f32 v53, v52  }
0x18f: {  	v55 =	vunpack.i.u.bf16.f32 v20;
	v20 =	vunpack.i.l.bf16.f32 v20;
	v17 =	vmul.bf16 v50, v17  }
0x190: {  	v16 =	vadd.f32 v20, v16;
	v18 =	vadd.f32 v55, v54  }
0x191: {  	v56 =	vunpack.i.u.bf16.f32 v17;
	v17 =	vunpack.i.l.bf16.f32 v17  }
0x192: {  	v16 =	vadd.f32 v17, v16;
	v17 =	vadd.f32 v56, v18;
	_ =	sdelay $0x1  }
0x193: {  	v16 =	vadd.f32 v16, v17;
	_ =	sdelay $0x1  }
0x194: {  	[tilespmem:v1+s16+$0x0] =	vst.idx.msk $0xffff, v16  }
0x195: {  	v16 =	vld [tilespmem:s25+$0x72B0]  }
0x196: {  	v17 =	vld [tilespmem:s25+$0x86B0]  }
0x197: {  	v57 =	vld [tilespmem:s25+$0x72C0]  }
0x198: {  	v58 =	vld [tilespmem:s25+$0x86C0]  }
0x199: {  	v59 =	vld [tilespmem:s25+$0x72D0]  }
0x19a: {  	v60 =	vld [tilespmem:s25+$0x86D0]  }
0x19b: {  	v61 =	vld [tilespmem:s25+$0x86E0];
	v16 =	vmul.bf16 v17, v16  }
0x19c: {  	v17 =	vld [tilespmem:s25+$0x72E0]  }
0x19d: {  	v18 =	vmul.bf16 v58, v57;
	v62 =	vunpack.i.u.bf16.f32 v16;
	v16 =	vunpack.i.l.bf16.f32 v16  }
0x19e: {  	v16 =	vadd.f32 $0.0e+00, v16;
	v63 =	vadd.f32 $0.0e+00, v62  }
0x19f: {  	v20 =	vmul.bf16 v60, v59;
	v24 =	vunpack.i.u.bf16.f32 v18;
	v18 =	vunpack.i.l.bf16.f32 v18  }
0x1a0: {  	v16 =	vadd.f32 v18, v16;
	v25 =	vadd.f32 v24, v63  }
0x1a1: {  	v26 =	vunpack.i.u.bf16.f32 v20;
	v20 =	vunpack.i.l.bf16.f32 v20;
	v17 =	vmul.bf16 v61, v17  }
0x1a2: {  	v16 =	vadd.f32 v20, v16;
	v18 =	vadd.f32 v26, v25  }
0x1a3: {  	v27 =	vunpack.i.u.bf16.f32 v17;
	v17 =	vunpack.i.l.bf16.f32 v17  }
0x1a4: {  	v16 =	vadd.f32 v17, v16;
	v17 =	vadd.f32 v27, v18;
	_ =	sdelay $0x1  }
0x1a5: {  	v16 =	vadd.f32 v16, v17;
	_ =	sdelay $0x1  }
0x1a6: {  	[tilespmem:v2+s16+$0x0] =	vst.idx.msk $0xffff, v16  }
0x1a7: {  	v16 =	vld [tilespmem:s25+$0x72F0]  }
0x1a8: {  	v17 =	vld [tilespmem:s25+$0x86F0]  }
0x1a9: {  	v28 =	vld [tilespmem:s25+$0x7300]  }
0x1aa: {  	v29 =	vld [tilespmem:s25+$0x8700]  }
0x1ab: {  	v30 =	vld [tilespmem:s25+$0x7310]  }
0x1ac: {  	v31 =	vld [tilespmem:s25+$0x8710]  }
0x1ad: {  	v32 =	vld [tilespmem:s25+$0x8720];
	v16 =	vmul.bf16 v17, v16  }
0x1ae: {  	v17 =	vld [tilespmem:s25+$0x7320]  }
0x1af: {  	v18 =	vmul.bf16 v29, v28;
	v33 =	vunpack.i.u.bf16.f32 v16;
	v16 =	vunpack.i.l.bf16.f32 v16  }
0x1b0: {  	v16 =	vadd.f32 $0.0e+00, v16;
	v34 =	vadd.f32 $0.0e+00, v33  }
0x1b1: {  	v20 =	vmul.bf16 v31, v30;
	v35 =	vunpack.i.u.bf16.f32 v18;
	v18 =	vunpack.i.l.bf16.f32 v18  }
0x1b2: {  	v16 =	vadd.f32 v18, v16;
	v36 =	vadd.f32 v35, v34  }
0x1b3: {  	v37 =	vunpack.i.u.bf16.f32 v20;
	v20 =	vunpack.i.l.bf16.f32 v20;
	v17 =	vmul.bf16 v32, v17  }
0x1b4: {  	v16 =	vadd.f32 v20, v16;
	v18 =	vadd.f32 v37, v36  }
0x1b5: {  	v38 =	vunpack.i.u.bf16.f32 v17;
	v17 =	vunpack.i.l.bf16.f32 v17  }
0x1b6: {  	v16 =	vadd.f32 v17, v16;
	v17 =	vadd.f32 v38, v18;
	_ =	sdelay $0x1  }
0x1b7: {  	v16 =	vadd.f32 v16, v17;
	_ =	sdelay $0x1  }
0x1b8: {  	[tilespmem:v3+s16+$0x0] =	vst.idx.msk $0xffff, v16  }
0x1b9: {  	v16 =	vld [tilespmem:s25+$0x7330]  }
0x1ba: {  	v17 =	vld [tilespmem:s25+$0x8730]  }
0x1bb: {  	v39 =	vld [tilespmem:s25+$0x7340]  }
0x1bc: {  	v40 =	vld [tilespmem:s25+$0x8740]  }
0x1bd: {  	v41 =	vld [tilespmem:s25+$0x7350]  }
0x1be: {  	v42 =	vld [tilespmem:s25+$0x8750]  }
0x1bf: {  	v43 =	vld [tilespmem:s25+$0x8760];
	v16 =	vmul.bf16 v17, v16  }
0x1c0: {  	v17 =	vld [tilespmem:s25+$0x7360]  }
0x1c1: {  	v18 =	vmul.bf16 v40, v39;
	v44 =	vunpack.i.u.bf16.f32 v16;
	v16 =	vunpack.i.l.bf16.f32 v16  }
0x1c2: {  	v16 =	vadd.f32 $0.0e+00, v16;
	v45 =	vadd.f32 $0.0e+00, v44  }
0x1c3: {  	v20 =	vmul.bf16 v42, v41;
	v46 =	vunpack.i.u.bf16.f32 v18;
	v18 =	vunpack.i.l.bf16.f32 v18  }
0x1c4: {  	v16 =	vadd.f32 v18, v16;
	v47 =	vadd.f32 v46, v45  }
0x1c5: {  	v48 =	vunpack.i.u.bf16.f32 v20;
	v20 =	vunpack.i.l.bf16.f32 v20;
	v17 =	vmul.bf16 v43, v17  }
0x1c6: {  	v16 =	vadd.f32 v20, v16;
	v18 =	vadd.f32 v48, v47  }
0x1c7: {  	v49 =	vunpack.i.u.bf16.f32 v17;
	v17 =	vunpack.i.l.bf16.f32 v17  }
0x1c8: {  	v16 =	vadd.f32 v17, v16;
	v17 =	vadd.f32 v49, v18;
	_ =	sdelay $0x1  }
0x1c9: {  	v16 =	vadd.f32 v16, v17;
	_ =	sdelay $0x1  }
0x1ca: {  	[tilespmem:v4+s16+$0x0] =	vst.idx.msk $0xffff, v16  }
0x1cb: {  	v16 =	vld [tilespmem:s25+$0x7370]  }
0x1cc: {  	v17 =	vld [tilespmem:s25+$0x8770]  }
0x1cd: {  	v50 =	vld [tilespmem:s25+$0x7380]  }
0x1ce: {  	v51 =	vld [tilespmem:s25+$0x8780]  }
0x1cf: {  	v52 =	vld [tilespmem:s25+$0x7390]  }
0x1d0: {  	v53 =	vld [tilespmem:s25+$0x8790]  }
0x1d1: {  	v54 =	vld [tilespmem:s25+$0x87A0];
	v16 =	vmul.bf16 v17, v16  }
0x1d2: {  	v17 =	vld [tilespmem:s25+$0x73A0]  }
0x1d3: {  	v18 =	vmul.bf16 v51, v50;
	v55 =	vunpack.i.u.bf16.f32 v16;
	v16 =	vunpack.i.l.bf16.f32 v16  }
0x1d4: {  	v16 =	vadd.f32 $0.0e+00, v16;
	v56 =	vadd.f32 $0.0e+00, v55  }
0x1d5: {  	v20 =	vmul.bf16 v53, v52;
	v57 =	vunpack.i.u.bf16.f32 v18;
	v18 =	vunpack.i.l.bf16.f32 v18  }
0x1d6: {  	v16 =	vadd.f32 v18, v16;
	v58 =	vadd.f32 v57, v56  }
0x1d7: {  	v59 =	vunpack.i.u.bf16.f32 v20;
	v20 =	vunpack.i.l.bf16.f32 v20;
	v17 =	vmul.bf16 v54, v17  }
0x1d8: {  	v16 =	vadd.f32 v20, v16;
	v18 =	vadd.f32 v59, v58  }
0x1d9: {  	v60 =	vunpack.i.u.bf16.f32 v17;
	v17 =	vunpack.i.l.bf16.f32 v17  }
0x1da: {  	v16 =	vadd.f32 v17, v16;
	v17 =	vadd.f32 v60, v18;
	_ =	sdelay $0x1  }
0x1db: {  	v16 =	vadd.f32 v16, v17;
	_ =	sdelay $0x1  }
0x1dc: {  	[tilespmem:v5+s16+$0x0] =	vst.idx.msk $0xffff, v16  }
0x1dd: {  	v16 =	vld [tilespmem:s25+$0x73B0]  }
0x1de: {  	v17 =	vld [tilespmem:s25+$0x87B0]  }
0x1df: {  	v61 =	vld [tilespmem:s25+$0x73C0]  }
0x1e0: {  	v62 =	vld [tilespmem:s25+$0x87C0]  }
0x1e1: {  	v63 =	vld [tilespmem:s25+$0x73D0]  }
0x1e2: {  	v24 =	vld [tilespmem:s25+$0x87D0]  }
0x1e3: {  	v25 =	vld [tilespmem:s25+$0x87E0];
	v16 =	vmul.bf16 v17, v16  }
0x1e4: {  	v17 =	vld [tilespmem:s25+$0x73E0]  }
0x1e5: {  	v18 =	vmul.bf16 v62, v61;
	v26 =	vunpack.i.u.bf16.f32 v16;
	v16 =	vunpack.i.l.bf16.f32 v16  }
0x1e6: {  	v16 =	vadd.f32 $0.0e+00, v16;
	v27 =	vadd.f32 $0.0e+00, v26  }
0x1e7: {  	v20 =	vmul.bf16 v24, v63;
	v28 =	vunpack.i.u.bf16.f32 v18;
	v18 =	vunpack.i.l.bf16.f32 v18  }
0x1e8: {  	v16 =	vadd.f32 v18, v16;
	v29 =	vadd.f32 v28, v27  }
0x1e9: {  	v30 =	vunpack.i.u.bf16.f32 v20;
	v20 =	vunpack.i.l.bf16.f32 v20;
	v17 =	vmul.bf16 v25, v17  }
0x1ea: {  	v16 =	vadd.f32 v20, v16;
	v18 =	vadd.f32 v30, v29  }
0x1eb: {  	v31 =	vunpack.i.u.bf16.f32 v17;
	v17 =	vunpack.i.l.bf16.f32 v17  }
0x1ec: {  	v16 =	vadd.f32 v17, v16;
	v17 =	vadd.f32 v31, v18;
	_ =	sdelay $0x1  }
0x1ed: {  	v16 =	vadd.f32 v16, v17;
	_ =	sdelay $0x1  }
0x1ee: {  	[tilespmem:v6+s16+$0x0] =	vst.idx.msk $0xffff, v16  }
0x1ef: {  	v16 =	vld [tilespmem:s25+$0x73F0]  }
0x1f0: {  	v17 =	vld [tilespmem:s25+$0x87F0]  }
0x1f1: {  	v32 =	vld [tilespmem:s25+$0x7400]  }
0x1f2: {  	v33 =	vld [tilespmem:s25+$0x8800]  }
0x1f3: {  	v34 =	vld [tilespmem:s25+$0x7410]  }
0x1f4: {  	v35 =	vld [tilespmem:s25+$0x8810]  }
0x1f5: {  	v36 =	vld [tilespmem:s25+$0x8820];
	v16 =	vmul.bf16 v17, v16  }
0x1f6: {  	v17 =	vld [tilespmem:s25+$0x7420]  }
0x1f7: {  	v18 =	vmul.bf16 v33, v32;
	v37 =	vunpack.i.u.bf16.f32 v16;
	v16 =	vunpack.i.l.bf16.f32 v16  }
0x1f8: {  	v16 =	vadd.f32 $0.0e+00, v16;
	v38 =	vadd.f32 $0.0e+00, v37  }
0x1f9: {  	v20 =	vmul.bf16 v35, v34;
	v39 =	vunpack.i.u.bf16.f32 v18;
	v18 =	vunpack.i.l.bf16.f32 v18  }
0x1fa: {  	v16 =	vadd.f32 v18, v16;
	v40 =	vadd.f32 v39, v38  }
0x1fb: {  	v41 =	vunpack.i.u.bf16.f32 v20;
	v20 =	vunpack.i.l.bf16.f32 v20;
	v17 =	vmul.bf16 v36, v17  }
0x1fc: {  	v16 =	vadd.f32 v20, v16;
	v18 =	vadd.f32 v41, v40  }
0x1fd: {  	v42 =	vunpack.i.u.bf16.f32 v17;
	v17 =	vunpack.i.l.bf16.f32 v17  }
0x1fe: {  	v16 =	vadd.f32 v17, v16;
	v17 =	vadd.f32 v42, v18;
	_ =	sdelay $0x1  }
0x1ff: {  	v16 =	vadd.f32 v16, v17;
	_ =	sdelay $0x1  }
0x200: {  	[tilespmem:v7+s16+$0x0] =	vst.idx.msk $0xffff, v16  }
0x201: {  	v16 =	vld [tilespmem:s25+$0x7430]  }
0x202: {  	v17 =	vld [tilespmem:s25+$0x8830]  }
0x203: {  	v43 =	vld [tilespmem:s25+$0x7440]  }
0x204: {  	v44 =	vld [tilespmem:s25+$0x8840]  }
0x205: {  	v45 =	vld [tilespmem:s25+$0x7450]  }
0x206: {  	v46 =	vld [tilespmem:s25+$0x8850]  }
0x207: {  	v47 =	vld [tilespmem:s25+$0x8860];
	v16 =	vmul.bf16 v17, v16  }
0x208: {  	v17 =	vld [tilespmem:s25+$0x7460]  }
0x209: {  	v18 =	vmul.bf16 v44, v43;
	v48 =	vunpack.i.u.bf16.f32 v16;
	v16 =	vunpack.i.l.bf16.f32 v16  }
0x20a: {  	v16 =	vadd.f32 $0.0e+00, v16;
	v49 =	vadd.f32 $0.0e+00, v48  }
0x20b: {  	v20 =	vmul.bf16 v46, v45;
	v50 =	vunpack.i.u.bf16.f32 v18;
	v18 =	vunpack.i.l.bf16.f32 v18  }
0x20c: {  	v16 =	vadd.f32 v18, v16;
	v51 =	vadd.f32 v50, v49  }
0x20d: {  	v52 =	vunpack.i.u.bf16.f32 v20;
	v20 =	vunpack.i.l.bf16.f32 v20;
	v17 =	vmul.bf16 v47, v17  }
0x20e: {  	v16 =	vadd.f32 v20, v16;
	v18 =	vadd.f32 v52, v51  }
0x20f: {  	v53 =	vunpack.i.u.bf16.f32 v17;
	v17 =	vunpack.i.l.bf16.f32 v17  }
0x210: {  	v16 =	vadd.f32 v17, v16;
	v17 =	vadd.f32 v53, v18;
	_ =	sdelay $0x1  }
0x211: {  	v16 =	vadd.f32 v16, v17;
	_ =	sdelay $0x1  }
0x212: {  	[tilespmem:v8+s16+$0x0] =	vst.idx.msk $0xffff, v16  }
0x213: {  	v16 =	vld [tilespmem:s25+$0x7470]  }
0x214: {  	v17 =	vld [tilespmem:s25+$0x8870]  }
0x215: {  	v54 =	vld [tilespmem:s25+$0x7480]  }
0x216: {  	v55 =	vld [tilespmem:s25+$0x8880]  }
0x217: {  	v56 =	vld [tilespmem:s25+$0x7490]  }
0x218: {  	v57 =	vld [tilespmem:s25+$0x8890]  }
0x219: {  	v58 =	vld [tilespmem:s25+$0x88A0];
	v16 =	vmul.bf16 v17, v16  }
0x21a: {  	v17 =	vld [tilespmem:s25+$0x74A0]  }
0x21b: {  	v18 =	vmul.bf16 v55, v54;
	v59 =	vunpack.i.u.bf16.f32 v16;
	v16 =	vunpack.i.l.bf16.f32 v16  }
0x21c: {  	v16 =	vadd.f32 $0.0e+00, v16;
	v60 =	vadd.f32 $0.0e+00, v59  }
0x21d: {  	v20 =	vmul.bf16 v57, v56;
	v61 =	vunpack.i.u.bf16.f32 v18;
	v18 =	vunpack.i.l.bf16.f32 v18  }
0x21e: {  	v16 =	vadd.f32 v18, v16;
	v62 =	vadd.f32 v61, v60  }
0x21f: {  	v63 =	vunpack.i.u.bf16.f32 v20;
	v20 =	vunpack.i.l.bf16.f32 v20;
	v17 =	vmul.bf16 v58, v17  }
0x220: {  	v16 =	vadd.f32 v20, v16;
	v18 =	vadd.f32 v63, v62  }
0x221: {  	v23 =	vunpack.i.u.bf16.f32 v17;
	v17 =	vunpack.i.l.bf16.f32 v17  }
0x222: {  	v16 =	vadd.f32 v17, v16;
	v17 =	vadd.f32 v23, v18;
	_ =	sdelay $0x1  }
0x223: {  	v16 =	vadd.f32 v16, v17;
	_ =	sdelay $0x1  }
0x224: {  	[tilespmem:v9+s16+$0x0] =	vst.idx.msk $0xffff, v16  }
0x225: {  	v16 =	vld [tilespmem:s25+$0x74B0]  }
0x226: {  	v17 =	vld [tilespmem:s25+$0x88B0]  }
0x227: {  	v24 =	vld [tilespmem:s25+$0x74C0]  }
0x228: {  	v25 =	vld [tilespmem:s25+$0x88C0]  }
0x229: {  	v26 =	vld [tilespmem:s25+$0x74D0]  }
0x22a: {  	v27 =	vld [tilespmem:s25+$0x88D0]  }
0x22b: {  	v28 =	vld [tilespmem:s25+$0x88E0];
	v16 =	vmul.bf16 v17, v16  }
0x22c: {  	v17 =	vld [tilespmem:s25+$0x74E0]  }
0x22d: {  	v18 =	vmul.bf16 v25, v24;
	v29 =	vunpack.i.u.bf16.f32 v16;
	v16 =	vunpack.i.l.bf16.f32 v16  }
0x22e: {  	v16 =	vadd.f32 $0.0e+00, v16;
	v30 =	vadd.f32 $0.0e+00, v29  }
0x22f: {  	v20 =	vmul.bf16 v27, v26;
	v31 =	vunpack.i.u.bf16.f32 v18;
	v18 =	vunpack.i.l.bf16.f32 v18  }
0x230: {  	v16 =	vadd.f32 v18, v16;
	v32 =	vadd.f32 v31, v30  }
0x231: {  	v33 =	vunpack.i.u.bf16.f32 v20;
	v20 =	vunpack.i.l.bf16.f32 v20;
	v17 =	vmul.bf16 v28, v17  }
0x232: {  	v16 =	vadd.f32 v20, v16;
	v18 =	vadd.f32 v33, v32  }
0x233: {  	v34 =	vunpack.i.u.bf16.f32 v17;
	v17 =	vunpack.i.l.bf16.f32 v17  }
0x234: {  	v16 =	vadd.f32 v17, v16;
	v17 =	vadd.f32 v34, v18;
	_ =	sdelay $0x1  }
0x235: {  	v16 =	vadd.f32 v16, v17;
	_ =	sdelay $0x1  }
0x236: {  	[tilespmem:v10+s16+$0x0] =	vst.idx.msk $0xffff, v16  }
0x237: {  	v16 =	vld [tilespmem:s25+$0x74F0]  }
0x238: {  	v17 =	vld [tilespmem:s25+$0x88F0]  }
0x239: {  	v35 =	vld [tilespmem:s25+$0x7500]  }
0x23a: {  	v36 =	vld [tilespmem:s25+$0x8900]  }
0x23b: {  	v37 =	vld [tilespmem:s25+$0x7510]  }
0x23c: {  	v38 =	vld [tilespmem:s25+$0x8910]  }
0x23d: {  	v39 =	vld [tilespmem:s25+$0x8920];
	v16 =	vmul.bf16 v17, v16  }
0x23e: {  	v17 =	vld [tilespmem:s25+$0x7520]  }
0x23f: {  	v18 =	vmul.bf16 v36, v35;
	v40 =	vunpack.i.u.bf16.f32 v16;
	v16 =	vunpack.i.l.bf16.f32 v16  }
0x240: {  	v16 =	vadd.f32 $0.0e+00, v16;
	v41 =	vadd.f32 $0.0e+00, v40  }
0x241: {  	v20 =	vmul.bf16 v38, v37;
	v42 =	vunpack.i.u.bf16.f32 v18;
	v18 =	vunpack.i.l.bf16.f32 v18  }
0x242: {  	v16 =	vadd.f32 v18, v16;
	v43 =	vadd.f32 v42, v41  }
0x243: {  	v44 =	vunpack.i.u.bf16.f32 v20;
	v20 =	vunpack.i.l.bf16.f32 v20;
	v17 =	vmul.bf16 v39, v17  }
0x244: {  	v16 =	vadd.f32 v20, v16;
	v18 =	vadd.f32 v44, v43  }
0x245: {  	v45 =	vunpack.i.u.bf16.f32 v17;
	v17 =	vunpack.i.l.bf16.f32 v17  }
0x246: {  	v16 =	vadd.f32 v17, v16;
	v17 =	vadd.f32 v45, v18;
	_ =	sdelay $0x1  }
0x247: {  	v16 =	vadd.f32 v16, v17;
	_ =	sdelay $0x1  }
0x248: {  	[tilespmem:v11+s16+$0x0] =	vst.idx.msk $0xffff, v16  }
0x249: {  	v16 =	vld [tilespmem:s25+$0x7530]  }
0x24a: {  	v17 =	vld [tilespmem:s25+$0x8930]  }
0x24b: {  	v46 =	vld [tilespmem:s25+$0x7540]  }
0x24c: {  	v47 =	vld [tilespmem:s25+$0x8940]  }
0x24d: {  	v48 =	vld [tilespmem:s25+$0x7550]  }
0x24e: {  	v49 =	vld [tilespmem:s25+$0x8950]  }
0x24f: {  	v50 =	vld [tilespmem:s25+$0x8960];
	v16 =	vmul.bf16 v17, v16  }
0x250: {  	v17 =	vld [tilespmem:s25+$0x7560]  }
0x251: {  	v18 =	vmul.bf16 v47, v46;
	v51 =	vunpack.i.u.bf16.f32 v16;
	v16 =	vunpack.i.l.bf16.f32 v16  }
0x252: {  	v16 =	vadd.f32 $0.0e+00, v16;
	v52 =	vadd.f32 $0.0e+00, v51  }
0x253: {  	v20 =	vmul.bf16 v49, v48;
	v53 =	vunpack.i.u.bf16.f32 v18;
	v18 =	vunpack.i.l.bf16.f32 v18  }
0x254: {  	v16 =	vadd.f32 v18, v16;
	v54 =	vadd.f32 v53, v52  }
0x255: {  	v55 =	vunpack.i.u.bf16.f32 v20;
	v20 =	vunpack.i.l.bf16.f32 v20;
	v17 =	vmul.bf16 v50, v17  }
0x256: {  	v16 =	vadd.f32 v20, v16;
	v18 =	vadd.f32 v55, v54  }
0x257: {  	v56 =	vunpack.i.u.bf16.f32 v17;
	v17 =	vunpack.i.l.bf16.f32 v17  }
0x258: {  	v16 =	vadd.f32 v17, v16;
	v17 =	vadd.f32 v56, v18;
	_ =	sdelay $0x1  }
0x259: {  	v16 =	vadd.f32 v16, v17;
	_ =	sdelay $0x1  }
0x25a: {  	[tilespmem:v12+s16+$0x0] =	vst.idx.msk $0xffff, v16  }
0x25b: {  	v16 =	vld [tilespmem:s25+$0x7570]  }
0x25c: {  	v17 =	vld [tilespmem:s25+$0x8970]  }
0x25d: {  	v57 =	vld [tilespmem:s25+$0x7580]  }
0x25e: {  	v58 =	vld [tilespmem:s25+$0x8980]  }
0x25f: {  	v59 =	vld [tilespmem:s25+$0x7590]  }
0x260: {  	v60 =	vld [tilespmem:s25+$0x8990]  }
0x261: {  	v61 =	vld [tilespmem:s25+$0x89A0];
	v16 =	vmul.bf16 v17, v16  }
0x262: {  	v17 =	vld [tilespmem:s25+$0x75A0]  }
0x263: {  	v18 =	vmul.bf16 v58, v57;
	v62 =	vunpack.i.u.bf16.f32 v16;
	v16 =	vunpack.i.l.bf16.f32 v16  }
0x264: {  	v16 =	vadd.f32 $0.0e+00, v16;
	v63 =	vadd.f32 $0.0e+00, v62  }
0x265: {  	v20 =	vmul.bf16 v60, v59;
	v24 =	vunpack.i.u.bf16.f32 v18;
	v18 =	vunpack.i.l.bf16.f32 v18  }
0x266: {  	v16 =	vadd.f32 v18, v16;
	v25 =	vadd.f32 v24, v63  }
0x267: {  	v26 =	vunpack.i.u.bf16.f32 v20;
	v20 =	vunpack.i.l.bf16.f32 v20;
	v17 =	vmul.bf16 v61, v17  }
0x268: {  	v16 =	vadd.f32 v20, v16;
	v18 =	vadd.f32 v26, v25  }
0x269: {  	v27 =	vunpack.i.u.bf16.f32 v17;
	v17 =	vunpack.i.l.bf16.f32 v17  }
0x26a: {  	v16 =	vadd.f32 v17, v16;
	v17 =	vadd.f32 v27, v18;
	_ =	sdelay $0x1  }
0x26b: {  	v16 =	vadd.f32 v16, v17;
	_ =	sdelay $0x1  }
0x26c: {  	[tilespmem:v13+s16+$0x0] =	vst.idx.msk $0xffff, v16  }
0x26d: {  	v16 =	vld [tilespmem:s25+$0x75B0]  }
0x26e: {  	v17 =	vld [tilespmem:s25+$0x89B0]  }
0x26f: {  	v28 =	vld [tilespmem:s25+$0x75C0]  }
0x270: {  	v29 =	vld [tilespmem:s25+$0x89C0]  }
0x271: {  	v30 =	vld [tilespmem:s25+$0x75D0]  }
0x272: {  	v31 =	vld [tilespmem:s25+$0x89D0]  }
0x273: {  	v32 =	vld [tilespmem:s25+$0x89E0];
	v16 =	vmul.bf16 v17, v16  }
0x274: {  	v17 =	vld [tilespmem:s25+$0x75E0]  }
0x275: {  	v18 =	vmul.bf16 v29, v28;
	v33 =	vunpack.i.u.bf16.f32 v16;
	v16 =	vunpack.i.l.bf16.f32 v16  }
0x276: {  	v16 =	vadd.f32 $0.0e+00, v16;
	v34 =	vadd.f32 $0.0e+00, v33  }
0x277: {  	v20 =	vmul.bf16 v31, v30;
	v35 =	vunpack.i.u.bf16.f32 v18;
	v18 =	vunpack.i.l.bf16.f32 v18  }
0x278: {  	v16 =	vadd.f32 v18, v16;
	v36 =	vadd.f32 v35, v34  }
0x279: {  	v37 =	vunpack.i.u.bf16.f32 v20;
	v20 =	vunpack.i.l.bf16.f32 v20;
	v17 =	vmul.bf16 v32, v17  }
0x27a: {  	v16 =	vadd.f32 v20, v16;
	v18 =	vadd.f32 v37, v36  }
0x27b: {  	v38 =	vunpack.i.u.bf16.f32 v17;
	v17 =	vunpack.i.l.bf16.f32 v17  }
0x27c: {  	v16 =	vadd.f32 v17, v16;
	v17 =	vadd.f32 v38, v18;
	_ =	sdelay $0x1  }
0x27d: {  	v16 =	vadd.f32 v16, v17;
	_ =	sdelay $0x1  }
0x27e: {  	[tilespmem:v14+s16+$0x0] =	vst.idx.msk $0xffff, v16  }
0x27f: {  	v16 =	vld [tilespmem:s25+$0x75F0]  }
0x280: {  	v17 =	vld [tilespmem:s25+$0x89F0]  }
0x281: {  	v39 =	vld [tilespmem:s25+$0x7600]  }
0x282: {  	v40 =	vld [tilespmem:s25+$0x8A00]  }
0x283: {  	v41 =	vld [tilespmem:s25+$0x7610]  }
0x284: {  	v42 =	vld [tilespmem:s25+$0x8A10]  }
0x285: {  	v43 =	vld [tilespmem:s25+$0x8A20];
	v16 =	vmul.bf16 v17, v16  }
0x286: {  	v17 =	vld [tilespmem:s25+$0x7620]  }
0x287: {  	v18 =	vmul.bf16 v40, v39;
	v44 =	vunpack.i.u.bf16.f32 v16;
	v16 =	vunpack.i.l.bf16.f32 v16  }
0x288: {  	v16 =	vadd.f32 $0.0e+00, v16;
	v45 =	vadd.f32 $0.0e+00, v44  }
0x289: {  	v20 =	vmul.bf16 v42, v41;
	v46 =	vunpack.i.u.bf16.f32 v18;
	v18 =	vunpack.i.l.bf16.f32 v18  }
0x28a: {  	v16 =	vadd.f32 v18, v16;
	v47 =	vadd.f32 v46, v45  }
0x28b: {  	v48 =	vunpack.i.u.bf16.f32 v20;
	v20 =	vunpack.i.l.bf16.f32 v20;
	v17 =	vmul.bf16 v43, v17  }
0x28c: {  	v16 =	vadd.f32 v20, v16;
	v18 =	vadd.f32 v48, v47  }
0x28d: {  	v49 =	vunpack.i.u.bf16.f32 v17;
	v17 =	vunpack.i.l.bf16.f32 v17  }
0x28e: {  	v16 =	vadd.f32 v17, v16;
	v17 =	vadd.f32 v49, v18;
	_ =	sdelay $0x1  }
0x28f: {  	v16 =	vadd.f32 v16, v17;
	_ =	sdelay $0x1  }
0x290: {  	[tilespmem:v15+s16+$0x0] =	vst.idx.msk $0xffff, v16  }
0x291: {  	v16 =	vld [tilespmem:$0xC530]  }
0x292: {  	v17 =	vld [tilespmem:$0xC541]  }
0x293: {  	v50 =	vld [tilespmem:$0xC552]  }
0x294: {  	v51 =	vld [tilespmem:$0xC563]  }
0x295: {  	v52 =	vld [tilespmem:$0xC574]  }
0x296: {  	v53 =	vld [tilespmem:$0xC585]  }
0x297: {  	v54 =	vld [tilespmem:$0xC596]  }
0x298: {  	v55 =	vld [tilespmem:$0xC5A7]  }
0x299: {  	v24 =	vld [tilespmem:$0xC5B8]  }
0x29a: {  	v25 =	vld [tilespmem:$0xC5C9]  }
0x29b: {  	v26 =	vld [tilespmem:$0xC5DA]  }
0x29c: {  	v27 =	vld [tilespmem:$0xC5EB]  }
0x29d: {  	v28 =	vld [tilespmem:$0xC5FC]  }
0x29e: {  	v29 =	vld [tilespmem:$0xC60D]  }
0x29f: {  	v30 =	vld [tilespmem:$0xC61E]  }
0x2a0: {  	v31 =	vld [tilespmem:$0xC62F];
	_ =	sdelay $0x1  }
0x2a1: {  	v16 =	vadd.f32 v17, v16;
	v17 =	vadd.f32 v51, v50  }
0x2a2: {  	v56 =	vadd.f32 v53, v52;
	v57 =	vadd.f32 v55, v54  }
0x2a3: {  	v58 =	vadd.f32 v25, v24;
	v59 =	vadd.f32 v27, v26  }
0x2a4: {  	v60 =	vadd.f32 v29, v28;
	v61 =	vadd.f32 v31, v30  }
0x2a5: {  	v16 =	vadd.f32 v17, v16;
	v17 =	vadd.f32 v57, v56  }
0x2a6: {  	v62 =	vadd.f32 v59, v58;
	v63 =	vadd.f32 v61, v60;
	_ =	sdelay $0x1  }
0x2a7: {  	v16 =	vadd.f32 v17, v16;
	v17 =	vadd.f32 v63, v62;
	_ =	sdelay $0x1  }
0x2a8: {  	v16 =	vadd.f32 v17, v16;
	_ =	sdelay $0x1  }
0x2a9: {  	v16 =	vsub.f32 $0.0e+00, v16;
	_ =	sdelay $0x1  }
0x2aa: {  	v16 =	vmul.f32 $1.442695020e+00, v16;
	_ =	sdelay $0x1  }
0x2ab: {  	(erf) = vpow2.f32 v16;
	_ =	sdelay $0x8  }
0x2ac: {  	v16 =	vpop (erf)  }
0x2ad: {  	v16 =	vadd.f32 $1.000000000e+00, v16;
	_ =	sdelay $0x1  }
0x2ae: {  	(erf) = vrcp.f32 v16;
	_ =	sdelay $0x4  }
0x2af: {  	p0 =	sne.s32 s23, $0x4FC0  }
.Ltmp1:
0x2b0: {  	_ = 	snop;
	(pc) =	sbr.rel @p0 .LBB2_5-.Ltmp1, $3  }
0x2b1: {  	_ =	sdelay $0x1  }
0x2b2: {  	v16 =	vpop (erf)  }
0x2b3: {  	s23 =	sadd.s32 $0x1000, s23;
	[tilespmem:s24+$0x0] =	vst v16;
	s24 =	sadd.s32 $0x10, s24  }
0x2b4: {  	s22 =	sadd.s32 $0x1, s22  }
0x2b5: {  	p0 =	sne.s32 s22, $0x3E  }
.Ltmp2:
0x2b6: {  	_ = 	snop;
	(pc) =	sbr.rel @p0 .LBB2_2-.Ltmp2, $2  }
0x2b7: {  	_ =	sdelay $0x2  }
0x2b8: {  	s21 =	sadd.s32 $0xA0, s21;
	s20 =	sadd.s32 $0xA0, s20  }
0x2b9: {  	_ =	swait.ge [sflag:s15], $0x1400  }
0x2ba: {  	[sflag:s15] =	ssyncset.done $0x0  }
0x2bb: {  	[sflag:s15] =	ssyncadd.s32 $0xFFFFEC00  }
0x2bc: {  	_ =	swait.ge [sflag:s15], $0x1400  }
0x2bd: {  	[sflag:s15] =	ssyncset.done $0x0  }
0x2be: {  	s20 =	simm.s32 $0xFC0;
	s21 =	simm.s32 $0xC4E0;
	[sflag:s15] =	ssyncadd.s32 $0xFFFFEC00  }
.LBB2_8:
0x2bf: {  	s22 =	sshra.s32 s20, $0x2  }
0x2c0: {  	v16 =	vld [tilespmem:s22+$0x4A30]  }
0x2c1: {  	v17 =	vld [tilespmem:s22+$0x5E30]  }
0x2c2: {  	v18 =	vld [tilespmem:s22+$0x4A40]  }
0x2c3: {  	v19 =	vld [tilespmem:s22+$0x5E40]  }
0x2c4: {  	v20 =	vld [tilespmem:s22+$0x4A50]  }
0x2c5: {  	v21 =	vld [tilespmem:s22+$0x5E50]  }
0x2c6: {  	v22 =	vld [tilespmem:s22+$0x5E60];
	v16 =	vmul.bf16 v17, v16  }
0x2c7: {  	v17 =	vld [tilespmem:s22+$0x4A60]  }
0x2c8: {  	v18 =	vmul.bf16 v19, v18;
	v23 =	vunpack.i.u.bf16.f32 v16;
	v16 =	vunpack.i.l.bf16.f32 v16  }
0x2c9: {  	v16 =	vadd.f32 $0.0e+00, v16;
	v41 =	vadd.f32 $0.0e+00, v23  }
0x2ca: {  	v20 =	vmul.bf16 v21, v20;
	v42 =	vunpack.i.u.bf16.f32 v18;
	v18 =	vunpack.i.l.bf16.f32 v18  }
0x2cb: {  	v16 =	vadd.f32 v18, v16;
	v43 =	vadd.f32 v42, v41  }
0x2cc: {  	v44 =	vunpack.i.u.bf16.f32 v20;
	v20 =	vunpack.i.l.bf16.f32 v20;
	v17 =	vmul.bf16 v22, v17  }
0x2cd: {  	v16 =	vadd.f32 v20, v16;
	v18 =	vadd.f32 v44, v43  }
0x2ce: {  	v45 =	vunpack.i.u.bf16.f32 v17;
	v17 =	vunpack.i.l.bf16.f32 v17  }
0x2cf: {  	v16 =	vadd.f32 v17, v16;
	v17 =	vadd.f32 v45, v18;
	_ =	sdelay $0x1  }
0x2d0: {  	v16 =	vadd.f32 v16, v17;
	_ =	sdelay $0x1  }
0x2d1: {  	[tilespmem:v0+s16+$0x0] =	vst.idx.msk $0xffff, v16  }
0x2d2: {  	v16 =	vld [tilespmem:s22+$0x4A70]  }
0x2d3: {  	v17 =	vld [tilespmem:s22+$0x5E70]  }
0x2d4: {  	v46 =	vld [tilespmem:s22+$0x4A80]  }
0x2d5: {  	v47 =	vld [tilespmem:s22+$0x5E80]  }
0x2d6: {  	v48 =	vld [tilespmem:s22+$0x4A90]  }
0x2d7: {  	v49 =	vld [tilespmem:s22+$0x5E90]  }
0x2d8: {  	v50 =	vld [tilespmem:s22+$0x5EA0];
	v16 =	vmul.bf16 v17, v16  }
0x2d9: {  	v17 =	vld [tilespmem:s22+$0x4AA0]  }
0x2da: {  	v18 =	vmul.bf16 v47, v46;
	v51 =	vunpack.i.u.bf16.f32 v16;
	v16 =	vunpack.i.l.bf16.f32 v16  }
0x2db: {  	v16 =	vadd.f32 $0.0e+00, v16;
	v52 =	vadd.f32 $0.0e+00, v51  }
0x2dc: {  	v20 =	vmul.bf16 v49, v48;
	v53 =	vunpack.i.u.bf16.f32 v18;
	v18 =	vunpack.i.l.bf16.f32 v18  }
0x2dd: {  	v16 =	vadd.f32 v18, v16;
	v54 =	vadd.f32 v53, v52  }
0x2de: {  	v55 =	vunpack.i.u.bf16.f32 v20;
	v20 =	vunpack.i.l.bf16.f32 v20;
	v17 =	vmul.bf16 v50, v17  }
0x2df: {  	v16 =	vadd.f32 v20, v16;
	v18 =	vadd.f32 v55, v54  }
0x2e0: {  	v56 =	vunpack.i.u.bf16.f32 v17;
	v17 =	vunpack.i.l.bf16.f32 v17  }
0x2e1: {  	v16 =	vadd.f32 v17, v16;
	v17 =	vadd.f32 v56, v18;
	_ =	sdelay $0x1  }
0x2e2: {  	v16 =	vadd.f32 v16, v17;
	_ =	sdelay $0x1  }
0x2e3: {  	[tilespmem:v1+s16+$0x0] =	vst.idx.msk $0xffff, v16  }
0x2e4: {  	v16 =	vld [tilespmem:s22+$0x4AB0]  }
0x2e5: {  	v17 =	vld [tilespmem:s22+$0x5EB0]  }
0x2e6: {  	v57 =	vld [tilespmem:s22+$0x4AC0]  }
0x2e7: {  	v58 =	vld [tilespmem:s22+$0x5EC0]  }
0x2e8: {  	v59 =	vld [tilespmem:s22+$0x4AD0]  }
0x2e9: {  	v60 =	vld [tilespmem:s22+$0x5ED0]  }
0x2ea: {  	v61 =	vld [tilespmem:s22+$0x5EE0];
	v16 =	vmul.bf16 v17, v16  }
0x2eb: {  	v17 =	vld [tilespmem:s22+$0x4AE0]  }
0x2ec: {  	v18 =	vmul.bf16 v58, v57;
	v62 =	vunpack.i.u.bf16.f32 v16;
	v16 =	vunpack.i.l.bf16.f32 v16  }
0x2ed: {  	v16 =	vadd.f32 $0.0e+00, v16;
	v63 =	vadd.f32 $0.0e+00, v62  }
0x2ee: {  	v20 =	vmul.bf16 v60, v59;
	v24 =	vunpack.i.u.bf16.f32 v18;
	v18 =	vunpack.i.l.bf16.f32 v18  }
0x2ef: {  	v16 =	vadd.f32 v18, v16;
	v25 =	vadd.f32 v24, v63  }
0x2f0: {  	v26 =	vunpack.i.u.bf16.f32 v20;
	v20 =	vunpack.i.l.bf16.f32 v20;
	v17 =	vmul.bf16 v61, v17  }
0x2f1: {  	v16 =	vadd.f32 v20, v16;
	v18 =	vadd.f32 v26, v25  }
0x2f2: {  	v27 =	vunpack.i.u.bf16.f32 v17;
	v17 =	vunpack.i.l.bf16.f32 v17  }
0x2f3: {  	v16 =	vadd.f32 v17, v16;
	v17 =	vadd.f32 v27, v18;
	_ =	sdelay $0x1  }
0x2f4: {  	v16 =	vadd.f32 v16, v17;
	_ =	sdelay $0x1  }
0x2f5: {  	[tilespmem:v2+s16+$0x0] =	vst.idx.msk $0xffff, v16  }
0x2f6: {  	v16 =	vld [tilespmem:s22+$0x4AF0]  }
0x2f7: {  	v17 =	vld [tilespmem:s22+$0x5EF0]  }
0x2f8: {  	v28 =	vld [tilespmem:s22+$0x4B00]  }
0x2f9: {  	v29 =	vld [tilespmem:s22+$0x5F00]  }
0x2fa: {  	v30 =	vld [tilespmem:s22+$0x4B10]  }
0x2fb: {  	v31 =	vld [tilespmem:s22+$0x5F10]  }
0x2fc: {  	v32 =	vld [tilespmem:s22+$0x5F20];
	v16 =	vmul.bf16 v17, v16  }
0x2fd: {  	v17 =	vld [tilespmem:s22+$0x4B20]  }
0x2fe: {  	v18 =	vmul.bf16 v29, v28;
	v33 =	vunpack.i.u.bf16.f32 v16;
	v16 =	vunpack.i.l.bf16.f32 v16  }
0x2ff: {  	v16 =	vadd.f32 $0.0e+00, v16;
	v34 =	vadd.f32 $0.0e+00, v33  }
0x300: {  	v20 =	vmul.bf16 v31, v30;
	v35 =	vunpack.i.u.bf16.f32 v18;
	v18 =	vunpack.i.l.bf16.f32 v18  }
0x301: {  	v16 =	vadd.f32 v18, v16;
	v36 =	vadd.f32 v35, v34  }
0x302: {  	v37 =	vunpack.i.u.bf16.f32 v20;
	v20 =	vunpack.i.l.bf16.f32 v20;
	v17 =	vmul.bf16 v32, v17  }
0x303: {  	v16 =	vadd.f32 v20, v16;
	v18 =	vadd.f32 v37, v36  }
0x304: {  	v38 =	vunpack.i.u.bf16.f32 v17;
	v17 =	vunpack.i.l.bf16.f32 v17  }
0x305: {  	v16 =	vadd.f32 v17, v16;
	v17 =	vadd.f32 v38, v18;
	_ =	sdelay $0x1  }
0x306: {  	v16 =	vadd.f32 v16, v17;
	_ =	sdelay $0x1  }
0x307: {  	[tilespmem:v3+s16+$0x0] =	vst.idx.msk $0xffff, v16  }
0x308: {  	v16 =	vld [tilespmem:s22+$0x4B30]  }
0x309: {  	v17 =	vld [tilespmem:s22+$0x5F30]  }
0x30a: {  	v39 =	vld [tilespmem:s22+$0x4B40]  }
0x30b: {  	v40 =	vld [tilespmem:s22+$0x5F40]  }
0x30c: {  	v41 =	vld [tilespmem:s22+$0x4B50]  }
0x30d: {  	v42 =	vld [tilespmem:s22+$0x5F50]  }
0x30e: {  	v43 =	vld [tilespmem:s22+$0x5F60];
	v16 =	vmul.bf16 v17, v16  }
0x30f: {  	v17 =	vld [tilespmem:s22+$0x4B60]  }
0x310: {  	v18 =	vmul.bf16 v40, v39;
	v44 =	vunpack.i.u.bf16.f32 v16;
	v16 =	vunpack.i.l.bf16.f32 v16  }
0x311: {  	v16 =	vadd.f32 $0.0e+00, v16;
	v45 =	vadd.f32 $0.0e+00, v44  }
0x312: {  	v20 =	vmul.bf16 v42, v41;
	v46 =	vunpack.i.u.bf16.f32 v18;
	v18 =	vunpack.i.l.bf16.f32 v18  }
0x313: {  	v16 =	vadd.f32 v18, v16;
	v47 =	vadd.f32 v46, v45  }
0x314: {  	v48 =	vunpack.i.u.bf16.f32 v20;
	v20 =	vunpack.i.l.bf16.f32 v20;
	v17 =	vmul.bf16 v43, v17  }
0x315: {  	v16 =	vadd.f32 v20, v16;
	v18 =	vadd.f32 v48, v47  }
0x316: {  	v49 =	vunpack.i.u.bf16.f32 v17;
	v17 =	vunpack.i.l.bf16.f32 v17  }
0x317: {  	v16 =	vadd.f32 v17, v16;
	v17 =	vadd.f32 v49, v18;
	_ =	sdelay $0x1  }
0x318: {  	v16 =	vadd.f32 v16, v17;
	_ =	sdelay $0x1  }
0x319: {  	[tilespmem:v4+s16+$0x0] =	vst.idx.msk $0xffff, v16  }
0x31a: {  	v16 =	vld [tilespmem:s22+$0x4B70]  }
0x31b: {  	v17 =	vld [tilespmem:s22+$0x5F70]  }
0x31c: {  	v50 =	vld [tilespmem:s22+$0x4B80]  }
0x31d: {  	v51 =	vld [tilespmem:s22+$0x5F80]  }
0x31e: {  	v52 =	vld [tilespmem:s22+$0x4B90]  }
0x31f: {  	v53 =	vld [tilespmem:s22+$0x5F90]  }
0x320: {  	v54 =	vld [tilespmem:s22+$0x5FA0];
	v16 =	vmul.bf16 v17, v16  }
0x321: {  	v17 =	vld [tilespmem:s22+$0x4BA0]  }
0x322: {  	v18 =	vmul.bf16 v51, v50;
	v55 =	vunpack.i.u.bf16.f32 v16;
	v16 =	vunpack.i.l.bf16.f32 v16  }
0x323: {  	v16 =	vadd.f32 $0.0e+00, v16;
	v56 =	vadd.f32 $0.0e+00, v55  }
0x324: {  	v20 =	vmul.bf16 v53, v52;
	v57 =	vunpack.i.u.bf16.f32 v18;
	v18 =	vunpack.i.l.bf16.f32 v18  }
0x325: {  	v16 =	vadd.f32 v18, v16;
	v58 =	vadd.f32 v57, v56  }
0x326: {  	v59 =	vunpack.i.u.bf16.f32 v20;
	v20 =	vunpack.i.l.bf16.f32 v20;
	v17 =	vmul.bf16 v54, v17  }
0x327: {  	v16 =	vadd.f32 v20, v16;
	v18 =	vadd.f32 v59, v58  }
0x328: {  	v60 =	vunpack.i.u.bf16.f32 v17;
	v17 =	vunpack.i.l.bf16.f32 v17  }
0x329: {  	v16 =	vadd.f32 v17, v16;
	v17 =	vadd.f32 v60, v18;
	_ =	sdelay $0x1  }
0x32a: {  	v16 =	vadd.f32 v16, v17;
	_ =	sdelay $0x1  }
0x32b: {  	[tilespmem:v5+s16+$0x0] =	vst.idx.msk $0xffff, v16  }
0x32c: {  	v16 =	vld [tilespmem:s22+$0x4BB0]  }
0x32d: {  	v17 =	vld [tilespmem:s22+$0x5FB0]  }
0x32e: {  	v61 =	vld [tilespmem:s22+$0x4BC0]  }
0x32f: {  	v62 =	vld [tilespmem:s22+$0x5FC0]  }
0x330: {  	v63 =	vld [tilespmem:s22+$0x4BD0]  }
0x331: {  	v24 =	vld [tilespmem:s22+$0x5FD0]  }
0x332: {  	v25 =	vld [tilespmem:s22+$0x5FE0];
	v16 =	vmul.bf16 v17, v16  }
0x333: {  	v17 =	vld [tilespmem:s22+$0x4BE0]  }
0x334: {  	v18 =	vmul.bf16 v62, v61;
	v26 =	vunpack.i.u.bf16.f32 v16;
	v16 =	vunpack.i.l.bf16.f32 v16  }
0x335: {  	v16 =	vadd.f32 $0.0e+00, v16;
	v27 =	vadd.f32 $0.0e+00, v26  }
0x336: {  	v20 =	vmul.bf16 v24, v63;
	v28 =	vunpack.i.u.bf16.f32 v18;
	v18 =	vunpack.i.l.bf16.f32 v18  }
0x337: {  	v16 =	vadd.f32 v18, v16;
	v29 =	vadd.f32 v28, v27  }
0x338: {  	v30 =	vunpack.i.u.bf16.f32 v20;
	v20 =	vunpack.i.l.bf16.f32 v20;
	v17 =	vmul.bf16 v25, v17  }
0x339: {  	v16 =	vadd.f32 v20, v16;
	v18 =	vadd.f32 v30, v29  }
0x33a: {  	v31 =	vunpack.i.u.bf16.f32 v17;
	v17 =	vunpack.i.l.bf16.f32 v17  }
0x33b: {  	v16 =	vadd.f32 v17, v16;
	v17 =	vadd.f32 v31, v18;
	_ =	sdelay $0x1  }
0x33c: {  	v16 =	vadd.f32 v16, v17;
	_ =	sdelay $0x1  }
0x33d: {  	[tilespmem:v6+s16+$0x0] =	vst.idx.msk $0xffff, v16  }
0x33e: {  	v16 =	vld [tilespmem:s22+$0x4BF0]  }
0x33f: {  	v17 =	vld [tilespmem:s22+$0x5FF0]  }
0x340: {  	v32 =	vld [tilespmem:s22+$0x4C00]  }
0x341: {  	v33 =	vld [tilespmem:s22+$0x6000]  }
0x342: {  	v34 =	vld [tilespmem:s22+$0x4C10]  }
0x343: {  	v35 =	vld [tilespmem:s22+$0x6010]  }
0x344: {  	v36 =	vld [tilespmem:s22+$0x6020];
	v16 =	vmul.bf16 v17, v16  }
0x345: {  	v17 =	vld [tilespmem:s22+$0x4C20]  }
0x346: {  	v18 =	vmul.bf16 v33, v32;
	v37 =	vunpack.i.u.bf16.f32 v16;
	v16 =	vunpack.i.l.bf16.f32 v16  }
0x347: {  	v16 =	vadd.f32 $0.0e+00, v16;
	v38 =	vadd.f32 $0.0e+00, v37  }
0x348: {  	v20 =	vmul.bf16 v35, v34;
	v39 =	vunpack.i.u.bf16.f32 v18;
	v18 =	vunpack.i.l.bf16.f32 v18  }
0x349: {  	v16 =	vadd.f32 v18, v16;
	v40 =	vadd.f32 v39, v38  }
0x34a: {  	v41 =	vunpack.i.u.bf16.f32 v20;
	v20 =	vunpack.i.l.bf16.f32 v20;
	v17 =	vmul.bf16 v36, v17  }
0x34b: {  	v16 =	vadd.f32 v20, v16;
	v18 =	vadd.f32 v41, v40  }
0x34c: {  	v42 =	vunpack.i.u.bf16.f32 v17;
	v17 =	vunpack.i.l.bf16.f32 v17  }
0x34d: {  	v16 =	vadd.f32 v17, v16;
	v17 =	vadd.f32 v42, v18;
	_ =	sdelay $0x1  }
0x34e: {  	v16 =	vadd.f32 v16, v17;
	_ =	sdelay $0x1  }
0x34f: {  	[tilespmem:v7+s16+$0x0] =	vst.idx.msk $0xffff, v16  }
0x350: {  	v16 =	vld [tilespmem:s22+$0x4C30]  }
0x351: {  	v17 =	vld [tilespmem:s22+$0x6030]  }
0x352: {  	v43 =	vld [tilespmem:s22+$0x4C40]  }
0x353: {  	v44 =	vld [tilespmem:s22+$0x6040]  }
0x354: {  	v45 =	vld [tilespmem:s22+$0x4C50]  }
0x355: {  	v46 =	vld [tilespmem:s22+$0x6050]  }
0x356: {  	v47 =	vld [tilespmem:s22+$0x6060];
	v16 =	vmul.bf16 v17, v16  }
0x357: {  	v17 =	vld [tilespmem:s22+$0x4C60]  }
0x358: {  	v18 =	vmul.bf16 v44, v43;
	v48 =	vunpack.i.u.bf16.f32 v16;
	v16 =	vunpack.i.l.bf16.f32 v16  }
0x359: {  	v16 =	vadd.f32 $0.0e+00, v16;
	v49 =	vadd.f32 $0.0e+00, v48  }
0x35a: {  	v20 =	vmul.bf16 v46, v45;
	v50 =	vunpack.i.u.bf16.f32 v18;
	v18 =	vunpack.i.l.bf16.f32 v18  }
0x35b: {  	v16 =	vadd.f32 v18, v16;
	v51 =	vadd.f32 v50, v49  }
0x35c: {  	v52 =	vunpack.i.u.bf16.f32 v20;
	v20 =	vunpack.i.l.bf16.f32 v20;
	v17 =	vmul.bf16 v47, v17  }
0x35d: {  	v16 =	vadd.f32 v20, v16;
	v18 =	vadd.f32 v52, v51  }
0x35e: {  	v53 =	vunpack.i.u.bf16.f32 v17;
	v17 =	vunpack.i.l.bf16.f32 v17  }
0x35f: {  	v16 =	vadd.f32 v17, v16;
	v17 =	vadd.f32 v53, v18;
	_ =	sdelay $0x1  }
0x360: {  	v16 =	vadd.f32 v16, v17;
	_ =	sdelay $0x1  }
0x361: {  	[tilespmem:v8+s16+$0x0] =	vst.idx.msk $0xffff, v16  }
0x362: {  	v16 =	vld [tilespmem:s22+$0x4C70]  }
0x363: {  	v17 =	vld [tilespmem:s22+$0x6070]  }
0x364: {  	v54 =	vld [tilespmem:s22+$0x4C80]  }
0x365: {  	v55 =	vld [tilespmem:s22+$0x6080]  }
0x366: {  	v56 =	vld [tilespmem:s22+$0x4C90]  }
0x367: {  	v57 =	vld [tilespmem:s22+$0x6090]  }
0x368: {  	v58 =	vld [tilespmem:s22+$0x60A0];
	v16 =	vmul.bf16 v17, v16  }
0x369: {  	v17 =	vld [tilespmem:s22+$0x4CA0]  }
0x36a: {  	v18 =	vmul.bf16 v55, v54;
	v59 =	vunpack.i.u.bf16.f32 v16;
	v16 =	vunpack.i.l.bf16.f32 v16  }
0x36b: {  	v16 =	vadd.f32 $0.0e+00, v16;
	v60 =	vadd.f32 $0.0e+00, v59  }
0x36c: {  	v20 =	vmul.bf16 v57, v56;
	v61 =	vunpack.i.u.bf16.f32 v18;
	v18 =	vunpack.i.l.bf16.f32 v18  }
0x36d: {  	v16 =	vadd.f32 v18, v16;
	v62 =	vadd.f32 v61, v60  }
0x36e: {  	v63 =	vunpack.i.u.bf16.f32 v20;
	v20 =	vunpack.i.l.bf16.f32 v20;
	v17 =	vmul.bf16 v58, v17  }
0x36f: {  	v16 =	vadd.f32 v20, v16;
	v18 =	vadd.f32 v63, v62  }
0x370: {  	v23 =	vunpack.i.u.bf16.f32 v17;
	v17 =	vunpack.i.l.bf16.f32 v17  }
0x371: {  	v16 =	vadd.f32 v17, v16;
	v17 =	vadd.f32 v23, v18;
	_ =	sdelay $0x1  }
0x372: {  	v16 =	vadd.f32 v16, v17;
	_ =	sdelay $0x1  }
0x373: {  	[tilespmem:v9+s16+$0x0] =	vst.idx.msk $0xffff, v16  }
0x374: {  	v16 =	vld [tilespmem:s22+$0x4CB0]  }
0x375: {  	v17 =	vld [tilespmem:s22+$0x60B0]  }
0x376: {  	v24 =	vld [tilespmem:s22+$0x4CC0]  }
0x377: {  	v25 =	vld [tilespmem:s22+$0x60C0]  }
0x378: {  	v26 =	vld [tilespmem:s22+$0x4CD0]  }
0x379: {  	v27 =	vld [tilespmem:s22+$0x60D0]  }
0x37a: {  	v28 =	vld [tilespmem:s22+$0x60E0];
	v16 =	vmul.bf16 v17, v16  }
0x37b: {  	v17 =	vld [tilespmem:s22+$0x4CE0]  }
0x37c: {  	v18 =	vmul.bf16 v25, v24;
	v29 =	vunpack.i.u.bf16.f32 v16;
	v16 =	vunpack.i.l.bf16.f32 v16  }
0x37d: {  	v16 =	vadd.f32 $0.0e+00, v16;
	v30 =	vadd.f32 $0.0e+00, v29  }
0x37e: {  	v20 =	vmul.bf16 v27, v26;
	v31 =	vunpack.i.u.bf16.f32 v18;
	v18 =	vunpack.i.l.bf16.f32 v18  }
0x37f: {  	v16 =	vadd.f32 v18, v16;
	v32 =	vadd.f32 v31, v30  }
0x380: {  	v33 =	vunpack.i.u.bf16.f32 v20;
	v20 =	vunpack.i.l.bf16.f32 v20;
	v17 =	vmul.bf16 v28, v17  }
0x381: {  	v16 =	vadd.f32 v20, v16;
	v18 =	vadd.f32 v33, v32  }
0x382: {  	v34 =	vunpack.i.u.bf16.f32 v17;
	v17 =	vunpack.i.l.bf16.f32 v17  }
0x383: {  	v16 =	vadd.f32 v17, v16;
	v17 =	vadd.f32 v34, v18;
	_ =	sdelay $0x1  }
0x384: {  	v16 =	vadd.f32 v16, v17;
	_ =	sdelay $0x1  }
0x385: {  	[tilespmem:v10+s16+$0x0] =	vst.idx.msk $0xffff, v16  }
0x386: {  	v16 =	vld [tilespmem:s22+$0x4CF0]  }
0x387: {  	v17 =	vld [tilespmem:s22+$0x60F0]  }
0x388: {  	v35 =	vld [tilespmem:s22+$0x4D00]  }
0x389: {  	v36 =	vld [tilespmem:s22+$0x6100]  }
0x38a: {  	v37 =	vld [tilespmem:s22+$0x4D10]  }
0x38b: {  	v38 =	vld [tilespmem:s22+$0x6110]  }
0x38c: {  	v39 =	vld [tilespmem:s22+$0x6120];
	v16 =	vmul.bf16 v17, v16  }
0x38d: {  	v17 =	vld [tilespmem:s22+$0x4D20]  }
0x38e: {  	v18 =	vmul.bf16 v36, v35;
	v40 =	vunpack.i.u.bf16.f32 v16;
	v16 =	vunpack.i.l.bf16.f32 v16  }
0x38f: {  	v16 =	vadd.f32 $0.0e+00, v16;
	v41 =	vadd.f32 $0.0e+00, v40  }
0x390: {  	v20 =	vmul.bf16 v38, v37;
	v42 =	vunpack.i.u.bf16.f32 v18;
	v18 =	vunpack.i.l.bf16.f32 v18  }
0x391: {  	v16 =	vadd.f32 v18, v16;
	v43 =	vadd.f32 v42, v41  }
0x392: {  	v44 =	vunpack.i.u.bf16.f32 v20;
	v20 =	vunpack.i.l.bf16.f32 v20;
	v17 =	vmul.bf16 v39, v17  }
0x393: {  	v16 =	vadd.f32 v20, v16;
	v18 =	vadd.f32 v44, v43  }
0x394: {  	v45 =	vunpack.i.u.bf16.f32 v17;
	v17 =	vunpack.i.l.bf16.f32 v17  }
0x395: {  	v16 =	vadd.f32 v17, v16;
	v17 =	vadd.f32 v45, v18;
	_ =	sdelay $0x1  }
0x396: {  	v16 =	vadd.f32 v16, v17;
	_ =	sdelay $0x1  }
0x397: {  	[tilespmem:v11+s16+$0x0] =	vst.idx.msk $0xffff, v16  }
0x398: {  	v16 =	vld [tilespmem:s22+$0x4D30]  }
0x399: {  	v17 =	vld [tilespmem:s22+$0x6130]  }
0x39a: {  	v46 =	vld [tilespmem:s22+$0x4D40]  }
0x39b: {  	v47 =	vld [tilespmem:s22+$0x6140]  }
0x39c: {  	v48 =	vld [tilespmem:s22+$0x4D50]  }
0x39d: {  	v49 =	vld [tilespmem:s22+$0x6150]  }
0x39e: {  	v50 =	vld [tilespmem:s22+$0x6160];
	v16 =	vmul.bf16 v17, v16  }
0x39f: {  	v17 =	vld [tilespmem:s22+$0x4D60]  }
0x3a0: {  	v18 =	vmul.bf16 v47, v46;
	v51 =	vunpack.i.u.bf16.f32 v16;
	v16 =	vunpack.i.l.bf16.f32 v16  }
0x3a1: {  	v16 =	vadd.f32 $0.0e+00, v16;
	v52 =	vadd.f32 $0.0e+00, v51  }
0x3a2: {  	v20 =	vmul.bf16 v49, v48;
	v53 =	vunpack.i.u.bf16.f32 v18;
	v18 =	vunpack.i.l.bf16.f32 v18  }
0x3a3: {  	v16 =	vadd.f32 v18, v16;
	v54 =	vadd.f32 v53, v52  }
0x3a4: {  	v55 =	vunpack.i.u.bf16.f32 v20;
	v20 =	vunpack.i.l.bf16.f32 v20;
	v17 =	vmul.bf16 v50, v17  }
0x3a5: {  	v16 =	vadd.f32 v20, v16;
	v18 =	vadd.f32 v55, v54  }
0x3a6: {  	v56 =	vunpack.i.u.bf16.f32 v17;
	v17 =	vunpack.i.l.bf16.f32 v17  }
0x3a7: {  	v16 =	vadd.f32 v17, v16;
	v17 =	vadd.f32 v56, v18;
	_ =	sdelay $0x1  }
0x3a8: {  	v16 =	vadd.f32 v16, v17;
	_ =	sdelay $0x1  }
0x3a9: {  	[tilespmem:v12+s16+$0x0] =	vst.idx.msk $0xffff, v16  }
0x3aa: {  	v16 =	vld [tilespmem:s22+$0x4D70]  }
0x3ab: {  	v17 =	vld [tilespmem:s22+$0x6170]  }
0x3ac: {  	v57 =	vld [tilespmem:s22+$0x4D80]  }
0x3ad: {  	v58 =	vld [tilespmem:s22+$0x6180]  }
0x3ae: {  	v59 =	vld [tilespmem:s22+$0x4D90]  }
0x3af: {  	v60 =	vld [tilespmem:s22+$0x6190]  }
0x3b0: {  	v61 =	vld [tilespmem:s22+$0x61A0];
	v16 =	vmul.bf16 v17, v16  }
0x3b1: {  	v17 =	vld [tilespmem:s22+$0x4DA0]  }
0x3b2: {  	v18 =	vmul.bf16 v58, v57;
	v62 =	vunpack.i.u.bf16.f32 v16;
	v16 =	vunpack.i.l.bf16.f32 v16  }
0x3b3: {  	v16 =	vadd.f32 $0.0e+00, v16;
	v63 =	vadd.f32 $0.0e+00, v62  }
0x3b4: {  	v20 =	vmul.bf16 v60, v59;
	v24 =	vunpack.i.u.bf16.f32 v18;
	v18 =	vunpack.i.l.bf16.f32 v18  }
0x3b5: {  	v16 =	vadd.f32 v18, v16;
	v25 =	vadd.f32 v24, v63  }
0x3b6: {  	v26 =	vunpack.i.u.bf16.f32 v20;
	v20 =	vunpack.i.l.bf16.f32 v20;
	v17 =	vmul.bf16 v61, v17  }
0x3b7: {  	v16 =	vadd.f32 v20, v16;
	v18 =	vadd.f32 v26, v25  }
0x3b8: {  	v27 =	vunpack.i.u.bf16.f32 v17;
	v17 =	vunpack.i.l.bf16.f32 v17  }
0x3b9: {  	v16 =	vadd.f32 v17, v16;
	v17 =	vadd.f32 v27, v18;
	_ =	sdelay $0x1  }
0x3ba: {  	v16 =	vadd.f32 v16, v17;
	_ =	sdelay $0x1  }
0x3bb: {  	[tilespmem:v13+s16+$0x0] =	vst.idx.msk $0xffff, v16  }
0x3bc: {  	v16 =	vld [tilespmem:s22+$0x4DB0]  }
0x3bd: {  	v17 =	vld [tilespmem:s22+$0x61B0]  }
0x3be: {  	v28 =	vld [tilespmem:s22+$0x4DC0]  }
0x3bf: {  	v29 =	vld [tilespmem:s22+$0x61C0]  }
0x3c0: {  	v30 =	vld [tilespmem:s22+$0x4DD0]  }
0x3c1: {  	v31 =	vld [tilespmem:s22+$0x61D0]  }
0x3c2: {  	v32 =	vld [tilespmem:s22+$0x61E0];
	v16 =	vmul.bf16 v17, v16  }
0x3c3: {  	v17 =	vld [tilespmem:s22+$0x4DE0]  }
0x3c4: {  	v18 =	vmul.bf16 v29, v28;
	v33 =	vunpack.i.u.bf16.f32 v16;
	v16 =	vunpack.i.l.bf16.f32 v16  }
0x3c5: {  	v16 =	vadd.f32 $0.0e+00, v16;
	v34 =	vadd.f32 $0.0e+00, v33  }
0x3c6: {  	v20 =	vmul.bf16 v31, v30;
	v35 =	vunpack.i.u.bf16.f32 v18;
	v18 =	vunpack.i.l.bf16.f32 v18  }
0x3c7: {  	v16 =	vadd.f32 v18, v16;
	v36 =	vadd.f32 v35, v34  }
0x3c8: {  	v37 =	vunpack.i.u.bf16.f32 v20;
	v20 =	vunpack.i.l.bf16.f32 v20;
	v17 =	vmul.bf16 v32, v17  }
0x3c9: {  	v16 =	vadd.f32 v20, v16;
	v18 =	vadd.f32 v37, v36  }
0x3ca: {  	v38 =	vunpack.i.u.bf16.f32 v17;
	v17 =	vunpack.i.l.bf16.f32 v17  }
0x3cb: {  	v16 =	vadd.f32 v17, v16;
	v17 =	vadd.f32 v38, v18;
	_ =	sdelay $0x1  }
0x3cc: {  	v16 =	vadd.f32 v16, v17;
	_ =	sdelay $0x1  }
0x3cd: {  	[tilespmem:v14+s16+$0x0] =	vst.idx.msk $0xffff, v16  }
0x3ce: {  	v16 =	vld [tilespmem:s22+$0x4DF0]  }
0x3cf: {  	v17 =	vld [tilespmem:s22+$0x61F0]  }
0x3d0: {  	v39 =	vld [tilespmem:s22+$0x4E00]  }
0x3d1: {  	v40 =	vld [tilespmem:s22+$0x6200]  }
0x3d2: {  	v41 =	vld [tilespmem:s22+$0x4E10]  }
0x3d3: {  	v42 =	vld [tilespmem:s22+$0x6210]  }
0x3d4: {  	v43 =	vld [tilespmem:s22+$0x6220];
	v16 =	vmul.bf16 v17, v16  }
0x3d5: {  	v17 =	vld [tilespmem:s22+$0x4E20]  }
0x3d6: {  	v18 =	vmul.bf16 v40, v39;
	v44 =	vunpack.i.u.bf16.f32 v16;
	v16 =	vunpack.i.l.bf16.f32 v16  }
0x3d7: {  	v16 =	vadd.f32 $0.0e+00, v16;
	v45 =	vadd.f32 $0.0e+00, v44  }
0x3d8: {  	v20 =	vmul.bf16 v42, v41;
	v46 =	vunpack.i.u.bf16.f32 v18;
	v18 =	vunpack.i.l.bf16.f32 v18  }
0x3d9: {  	v16 =	vadd.f32 v18, v16;
	v47 =	vadd.f32 v46, v45  }
0x3da: {  	v48 =	vunpack.i.u.bf16.f32 v20;
	v20 =	vunpack.i.l.bf16.f32 v20;
	v17 =	vmul.bf16 v43, v17  }
0x3db: {  	v16 =	vadd.f32 v20, v16;
	v18 =	vadd.f32 v48, v47  }
0x3dc: {  	v49 =	vunpack.i.u.bf16.f32 v17;
	v17 =	vunpack.i.l.bf16.f32 v17  }
0x3dd: {  	v16 =	vadd.f32 v17, v16;
	v17 =	vadd.f32 v49, v18;
	_ =	sdelay $0x1  }
0x3de: {  	v16 =	vadd.f32 v16, v17;
	_ =	sdelay $0x1  }
0x3df: {  	[tilespmem:v15+s16+$0x0] =	vst.idx.msk $0xffff, v16  }
0x3e0: {  	v16 =	vld [tilespmem:$0xC530]  }
0x3e1: {  	v17 =	vld [tilespmem:$0xC541]  }
0x3e2: {  	v50 =	vld [tilespmem:$0xC552]  }
0x3e3: {  	v51 =	vld [tilespmem:$0xC563]  }
0x3e4: {  	v52 =	vld [tilespmem:$0xC574]  }
0x3e5: {  	v53 =	vld [tilespmem:$0xC585]  }
0x3e6: {  	v54 =	vld [tilespmem:$0xC596]  }
0x3e7: {  	v55 =	vld [tilespmem:$0xC5A7]  }
0x3e8: {  	v24 =	vld [tilespmem:$0xC5B8]  }
0x3e9: {  	v25 =	vld [tilespmem:$0xC5C9]  }
0x3ea: {  	v26 =	vld [tilespmem:$0xC5DA]  }
0x3eb: {  	v27 =	vld [tilespmem:$0xC5EB]  }
0x3ec: {  	v28 =	vld [tilespmem:$0xC5FC]  }
0x3ed: {  	v29 =	vld [tilespmem:$0xC60D]  }
0x3ee: {  	v30 =	vld [tilespmem:$0xC61E]  }
0x3ef: {  	v31 =	vld [tilespmem:$0xC62F];
	_ =	sdelay $0x1  }
0x3f0: {  	v16 =	vadd.f32 v17, v16;
	v17 =	vadd.f32 v51, v50  }
0x3f1: {  	v56 =	vadd.f32 v53, v52;
	v57 =	vadd.f32 v55, v54  }
0x3f2: {  	v58 =	vadd.f32 v25, v24;
	v59 =	vadd.f32 v27, v26  }
0x3f3: {  	v60 =	vadd.f32 v29, v28;
	v61 =	vadd.f32 v31, v30  }
0x3f4: {  	v16 =	vadd.f32 v17, v16;
	v17 =	vadd.f32 v57, v56  }
0x3f5: {  	v62 =	vadd.f32 v59, v58;
	v63 =	vadd.f32 v61, v60;
	_ =	sdelay $0x1  }
0x3f6: {  	v16 =	vadd.f32 v17, v16;
	v17 =	vadd.f32 v63, v62;
	_ =	sdelay $0x1  }
0x3f7: {  	v16 =	vadd.f32 v17, v16;
	_ =	sdelay $0x1  }
0x3f8: {  	v16 =	vsub.f32 $0.0e+00, v16;
	_ =	sdelay $0x1  }
0x3f9: {  	v16 =	vmul.f32 $1.442695020e+00, v16;
	_ =	sdelay $0x1  }
0x3fa: {  	(erf) = vpow2.f32 v16;
	_ =	sdelay $0x8  }
0x3fb: {  	v16 =	vpop (erf)  }
0x3fc: {  	v16 =	vadd.f32 $1.000000000e+00, v16;
	_ =	sdelay $0x1  }
0x3fd: {  	(erf) = vrcp.f32 v16;
	_ =	sdelay $0x4  }
0x3fe: {  	p0 =	sne.s32 s20, $0x4FC0  }
.Ltmp3:
0x3ff: {  	_ = 	snop;
	(pc) =	sbr.rel @p0 .LBB2_8-.Ltmp3, $3  }
0x400: {  	_ =	sdelay $0x1  }
0x401: {  	v16 =	vpop (erf)  }
0x402: {  	s20 =	sadd.s32 $0x1000, s20;
	[tilespmem:s21+$0x0] =	vst v16;
	s21 =	sadd.s32 $0x10, s21  }
0x403: {  	s19 =	sadd.s32 $0x1, s19  }
0x404: {  	p0 =	sne.s32 s19, s7  }
.Ltmp4:
0x405: {  	_ = 	snop;
	(pc) =	sbr.rel @p0 .LBB2_1-.Ltmp4, $4  }
0x406: {  	[hbm4b:s6+s3] =	stream.linear.scatter [tilespmem:s18], [sflag:$0x3], $0x2710, $0x38;
	[tilespmem:$0xC640] =	vst v63  }
0x407: {  	_ =	swait.ge [sflag:s8], $0x2710  }
0x408: {  	[sflag:s8] =	ssyncset.done $0x0  }
0x409: {  	[sflag:s8] =	ssyncadd.s32 $0xFFFFD8F0  }
0x40a: {  	_ =	sfence.sel $0x180000  }
0x40b: {  	[bflag:$0x0] =	sbarrier.arrive $0xFFFF  }
0x40c: {  	p0 =	sne.s32 s0, $0x0;
	_ =	strace $0x90000047  }
0x40d: {  	s0 =	sadd.s32 @!p0 $0x100000, s1;
	[bflag:$0x2] =	sbarrier.arrive $0xFFFF  }
0x40e: {  	[sflag:s0] =	ssyncadd.tile.s32 @!p0 $0x1;
	_ =	shalt  }
.Lfunc_end2:
_tile_overlayer_lowered:
.L_overlay_start_2:
0x40f: {  	(tag) =	ssettag $0x2  }
0x410: {  	s0 =	rddreg [dreg:$0x0];
	s2 =	stileid.u32  }
0x411: {  	s1 =	rddreg [dreg:$0x1];
	p0 =	sne.s32 s2, $0x0  }
0x412: {  	s3 =	rddreg [dreg:$0x2];
	[bflag:$0x3] =	sbarrier.arrive $0xFFFF;
	s2 =	simm.s32 @!p0 $0x1C03  }
0x413: {  	[timem:s3], [sflag:s2] =	dma.local @!p0 [hbm:s0], s1  }
0x414: {  	s0 =	simm.s32 @!p0 $0x3  }
0x415: {  	_ =	swait.ge @!p0 [sflag:s0], s1  }
0x416: {  	s1 =	ssub.s32 @!p0 $0x0, s1;
	[sflag:s0] =	ssyncset.done @!p0 $0x0  }
0x417: {  	[sflag:s0] =	ssyncadd.s32 @!p0 s1  }
0x418: {  	[bflag:$0x3] =	sbarrier.arrive $0xFFFF  }
0x419: {  	_ =	shalt  }

</sc_bundles>
